<compile_context>
chip_gen: v7x
topology: tpu7x:2x2x1
jax: 0.10.2.dev20260603
libtpu: 0.0.44.dev20260713+nightly
codegen_flags: <defaults>
</compile_context>

<pallas_src>
import functools

import jax
import jax.numpy as jnp
from jax import lax
from jax.experimental import pallas as pl
from jax.experimental.pallas import tpu as pltpu
from jax.experimental.pallas import tpu_sc as plsc

N = 10000
E = 320000
D = 200
L = 3
R = 2
H = D // 2
W = 128
NC, NS = 2, 16
RPT = 632
NPAD = NS * RPT
NROW = R * N
RPTC = 1256
NROWC = NS * RPTC
CH = 80
EPT = E // NS
NCH = EPT // CH
EPW = E // (NC * NS)
NCH_CNT = EPW // CH
BB = 1000
NG = N // BB


NSLOT = 4
NFULL = (NCH - 2) // NSLOT


def _seg_body(h2, srcs, comb0, comb1, zrows, a_out, a_sh, *bufs):
    sv = bufs[0:4]
    cv = bufs[4:8]
    rv = bufs[8:12]
    gsem = bufs[12:16]
    ssem = bufs[16:20]
    c = lax.axis_index("c")
    s = lax.axis_index("s")
    for r, comb in ((0, comb0), (1, comb1)):
        pltpu.sync_copy(zrows, a_sh.at[pl.ds(s * RPT, RPT)])
        plsc.subcore_barrier()
        base = s * EPT

        def load_idx(k, b):
            e0 = base + k * CH
            pltpu.sync_copy(srcs.at[pl.ds(c * E + e0, CH)], sv[b])
            pltpu.sync_copy(comb.at[pl.ds(e0, CH)], cv[b])

        def fire_gather(b):
            pltpu.async_copy(h2.at[sv[b]], rv[b], gsem[b])

        def wait_gather(b):
            pltpu.make_async_copy(h2.at[sv[b]], rv[b], gsem[b]).wait()

        def fire_scat(b):
            pltpu.async_copy(rv[b], a_sh.at[cv[b]], ssem[b], add=True)

        def wait_scat(b):
            pltpu.make_async_copy(rv[b], a_sh.at[cv[b]], ssem[b]).wait()

        load_idx(0, 0)
        fire_gather(0)
        load_idx(1, 1)
        fire_gather(1)

        def body(m, carry):
            k0 = NSLOT * m
            for b in range(NSLOT):
                wait_gather(b)
                fire_scat(b)
                nb = (b + 2) % NSLOT
                if b < 2:
                    @pl.when(m >= 1)
                    def _():
                        wait_scat(nb)
                else:
                    wait_scat(nb)
                load_idx(k0 + b + 2, nb)
                fire_gather(nb)
            return carry

        lax.fori_loop(0, NFULL, body, 0)
        wait_gather(0)
        fire_scat(0)
        wait_gather(1)
        fire_scat(1)
        for b in range(NSLOT):
            wait_scat(b)
        plsc.subcore_barrier()
        pltpu.sync_copy(a_sh.at[pl.ds(s * RPT, RPT)],
                        a_out.at[c, r, pl.ds(s * RPT, RPT)])
        plsc.subcore_barrier()


_seg_kernel = pl.kernel(
    _seg_body,
    out_type=jax.ShapeDtypeStruct((NC, R, NPAD, W), jnp.float32),
    mesh=plsc.VectorSubcoreMesh(core_axis_name="c", subcore_axis_name="s"),
    scratch_types=[pltpu.VMEM_SHARED((NPAD, W), jnp.float32)]
    + [pltpu.VMEM((CH,), jnp.int32)] * 4
    + [pltpu.VMEM((CH,), jnp.int32)] * 4
    + [pltpu.VMEM((CH, W), jnp.float32)] * 4
    + [pltpu.SemaphoreType.DMA] * 8,
)


def _layer_body(hh_ref, a00_ref, a01_ref, a10_ref, a11_ref,
                basis_ref, comp_ref, root_ref, bias_ref, out_ref, *, leaky):
    h = jnp.concatenate([hh_ref[0][:, :H], hh_ref[1][:, :H]], axis=-1)
    comp = comp_ref[...]
    basis = basis_ref[...]
    w0 = comp[0, 0] * basis[0] + comp[0, 1] * basis[1]
    w1 = comp[1, 0] * basis[0] + comp[1, 1] * basis[1]
    inv0 = 1.0 / jnp.maximum(a00_ref[0, 0][:, H], 1.0)
    inv1 = 1.0 / jnp.maximum(a01_ref[0, 0][:, H], 1.0)
    a0 = jnp.concatenate([a00_ref[0, 0][:, :H], a10_ref[0, 0][:, :H]],
                         axis=-1) * inv0[:, None]
    a1 = jnp.concatenate([a01_ref[0, 0][:, :H], a11_ref[0, 0][:, :H]],
                         axis=-1) * inv1[:, None]
    acc = jnp.dot(a0, w0, preferred_element_type=jnp.float32,
                  precision=lax.Precision.HIGHEST)
    acc = acc + jnp.dot(a1, w1, preferred_element_type=jnp.float32,
                  precision=lax.Precision.HIGHEST)
    acc = acc + jnp.dot(h, root_ref[...], preferred_element_type=jnp.float32,
                  precision=lax.Precision.HIGHEST)
    acc = acc + bias_ref[...]
    if leaky:
        acc = jnp.where(acc > 0, acc, 0.01 * acc)
    one = jnp.ones((BB, 1), jnp.float32)
    pz = jnp.zeros((BB, W - H - 1), jnp.float32)
    out_ref[0] = jnp.concatenate([acc[:, :H], one, pz], axis=-1)
    out_ref[1] = jnp.concatenate([acc[:, H:], jnp.zeros((BB, W - H),
                                                        jnp.float32)], axis=-1)


def _make_layer(leaky):
    return pl.pallas_call(
        functools.partial(_layer_body, leaky=leaky),
        grid=(NG,),
        in_specs=[
            pl.BlockSpec((NC, BB, W), lambda i: (0, i, 0)),
            pl.BlockSpec((1, 1, BB, W), lambda i: (0, 0, i, 0)),
            pl.BlockSpec((1, 1, BB, W), lambda i: (0, 1, i, 0)),
            pl.BlockSpec((1, 1, BB, W), lambda i: (1, 0, i, 0)),
            pl.BlockSpec((1, 1, BB, W), lambda i: (1, 1, i, 0)),
            pl.BlockSpec((2, D, D), lambda i: (0, 0, 0)),
            pl.BlockSpec((R, 2), lambda i: (0, 0)),
            pl.BlockSpec((D, D), lambda i: (0, 0)),
            pl.BlockSpec((1, D), lambda i: (0, 0)),
        ],
        out_specs=pl.BlockSpec((NC, BB, W), lambda i: (0, i, 0)),
        out_shape=jax.ShapeDtypeStruct((NC, N, W), jnp.float32),
    )


_layer_leaky = _make_layer(True)
_layer_plain = _make_layer(False)


def _head_body(y_ref, hrow_ref, w1_ref, b1_ref, w2_ref, b2_ref, out_ref):
    y = y_ref[...]
    h = hrow_ref[...]
    w1 = w1_ref[...]
    d = jnp.abs(y - h)
    p = y * h
    hid = jnp.dot(d, w1[:D], preferred_element_type=jnp.float32,
                  precision=lax.Precision.HIGHEST)
    hid = hid + jnp.dot(p, w1[D:], preferred_element_type=jnp.float32,
                  precision=lax.Precision.HIGHEST)
    hid = hid + b1_ref[...]
    hid = jnp.where(hid > 0, hid, 0.01 * hid)
    out = jnp.dot(hid, w2_ref[...], preferred_element_type=jnp.float32,
                  precision=lax.Precision.HIGHEST)
    out_ref[...] = out + b2_ref[...]


_head_kernel = pl.pallas_call(
    _head_body,
    out_shape=jax.ShapeDtypeStruct((1024, 1), jnp.float32),
)


def kernel(x, y, edge_index, edge_type, basis, comp, root, bias, W1, b1, W2, b2):
    src = edge_index[0].astype(jnp.int32)
    dst = edge_index[1].astype(jnp.int32)
    et = edge_type.astype(jnp.int32)
    srcs = jnp.concatenate([src, src + N])
    dump = N + (jnp.arange(E, dtype=jnp.int32) % (NPAD - N))
    comb0 = jnp.where(et == 0, dst, dump)
    comb1 = jnp.where(et == 1, dst, dump)
    zrows = jnp.zeros((RPT, W), jnp.float32)

    onec = jnp.ones((N, 1), jnp.float32)
    padz = jnp.zeros((N, W - H - 1), jnp.float32)
    pad_x = jnp.zeros((N, W - H), jnp.float32)
    hh = jnp.stack([jnp.concatenate([x[:, :H], onec, padz], axis=-1),
                    jnp.concatenate([x[:, H:], pad_x], axis=-1)])
    for l in range(L):
        h2 = hh.reshape(NC * N, W)
        a = _seg_kernel(h2, srcs, comb0, comb1, zrows)
        layer = _layer_leaky if l != L - 1 else _layer_plain
        hh = layer(hh, a, a, a, a, basis[l], comp[l], root[l],
                   bias[l].reshape(1, D))

    h3row = jnp.concatenate([hh[0, 0, :H], hh[1, 0, :H]]).reshape(1, D)
    return _head_kernel(y, h3row, W1, b1.reshape(1, D), W2, b2.reshape(1, 1))

# --- scband reference (transcript-rebuilt; emitter-appended) ---
"""Pipeline reference for scband-ag-match-47459388621621 (READ-ONLY COPY).

The authoritative reference and input builder live on the scoring server;
editing this copy changes nothing except your own understanding.
"""

import jax, jax.numpy as jnp
import numpy as np

N = 10000
E = 320000
D = 200
L = 3
R = 2
NB = 2
BS = 1024


def setup_inputs(seed: int = 0) -> dict:
    key = jax.random.key(seed)
    ks = jax.random.split(key, 12)
    x = jax.random.normal(ks[0], (N, D), dtype=jnp.float32)
    y = jax.random.normal(ks[1], (BS, D), dtype=jnp.float32)
    edge_index = jax.random.randint(ks[2], (2, E), 0, N)
    edge_type = jax.random.randint(ks[3], (E,), 0, R)
    basis = jax.random.normal(ks[4], (L, NB, D, D), dtype=jnp.float32) * 0.05
    comp = jax.random.normal(ks[5], (L, R, NB), dtype=jnp.float32)
    root = jax.random.normal(ks[6], (L, D, D), dtype=jnp.float32) * 0.05
    bias = jnp.zeros((L, D), dtype=jnp.float32)
    W1 = jax.random.normal(ks[7], (2 * D, D), dtype=jnp.float32) * 0.05
    b1 = jnp.zeros((D,), dtype=jnp.float32)
    W2 = jax.random.normal(ks[8], (D, 1), dtype=jnp.float32) * 0.05
    b2 = jnp.zeros((1,), dtype=jnp.float32)
    return {"x": x, "y": y, "edge_index": edge_index, "edge_type": edge_type,
            "basis": basis, "comp": comp, "root": root, "bias": bias,
            "W1": W1, "b1": b1, "W2": W2, "b2": b2}


def _leaky(v):
    return jnp.where(v > 0, v, 0.01 * v)


def _rgcn_layer(h, edge_index, edge_type, basis_l, comp_l, root_l, bias_l):
    # basis decomposition: W_r = sum_b comp[r,b] * basis[b]
    weight = jnp.einsum('rb,bio->rio', comp_l, basis_l)  # [R, D, D]
    src = edge_index[0]
    dst = edge_index[1]
    xs = h[src]  # gather: [E, D]
    out = jnp.zeros_like(h)
    n = h.shape[0]
    for r in range(R):
        mask = (edge_type == r)
        msg = jnp.where(mask[:, None], xs @ weight[r], 0.0)  # [E, D]
        sums = jax.ops.segment_sum(msg, dst, num_segments=n)  # scatter-add
        cnt = jax.ops.segment_sum(mask.astype(jnp.float32), dst, num_segments=n)
        out = out + sums / jnp.clip(cnt, 1.0, None)[:, None]  # mean aggregation per relation (PyG default aggr='mean')
    out = out + h @ root_l + bias_l  # root weight + bias
    return out


def reference(x, y, edge_index, edge_type, basis, comp, root, bias, W1, b1, W2, b2):
    h = x
    for i in range(L):
        h = _rgcn_layer(h, edge_index, edge_type, basis[i], comp[i], root[i], bias[i])
        if i != L - 1:
            h = _leaky(h)  # dropout is identity in eval mode
    h_concept = h[0]  # [D]
    h_cat = jnp.concatenate([jnp.abs(y - h_concept), y * h_concept], axis=-1)  # [BS, 2D]
    hid = _leaky(h_cat @ W1 + b1)
    out = hid @ W2 + b2  # [BS, 1]
    return out

if __name__ == "__main__":
    import jax
    _d = setup_inputs()
    print(jax.jit(kernel)(*tuple(_d.values())))

</pallas_src>

<mosaic_0001>
#map = affine_map<(d0, d1) -> (0, 0)>
#map1 = affine_map<(d0, d1) -> (0)>
#map2 = affine_map<(d0, d1) -> (0, 0, 0, 0)>
module attributes {stable_mosaic.version = 14 : i64} {
  func.func @_seg_body(%arg0: i32, %arg1: i32, %arg2: memref<20000x128xf32, #tpu.memory_space<hbm>>, %arg3: memref<640000xi32, #tpu.memory_space<hbm>>, %arg4: memref<320000xi32, #tpu.memory_space<hbm>>, %arg5: memref<320000xi32, #tpu.memory_space<hbm>>, %arg6: memref<632x128xf32, #tpu.memory_space<hbm>>, %arg7: memref<2x2x10112x128xf32, #tpu.memory_space<hbm>>, %arg8: memref<10112x128xf32, #tpu.memory_space<vmem_shared>>, %arg9: memref<80xi32, #tpu.memory_space<vmem>>, %arg10: memref<80xi32, #tpu.memory_space<vmem>>, %arg11: memref<80xi32, #tpu.memory_space<vmem>>, %arg12: memref<80xi32, #tpu.memory_space<vmem>>, %arg13: memref<80xi32, #tpu.memory_space<vmem>>, %arg14: memref<80xi32, #tpu.memory_space<vmem>>, %arg15: memref<80xi32, #tpu.memory_space<vmem>>, %arg16: memref<80xi32, #tpu.memory_space<vmem>>, %arg17: memref<80x128xf32, #tpu.memory_space<vmem>>, %arg18: memref<80x128xf32, #tpu.memory_space<vmem>>, %arg19: memref<80x128xf32, #tpu.memory_space<vmem>>, %arg20: memref<80x128xf32, #tpu.memory_space<vmem>>, %arg21: memref<!tpu.dma_semaphore, #tpu.memory_space<semaphore_mem>>, %arg22: memref<!tpu.dma_semaphore, #tpu.memory_space<semaphore_mem>>, %arg23: memref<!tpu.dma_semaphore, #tpu.memory_space<semaphore_mem>>, %arg24: memref<!tpu.dma_semaphore, #tpu.memory_space<semaphore_mem>>, %arg25: memref<!tpu.dma_semaphore, #tpu.memory_space<semaphore_mem>>, %arg26: memref<!tpu.dma_semaphore, #tpu.memory_space<semaphore_mem>>, %arg27: memref<!tpu.dma_semaphore, #tpu.memory_space<semaphore_mem>>, %arg28: memref<!tpu.dma_semaphore, #tpu.memory_space<semaphore_mem>>) attributes {dimension_semantics = [#tpu.dimension_semantics<core_parallel>, #tpu.dimension_semantics<subcore_parallel>], iteration_bounds = array<i64: 2, 16>, scalar_prefetch = 0 : i64, scratch_operands = 21 : i64, tpu.core_type = #tpu.core_type<sc_vector_subcore>, window_params = [{transform_indices = #map}, {transform_indices = #map1}, {transform_indices = #map1}, {transform_indices = #map1}, {transform_indices = #map}, {transform_indices = #map2}]} {
    %mul3A = arith.constant 632 : i32
    %mul3A_0 = arith.muli %arg1, %mul3A : i32
    "tpu.region"() ({
      %run_scoped3A_109 = tpu.sem_alloc : memref<!tpu.dma_semaphore, #tpu.memory_space<semaphore_mem>>
      %dma_start3A_110 = arith.constant 0 : i32
      %dma_start3A_111 = tpu.memref_slice %arg8[%mul3A_0, %dma_start3A_110] : memref<10112x128xf32, #tpu.memory_space<vmem_shared>> -> memref<632x128xf32, #tpu.memory_space<vmem_shared>>
      tpu.enqueue_dma source(%arg6 : memref<632x128xf32, #tpu.memory_space<hbm>>) target(%dma_start3A_111 : memref<632x128xf32, #tpu.memory_space<vmem_shared>>) target_semaphore(%run_scoped3A_109 : memref<!tpu.dma_semaphore, #tpu.memory_space<semaphore_mem>>)
      %dma_wait3A_112 = arith.constant 0 : i32
      %dma_wait3A_113 = tpu.memref_slice %arg8[%mul3A_0, %dma_wait3A_112] : memref<10112x128xf32, #tpu.memory_space<vmem_shared>> -> memref<632x128xf32, #tpu.memory_space<vmem_shared>>
      tpu.wait_dma2 semaphore(%run_scoped3A_109 : memref<!tpu.dma_semaphore, #tpu.memory_space<semaphore_mem>>) src(%arg6 : memref<632x128xf32, #tpu.memory_space<hbm>>) dst(%dma_wait3A_113 : memref<632x128xf32, #tpu.memory_space<vmem_shared>>)
      tpu.yield
    }) : () -> ()
    %barrier3A = arith.constant 0 : index
    tpu.barrier barrier_id(%barrier3A)
    %mul3A_1 = arith.constant 20000 : i32
    %mul3A_2 = arith.muli %arg1, %mul3A_1 : i32
    %add3A = arith.constant 0 : i32
    %add3A_3 = arith.addi %mul3A_2, %add3A : i32
    %mul3A_4 = arith.constant 320000 : i32
    %mul3A_5 = arith.muli %arg0, %mul3A_4 : i32
    %add3A_6 = arith.addi %mul3A_5, %add3A_3 : i32
    "tpu.region"() ({
      %run_scoped3A_109 = tpu.sem_alloc : memref<!tpu.dma_semaphore, #tpu.memory_space<semaphore_mem>>
      %dma_start3A_110 = tpu.memref_slice %arg3[%add3A_6] : memref<640000xi32, #tpu.memory_space<hbm>> -> memref<80xi32, #tpu.memory_space<hbm>>
      %dma_start3A_111 = tpu.memref_slice %arg3[%add3A_6] : memref<640000xi32, #tpu.memory_space<hbm>> -> memref<80xi32, #tpu.memory_space<hbm>>
      tpu.enqueue_dma source(%dma_start3A_111 : memref<80xi32, #tpu.memory_space<hbm>>) target(%arg9 : memref<80xi32, #tpu.memory_space<vmem>>) target_semaphore(%run_scoped3A_109 : memref<!tpu.dma_semaphore, #tpu.memory_space<semaphore_mem>>)
      %dma_wait3A_112 = tpu.memref_slice %arg3[%add3A_6] : memref<640000xi32, #tpu.memory_space<hbm>> -> memref<80xi32, #tpu.memory_space<hbm>>
      %dma_wait3A_113 = tpu.memref_slice %arg3[%add3A_6] : memref<640000xi32, #tpu.memory_space<hbm>> -> memref<80xi32, #tpu.memory_space<hbm>>
      tpu.wait_dma2 semaphore(%run_scoped3A_109 : memref<!tpu.dma_semaphore, #tpu.memory_space<semaphore_mem>>) src(%dma_wait3A_113 : memref<80xi32, #tpu.memory_space<hbm>>) dst(%arg9 : memref<80xi32, #tpu.memory_space<vmem>>)
      tpu.yield
    }) : () -> ()
    "tpu.region"() ({
      %run_scoped3A_109 = tpu.sem_alloc : memref<!tpu.dma_semaphore, #tpu.memory_space<semaphore_mem>>
      %dma_start3A_110 = tpu.memref_slice %arg4[%add3A_3] : memref<320000xi32, #tpu.memory_space<hbm>> -> memref<80xi32, #tpu.memory_space<hbm>>
      %dma_start3A_111 = tpu.memref_slice %arg4[%add3A_3] : memref<320000xi32, #tpu.memory_space<hbm>> -> memref<80xi32, #tpu.memory_space<hbm>>
      tpu.enqueue_dma source(%dma_start3A_111 : memref<80xi32, #tpu.memory_space<hbm>>) target(%arg13 : memref<80xi32, #tpu.memory_space<vmem>>) target_semaphore(%run_scoped3A_109 : memref<!tpu.dma_semaphore, #tpu.memory_space<semaphore_mem>>)
      %dma_wait3A_112 = tpu.memref_slice %arg4[%add3A_3] : memref<320000xi32, #tpu.memory_space<hbm>> -> memref<80xi32, #tpu.memory_space<hbm>>
      %dma_wait3A_113 = tpu.memref_slice %arg4[%add3A_3] : memref<320000xi32, #tpu.memory_space<hbm>> -> memref<80xi32, #tpu.memory_space<hbm>>
      tpu.wait_dma2 semaphore(%run_scoped3A_109 : memref<!tpu.dma_semaphore, #tpu.memory_space<semaphore_mem>>) src(%dma_wait3A_113 : memref<80xi32, #tpu.memory_space<hbm>>) dst(%arg13 : memref<80xi32, #tpu.memory_space<vmem>>)
      tpu.yield
    }) : () -> ()
    %dma_start3A = arith.constant 0 : i32
    %dma_start3A_7 = arith.constant 0 : i32
    %dma_start3A_8 = tpu.memref_slice %arg2[%dma_start3A, %dma_start3A_7] : memref<20000x128xf32, #tpu.memory_space<hbm>> -> memref<20000x128xf32, #tpu.memory_space<hbm>>
    tpu.enqueue_indirect_dma source(%dma_start3A_8 : memref<20000x128xf32, #tpu.memory_space<hbm>>) target(%arg17 : memref<80x128xf32, #tpu.memory_space<vmem>>) offsets(%arg9 : memref<80xi32, #tpu.memory_space<vmem>>) semaphore(%arg21 : memref<!tpu.dma_semaphore, #tpu.memory_space<semaphore_mem>>)
    %add3A_9 = arith.constant 80 : i32
    %add3A_10 = arith.addi %mul3A_2, %add3A_9 : i32
    %mul3A_11 = arith.constant 320000 : i32
    %mul3A_12 = arith.muli %arg0, %mul3A_11 : i32
    %add3A_13 = arith.addi %mul3A_12, %add3A_10 : i32
    "tpu.region"() ({
      %run_scoped3A_109 = tpu.sem_alloc : memref<!tpu.dma_semaphore, #tpu.memory_space<semaphore_mem>>
      %dma_start3A_110 = tpu.memref_slice %arg3[%add3A_13] : memref<640000xi32, #tpu.memory_space<hbm>> -> memref<80xi32, #tpu.memory_space<hbm>>
      %dma_start3A_111 = tpu.memref_slice %arg3[%add3A_13] : memref<640000xi32, #tpu.memory_space<hbm>> -> memref<80xi32, #tpu.memory_space<hbm>>
      tpu.enqueue_dma source(%dma_start3A_111 : memref<80xi32, #tpu.memory_space<hbm>>) target(%arg10 : memref<80xi32, #tpu.memory_space<vmem>>) target_semaphore(%run_scoped3A_109 : memref<!tpu.dma_semaphore, #tpu.memory_space<semaphore_mem>>)
      %dma_wait3A_112 = tpu.memref_slice %arg3[%add3A_13] : memref<640000xi32, #tpu.memory_space<hbm>> -> memref<80xi32, #tpu.memory_space<hbm>>
      %dma_wait3A_113 = tpu.memref_slice %arg3[%add3A_13] : memref<640000xi32, #tpu.memory_space<hbm>> -> memref<80xi32, #tpu.memory_space<hbm>>
      tpu.wait_dma2 semaphore(%run_scoped3A_109 : memref<!tpu.dma_semaphore, #tpu.memory_space<semaphore_mem>>) src(%dma_wait3A_113 : memref<80xi32, #tpu.memory_space<hbm>>) dst(%arg10 : memref<80xi32, #tpu.memory_space<vmem>>)
      tpu.yield
    }) : () -> ()
    "tpu.region"() ({
      %run_scoped3A_109 = tpu.sem_alloc : memref<!tpu.dma_semaphore, #tpu.memory_space<semaphore_mem>>
      %dma_start3A_110 = tpu.memref_slice %arg4[%add3A_10] : memref<320000xi32, #tpu.memory_space<hbm>> -> memref<80xi32, #tpu.memory_space<hbm>>
      %dma_start3A_111 = tpu.memref_slice %arg4[%add3A_10] : memref<320000xi32, #tpu.memory_space<hbm>> -> memref<80xi32, #tpu.memory_space<hbm>>
      tpu.enqueue_dma source(%dma_start3A_111 : memref<80xi32, #tpu.memory_space<hbm>>) target(%arg14 : memref<80xi32, #tpu.memory_space<vmem>>) target_semaphore(%run_scoped3A_109 : memref<!tpu.dma_semaphore, #tpu.memory_space<semaphore_mem>>)
      %dma_wait3A_112 = tpu.memref_slice %arg4[%add3A_10] : memref<320000xi32, #tpu.memory_space<hbm>> -> memref<80xi32, #tpu.memory_space<hbm>>
      %dma_wait3A_113 = tpu.memref_slice %arg4[%add3A_10] : memref<320000xi32, #tpu.memory_space<hbm>> -> memref<80xi32, #tpu.memory_space<hbm>>
      tpu.wait_dma2 semaphore(%run_scoped3A_109 : memref<!tpu.dma_semaphore, #tpu.memory_space<semaphore_mem>>) src(%dma_wait3A_113 : memref<80xi32, #tpu.memory_space<hbm>>) dst(%arg14 : memref<80xi32, #tpu.memory_space<vmem>>)
      tpu.yield
    }) : () -> ()
    %dma_start3A_14 = arith.constant 0 : i32
    %dma_start3A_15 = arith.constant 0 : i32
    %dma_start3A_16 = tpu.memref_slice %arg2[%dma_start3A_14, %dma_start3A_15] : memref<20000x128xf32, #tpu.memory_space<hbm>> -> memref<20000x128xf32, #tpu.memory_space<hbm>>
    tpu.enqueue_indirect_dma source(%dma_start3A_16 : memref<20000x128xf32, #tpu.memory_space<hbm>>) target(%arg18 : memref<80x128xf32, #tpu.memory_space<vmem>>) offsets(%arg10 : memref<80xi32, #tpu.memory_space<vmem>>) semaphore(%arg22 : memref<!tpu.dma_semaphore, #tpu.memory_space<semaphore_mem>>)
    %scan3A = arith.constant 0 : i32
    %scan3A_17 = arith.constant 0 : i32
    %scan3A_18 = arith.constant 62 : i32
    %scan3A_19 = arith.addi %scan3A_17, %scan3A_18 : i32
    %scan3A_20 = arith.constant 1 : i32
    scf.for %scan3A_109 = %scan3A_17 to %scan3A_19 step %scan3A_20  : i32 {
      %mul3A_110 = arith.constant 4 : i32
      %mul3A_111 = arith.muli %mul3A_110, %scan3A_109 : i32
      %dma_wait3A_112 = arith.constant 0 : i32
      %dma_wait3A_113 = arith.constant 0 : i32
      %dma_wait3A_114 = tpu.memref_slice %arg2[%dma_wait3A_112, %dma_wait3A_113] : memref<20000x128xf32, #tpu.memory_space<hbm>> -> memref<20000x128xf32, #tpu.memory_space<hbm>>
      tpu.wait_indirect_dma semaphore(%arg21 : memref<!tpu.dma_semaphore, #tpu.memory_space<semaphore_mem>>) src(%dma_wait3A_114 : memref<20000x128xf32, #tpu.memory_space<hbm>>) dst(%arg17 : memref<80x128xf32, #tpu.memory_space<vmem>>)
      %dma_start3A_115 = arith.constant 0 : i32
      %dma_start3A_116 = arith.constant 0 : i32
      %dma_start3A_117 = tpu.memref_slice %arg8[%dma_start3A_115, %dma_start3A_116] : memref<10112x128xf32, #tpu.memory_space<vmem_shared>> -> memref<10112x128xf32, #tpu.memory_space<vmem_shared>>
      tpu.enqueue_indirect_dma source(%arg17 : memref<80x128xf32, #tpu.memory_space<vmem>>) target(%dma_start3A_117 : memref<10112x128xf32, #tpu.memory_space<vmem_shared>>) offsets(%arg13 : memref<80xi32, #tpu.memory_space<vmem>>) semaphore(%arg25 : memref<!tpu.dma_semaphore, #tpu.memory_space<semaphore_mem>>) {add = true}
      %ge3A = arith.constant 1 : i32
      %ge3A_118 = arith.cmpi sge, %scan3A_109, %ge3A : i32
      %convert_element_type3A = arith.extui %ge3A_118 : i1 to i32
      %cond3A = arith.constant 0 : i32
      %cond3A_119 = arith.cmpi ne, %convert_element_type3A, %cond3A : i32
      scf.if %cond3A_119 {
        %dma_wait3A_201 = arith.constant 0 : i32
        %dma_wait3A_202 = arith.constant 0 : i32
        %dma_wait3A_203 = tpu.memref_slice %arg8[%dma_wait3A_201, %dma_wait3A_202] : memref<10112x128xf32, #tpu.memory_space<vmem_shared>> -> memref<10112x128xf32, #tpu.memory_space<vmem_shared>>
        tpu.wait_indirect_dma semaphore(%arg27 : memref<!tpu.dma_semaphore, #tpu.memory_space<semaphore_mem>>) src(%arg19 : memref<80x128xf32, #tpu.memory_space<vmem>>) dst(%dma_wait3A_203 : memref<10112x128xf32, #tpu.memory_space<vmem_shared>>)
      } else {
      }
      %add3A_120 = arith.constant 0 : i32
      %add3A_121 = arith.addi %mul3A_111, %add3A_120 : i32
      %add3A_122 = arith.constant 2 : i32
      %add3A_123 = arith.addi %add3A_121, %add3A_122 : i32
      %mul3A_124 = arith.constant 80 : i32
      %mul3A_125 = arith.muli %add3A_123, %mul3A_124 : i32
      %add3A_126 = arith.addi %mul3A_2, %mul3A_125 : i32
      %mul3A_127 = arith.constant 320000 : i32
      %mul3A_128 = arith.muli %arg0, %mul3A_127 : i32
      %add3A_129 = arith.addi %mul3A_128, %add3A_126 : i32
      "tpu.region"() ({
        %run_scoped3A_201 = tpu.sem_alloc : memref<!tpu.dma_semaphore, #tpu.memory_space<semaphore_mem>>
        %dma_start3A_202 = tpu.memref_slice %arg3[%add3A_129] : memref<640000xi32, #tpu.memory_space<hbm>> -> memref<80xi32, #tpu.memory_space<hbm>>
        %dma_start3A_203 = tpu.memref_slice %arg3[%add3A_129] : memref<640000xi32, #tpu.memory_space<hbm>> -> memref<80xi32, #tpu.memory_space<hbm>>
        tpu.enqueue_dma source(%dma_start3A_203 : memref<80xi32, #tpu.memory_space<hbm>>) target(%arg11 : memref<80xi32, #tpu.memory_space<vmem>>) target_semaphore(%run_scoped3A_201 : memref<!tpu.dma_semaphore, #tpu.memory_space<semaphore_mem>>)
        %dma_wait3A_204 = tpu.memref_slice %arg3[%add3A_129] : memref<640000xi32, #tpu.memory_space<hbm>> -> memref<80xi32, #tpu.memory_space<hbm>>
        %dma_wait3A_205 = tpu.memref_slice %arg3[%add3A_129] : memref<640000xi32, #tpu.memory_space<hbm>> -> memref<80xi32, #tpu.memory_space<hbm>>
        tpu.wait_dma2 semaphore(%run_scoped3A_201 : memref<!tpu.dma_semaphore, #tpu.memory_space<semaphore_mem>>) src(%dma_wait3A_205 : memref<80xi32, #tpu.memory_space<hbm>>) dst(%arg11 : memref<80xi32, #tpu.memory_space<vmem>>)
        tpu.yield
      }) : () -> ()
      "tpu.region"() ({
        %run_scoped3A_201 = tpu.sem_alloc : memref<!tpu.dma_semaphore, #tpu.memory_space<semaphore_mem>>
        %dma_start3A_202 = tpu.memref_slice %arg4[%add3A_126] : memref<320000xi32, #tpu.memory_space<hbm>> -> memref<80xi32, #tpu.memory_space<hbm>>
        %dma_start3A_203 = tpu.memref_slice %arg4[%add3A_126] : memref<320000xi32, #tpu.memory_space<hbm>> -> memref<80xi32, #tpu.memory_space<hbm>>
        tpu.enqueue_dma source(%dma_start3A_203 : memref<80xi32, #tpu.memory_space<hbm>>) target(%arg15 : memref<80xi32, #tpu.memory_space<vmem>>) target_semaphore(%run_scoped3A_201 : memref<!tpu.dma_semaphore, #tpu.memory_space<semaphore_mem>>)
        %dma_wait3A_204 = tpu.memref_slice %arg4[%add3A_126] : memref<320000xi32, #tpu.memory_space<hbm>> -> memref<80xi32, #tpu.memory_space<hbm>>
        %dma_wait3A_205 = tpu.memref_slice %arg4[%add3A_126] : memref<320000xi32, #tpu.memory_space<hbm>> -> memref<80xi32, #tpu.memory_space<hbm>>
        tpu.wait_dma2 semaphore(%run_scoped3A_201 : memref<!tpu.dma_semaphore, #tpu.memory_space<semaphore_mem>>) src(%dma_wait3A_205 : memref<80xi32, #tpu.memory_space<hbm>>) dst(%arg15 : memref<80xi32, #tpu.memory_space<vmem>>)
        tpu.yield
      }) : () -> ()
      %dma_start3A_130 = arith.constant 0 : i32
      %dma_start3A_131 = arith.constant 0 : i32
      %dma_start3A_132 = tpu.memref_slice %arg2[%dma_start3A_130, %dma_start3A_131] : memref<20000x128xf32, #tpu.memory_space<hbm>> -> memref<20000x128xf32, #tpu.memory_space<hbm>>
      tpu.enqueue_indirect_dma source(%dma_start3A_132 : memref<20000x128xf32, #tpu.memory_space<hbm>>) target(%arg19 : memref<80x128xf32, #tpu.memory_space<vmem>>) offsets(%arg11 : memref<80xi32, #tpu.memory_space<vmem>>) semaphore(%arg23 : memref<!tpu.dma_semaphore, #tpu.memory_space<semaphore_mem>>)
      %dma_wait3A_133 = arith.constant 0 : i32
      %dma_wait3A_134 = arith.constant 0 : i32
      %dma_wait3A_135 = tpu.memref_slice %arg2[%dma_wait3A_133, %dma_wait3A_134] : memref<20000x128xf32, #tpu.memory_space<hbm>> -> memref<20000x128xf32, #tpu.memory_space<hbm>>
      tpu.wait_indirect_dma semaphore(%arg22 : memref<!tpu.dma_semaphore, #tpu.memory_space<semaphore_mem>>) src(%dma_wait3A_135 : memref<20000x128xf32, #tpu.memory_space<hbm>>) dst(%arg18 : memref<80x128xf32, #tpu.memory_space<vmem>>)
      %dma_start3A_136 = arith.constant 0 : i32
      %dma_start3A_137 = arith.constant 0 : i32
      %dma_start3A_138 = tpu.memref_slice %arg8[%dma_start3A_136, %dma_start3A_137] : memref<10112x128xf32, #tpu.memory_space<vmem_shared>> -> memref<10112x128xf32, #tpu.memory_space<vmem_shared>>
      tpu.enqueue_indirect_dma source(%arg18 : memref<80x128xf32, #tpu.memory_space<vmem>>) target(%dma_start3A_138 : memref<10112x128xf32, #tpu.memory_space<vmem_shared>>) offsets(%arg14 : memref<80xi32, #tpu.memory_space<vmem>>) semaphore(%arg26 : memref<!tpu.dma_semaphore, #tpu.memory_space<semaphore_mem>>) {add = true}
      %ge3A_139 = arith.constant 1 : i32
      %ge3A_140 = arith.cmpi sge, %scan3A_109, %ge3A_139 : i32
      %convert_element_type3A_141 = arith.extui %ge3A_140 : i1 to i32
      %cond3A_142 = arith.constant 0 : i32
      %cond3A_143 = arith.cmpi ne, %convert_element_type3A_141, %cond3A_142 : i32
      scf.if %cond3A_143 {
        %dma_wait3A_201 = arith.constant 0 : i32
        %dma_wait3A_202 = arith.constant 0 : i32
        %dma_wait3A_203 = tpu.memref_slice %arg8[%dma_wait3A_201, %dma_wait3A_202] : memref<10112x128xf32, #tpu.memory_space<vmem_shared>> -> memref<10112x128xf32, #tpu.memory_space<vmem_shared>>
        tpu.wait_indirect_dma semaphore(%arg28 : memref<!tpu.dma_semaphore, #tpu.memory_space<semaphore_mem>>) src(%arg20 : memref<80x128xf32, #tpu.memory_space<vmem>>) dst(%dma_wait3A_203 : memref<10112x128xf32, #tpu.memory_space<vmem_shared>>)
      } else {
      }
      %add3A_144 = arith.constant 1 : i32
      %add3A_145 = arith.addi %mul3A_111, %add3A_144 : i32
      %add3A_146 = arith.constant 2 : i32
      %add3A_147 = arith.addi %add3A_145, %add3A_146 : i32
      %mul3A_148 = arith.constant 80 : i32
      %mul3A_149 = arith.muli %add3A_147, %mul3A_148 : i32
      %add3A_150 = arith.addi %mul3A_2, %mul3A_149 : i32
      %mul3A_151 = arith.constant 320000 : i32
      %mul3A_152 = arith.muli %arg0, %mul3A_151 : i32
      %add3A_153 = arith.addi %mul3A_152, %add3A_150 : i32
      "tpu.region"() ({
        %run_scoped3A_201 = tpu.sem_alloc : memref<!tpu.dma_semaphore, #tpu.memory_space<semaphore_mem>>
        %dma_start3A_202 = tpu.memref_slice %arg3[%add3A_153] : memref<640000xi32, #tpu.memory_space<hbm>> -> memref<80xi32, #tpu.memory_space<hbm>>
        %dma_start3A_203 = tpu.memref_slice %arg3[%add3A_153] : memref<640000xi32, #tpu.memory_space<hbm>> -> memref<80xi32, #tpu.memory_space<hbm>>
        tpu.enqueue_dma source(%dma_start3A_203 : memref<80xi32, #tpu.memory_space<hbm>>) target(%arg12 : memref<80xi32, #tpu.memory_space<vmem>>) target_semaphore(%run_scoped3A_201 : memref<!tpu.dma_semaphore, #tpu.memory_space<semaphore_mem>>)
        %dma_wait3A_204 = tpu.memref_slice %arg3[%add3A_153] : memref<640000xi32, #tpu.memory_space<hbm>> -> memref<80xi32, #tpu.memory_space<hbm>>
        %dma_wait3A_205 = tpu.memref_slice %arg3[%add3A_153] : memref<640000xi32, #tpu.memory_space<hbm>> -> memref<80xi32, #tpu.memory_space<hbm>>
        tpu.wait_dma2 semaphore(%run_scoped3A_201 : memref<!tpu.dma_semaphore, #tpu.memory_space<semaphore_mem>>) src(%dma_wait3A_205 : memref<80xi32, #tpu.memory_space<hbm>>) dst(%arg12 : memref<80xi32, #tpu.memory_space<vmem>>)
        tpu.yield
      }) : () -> ()
      "tpu.region"() ({
        %run_scoped3A_201 = tpu.sem_alloc : memref<!tpu.dma_semaphore, #tpu.memory_space<semaphore_mem>>
        %dma_start3A_202 = tpu.memref_slice %arg4[%add3A_150] : memref<320000xi32, #tpu.memory_space<hbm>> -> memref<80xi32, #tpu.memory_space<hbm>>
        %dma_start3A_203 = tpu.memref_slice %arg4[%add3A_150] : memref<320000xi32, #tpu.memory_space<hbm>> -> memref<80xi32, #tpu.memory_space<hbm>>
        tpu.enqueue_dma source(%dma_start3A_203 : memref<80xi32, #tpu.memory_space<hbm>>) target(%arg16 : memref<80xi32, #tpu.memory_space<vmem>>) target_semaphore(%run_scoped3A_201 : memref<!tpu.dma_semaphore, #tpu.memory_space<semaphore_mem>>)
        %dma_wait3A_204 = tpu.memref_slice %arg4[%add3A_150] : memref<320000xi32, #tpu.memory_space<hbm>> -> memref<80xi32, #tpu.memory_space<hbm>>
        %dma_wait3A_205 = tpu.memref_slice %arg4[%add3A_150] : memref<320000xi32, #tpu.memory_space<hbm>> -> memref<80xi32, #tpu.memory_space<hbm>>
        tpu.wait_dma2 semaphore(%run_scoped3A_201 : memref<!tpu.dma_semaphore, #tpu.memory_space<semaphore_mem>>) src(%dma_wait3A_205 : memref<80xi32, #tpu.memory_space<hbm>>) dst(%arg16 : memref<80xi32, #tpu.memory_space<vmem>>)
        tpu.yield
      }) : () -> ()
      %dma_start3A_154 = arith.constant 0 : i32
      %dma_start3A_155 = arith.constant 0 : i32
      %dma_start3A_156 = tpu.memref_slice %arg2[%dma_start3A_154, %dma_start3A_155] : memref<20000x128xf32, #tpu.memory_space<hbm>> -> memref<20000x128xf32, #tpu.memory_space<hbm>>
      tpu.enqueue_indirect_dma source(%dma_start3A_156 : memref<20000x128xf32, #tpu.memory_space<hbm>>) target(%arg20 : memref<80x128xf32, #tpu.memory_space<vmem>>) offsets(%arg12 : memref<80xi32, #tpu.memory_space<vmem>>) semaphore(%arg24 : memref<!tpu.dma_semaphore, #tpu.memory_space<semaphore_mem>>)
      %dma_wait3A_157 = arith.constant 0 : i32
      %dma_wait3A_158 = arith.constant 0 : i32
      %dma_wait3A_159 = tpu.memref_slice %arg2[%dma_wait3A_157, %dma_wait3A_158] : memref<20000x128xf32, #tpu.memory_space<hbm>> -> memref<20000x128xf32, #tpu.memory_space<hbm>>
      tpu.wait_indirect_dma semaphore(%arg23 : memref<!tpu.dma_semaphore, #tpu.memory_space<semaphore_mem>>) src(%dma_wait3A_159 : memref<20000x128xf32, #tpu.memory_space<hbm>>) dst(%arg19 : memref<80x128xf32, #tpu.memory_space<vmem>>)
      %dma_start3A_160 = arith.constant 0 : i32
      %dma_start3A_161 = arith.constant 0 : i32
      %dma_start3A_162 = tpu.memref_slice %arg8[%dma_start3A_160, %dma_start3A_161] : memref<10112x128xf32, #tpu.memory_space<vmem_shared>> -> memref<10112x128xf32, #tpu.memory_space<vmem_shared>>
      tpu.enqueue_indirect_dma source(%arg19 : memref<80x128xf32, #tpu.memory_space<vmem>>) target(%dma_start3A_162 : memref<10112x128xf32, #tpu.memory_space<vmem_shared>>) offsets(%arg15 : memref<80xi32, #tpu.memory_space<vmem>>) semaphore(%arg27 : memref<!tpu.dma_semaphore, #tpu.memory_space<semaphore_mem>>) {add = true}
      %dma_wait3A_163 = arith.constant 0 : i32
      %dma_wait3A_164 = arith.constant 0 : i32
      %dma_wait3A_165 = tpu.memref_slice %arg8[%dma_wait3A_163, %dma_wait3A_164] : memref<10112x128xf32, #tpu.memory_space<vmem_shared>> -> memref<10112x128xf32, #tpu.memory_space<vmem_shared>>
      tpu.wait_indirect_dma semaphore(%arg25 : memref<!tpu.dma_semaphore, #tpu.memory_space<semaphore_mem>>) src(%arg17 : memref<80x128xf32, #tpu.memory_space<vmem>>) dst(%dma_wait3A_165 : memref<10112x128xf32, #tpu.memory_space<vmem_shared>>)
      %add3A_166 = arith.constant 2 : i32
      %add3A_167 = arith.addi %mul3A_111, %add3A_166 : i32
      %add3A_168 = arith.constant 2 : i32
      %add3A_169 = arith.addi %add3A_167, %add3A_168 : i32
      %mul3A_170 = arith.constant 80 : i32
      %mul3A_171 = arith.muli %add3A_169, %mul3A_170 : i32
      %add3A_172 = arith.addi %mul3A_2, %mul3A_171 : i32
      %mul3A_173 = arith.constant 320000 : i32
      %mul3A_174 = arith.muli %arg0, %mul3A_173 : i32
      %add3A_175 = arith.addi %mul3A_174, %add3A_172 : i32
      "tpu.region"() ({
        %run_scoped3A_201 = tpu.sem_alloc : memref<!tpu.dma_semaphore, #tpu.memory_space<semaphore_mem>>
        %dma_start3A_202 = tpu.memref_slice %arg3[%add3A_175] : memref<640000xi32, #tpu.memory_space<hbm>> -> memref<80xi32, #tpu.memory_space<hbm>>
        %dma_start3A_203 = tpu.memref_slice %arg3[%add3A_175] : memref<640000xi32, #tpu.memory_space<hbm>> -> memref<80xi32, #tpu.memory_space<hbm>>
        tpu.enqueue_dma source(%dma_start3A_203 : memref<80xi32, #tpu.memory_space<hbm>>) target(%arg9 : memref<80xi32, #tpu.memory_space<vmem>>) target_semaphore(%run_scoped3A_201 : memref<!tpu.dma_semaphore, #tpu.memory_space<semaphore_mem>>)
        %dma_wait3A_204 = tpu.memref_slice %arg3[%add3A_175] : memref<640000xi32, #tpu.memory_space<hbm>> -> memref<80xi32, #tpu.memory_space<hbm>>
        %dma_wait3A_205 = tpu.memref_slice %arg3[%add3A_175] : memref<640000xi32, #tpu.memory_space<hbm>> -> memref<80xi32, #tpu.memory_space<hbm>>
        tpu.wait_dma2 semaphore(%run_scoped3A_201 : memref<!tpu.dma_semaphore, #tpu.memory_space<semaphore_mem>>) src(%dma_wait3A_205 : memref<80xi32, #tpu.memory_space<hbm>>) dst(%arg9 : memref<80xi32, #tpu.memory_space<vmem>>)
        tpu.yield
      }) : () -> ()
      "tpu.region"() ({
        %run_scoped3A_201 = tpu.sem_alloc : memref<!tpu.dma_semaphore, #tpu.memory_space<semaphore_mem>>
        %dma_start3A_202 = tpu.memref_slice %arg4[%add3A_172] : memref<320000xi32, #tpu.memory_space<hbm>> -> memref<80xi32, #tpu.memory_space<hbm>>
        %dma_start3A_203 = tpu.memref_slice %arg4[%add3A_172] : memref<320000xi32, #tpu.memory_space<hbm>> -> memref<80xi32, #tpu.memory_space<hbm>>
        tpu.enqueue_dma source(%dma_start3A_203 : memref<80xi32, #tpu.memory_space<hbm>>) target(%arg13 : memref<80xi32, #tpu.memory_space<vmem>>) target_semaphore(%run_scoped3A_201 : memref<!tpu.dma_semaphore, #tpu.memory_space<semaphore_mem>>)
        %dma_wait3A_204 = tpu.memref_slice %arg4[%add3A_172] : memref<320000xi32, #tpu.memory_space<hbm>> -> memref<80xi32, #tpu.memory_space<hbm>>
        %dma_wait3A_205 = tpu.memref_slice %arg4[%add3A_172] : memref<320000xi32, #tpu.memory_space<hbm>> -> memref<80xi32, #tpu.memory_space<hbm>>
        tpu.wait_dma2 semaphore(%run_scoped3A_201 : memref<!tpu.dma_semaphore, #tpu.memory_space<semaphore_mem>>) src(%dma_wait3A_205 : memref<80xi32, #tpu.memory_space<hbm>>) dst(%arg13 : memref<80xi32, #tpu.memory_space<vmem>>)
        tpu.yield
      }) : () -> ()
      %dma_start3A_176 = arith.constant 0 : i32
      %dma_start3A_177 = arith.constant 0 : i32
      %dma_start3A_178 = tpu.memref_slice %arg2[%dma_start3A_176, %dma_start3A_177] : memref<20000x128xf32, #tpu.memory_space<hbm>> -> memref<20000x128xf32, #tpu.memory_space<hbm>>
      tpu.enqueue_indirect_dma source(%dma_start3A_178 : memref<20000x128xf32, #tpu.memory_space<hbm>>) target(%arg17 : memref<80x128xf32, #tpu.memory_space<vmem>>) offsets(%arg9 : memref<80xi32, #tpu.memory_space<vmem>>) semaphore(%arg21 : memref<!tpu.dma_semaphore, #tpu.memory_space<semaphore_mem>>)
      %dma_wait3A_179 = arith.constant 0 : i32
      %dma_wait3A_180 = arith.constant 0 : i32
      %dma_wait3A_181 = tpu.memref_slice %arg2[%dma_wait3A_179, %dma_wait3A_180] : memref<20000x128xf32, #tpu.memory_space<hbm>> -> memref<20000x128xf32, #tpu.memory_space<hbm>>
      tpu.wait_indirect_dma semaphore(%arg24 : memref<!tpu.dma_semaphore, #tpu.memory_space<semaphore_mem>>) src(%dma_wait3A_181 : memref<20000x128xf32, #tpu.memory_space<hbm>>) dst(%arg20 : memref<80x128xf32, #tpu.memory_space<vmem>>)
      %dma_start3A_182 = arith.constant 0 : i32
      %dma_start3A_183 = arith.constant 0 : i32
      %dma_start3A_184 = tpu.memref_slice %arg8[%dma_start3A_182, %dma_start3A_183] : memref<10112x128xf32, #tpu.memory_space<vmem_shared>> -> memref<10112x128xf32, #tpu.memory_space<vmem_shared>>
      tpu.enqueue_indirect_dma source(%arg20 : memref<80x128xf32, #tpu.memory_space<vmem>>) target(%dma_start3A_184 : memref<10112x128xf32, #tpu.memory_space<vmem_shared>>) offsets(%arg16 : memref<80xi32, #tpu.memory_space<vmem>>) semaphore(%arg28 : memref<!tpu.dma_semaphore, #tpu.memory_space<semaphore_mem>>) {add = true}
      %dma_wait3A_185 = arith.constant 0 : i32
      %dma_wait3A_186 = arith.constant 0 : i32
      %dma_wait3A_187 = tpu.memref_slice %arg8[%dma_wait3A_185, %dma_wait3A_186] : memref<10112x128xf32, #tpu.memory_space<vmem_shared>> -> memref<10112x128xf32, #tpu.memory_space<vmem_shared>>
      tpu.wait_indirect_dma semaphore(%arg26 : memref<!tpu.dma_semaphore, #tpu.memory_space<semaphore_mem>>) src(%arg18 : memref<80x128xf32, #tpu.memory_space<vmem>>) dst(%dma_wait3A_187 : memref<10112x128xf32, #tpu.memory_space<vmem_shared>>)
      %add3A_188 = arith.constant 3 : i32
      %add3A_189 = arith.addi %mul3A_111, %add3A_188 : i32
      %add3A_190 = arith.constant 2 : i32
      %add3A_191 = arith.addi %add3A_189, %add3A_190 : i32
      %mul3A_192 = arith.constant 80 : i32
      %mul3A_193 = arith.muli %add3A_191, %mul3A_192 : i32
      %add3A_194 = arith.addi %mul3A_2, %mul3A_193 : i32
      %mul3A_195 = arith.constant 320000 : i32
      %mul3A_196 = arith.muli %arg0, %mul3A_195 : i32
      %add3A_197 = arith.addi %mul3A_196, %add3A_194 : i32
      "tpu.region"() ({
        %run_scoped3A_201 = tpu.sem_alloc : memref<!tpu.dma_semaphore, #tpu.memory_space<semaphore_mem>>
        %dma_start3A_202 = tpu.memref_slice %arg3[%add3A_197] : memref<640000xi32, #tpu.memory_space<hbm>> -> memref<80xi32, #tpu.memory_space<hbm>>
        %dma_start3A_203 = tpu.memref_slice %arg3[%add3A_197] : memref<640000xi32, #tpu.memory_space<hbm>> -> memref<80xi32, #tpu.memory_space<hbm>>
        tpu.enqueue_dma source(%dma_start3A_203 : memref<80xi32, #tpu.memory_space<hbm>>) target(%arg10 : memref<80xi32, #tpu.memory_space<vmem>>) target_semaphore(%run_scoped3A_201 : memref<!tpu.dma_semaphore, #tpu.memory_space<semaphore_mem>>)
        %dma_wait3A_204 = tpu.memref_slice %arg3[%add3A_197] : memref<640000xi32, #tpu.memory_space<hbm>> -> memref<80xi32, #tpu.memory_space<hbm>>
        %dma_wait3A_205 = tpu.memref_slice %arg3[%add3A_197] : memref<640000xi32, #tpu.memory_space<hbm>> -> memref<80xi32, #tpu.memory_space<hbm>>
        tpu.wait_dma2 semaphore(%run_scoped3A_201 : memref<!tpu.dma_semaphore, #tpu.memory_space<semaphore_mem>>) src(%dma_wait3A_205 : memref<80xi32, #tpu.memory_space<hbm>>) dst(%arg10 : memref<80xi32, #tpu.memory_space<vmem>>)
        tpu.yield
      }) : () -> ()
      "tpu.region"() ({
        %run_scoped3A_201 = tpu.sem_alloc : memref<!tpu.dma_semaphore, #tpu.memory_space<semaphore_mem>>
        %dma_start3A_202 = tpu.memref_slice %arg4[%add3A_194] : memref<320000xi32, #tpu.memory_space<hbm>> -> memref<80xi32, #tpu.memory_space<hbm>>
        %dma_start3A_203 = tpu.memref_slice %arg4[%add3A_194] : memref<320000xi32, #tpu.memory_space<hbm>> -> memref<80xi32, #tpu.memory_space<hbm>>
        tpu.enqueue_dma source(%dma_start3A_203 : memref<80xi32, #tpu.memory_space<hbm>>) target(%arg14 : memref<80xi32, #tpu.memory_space<vmem>>) target_semaphore(%run_scoped3A_201 : memref<!tpu.dma_semaphore, #tpu.memory_space<semaphore_mem>>)
        %dma_wait3A_204 = tpu.memref_slice %arg4[%add3A_194] : memref<320000xi32, #tpu.memory_space<hbm>> -> memref<80xi32, #tpu.memory_space<hbm>>
        %dma_wait3A_205 = tpu.memref_slice %arg4[%add3A_194] : memref<320000xi32, #tpu.memory_space<hbm>> -> memref<80xi32, #tpu.memory_space<hbm>>
        tpu.wait_dma2 semaphore(%run_scoped3A_201 : memref<!tpu.dma_semaphore, #tpu.memory_space<semaphore_mem>>) src(%dma_wait3A_205 : memref<80xi32, #tpu.memory_space<hbm>>) dst(%arg14 : memref<80xi32, #tpu.memory_space<vmem>>)
        tpu.yield
      }) : () -> ()
      %dma_start3A_198 = arith.constant 0 : i32
      %dma_start3A_199 = arith.constant 0 : i32
      %dma_start3A_200 = tpu.memref_slice %arg2[%dma_start3A_198, %dma_start3A_199] : memref<20000x128xf32, #tpu.memory_space<hbm>> -> memref<20000x128xf32, #tpu.memory_space<hbm>>
      tpu.enqueue_indirect_dma source(%dma_start3A_200 : memref<20000x128xf32, #tpu.memory_space<hbm>>) target(%arg18 : memref<80x128xf32, #tpu.memory_space<vmem>>) offsets(%arg10 : memref<80xi32, #tpu.memory_space<vmem>>) semaphore(%arg22 : memref<!tpu.dma_semaphore, #tpu.memory_space<semaphore_mem>>)
    }
    %scan3A_21 = arith.constant 62 : i32
    %dma_wait3A = arith.constant 0 : i32
    %dma_wait3A_22 = arith.constant 0 : i32
    %dma_wait3A_23 = tpu.memref_slice %arg2[%dma_wait3A, %dma_wait3A_22] : memref<20000x128xf32, #tpu.memory_space<hbm>> -> memref<20000x128xf32, #tpu.memory_space<hbm>>
    tpu.wait_indirect_dma semaphore(%arg21 : memref<!tpu.dma_semaphore, #tpu.memory_space<semaphore_mem>>) src(%dma_wait3A_23 : memref<20000x128xf32, #tpu.memory_space<hbm>>) dst(%arg17 : memref<80x128xf32, #tpu.memory_space<vmem>>)
    %dma_start3A_24 = arith.constant 0 : i32
    %dma_start3A_25 = arith.constant 0 : i32
    %dma_start3A_26 = tpu.memref_slice %arg8[%dma_start3A_24, %dma_start3A_25] : memref<10112x128xf32, #tpu.memory_space<vmem_shared>> -> memref<10112x128xf32, #tpu.memory_space<vmem_shared>>
    tpu.enqueue_indirect_dma source(%arg17 : memref<80x128xf32, #tpu.memory_space<vmem>>) target(%dma_start3A_26 : memref<10112x128xf32, #tpu.memory_space<vmem_shared>>) offsets(%arg13 : memref<80xi32, #tpu.memory_space<vmem>>) semaphore(%arg25 : memref<!tpu.dma_semaphore, #tpu.memory_space<semaphore_mem>>) {add = true}
    %dma_wait3A_27 = arith.constant 0 : i32
    %dma_wait3A_28 = arith.constant 0 : i32
    %dma_wait3A_29 = tpu.memref_slice %arg2[%dma_wait3A_27, %dma_wait3A_28] : memref<20000x128xf32, #tpu.memory_space<hbm>> -> memref<20000x128xf32, #tpu.memory_space<hbm>>
    tpu.wait_indirect_dma semaphore(%arg22 : memref<!tpu.dma_semaphore, #tpu.memory_space<semaphore_mem>>) src(%dma_wait3A_29 : memref<20000x128xf32, #tpu.memory_space<hbm>>) dst(%arg18 : memref<80x128xf32, #tpu.memory_space<vmem>>)
    %dma_start3A_30 = arith.constant 0 : i32
    %dma_start3A_31 = arith.constant 0 : i32
    %dma_start3A_32 = tpu.memref_slice %arg8[%dma_start3A_30, %dma_start3A_31] : memref<10112x128xf32, #tpu.memory_space<vmem_shared>> -> memref<10112x128xf32, #tpu.memory_space<vmem_shared>>
    tpu.enqueue_indirect_dma source(%arg18 : memref<80x128xf32, #tpu.memory_space<vmem>>) target(%dma_start3A_32 : memref<10112x128xf32, #tpu.memory_space<vmem_shared>>) offsets(%arg14 : memref<80xi32, #tpu.memory_space<vmem>>) semaphore(%arg26 : memref<!tpu.dma_semaphore, #tpu.memory_space<semaphore_mem>>) {add = true}
    %dma_wait3A_33 = arith.constant 0 : i32
    %dma_wait3A_34 = arith.constant 0 : i32
    %dma_wait3A_35 = tpu.memref_slice %arg8[%dma_wait3A_33, %dma_wait3A_34] : memref<10112x128xf32, #tpu.memory_space<vmem_shared>> -> memref<10112x128xf32, #tpu.memory_space<vmem_shared>>
    tpu.wait_indirect_dma semaphore(%arg25 : memref<!tpu.dma_semaphore, #tpu.memory_space<semaphore_mem>>) src(%arg17 : memref<80x128xf32, #tpu.memory_space<vmem>>) dst(%dma_wait3A_35 : memref<10112x128xf32, #tpu.memory_space<vmem_shared>>)
    %dma_wait3A_36 = arith.constant 0 : i32
    %dma_wait3A_37 = arith.constant 0 : i32
    %dma_wait3A_38 = tpu.memref_slice %arg8[%dma_wait3A_36, %dma_wait3A_37] : memref<10112x128xf32, #tpu.memory_space<vmem_shared>> -> memref<10112x128xf32, #tpu.memory_space<vmem_shared>>
    tpu.wait_indirect_dma semaphore(%arg26 : memref<!tpu.dma_semaphore, #tpu.memory_space<semaphore_mem>>) src(%arg18 : memref<80x128xf32, #tpu.memory_space<vmem>>) dst(%dma_wait3A_38 : memref<10112x128xf32, #tpu.memory_space<vmem_shared>>)
    %dma_wait3A_39 = arith.constant 0 : i32
    %dma_wait3A_40 = arith.constant 0 : i32
    %dma_wait3A_41 = tpu.memref_slice %arg8[%dma_wait3A_39, %dma_wait3A_40] : memref<10112x128xf32, #tpu.memory_space<vmem_shared>> -> memref<10112x128xf32, #tpu.memory_space<vmem_shared>>
    tpu.wait_indirect_dma semaphore(%arg27 : memref<!tpu.dma_semaphore, #tpu.memory_space<semaphore_mem>>) src(%arg19 : memref<80x128xf32, #tpu.memory_space<vmem>>) dst(%dma_wait3A_41 : memref<10112x128xf32, #tpu.memory_space<vmem_shared>>)
    %dma_wait3A_42 = arith.constant 0 : i32
    %dma_wait3A_43 = arith.constant 0 : i32
    %dma_wait3A_44 = tpu.memref_slice %arg8[%dma_wait3A_42, %dma_wait3A_43] : memref<10112x128xf32, #tpu.memory_space<vmem_shared>> -> memref<10112x128xf32, #tpu.memory_space<vmem_shared>>
    tpu.wait_indirect_dma semaphore(%arg28 : memref<!tpu.dma_semaphore, #tpu.memory_space<semaphore_mem>>) src(%arg20 : memref<80x128xf32, #tpu.memory_space<vmem>>) dst(%dma_wait3A_44 : memref<10112x128xf32, #tpu.memory_space<vmem_shared>>)
    %barrier3A_45 = arith.constant 0 : index
    tpu.barrier barrier_id(%barrier3A_45)
    %mul3A_46 = arith.constant 632 : i32
    %mul3A_47 = arith.muli %arg1, %mul3A_46 : i32
    %mul3A_48 = arith.constant 632 : i32
    %mul3A_49 = arith.muli %arg1, %mul3A_48 : i32
    %run_scoped3A = arith.constant 0 : i32
    "tpu.region"() ({
      %run_scoped3A_109 = tpu.sem_alloc : memref<!tpu.dma_semaphore, #tpu.memory_space<semaphore_mem>>
      %dma_start3A_110 = arith.constant 0 : i32
      %dma_start3A_111 = tpu.memref_slice %arg7[%arg0, %run_scoped3A, %mul3A_49, %dma_start3A_110] : memref<2x2x10112x128xf32, #tpu.memory_space<hbm>> -> memref<1x1x632x128xf32, #tpu.memory_space<hbm>>
      %dma_start3A_112 = tpu.memref_squeeze %dma_start3A_111 : memref<1x1x632x128xf32, #tpu.memory_space<hbm>> -> memref<632x128xf32, #tpu.memory_space<hbm>>
      %dma_start3A_113 = arith.constant 0 : i32
      %dma_start3A_114 = tpu.memref_slice %arg8[%mul3A_47, %dma_start3A_113] : memref<10112x128xf32, #tpu.memory_space<vmem_shared>> -> memref<632x128xf32, #tpu.memory_space<vmem_shared>>
      tpu.enqueue_dma source(%dma_start3A_114 : memref<632x128xf32, #tpu.memory_space<vmem_shared>>) target(%dma_start3A_112 : memref<632x128xf32, #tpu.memory_space<hbm>>) target_semaphore(%run_scoped3A_109 : memref<!tpu.dma_semaphore, #tpu.memory_space<semaphore_mem>>)
      %dma_wait3A_115 = arith.constant 0 : i32
      %dma_wait3A_116 = tpu.memref_slice %arg7[%arg0, %run_scoped3A, %mul3A_49, %dma_wait3A_115] : memref<2x2x10112x128xf32, #tpu.memory_space<hbm>> -> memref<1x1x632x128xf32, #tpu.memory_space<hbm>>
      %dma_wait3A_117 = tpu.memref_squeeze %dma_wait3A_116 : memref<1x1x632x128xf32, #tpu.memory_space<hbm>> -> memref<632x128xf32, #tpu.memory_space<hbm>>
      %dma_wait3A_118 = arith.constant 0 : i32
      %dma_wait3A_119 = tpu.memref_slice %arg8[%mul3A_47, %dma_wait3A_118] : memref<10112x128xf32, #tpu.memory_space<vmem_shared>> -> memref<632x128xf32, #tpu.memory_space<vmem_shared>>
      tpu.wait_dma2 semaphore(%run_scoped3A_109 : memref<!tpu.dma_semaphore, #tpu.memory_space<semaphore_mem>>) src(%dma_wait3A_119 : memref<632x128xf32, #tpu.memory_space<vmem_shared>>) dst(%dma_wait3A_117 : memref<632x128xf32, #tpu.memory_space<hbm>>)
      tpu.yield
    }) : () -> ()
    %barrier3A_50 = arith.constant 0 : index
    tpu.barrier barrier_id(%barrier3A_50)
    %mul3A_51 = arith.constant 632 : i32
    %mul3A_52 = arith.muli %arg1, %mul3A_51 : i32
    "tpu.region"() ({
      %run_scoped3A_109 = tpu.sem_alloc : memref<!tpu.dma_semaphore, #tpu.memory_space<semaphore_mem>>
      %dma_start3A_110 = arith.constant 0 : i32
      %dma_start3A_111 = tpu.memref_slice %arg8[%mul3A_52, %dma_start3A_110] : memref<10112x128xf32, #tpu.memory_space<vmem_shared>> -> memref<632x128xf32, #tpu.memory_space<vmem_shared>>
      tpu.enqueue_dma source(%arg6 : memref<632x128xf32, #tpu.memory_space<hbm>>) target(%dma_start3A_111 : memref<632x128xf32, #tpu.memory_space<vmem_shared>>) target_semaphore(%run_scoped3A_109 : memref<!tpu.dma_semaphore, #tpu.memory_space<semaphore_mem>>)
      %dma_wait3A_112 = arith.constant 0 : i32
      %dma_wait3A_113 = tpu.memref_slice %arg8[%mul3A_52, %dma_wait3A_112] : memref<10112x128xf32, #tpu.memory_space<vmem_shared>> -> memref<632x128xf32, #tpu.memory_space<vmem_shared>>
      tpu.wait_dma2 semaphore(%run_scoped3A_109 : memref<!tpu.dma_semaphore, #tpu.memory_space<semaphore_mem>>) src(%arg6 : memref<632x128xf32, #tpu.memory_space<hbm>>) dst(%dma_wait3A_113 : memref<632x128xf32, #tpu.memory_space<vmem_shared>>)
      tpu.yield
    }) : () -> ()
    %barrier3A_53 = arith.constant 0 : index
    tpu.barrier barrier_id(%barrier3A_53)
    %mul3A_54 = arith.constant 20000 : i32
    %mul3A_55 = arith.muli %arg1, %mul3A_54 : i32
    %add3A_56 = arith.constant 0 : i32
    %add3A_57 = arith.addi %mul3A_55, %add3A_56 : i32
    %mul3A_58 = arith.constant 320000 : i32
    %mul3A_59 = arith.muli %arg0, %mul3A_58 : i32
    %add3A_60 = arith.addi %mul3A_59, %add3A_57 : i32
    "tpu.region"() ({
      %run_scoped3A_109 = tpu.sem_alloc : memref<!tpu.dma_semaphore, #tpu.memory_space<semaphore_mem>>
      %dma_start3A_110 = tpu.memref_slice %arg3[%add3A_60] : memref<640000xi32, #tpu.memory_space<hbm>> -> memref<80xi32, #tpu.memory_space<hbm>>
      %dma_start3A_111 = tpu.memref_slice %arg3[%add3A_60] : memref<640000xi32, #tpu.memory_space<hbm>> -> memref<80xi32, #tpu.memory_space<hbm>>
      tpu.enqueue_dma source(%dma_start3A_111 : memref<80xi32, #tpu.memory_space<hbm>>) target(%arg9 : memref<80xi32, #tpu.memory_space<vmem>>) target_semaphore(%run_scoped3A_109 : memref<!tpu.dma_semaphore, #tpu.memory_space<semaphore_mem>>)
      %dma_wait3A_112 = tpu.memref_slice %arg3[%add3A_60] : memref<640000xi32, #tpu.memory_space<hbm>> -> memref<80xi32, #tpu.memory_space<hbm>>
      %dma_wait3A_113 = tpu.memref_slice %arg3[%add3A_60] : memref<640000xi32, #tpu.memory_space<hbm>> -> memref<80xi32, #tpu.memory_space<hbm>>
      tpu.wait_dma2 semaphore(%run_scoped3A_109 : memref<!tpu.dma_semaphore, #tpu.memory_space<semaphore_mem>>) src(%dma_wait3A_113 : memref<80xi32, #tpu.memory_space<hbm>>) dst(%arg9 : memref<80xi32, #tpu.memory_space<vmem>>)
      tpu.yield
    }) : () -> ()
    "tpu.region"() ({
      %run_scoped3A_109 = tpu.sem_alloc : memref<!tpu.dma_semaphore, #tpu.memory_space<semaphore_mem>>
      %dma_start3A_110 = tpu.memref_slice %arg5[%add3A_57] : memref<320000xi32, #tpu.memory_space<hbm>> -> memref<80xi32, #tpu.memory_space<hbm>>
      %dma_start3A_111 = tpu.memref_slice %arg5[%add3A_57] : memref<320000xi32, #tpu.memory_space<hbm>> -> memref<80xi32, #tpu.memory_space<hbm>>
      tpu.enqueue_dma source(%dma_start3A_111 : memref<80xi32, #tpu.memory_space<hbm>>) target(%arg13 : memref<80xi32, #tpu.memory_space<vmem>>) target_semaphore(%run_scoped3A_109 : memref<!tpu.dma_semaphore, #tpu.memory_space<semaphore_mem>>)
      %dma_wait3A_112 = tpu.memref_slice %arg5[%add3A_57] : memref<320000xi32, #tpu.memory_space<hbm>> -> memref<80xi32, #tpu.memory_space<hbm>>
      %dma_wait3A_113 = tpu.memref_slice %arg5[%add3A_57] : memref<320000xi32, #tpu.memory_space<hbm>> -> memref<80xi32, #tpu.memory_space<hbm>>
      tpu.wait_dma2 semaphore(%run_scoped3A_109 : memref<!tpu.dma_semaphore, #tpu.memory_space<semaphore_mem>>) src(%dma_wait3A_113 : memref<80xi32, #tpu.memory_space<hbm>>) dst(%arg13 : memref<80xi32, #tpu.memory_space<vmem>>)
      tpu.yield
    }) : () -> ()
    %dma_start3A_61 = arith.constant 0 : i32
    %dma_start3A_62 = arith.constant 0 : i32
    %dma_start3A_63 = tpu.memref_slice %arg2[%dma_start3A_61, %dma_start3A_62] : memref<20000x128xf32, #tpu.memory_space<hbm>> -> memref<20000x128xf32, #tpu.memory_space<hbm>>
    tpu.enqueue_indirect_dma source(%dma_start3A_63 : memref<20000x128xf32, #tpu.memory_space<hbm>>) target(%arg17 : memref<80x128xf32, #tpu.memory_space<vmem>>) offsets(%arg9 : memref<80xi32, #tpu.memory_space<vmem>>) semaphore(%arg21 : memref<!tpu.dma_semaphore, #tpu.memory_space<semaphore_mem>>)
    %add3A_64 = arith.constant 80 : i32
    %add3A_65 = arith.addi %mul3A_55, %add3A_64 : i32
    %mul3A_66 = arith.constant 320000 : i32
    %mul3A_67 = arith.muli %arg0, %mul3A_66 : i32
    %add3A_68 = arith.addi %mul3A_67, %add3A_65 : i32
    "tpu.region"() ({
      %run_scoped3A_109 = tpu.sem_alloc : memref<!tpu.dma_semaphore, #tpu.memory_space<semaphore_mem>>
      %dma_start3A_110 = tpu.memref_slice %arg3[%add3A_68] : memref<640000xi32, #tpu.memory_space<hbm>> -> memref<80xi32, #tpu.memory_space<hbm>>
      %dma_start3A_111 = tpu.memref_slice %arg3[%add3A_68] : memref<640000xi32, #tpu.memory_space<hbm>> -> memref<80xi32, #tpu.memory_space<hbm>>
      tpu.enqueue_dma source(%dma_start3A_111 : memref<80xi32, #tpu.memory_space<hbm>>) target(%arg10 : memref<80xi32, #tpu.memory_space<vmem>>) target_semaphore(%run_scoped3A_109 : memref<!tpu.dma_semaphore, #tpu.memory_space<semaphore_mem>>)
      %dma_wait3A_112 = tpu.memref_slice %arg3[%add3A_68] : memref<640000xi32, #tpu.memory_space<hbm>> -> memref<80xi32, #tpu.memory_space<hbm>>
      %dma_wait3A_113 = tpu.memref_slice %arg3[%add3A_68] : memref<640000xi32, #tpu.memory_space<hbm>> -> memref<80xi32, #tpu.memory_space<hbm>>
      tpu.wait_dma2 semaphore(%run_scoped3A_109 : memref<!tpu.dma_semaphore, #tpu.memory_space<semaphore_mem>>) src(%dma_wait3A_113 : memref<80xi32, #tpu.memory_space<hbm>>) dst(%arg10 : memref<80xi32, #tpu.memory_space<vmem>>)
      tpu.yield
    }) : () -> ()
    "tpu.region"() ({
      %run_scoped3A_109 = tpu.sem_alloc : memref<!tpu.dma_semaphore, #tpu.memory_space<semaphore_mem>>
      %dma_start3A_110 = tpu.memref_slice %arg5[%add3A_65] : memref<320000xi32, #tpu.memory_space<hbm>> -> memref<80xi32, #tpu.memory_space<hbm>>
      %dma_start3A_111 = tpu.memref_slice %arg5[%add3A_65] : memref<320000xi32, #tpu.memory_space<hbm>> -> memref<80xi32, #tpu.memory_space<hbm>>
      tpu.enqueue_dma source(%dma_start3A_111 : memref<80xi32, #tpu.memory_space<hbm>>) target(%arg14 : memref<80xi32, #tpu.memory_space<vmem>>) target_semaphore(%run_scoped3A_109 : memref<!tpu.dma_semaphore, #tpu.memory_space<semaphore_mem>>)
      %dma_wait3A_112 = tpu.memref_slice %arg5[%add3A_65] : memref<320000xi32, #tpu.memory_space<hbm>> -> memref<80xi32, #tpu.memory_space<hbm>>
      %dma_wait3A_113 = tpu.memref_slice %arg5[%add3A_65] : memref<320000xi32, #tpu.memory_space<hbm>> -> memref<80xi32, #tpu.memory_space<hbm>>
      tpu.wait_dma2 semaphore(%run_scoped3A_109 : memref<!tpu.dma_semaphore, #tpu.memory_space<semaphore_mem>>) src(%dma_wait3A_113 : memref<80xi32, #tpu.memory_space<hbm>>) dst(%arg14 : memref<80xi32, #tpu.memory_space<vmem>>)
      tpu.yield
    }) : () -> ()
    %dma_start3A_69 = arith.constant 0 : i32
    %dma_start3A_70 = arith.constant 0 : i32
    %dma_start3A_71 = tpu.memref_slice %arg2[%dma_start3A_69, %dma_start3A_70] : memref<20000x128xf32, #tpu.memory_space<hbm>> -> memref<20000x128xf32, #tpu.memory_space<hbm>>
    tpu.enqueue_indirect_dma source(%dma_start3A_71 : memref<20000x128xf32, #tpu.memory_space<hbm>>) target(%arg18 : memref<80x128xf32, #tpu.memory_space<vmem>>) offsets(%arg10 : memref<80xi32, #tpu.memory_space<vmem>>) semaphore(%arg22 : memref<!tpu.dma_semaphore, #tpu.memory_space<semaphore_mem>>)
    %scan3A_72 = arith.constant 0 : i32
    %scan3A_73 = arith.constant 0 : i32
    %scan3A_74 = arith.constant 62 : i32
    %scan3A_75 = arith.addi %scan3A_73, %scan3A_74 : i32
    %scan3A_76 = arith.constant 1 : i32
    scf.for %scan3A_109 = %scan3A_73 to %scan3A_75 step %scan3A_76  : i32 {
      %mul3A_110 = arith.constant 4 : i32
      %mul3A_111 = arith.muli %mul3A_110, %scan3A_109 : i32
      %dma_wait3A_112 = arith.constant 0 : i32
      %dma_wait3A_113 = arith.constant 0 : i32
      %dma_wait3A_114 = tpu.memref_slice %arg2[%dma_wait3A_112, %dma_wait3A_113] : memref<20000x128xf32, #tpu.memory_space<hbm>> -> memref<20000x128xf32, #tpu.memory_space<hbm>>
      tpu.wait_indirect_dma semaphore(%arg21 : memref<!tpu.dma_semaphore, #tpu.memory_space<semaphore_mem>>) src(%dma_wait3A_114 : memref<20000x128xf32, #tpu.memory_space<hbm>>) dst(%arg17 : memref<80x128xf32, #tpu.memory_space<vmem>>)
      %dma_start3A_115 = arith.constant 0 : i32
      %dma_start3A_116 = arith.constant 0 : i32
      %dma_start3A_117 = tpu.memref_slice %arg8[%dma_start3A_115, %dma_start3A_116] : memref<10112x128xf32, #tpu.memory_space<vmem_shared>> -> memref<10112x128xf32, #tpu.memory_space<vmem_shared>>
      tpu.enqueue_indirect_dma source(%arg17 : memref<80x128xf32, #tpu.memory_space<vmem>>) target(%dma_start3A_117 : memref<10112x128xf32, #tpu.memory_space<vmem_shared>>) offsets(%arg13 : memref<80xi32, #tpu.memory_space<vmem>>) semaphore(%arg25 : memref<!tpu.dma_semaphore, #tpu.memory_space<semaphore_mem>>) {add = true}
      %ge3A = arith.constant 1 : i32
      %ge3A_118 = arith.cmpi sge, %scan3A_109, %ge3A : i32
      %convert_element_type3A = arith.extui %ge3A_118 : i1 to i32
      %cond3A = arith.constant 0 : i32
      %cond3A_119 = arith.cmpi ne, %convert_element_type3A, %cond3A : i32
      scf.if %cond3A_119 {
        %dma_wait3A_201 = arith.constant 0 : i32
        %dma_wait3A_202 = arith.constant 0 : i32
        %dma_wait3A_203 = tpu.memref_slice %arg8[%dma_wait3A_201, %dma_wait3A_202] : memref<10112x128xf32, #tpu.memory_space<vmem_shared>> -> memref<10112x128xf32, #tpu.memory_space<vmem_shared>>
        tpu.wait_indirect_dma semaphore(%arg27 : memref<!tpu.dma_semaphore, #tpu.memory_space<semaphore_mem>>) src(%arg19 : memref<80x128xf32, #tpu.memory_space<vmem>>) dst(%dma_wait3A_203 : memref<10112x128xf32, #tpu.memory_space<vmem_shared>>)
      } else {
      }
      %add3A_120 = arith.constant 0 : i32
      %add3A_121 = arith.addi %mul3A_111, %add3A_120 : i32
      %add3A_122 = arith.constant 2 : i32
      %add3A_123 = arith.addi %add3A_121, %add3A_122 : i32
      %mul3A_124 = arith.constant 80 : i32
      %mul3A_125 = arith.muli %add3A_123, %mul3A_124 : i32
      %add3A_126 = arith.addi %mul3A_55, %mul3A_125 : i32
      %mul3A_127 = arith.constant 320000 : i32
      %mul3A_128 = arith.muli %arg0, %mul3A_127 : i32
      %add3A_129 = arith.addi %mul3A_128, %add3A_126 : i32
      "tpu.region"() ({
        %run_scoped3A_201 = tpu.sem_alloc : memref<!tpu.dma_semaphore, #tpu.memory_space<semaphore_mem>>
        %dma_start3A_202 = tpu.memref_slice %arg3[%add3A_129] : memref<640000xi32, #tpu.memory_space<hbm>> -> memref<80xi32, #tpu.memory_space<hbm>>
        %dma_start3A_203 = tpu.memref_slice %arg3[%add3A_129] : memref<640000xi32, #tpu.memory_space<hbm>> -> memref<80xi32, #tpu.memory_space<hbm>>
        tpu.enqueue_dma source(%dma_start3A_203 : memref<80xi32, #tpu.memory_space<hbm>>) target(%arg11 : memref<80xi32, #tpu.memory_space<vmem>>) target_semaphore(%run_scoped3A_201 : memref<!tpu.dma_semaphore, #tpu.memory_space<semaphore_mem>>)
        %dma_wait3A_204 = tpu.memref_slice %arg3[%add3A_129] : memref<640000xi32, #tpu.memory_space<hbm>> -> memref<80xi32, #tpu.memory_space<hbm>>
        %dma_wait3A_205 = tpu.memref_slice %arg3[%add3A_129] : memref<640000xi32, #tpu.memory_space<hbm>> -> memref<80xi32, #tpu.memory_space<hbm>>
        tpu.wait_dma2 semaphore(%run_scoped3A_201 : memref<!tpu.dma_semaphore, #tpu.memory_space<semaphore_mem>>) src(%dma_wait3A_205 : memref<80xi32, #tpu.memory_space<hbm>>) dst(%arg11 : memref<80xi32, #tpu.memory_space<vmem>>)
        tpu.yield
      }) : () -> ()
      "tpu.region"() ({
        %run_scoped3A_201 = tpu.sem_alloc : memref<!tpu.dma_semaphore, #tpu.memory_space<semaphore_mem>>
        %dma_start3A_202 = tpu.memref_slice %arg5[%add3A_126] : memref<320000xi32, #tpu.memory_space<hbm>> -> memref<80xi32, #tpu.memory_space<hbm>>
        %dma_start3A_203 = tpu.memref_slice %arg5[%add3A_126] : memref<320000xi32, #tpu.memory_space<hbm>> -> memref<80xi32, #tpu.memory_space<hbm>>
        tpu.enqueue_dma source(%dma_start3A_203 : memref<80xi32, #tpu.memory_space<hbm>>) target(%arg15 : memref<80xi32, #tpu.memory_space<vmem>>) target_semaphore(%run_scoped3A_201 : memref<!tpu.dma_semaphore, #tpu.memory_space<semaphore_mem>>)
        %dma_wait3A_204 = tpu.memref_slice %arg5[%add3A_126] : memref<320000xi32, #tpu.memory_space<hbm>> -> memref<80xi32, #tpu.memory_space<hbm>>
        %dma_wait3A_205 = tpu.memref_slice %arg5[%add3A_126] : memref<320000xi32, #tpu.memory_space<hbm>> -> memref<80xi32, #tpu.memory_space<hbm>>
        tpu.wait_dma2 semaphore(%run_scoped3A_201 : memref<!tpu.dma_semaphore, #tpu.memory_space<semaphore_mem>>) src(%dma_wait3A_205 : memref<80xi32, #tpu.memory_space<hbm>>) dst(%arg15 : memref<80xi32, #tpu.memory_space<vmem>>)
        tpu.yield
      }) : () -> ()
      %dma_start3A_130 = arith.constant 0 : i32
      %dma_start3A_131 = arith.constant 0 : i32
      %dma_start3A_132 = tpu.memref_slice %arg2[%dma_start3A_130, %dma_start3A_131] : memref<20000x128xf32, #tpu.memory_space<hbm>> -> memref<20000x128xf32, #tpu.memory_space<hbm>>
      tpu.enqueue_indirect_dma source(%dma_start3A_132 : memref<20000x128xf32, #tpu.memory_space<hbm>>) target(%arg19 : memref<80x128xf32, #tpu.memory_space<vmem>>) offsets(%arg11 : memref<80xi32, #tpu.memory_space<vmem>>) semaphore(%arg23 : memref<!tpu.dma_semaphore, #tpu.memory_space<semaphore_mem>>)
      %dma_wait3A_133 = arith.constant 0 : i32
      %dma_wait3A_134 = arith.constant 0 : i32
      %dma_wait3A_135 = tpu.memref_slice %arg2[%dma_wait3A_133, %dma_wait3A_134] : memref<20000x128xf32, #tpu.memory_space<hbm>> -> memref<20000x128xf32, #tpu.memory_space<hbm>>
      tpu.wait_indirect_dma semaphore(%arg22 : memref<!tpu.dma_semaphore, #tpu.memory_space<semaphore_mem>>) src(%dma_wait3A_135 : memref<20000x128xf32, #tpu.memory_space<hbm>>) dst(%arg18 : memref<80x128xf32, #tpu.memory_space<vmem>>)
      %dma_start3A_136 = arith.constant 0 : i32
      %dma_start3A_137 = arith.constant 0 : i32
      %dma_start3A_138 = tpu.memref_slice %arg8[%dma_start3A_136, %dma_start3A_137] : memref<10112x128xf32, #tpu.memory_space<vmem_shared>> -> memref<10112x128xf32, #tpu.memory_space<vmem_shared>>
      tpu.enqueue_indirect_dma source(%arg18 : memref<80x128xf32, #tpu.memory_space<vmem>>) target(%dma_start3A_138 : memref<10112x128xf32, #tpu.memory_space<vmem_shared>>) offsets(%arg14 : memref<80xi32, #tpu.memory_space<vmem>>) semaphore(%arg26 : memref<!tpu.dma_semaphore, #tpu.memory_space<semaphore_mem>>) {add = true}
      %ge3A_139 = arith.constant 1 : i32
      %ge3A_140 = arith.cmpi sge, %scan3A_109, %ge3A_139 : i32
      %convert_element_type3A_141 = arith.extui %ge3A_140 : i1 to i32
      %cond3A_142 = arith.constant 0 : i32
      %cond3A_143 = arith.cmpi ne, %convert_element_type3A_141, %cond3A_142 : i32
      scf.if %cond3A_143 {
        %dma_wait3A_201 = arith.constant 0 : i32
        %dma_wait3A_202 = arith.constant 0 : i32
        %dma_wait3A_203 = tpu.memref_slice %arg8[%dma_wait3A_201, %dma_wait3A_202] : memref<10112x128xf32, #tpu.memory_space<vmem_shared>> -> memref<10112x128xf32, #tpu.memory_space<vmem_shared>>
        tpu.wait_indirect_dma semaphore(%arg28 : memref<!tpu.dma_semaphore, #tpu.memory_space<semaphore_mem>>) src(%arg20 : memref<80x128xf32, #tpu.memory_space<vmem>>) dst(%dma_wait3A_203 : memref<10112x128xf32, #tpu.memory_space<vmem_shared>>)
      } else {
      }
      %add3A_144 = arith.constant 1 : i32
      %add3A_145 = arith.addi %mul3A_111, %add3A_144 : i32
      %add3A_146 = arith.constant 2 : i32
      %add3A_147 = arith.addi %add3A_145, %add3A_146 : i32
      %mul3A_148 = arith.constant 80 : i32
      %mul3A_149 = arith.muli %add3A_147, %mul3A_148 : i32
      %add3A_150 = arith.addi %mul3A_55, %mul3A_149 : i32
      %mul3A_151 = arith.constant 320000 : i32
      %mul3A_152 = arith.muli %arg0, %mul3A_151 : i32
      %add3A_153 = arith.addi %mul3A_152, %add3A_150 : i32
      "tpu.region"() ({
        %run_scoped3A_201 = tpu.sem_alloc : memref<!tpu.dma_semaphore, #tpu.memory_space<semaphore_mem>>
        %dma_start3A_202 = tpu.memref_slice %arg3[%add3A_153] : memref<640000xi32, #tpu.memory_space<hbm>> -> memref<80xi32, #tpu.memory_space<hbm>>
        %dma_start3A_203 = tpu.memref_slice %arg3[%add3A_153] : memref<640000xi32, #tpu.memory_space<hbm>> -> memref<80xi32, #tpu.memory_space<hbm>>
        tpu.enqueue_dma source(%dma_start3A_203 : memref<80xi32, #tpu.memory_space<hbm>>) target(%arg12 : memref<80xi32, #tpu.memory_space<vmem>>) target_semaphore(%run_scoped3A_201 : memref<!tpu.dma_semaphore, #tpu.memory_space<semaphore_mem>>)
        %dma_wait3A_204 = tpu.memref_slice %arg3[%add3A_153] : memref<640000xi32, #tpu.memory_space<hbm>> -> memref<80xi32, #tpu.memory_space<hbm>>
        %dma_wait3A_205 = tpu.memref_slice %arg3[%add3A_153] : memref<640000xi32, #tpu.memory_space<hbm>> -> memref<80xi32, #tpu.memory_space<hbm>>
        tpu.wait_dma2 semaphore(%run_scoped3A_201 : memref<!tpu.dma_semaphore, #tpu.memory_space<semaphore_mem>>) src(%dma_wait3A_205 : memref<80xi32, #tpu.memory_space<hbm>>) dst(%arg12 : memref<80xi32, #tpu.memory_space<vmem>>)
        tpu.yield
      }) : () -> ()
      "tpu.region"() ({
        %run_scoped3A_201 = tpu.sem_alloc : memref<!tpu.dma_semaphore, #tpu.memory_space<semaphore_mem>>
        %dma_start3A_202 = tpu.memref_slice %arg5[%add3A_150] : memref<320000xi32, #tpu.memory_space<hbm>> -> memref<80xi32, #tpu.memory_space<hbm>>
        %dma_start3A_203 = tpu.memref_slice %arg5[%add3A_150] : memref<320000xi32, #tpu.memory_space<hbm>> -> memref<80xi32, #tpu.memory_space<hbm>>
        tpu.enqueue_dma source(%dma_start3A_203 : memref<80xi32, #tpu.memory_space<hbm>>) target(%arg16 : memref<80xi32, #tpu.memory_space<vmem>>) target_semaphore(%run_scoped3A_201 : memref<!tpu.dma_semaphore, #tpu.memory_space<semaphore_mem>>)
        %dma_wait3A_204 = tpu.memref_slice %arg5[%add3A_150] : memref<320000xi32, #tpu.memory_space<hbm>> -> memref<80xi32, #tpu.memory_space<hbm>>
        %dma_wait3A_205 = tpu.memref_slice %arg5[%add3A_150] : memref<320000xi32, #tpu.memory_space<hbm>> -> memref<80xi32, #tpu.memory_space<hbm>>
        tpu.wait_dma2 semaphore(%run_scoped3A_201 : memref<!tpu.dma_semaphore, #tpu.memory_space<semaphore_mem>>) src(%dma_wait3A_205 : memref<80xi32, #tpu.memory_space<hbm>>) dst(%arg16 : memref<80xi32, #tpu.memory_space<vmem>>)
        tpu.yield
      }) : () -> ()
      %dma_start3A_154 = arith.constant 0 : i32
      %dma_start3A_155 = arith.constant 0 : i32
      %dma_start3A_156 = tpu.memref_slice %arg2[%dma_start3A_154, %dma_start3A_155] : memref<20000x128xf32, #tpu.memory_space<hbm>> -> memref<20000x128xf32, #tpu.memory_space<hbm>>
      tpu.enqueue_indirect_dma source(%dma_start3A_156 : memref<20000x128xf32, #tpu.memory_space<hbm>>) target(%arg20 : memref<80x128xf32, #tpu.memory_space<vmem>>) offsets(%arg12 : memref<80xi32, #tpu.memory_space<vmem>>) semaphore(%arg24 : memref<!tpu.dma_semaphore, #tpu.memory_space<semaphore_mem>>)
      %dma_wait3A_157 = arith.constant 0 : i32
      %dma_wait3A_158 = arith.constant 0 : i32
      %dma_wait3A_159 = tpu.memref_slice %arg2[%dma_wait3A_157, %dma_wait3A_158] : memref<20000x128xf32, #tpu.memory_space<hbm>> -> memref<20000x128xf32, #tpu.memory_space<hbm>>
      tpu.wait_indirect_dma semaphore(%arg23 : memref<!tpu.dma_semaphore, #tpu.memory_space<semaphore_mem>>) src(%dma_wait3A_159 : memref<20000x128xf32, #tpu.memory_space<hbm>>) dst(%arg19 : memref<80x128xf32, #tpu.memory_space<vmem>>)
      %dma_start3A_160 = arith.constant 0 : i32
      %dma_start3A_161 = arith.constant 0 : i32
      %dma_start3A_162 = tpu.memref_slice %arg8[%dma_start3A_160, %dma_start3A_161] : memref<10112x128xf32, #tpu.memory_space<vmem_shared>> -> memref<10112x128xf32, #tpu.memory_space<vmem_shared>>
      tpu.enqueue_indirect_dma source(%arg19 : memref<80x128xf32, #tpu.memory_space<vmem>>) target(%dma_start3A_162 : memref<10112x128xf32, #tpu.memory_space<vmem_shared>>) offsets(%arg15 : memref<80xi32, #tpu.memory_space<vmem>>) semaphore(%arg27 : memref<!tpu.dma_semaphore, #tpu.memory_space<semaphore_mem>>) {add = true}
      %dma_wait3A_163 = arith.constant 0 : i32
      %dma_wait3A_164 = arith.constant 0 : i32
      %dma_wait3A_165 = tpu.memref_slice %arg8[%dma_wait3A_163, %dma_wait3A_164] : memref<10112x128xf32, #tpu.memory_space<vmem_shared>> -> memref<10112x128xf32, #tpu.memory_space<vmem_shared>>
      tpu.wait_indirect_dma semaphore(%arg25 : memref<!tpu.dma_semaphore, #tpu.memory_space<semaphore_mem>>) src(%arg17 : memref<80x128xf32, #tpu.memory_space<vmem>>) dst(%dma_wait3A_165 : memref<10112x128xf32, #tpu.memory_space<vmem_shared>>)
      %add3A_166 = arith.constant 2 : i32
      %add3A_167 = arith.addi %mul3A_111, %add3A_166 : i32
      %add3A_168 = arith.constant 2 : i32
      %add3A_169 = arith.addi %add3A_167, %add3A_168 : i32
      %mul3A_170 = arith.constant 80 : i32
      %mul3A_171 = arith.muli %add3A_169, %mul3A_170 : i32
      %add3A_172 = arith.addi %mul3A_55, %mul3A_171 : i32
      %mul3A_173 = arith.constant 320000 : i32
      %mul3A_174 = arith.muli %arg0, %mul3A_173 : i32
      %add3A_175 = arith.addi %mul3A_174, %add3A_172 : i32
      "tpu.region"() ({
        %run_scoped3A_201 = tpu.sem_alloc : memref<!tpu.dma_semaphore, #tpu.memory_space<semaphore_mem>>
        %dma_start3A_202 = tpu.memref_slice %arg3[%add3A_175] : memref<640000xi32, #tpu.memory_space<hbm>> -> memref<80xi32, #tpu.memory_space<hbm>>
        %dma_start3A_203 = tpu.memref_slice %arg3[%add3A_175] : memref<640000xi32, #tpu.memory_space<hbm>> -> memref<80xi32, #tpu.memory_space<hbm>>
        tpu.enqueue_dma source(%dma_start3A_203 : memref<80xi32, #tpu.memory_space<hbm>>) target(%arg9 : memref<80xi32, #tpu.memory_space<vmem>>) target_semaphore(%run_scoped3A_201 : memref<!tpu.dma_semaphore, #tpu.memory_space<semaphore_mem>>)
        %dma_wait3A_204 = tpu.memref_slice %arg3[%add3A_175] : memref<640000xi32, #tpu.memory_space<hbm>> -> memref<80xi32, #tpu.memory_space<hbm>>
        %dma_wait3A_205 = tpu.memref_slice %arg3[%add3A_175] : memref<640000xi32, #tpu.memory_space<hbm>> -> memref<80xi32, #tpu.memory_space<hbm>>
        tpu.wait_dma2 semaphore(%run_scoped3A_201 : memref<!tpu.dma_semaphore, #tpu.memory_space<semaphore_mem>>) src(%dma_wait3A_205 : memref<80xi32, #tpu.memory_space<hbm>>) dst(%arg9 : memref<80xi32, #tpu.memory_space<vmem>>)
        tpu.yield
      }) : () -> ()
      "tpu.region"() ({
        %run_scoped3A_201 = tpu.sem_alloc : memref<!tpu.dma_semaphore, #tpu.memory_space<semaphore_mem>>
        %dma_start3A_202 = tpu.memref_slice %arg5[%add3A_172] : memref<320000xi32, #tpu.memory_space<hbm>> -> memref<80xi32, #tpu.memory_space<hbm>>
        %dma_start3A_203 = tpu.memref_slice %arg5[%add3A_172] : memref<320000xi32, #tpu.memory_space<hbm>> -> memref<80xi32, #tpu.memory_space<hbm>>
        tpu.enqueue_dma source(%dma_start3A_203 : memref<80xi32, #tpu.memory_space<hbm>>) target(%arg13 : memref<80xi32, #tpu.memory_space<vmem>>) target_semaphore(%run_scoped3A_201 : memref<!tpu.dma_semaphore, #tpu.memory_space<semaphore_mem>>)
        %dma_wait3A_204 = tpu.memref_slice %arg5[%add3A_172] : memref<320000xi32, #tpu.memory_space<hbm>> -> memref<80xi32, #tpu.memory_space<hbm>>
        %dma_wait3A_205 = tpu.memref_slice %arg5[%add3A_172] : memref<320000xi32, #tpu.memory_space<hbm>> -> memref<80xi32, #tpu.memory_space<hbm>>
        tpu.wait_dma2 semaphore(%run_scoped3A_201 : memref<!tpu.dma_semaphore, #tpu.memory_space<semaphore_mem>>) src(%dma_wait3A_205 : memref<80xi32, #tpu.memory_space<hbm>>) dst(%arg13 : memref<80xi32, #tpu.memory_space<vmem>>)
        tpu.yield
      }) : () -> ()
      %dma_start3A_176 = arith.constant 0 : i32
      %dma_start3A_177 = arith.constant 0 : i32
      %dma_start3A_178 = tpu.memref_slice %arg2[%dma_start3A_176, %dma_start3A_177] : memref<20000x128xf32, #tpu.memory_space<hbm>> -> memref<20000x128xf32, #tpu.memory_space<hbm>>
      tpu.enqueue_indirect_dma source(%dma_start3A_178 : memref<20000x128xf32, #tpu.memory_space<hbm>>) target(%arg17 : memref<80x128xf32, #tpu.memory_space<vmem>>) offsets(%arg9 : memref<80xi32, #tpu.memory_space<vmem>>) semaphore(%arg21 : memref<!tpu.dma_semaphore, #tpu.memory_space<semaphore_mem>>)
      %dma_wait3A_179 = arith.constant 0 : i32
      %dma_wait3A_180 = arith.constant 0 : i32
      %dma_wait3A_181 = tpu.memref_slice %arg2[%dma_wait3A_179, %dma_wait3A_180] : memref<20000x128xf32, #tpu.memory_space<hbm>> -> memref<20000x128xf32, #tpu.memory_space<hbm>>
      tpu.wait_indirect_dma semaphore(%arg24 : memref<!tpu.dma_semaphore, #tpu.memory_space<semaphore_mem>>) src(%dma_wait3A_181 : memref<20000x128xf32, #tpu.memory_space<hbm>>) dst(%arg20 : memref<80x128xf32, #tpu.memory_space<vmem>>)
      %dma_start3A_182 = arith.constant 0 : i32
      %dma_start3A_183 = arith.constant 0 : i32
      %dma_start3A_184 = tpu.memref_slice %arg8[%dma_start3A_182, %dma_start3A_183] : memref<10112x128xf32, #tpu.memory_space<vmem_shared>> -> memref<10112x128xf32, #tpu.memory_space<vmem_shared>>
      tpu.enqueue_indirect_dma source(%arg20 : memref<80x128xf32, #tpu.memory_space<vmem>>) target(%dma_start3A_184 : memref<10112x128xf32, #tpu.memory_space<vmem_shared>>) offsets(%arg16 : memref<80xi32, #tpu.memory_space<vmem>>) semaphore(%arg28 : memref<!tpu.dma_semaphore, #tpu.memory_space<semaphore_mem>>) {add = true}
      %dma_wait3A_185 = arith.constant 0 : i32
      %dma_wait3A_186 = arith.constant 0 : i32
      %dma_wait3A_187 = tpu.memref_slice %arg8[%dma_wait3A_185, %dma_wait3A_186] : memref<10112x128xf32, #tpu.memory_space<vmem_shared>> -> memref<10112x128xf32, #tpu.memory_space<vmem_shared>>
      tpu.wait_indirect_dma semaphore(%arg26 : memref<!tpu.dma_semaphore, #tpu.memory_space<semaphore_mem>>) src(%arg18 : memref<80x128xf32, #tpu.memory_space<vmem>>) dst(%dma_wait3A_187 : memref<10112x128xf32, #tpu.memory_space<vmem_shared>>)
      %add3A_188 = arith.constant 3 : i32
      %add3A_189 = arith.addi %mul3A_111, %add3A_188 : i32
      %add3A_190 = arith.constant 2 : i32
      %add3A_191 = arith.addi %add3A_189, %add3A_190 : i32
      %mul3A_192 = arith.constant 80 : i32
      %mul3A_193 = arith.muli %add3A_191, %mul3A_192 : i32
      %add3A_194 = arith.addi %mul3A_55, %mul3A_193 : i32
      %mul3A_195 = arith.constant 320000 : i32
      %mul3A_196 = arith.muli %arg0, %mul3A_195 : i32
      %add3A_197 = arith.addi %mul3A_196, %add3A_194 : i32
      "tpu.region"() ({
        %run_scoped3A_201 = tpu.sem_alloc : memref<!tpu.dma_semaphore, #tpu.memory_space<semaphore_mem>>
        %dma_start3A_202 = tpu.memref_slice %arg3[%add3A_197] : memref<640000xi32, #tpu.memory_space<hbm>> -> memref<80xi32, #tpu.memory_space<hbm>>
        %dma_start3A_203 = tpu.memref_slice %arg3[%add3A_197] : memref<640000xi32, #tpu.memory_space<hbm>> -> memref<80xi32, #tpu.memory_space<hbm>>
        tpu.enqueue_dma source(%dma_start3A_203 : memref<80xi32, #tpu.memory_space<hbm>>) target(%arg10 : memref<80xi32, #tpu.memory_space<vmem>>) target_semaphore(%run_scoped3A_201 : memref<!tpu.dma_semaphore, #tpu.memory_space<semaphore_mem>>)
        %dma_wait3A_204 = tpu.memref_slice %arg3[%add3A_197] : memref<640000xi32, #tpu.memory_space<hbm>> -> memref<80xi32, #tpu.memory_space<hbm>>
        %dma_wait3A_205 = tpu.memref_slice %arg3[%add3A_197] : memref<640000xi32, #tpu.memory_space<hbm>> -> memref<80xi32, #tpu.memory_space<hbm>>
        tpu.wait_dma2 semaphore(%run_scoped3A_201 : memref<!tpu.dma_semaphore, #tpu.memory_space<semaphore_mem>>) src(%dma_wait3A_205 : memref<80xi32, #tpu.memory_space<hbm>>) dst(%arg10 : memref<80xi32, #tpu.memory_space<vmem>>)
        tpu.yield
      }) : () -> ()
      "tpu.region"() ({
        %run_scoped3A_201 = tpu.sem_alloc : memref<!tpu.dma_semaphore, #tpu.memory_space<semaphore_mem>>
        %dma_start3A_202 = tpu.memref_slice %arg5[%add3A_194] : memref<320000xi32, #tpu.memory_space<hbm>> -> memref<80xi32, #tpu.memory_space<hbm>>
        %dma_start3A_203 = tpu.memref_slice %arg5[%add3A_194] : memref<320000xi32, #tpu.memory_space<hbm>> -> memref<80xi32, #tpu.memory_space<hbm>>
        tpu.enqueue_dma source(%dma_start3A_203 : memref<80xi32, #tpu.memory_space<hbm>>) target(%arg14 : memref<80xi32, #tpu.memory_space<vmem>>) target_semaphore(%run_scoped3A_201 : memref<!tpu.dma_semaphore, #tpu.memory_space<semaphore_mem>>)
        %dma_wait3A_204 = tpu.memref_slice %arg5[%add3A_194] : memref<320000xi32, #tpu.memory_space<hbm>> -> memref<80xi32, #tpu.memory_space<hbm>>
        %dma_wait3A_205 = tpu.memref_slice %arg5[%add3A_194] : memref<320000xi32, #tpu.memory_space<hbm>> -> memref<80xi32, #tpu.memory_space<hbm>>
        tpu.wait_dma2 semaphore(%run_scoped3A_201 : memref<!tpu.dma_semaphore, #tpu.memory_space<semaphore_mem>>) src(%dma_wait3A_205 : memref<80xi32, #tpu.memory_space<hbm>>) dst(%arg14 : memref<80xi32, #tpu.memory_space<vmem>>)
        tpu.yield
      }) : () -> ()
      %dma_start3A_198 = arith.constant 0 : i32
      %dma_start3A_199 = arith.constant 0 : i32
      %dma_start3A_200 = tpu.memref_slice %arg2[%dma_start3A_198, %dma_start3A_199] : memref<20000x128xf32, #tpu.memory_space<hbm>> -> memref<20000x128xf32, #tpu.memory_space<hbm>>
      tpu.enqueue_indirect_dma source(%dma_start3A_200 : memref<20000x128xf32, #tpu.memory_space<hbm>>) target(%arg18 : memref<80x128xf32, #tpu.memory_space<vmem>>) offsets(%arg10 : memref<80xi32, #tpu.memory_space<vmem>>) semaphore(%arg22 : memref<!tpu.dma_semaphore, #tpu.memory_space<semaphore_mem>>)
    }
    %scan3A_77 = arith.constant 62 : i32
    %dma_wait3A_78 = arith.constant 0 : i32
    %dma_wait3A_79 = arith.constant 0 : i32
    %dma_wait3A_80 = tpu.memref_slice %arg2[%dma_wait3A_78, %dma_wait3A_79] : memref<20000x128xf32, #tpu.memory_space<hbm>> -> memref<20000x128xf32, #tpu.memory_space<hbm>>
    tpu.wait_indirect_dma semaphore(%arg21 : memref<!tpu.dma_semaphore, #tpu.memory_space<semaphore_mem>>) src(%dma_wait3A_80 : memref<20000x128xf32, #tpu.memory_space<hbm>>) dst(%arg17 : memref<80x128xf32, #tpu.memory_space<vmem>>)
    %dma_start3A_81 = arith.constant 0 : i32
    %dma_start3A_82 = arith.constant 0 : i32
    %dma_start3A_83 = tpu.memref_slice %arg8[%dma_start3A_81, %dma_start3A_82] : memref<10112x128xf32, #tpu.memory_space<vmem_shared>> -> memref<10112x128xf32, #tpu.memory_space<vmem_shared>>
    tpu.enqueue_indirect_dma source(%arg17 : memref<80x128xf32, #tpu.memory_space<vmem>>) target(%dma_start3A_83 : memref<10112x128xf32, #tpu.memory_space<vmem_shared>>) offsets(%arg13 : memref<80xi32, #tpu.memory_space<vmem>>) semaphore(%arg25 : memref<!tpu.dma_semaphore, #tpu.memory_space<semaphore_mem>>) {add = true}
    %dma_wait3A_84 = arith.constant 0 : i32
    %dma_wait3A_85 = arith.constant 0 : i32
    %dma_wait3A_86 = tpu.memref_slice %arg2[%dma_wait3A_84, %dma_wait3A_85] : memref<20000x128xf32, #tpu.memory_space<hbm>> -> memref<20000x128xf32, #tpu.memory_space<hbm>>
    tpu.wait_indirect_dma semaphore(%arg22 : memref<!tpu.dma_semaphore, #tpu.memory_space<semaphore_mem>>) src(%dma_wait3A_86 : memref<20000x128xf32, #tpu.memory_space<hbm>>) dst(%arg18 : memref<80x128xf32, #tpu.memory_space<vmem>>)
    %dma_start3A_87 = arith.constant 0 : i32
    %dma_start3A_88 = arith.constant 0 : i32
    %dma_start3A_89 = tpu.memref_slice %arg8[%dma_start3A_87, %dma_start3A_88] : memref<10112x128xf32, #tpu.memory_space<vmem_shared>> -> memref<10112x128xf32, #tpu.memory_space<vmem_shared>>
    tpu.enqueue_indirect_dma source(%arg18 : memref<80x128xf32, #tpu.memory_space<vmem>>) target(%dma_start3A_89 : memref<10112x128xf32, #tpu.memory_space<vmem_shared>>) offsets(%arg14 : memref<80xi32, #tpu.memory_space<vmem>>) semaphore(%arg26 : memref<!tpu.dma_semaphore, #tpu.memory_space<semaphore_mem>>) {add = true}
    %dma_wait3A_90 = arith.constant 0 : i32
    %dma_wait3A_91 = arith.constant 0 : i32
    %dma_wait3A_92 = tpu.memref_slice %arg8[%dma_wait3A_90, %dma_wait3A_91] : memref<10112x128xf32, #tpu.memory_space<vmem_shared>> -> memref<10112x128xf32, #tpu.memory_space<vmem_shared>>
    tpu.wait_indirect_dma semaphore(%arg25 : memref<!tpu.dma_semaphore, #tpu.memory_space<semaphore_mem>>) src(%arg17 : memref<80x128xf32, #tpu.memory_space<vmem>>) dst(%dma_wait3A_92 : memref<10112x128xf32, #tpu.memory_space<vmem_shared>>)
    %dma_wait3A_93 = arith.constant 0 : i32
    %dma_wait3A_94 = arith.constant 0 : i32
    %dma_wait3A_95 = tpu.memref_slice %arg8[%dma_wait3A_93, %dma_wait3A_94] : memref<10112x128xf32, #tpu.memory_space<vmem_shared>> -> memref<10112x128xf32, #tpu.memory_space<vmem_shared>>
    tpu.wait_indirect_dma semaphore(%arg26 : memref<!tpu.dma_semaphore, #tpu.memory_space<semaphore_mem>>) src(%arg18 : memref<80x128xf32, #tpu.memory_space<vmem>>) dst(%dma_wait3A_95 : memref<10112x128xf32, #tpu.memory_space<vmem_shared>>)
    %dma_wait3A_96 = arith.constant 0 : i32
    %dma_wait3A_97 = arith.constant 0 : i32
    %dma_wait3A_98 = tpu.memref_slice %arg8[%dma_wait3A_96, %dma_wait3A_97] : memref<10112x128xf32, #tpu.memory_space<vmem_shared>> -> memref<10112x128xf32, #tpu.memory_space<vmem_shared>>
    tpu.wait_indirect_dma semaphore(%arg27 : memref<!tpu.dma_semaphore, #tpu.memory_space<semaphore_mem>>) src(%arg19 : memref<80x128xf32, #tpu.memory_space<vmem>>) dst(%dma_wait3A_98 : memref<10112x128xf32, #tpu.memory_space<vmem_shared>>)
    %dma_wait3A_99 = arith.constant 0 : i32
    %dma_wait3A_100 = arith.constant 0 : i32
    %dma_wait3A_101 = tpu.memref_slice %arg8[%dma_wait3A_99, %dma_wait3A_100] : memref<10112x128xf32, #tpu.memory_space<vmem_shared>> -> memref<10112x128xf32, #tpu.memory_space<vmem_shared>>
    tpu.wait_indirect_dma semaphore(%arg28 : memref<!tpu.dma_semaphore, #tpu.memory_space<semaphore_mem>>) src(%arg20 : memref<80x128xf32, #tpu.memory_space<vmem>>) dst(%dma_wait3A_101 : memref<10112x128xf32, #tpu.memory_space<vmem_shared>>)
    %barrier3A_102 = arith.constant 0 : index
    tpu.barrier barrier_id(%barrier3A_102)
    %mul3A_103 = arith.constant 632 : i32
    %mul3A_104 = arith.muli %arg1, %mul3A_103 : i32
    %mul3A_105 = arith.constant 632 : i32
    %mul3A_106 = arith.muli %arg1, %mul3A_105 : i32
    %run_scoped3A_107 = arith.constant 1 : i32
    "tpu.region"() ({
      %run_scoped3A_109 = tpu.sem_alloc : memref<!tpu.dma_semaphore, #tpu.memory_space<semaphore_mem>>
      %dma_start3A_110 = arith.constant 0 : i32
      %dma_start3A_111 = tpu.memref_slice %arg7[%arg0, %run_scoped3A_107, %mul3A_106, %dma_start3A_110] : memref<2x2x10112x128xf32, #tpu.memory_space<hbm>> -> memref<1x1x632x128xf32, #tpu.memory_space<hbm>>
      %dma_start3A_112 = tpu.memref_squeeze %dma_start3A_111 : memref<1x1x632x128xf32, #tpu.memory_space<hbm>> -> memref<632x128xf32, #tpu.memory_space<hbm>>
      %dma_start3A_113 = arith.constant 0 : i32
      %dma_start3A_114 = tpu.memref_slice %arg8[%mul3A_104, %dma_start3A_113] : memref<10112x128xf32, #tpu.memory_space<vmem_shared>> -> memref<632x128xf32, #tpu.memory_space<vmem_shared>>
      tpu.enqueue_dma source(%dma_start3A_114 : memref<632x128xf32, #tpu.memory_space<vmem_shared>>) target(%dma_start3A_112 : memref<632x128xf32, #tpu.memory_space<hbm>>) target_semaphore(%run_scoped3A_109 : memref<!tpu.dma_semaphore, #tpu.memory_space<semaphore_mem>>)
      %dma_wait3A_115 = arith.constant 0 : i32
      %dma_wait3A_116 = tpu.memref_slice %arg7[%arg0, %run_scoped3A_107, %mul3A_106, %dma_wait3A_115] : memref<2x2x10112x128xf32, #tpu.memory_space<hbm>> -> memref<1x1x632x128xf32, #tpu.memory_space<hbm>>
      %dma_wait3A_117 = tpu.memref_squeeze %dma_wait3A_116 : memref<1x1x632x128xf32, #tpu.memory_space<hbm>> -> memref<632x128xf32, #tpu.memory_space<hbm>>
      %dma_wait3A_118 = arith.constant 0 : i32
      %dma_wait3A_119 = tpu.memref_slice %arg8[%mul3A_104, %dma_wait3A_118] : memref<10112x128xf32, #tpu.memory_space<vmem_shared>> -> memref<632x128xf32, #tpu.memory_space<vmem_shared>>
      tpu.wait_dma2 semaphore(%run_scoped3A_109 : memref<!tpu.dma_semaphore, #tpu.memory_space<semaphore_mem>>) src(%dma_wait3A_119 : memref<632x128xf32, #tpu.memory_space<vmem_shared>>) dst(%dma_wait3A_117 : memref<632x128xf32, #tpu.memory_space<hbm>>)
      tpu.yield
    }) : () -> ()
    %barrier3A_108 = arith.constant 0 : index
    tpu.barrier barrier_id(%barrier3A_108)
    return
  }
}

#map = affine_map<(d0, d1) -> (0, 0)>
#map1 = affine_map<(d0, d1) -> (0)>
#map2 = affine_map<(d0, d1) -> (0, 0, 0, 0)>
module attributes {stable_mosaic.version = 14 : i64} {
  func.func @_seg_body(%arg0: i32, %arg1: i32, %arg2: memref<20000x128xf32, #tpu.memory_space<hbm>>, %arg3: memref<640000xi32, #tpu.memory_space<hbm>>, %arg4: memref<320000xi32, #tpu.memory_space<hbm>>, %arg5: memref<320000xi32, #tpu.memory_space<hbm>>, %arg6: memref<632x128xf32, #tpu.memory_space<hbm>>, %arg7: memref<2x2x10112x128xf32, #tpu.memory_space<hbm>>, %arg8: memref<10112x128xf32, #tpu.memory_space<vmem_shared>>, %arg9: memref<80xi32, #tpu.memory_space<vmem>>, %arg10: memref<80xi32, #tpu.memory_space<vmem>>, %arg11: memref<80xi32, #tpu.memory_space<vmem>>, %arg12: memref<80xi32, #tpu.memory_space<vmem>>, %arg13: memref<80xi32, #tpu.memory_space<vmem>>, %arg14: memref<80xi32, #tpu.memory_space<vmem>>, %arg15: memref<80xi32, #tpu.memory_space<vmem>>, %arg16: memref<80xi32, #tpu.memory_space<vmem>>, %arg17: memref<80x128xf32, #tpu.memory_space<vmem>>, %arg18: memref<80x128xf32, #tpu.memory_space<vmem>>, %arg19: memref<80x128xf32, #tpu.memory_space<vmem>>, %arg20: memref<80x128xf32, #tpu.memory_space<vmem>>, %arg21: memref<!tpu.dma_semaphore, #tpu.memory_space<semaphore_mem>>, %arg22: memref<!tpu.dma_semaphore, #tpu.memory_space<semaphore_mem>>, %arg23: memref<!tpu.dma_semaphore, #tpu.memory_space<semaphore_mem>>, %arg24: memref<!tpu.dma_semaphore, #tpu.memory_space<semaphore_mem>>, %arg25: memref<!tpu.dma_semaphore, #tpu.memory_space<semaphore_mem>>, %arg26: memref<!tpu.dma_semaphore, #tpu.memory_space<semaphore_mem>>, %arg27: memref<!tpu.dma_semaphore, #tpu.memory_space<semaphore_mem>>, %arg28: memref<!tpu.dma_semaphore, #tpu.memory_space<semaphore_mem>>) attributes {dimension_semantics = [#tpu.dimension_semantics<core_parallel>, #tpu.dimension_semantics<subcore_parallel>], iteration_bounds = array<i64: 2, 16>, scalar_prefetch = 0 : i64, scratch_operands = 21 : i64, tpu.core_type = #tpu.core_type<sc_vector_subcore>, window_params = [{transform_indices = #map}, {transform_indices = #map1}, {transform_indices = #map1}, {transform_indices = #map1}, {transform_indices = #map}, {transform_indices = #map2}]} {
    %mul3A = arith.constant 632 : i32
    %mul3A_0 = arith.muli %arg1, %mul3A : i32
    "tpu.region"() ({
      %run_scoped3A_109 = tpu.sem_alloc : memref<!tpu.dma_semaphore, #tpu.memory_space<semaphore_mem>>
      %dma_start3A_110 = arith.constant 0 : i32
      %dma_start3A_111 = tpu.memref_slice %arg8[%mul3A_0, %dma_start3A_110] : memref<10112x128xf32, #tpu.memory_space<vmem_shared>> -> memref<632x128xf32, #tpu.memory_space<vmem_shared>>
      tpu.enqueue_dma source(%arg6 : memref<632x128xf32, #tpu.memory_space<hbm>>) target(%dma_start3A_111 : memref<632x128xf32, #tpu.memory_space<vmem_shared>>) target_semaphore(%run_scoped3A_109 : memref<!tpu.dma_semaphore, #tpu.memory_space<semaphore_mem>>)
      %dma_wait3A_112 = arith.constant 0 : i32
      %dma_wait3A_113 = tpu.memref_slice %arg8[%mul3A_0, %dma_wait3A_112] : memref<10112x128xf32, #tpu.memory_space<vmem_shared>> -> memref<632x128xf32, #tpu.memory_space<vmem_shared>>
      tpu.wait_dma2 semaphore(%run_scoped3A_109 : memref<!tpu.dma_semaphore, #tpu.memory_space<semaphore_mem>>) src(%arg6 : memref<632x128xf32, #tpu.memory_space<hbm>>) dst(%dma_wait3A_113 : memref<632x128xf32, #tpu.memory_space<vmem_shared>>)
      tpu.yield
    }) : () -> ()
    %barrier3A = arith.constant 0 : index
    tpu.barrier barrier_id(%barrier3A)
    %mul3A_1 = arith.constant 20000 : i32
    %mul3A_2 = arith.muli %arg1, %mul3A_1 : i32
    %add3A = arith.constant 0 : i32
    %add3A_3 = arith.addi %mul3A_2, %add3A : i32
    %mul3A_4 = arith.constant 320000 : i32
    %mul3A_5 = arith.muli %arg0, %mul3A_4 : i32
    %add3A_6 = arith.addi %mul3A_5, %add3A_3 : i32
    "tpu.region"() ({
      %run_scoped3A_109 = tpu.sem_alloc : memref<!tpu.dma_semaphore, #tpu.memory_space<semaphore_mem>>
      %dma_start3A_110 = tpu.memref_slice %arg3[%add3A_6] : memref<640000xi32, #tpu.memory_space<hbm>> -> memref<80xi32, #tpu.memory_space<hbm>>
      %dma_start3A_111 = tpu.memref_slice %arg3[%add3A_6] : memref<640000xi32, #tpu.memory_space<hbm>> -> memref<80xi32, #tpu.memory_space<hbm>>
      tpu.enqueue_dma source(%dma_start3A_111 : memref<80xi32, #tpu.memory_space<hbm>>) target(%arg9 : memref<80xi32, #tpu.memory_space<vmem>>) target_semaphore(%run_scoped3A_109 : memref<!tpu.dma_semaphore, #tpu.memory_space<semaphore_mem>>)
      %dma_wait3A_112 = tpu.memref_slice %arg3[%add3A_6] : memref<640000xi32, #tpu.memory_space<hbm>> -> memref<80xi32, #tpu.memory_space<hbm>>
      %dma_wait3A_113 = tpu.memref_slice %arg3[%add3A_6] : memref<640000xi32, #tpu.memory_space<hbm>> -> memref<80xi32, #tpu.memory_space<hbm>>
      tpu.wait_dma2 semaphore(%run_scoped3A_109 : memref<!tpu.dma_semaphore, #tpu.memory_space<semaphore_mem>>) src(%dma_wait3A_113 : memref<80xi32, #tpu.memory_space<hbm>>) dst(%arg9 : memref<80xi32, #tpu.memory_space<vmem>>)
      tpu.yield
    }) : () -> ()
    "tpu.region"() ({
      %run_scoped3A_109 = tpu.sem_alloc : memref<!tpu.dma_semaphore, #tpu.memory_space<semaphore_mem>>
      %dma_start3A_110 = tpu.memref_slice %arg4[%add3A_3] : memref<320000xi32, #tpu.memory_space<hbm>> -> memref<80xi32, #tpu.memory_space<hbm>>
      %dma_start3A_111 = tpu.memref_slice %arg4[%add3A_3] : memref<320000xi32, #tpu.memory_space<hbm>> -> memref<80xi32, #tpu.memory_space<hbm>>
      tpu.enqueue_dma source(%dma_start3A_111 : memref<80xi32, #tpu.memory_space<hbm>>) target(%arg13 : memref<80xi32, #tpu.memory_space<vmem>>) target_semaphore(%run_scoped3A_109 : memref<!tpu.dma_semaphore, #tpu.memory_space<semaphore_mem>>)
      %dma_wait3A_112 = tpu.memref_slice %arg4[%add3A_3] : memref<320000xi32, #tpu.memory_space<hbm>> -> memref<80xi32, #tpu.memory_space<hbm>>
      %dma_wait3A_113 = tpu.memref_slice %arg4[%add3A_3] : memref<320000xi32, #tpu.memory_space<hbm>> -> memref<80xi32, #tpu.memory_space<hbm>>
      tpu.wait_dma2 semaphore(%run_scoped3A_109 : memref<!tpu.dma_semaphore, #tpu.memory_space<semaphore_mem>>) src(%dma_wait3A_113 : memref<80xi32, #tpu.memory_space<hbm>>) dst(%arg13 : memref<80xi32, #tpu.memory_space<vmem>>)
      tpu.yield
    }) : () -> ()
    %dma_start3A = arith.constant 0 : i32
    %dma_start3A_7 = arith.constant 0 : i32
    %dma_start3A_8 = tpu.memref_slice %arg2[%dma_start3A, %dma_start3A_7] : memref<20000x128xf32, #tpu.memory_space<hbm>> -> memref<20000x128xf32, #tpu.memory_space<hbm>>
    tpu.enqueue_indirect_dma source(%dma_start3A_8 : memref<20000x128xf32, #tpu.memory_space<hbm>>) target(%arg17 : memref<80x128xf32, #tpu.memory_space<vmem>>) offsets(%arg9 : memref<80xi32, #tpu.memory_space<vmem>>) semaphore(%arg21 : memref<!tpu.dma_semaphore, #tpu.memory_space<semaphore_mem>>)
    %add3A_9 = arith.constant 80 : i32
    %add3A_10 = arith.addi %mul3A_2, %add3A_9 : i32
    %mul3A_11 = arith.constant 320000 : i32
    %mul3A_12 = arith.muli %arg0, %mul3A_11 : i32
    %add3A_13 = arith.addi %mul3A_12, %add3A_10 : i32
    "tpu.region"() ({
      %run_scoped3A_109 = tpu.sem_alloc : memref<!tpu.dma_semaphore, #tpu.memory_space<semaphore_mem>>
      %dma_start3A_110 = tpu.memref_slice %arg3[%add3A_13] : memref<640000xi32, #tpu.memory_space<hbm>> -> memref<80xi32, #tpu.memory_space<hbm>>
      %dma_start3A_111 = tpu.memref_slice %arg3[%add3A_13] : memref<640000xi32, #tpu.memory_space<hbm>> -> memref<80xi32, #tpu.memory_space<hbm>>
      tpu.enqueue_dma source(%dma_start3A_111 : memref<80xi32, #tpu.memory_space<hbm>>) target(%arg10 : memref<80xi32, #tpu.memory_space<vmem>>) target_semaphore(%run_scoped3A_109 : memref<!tpu.dma_semaphore, #tpu.memory_space<semaphore_mem>>)
      %dma_wait3A_112 = tpu.memref_slice %arg3[%add3A_13] : memref<640000xi32, #tpu.memory_space<hbm>> -> memref<80xi32, #tpu.memory_space<hbm>>
      %dma_wait3A_113 = tpu.memref_slice %arg3[%add3A_13] : memref<640000xi32, #tpu.memory_space<hbm>> -> memref<80xi32, #tpu.memory_space<hbm>>
      tpu.wait_dma2 semaphore(%run_scoped3A_109 : memref<!tpu.dma_semaphore, #tpu.memory_space<semaphore_mem>>) src(%dma_wait3A_113 : memref<80xi32, #tpu.memory_space<hbm>>) dst(%arg10 : memref<80xi32, #tpu.memory_space<vmem>>)
      tpu.yield
    }) : () -> ()
    "tpu.region"() ({
      %run_scoped3A_109 = tpu.sem_alloc : memref<!tpu.dma_semaphore, #tpu.memory_space<semaphore_mem>>
      %dma_start3A_110 = tpu.memref_slice %arg4[%add3A_10] : memref<320000xi32, #tpu.memory_space<hbm>> -> memref<80xi32, #tpu.memory_space<hbm>>
      %dma_start3A_111 = tpu.memref_slice %arg4[%add3A_10] : memref<320000xi32, #tpu.memory_space<hbm>> -> memref<80xi32, #tpu.memory_space<hbm>>
      tpu.enqueue_dma source(%dma_start3A_111 : memref<80xi32, #tpu.memory_space<hbm>>) target(%arg14 : memref<80xi32, #tpu.memory_space<vmem>>) target_semaphore(%run_scoped3A_109 : memref<!tpu.dma_semaphore, #tpu.memory_space<semaphore_mem>>)
      %dma_wait3A_112 = tpu.memref_slice %arg4[%add3A_10] : memref<320000xi32, #tpu.memory_space<hbm>> -> memref<80xi32, #tpu.memory_space<hbm>>
      %dma_wait3A_113 = tpu.memref_slice %arg4[%add3A_10] : memref<320000xi32, #tpu.memory_space<hbm>> -> memref<80xi32, #tpu.memory_space<hbm>>
      tpu.wait_dma2 semaphore(%run_scoped3A_109 : memref<!tpu.dma_semaphore, #tpu.memory_space<semaphore_mem>>) src(%dma_wait3A_113 : memref<80xi32, #tpu.memory_space<hbm>>) dst(%arg14 : memref<80xi32, #tpu.memory_space<vmem>>)
      tpu.yield
    }) : () -> ()
    %dma_start3A_14 = arith.constant 0 : i32
    %dma_start3A_15 = arith.constant 0 : i32
    %dma_start3A_16 = tpu.memref_slice %arg2[%dma_start3A_14, %dma_start3A_15] : memref<20000x128xf32, #tpu.memory_space<hbm>> -> memref<20000x128xf32, #tpu.memory_space<hbm>>
    tpu.enqueue_indirect_dma source(%dma_start3A_16 : memref<20000x128xf32, #tpu.memory_space<hbm>>) target(%arg18 : memref<80x128xf32, #tpu.memory_space<vmem>>) offsets(%arg10 : memref<80xi32, #tpu.memory_space<vmem>>) semaphore(%arg22 : memref<!tpu.dma_semaphore, #tpu.memory_space<semaphore_mem>>)
    %scan3A = arith.constant 0 : i32
    %scan3A_17 = arith.constant 0 : i32
    %scan3A_18 = arith.constant 62 : i32
    %scan3A_19 = arith.addi %scan3A_17, %scan3A_18 : i32
    %scan3A_20 = arith.constant 1 : i32
    scf.for %scan3A_109 = %scan3A_17 to %scan3A_19 step %scan3A_20  : i32 {
      %mul3A_110 = arith.constant 4 : i32
      %mul3A_111 = arith.muli %mul3A_110, %scan3A_109 : i32
      %dma_wait3A_112 = arith.constant 0 : i32
      %dma_wait3A_113 = arith.constant 0 : i32
      %dma_wait3A_114 = tpu.memref_slice %arg2[%dma_wait3A_112, %dma_wait3A_113] : memref<20000x128xf32, #tpu.memory_space<hbm>> -> memref<20000x128xf32, #tpu.memory_space<hbm>>
      tpu.wait_indirect_dma semaphore(%arg21 : memref<!tpu.dma_semaphore, #tpu.memory_space<semaphore_mem>>) src(%dma_wait3A_114 : memref<20000x128xf32, #tpu.memory_space<hbm>>) dst(%arg17 : memref<80x128xf32, #tpu.memory_space<vmem>>)
      %dma_start3A_115 = arith.constant 0 : i32
      %dma_start3A_116 = arith.constant 0 : i32
      %dma_start3A_117 = tpu.memref_slice %arg8[%dma_start3A_115, %dma_start3A_116] : memref<10112x128xf32, #tpu.memory_space<vmem_shared>> -> memref<10112x128xf32, #tpu.memory_space<vmem_shared>>
      tpu.enqueue_indirect_dma source(%arg17 : memref<80x128xf32, #tpu.memory_space<vmem>>) target(%dma_start3A_117 : memref<10112x128xf32, #tpu.memory_space<vmem_shared>>) offsets(%arg13 : memref<80xi32, #tpu.memory_space<vmem>>) semaphore(%arg25 : memref<!tpu.dma_semaphore, #tpu.memory_space<semaphore_mem>>) {add = true}
      %ge3A = arith.constant 1 : i32
      %ge3A_118 = arith.cmpi sge, %scan3A_109, %ge3A : i32
      %convert_element_type3A = arith.extui %ge3A_118 : i1 to i32
      %cond3A = arith.constant 0 : i32
      %cond3A_119 = arith.cmpi ne, %convert_element_type3A, %cond3A : i32
      scf.if %cond3A_119 {
        %dma_wait3A_201 = arith.constant 0 : i32
        %dma_wait3A_202 = arith.constant 0 : i32
        %dma_wait3A_203 = tpu.memref_slice %arg8[%dma_wait3A_201, %dma_wait3A_202] : memref<10112x128xf32, #tpu.memory_space<vmem_shared>> -> memref<10112x128xf32, #tpu.memory_space<vmem_shared>>
        tpu.wait_indirect_dma semaphore(%arg27 : memref<!tpu.dma_semaphore, #tpu.memory_space<semaphore_mem>>) src(%arg19 : memref<80x128xf32, #tpu.memory_space<vmem>>) dst(%dma_wait3A_203 : memref<10112x128xf32, #tpu.memory_space<vmem_shared>>)
      } else {
      }
      %add3A_120 = arith.constant 0 : i32
      %add3A_121 = arith.addi %mul3A_111, %add3A_120 : i32
      %add3A_122 = arith.constant 2 : i32
      %add3A_123 = arith.addi %add3A_121, %add3A_122 : i32
      %mul3A_124 = arith.constant 80 : i32
      %mul3A_125 = arith.muli %add3A_123, %mul3A_124 : i32
      %add3A_126 = arith.addi %mul3A_2, %mul3A_125 : i32
      %mul3A_127 = arith.constant 320000 : i32
      %mul3A_128 = arith.muli %arg0, %mul3A_127 : i32
      %add3A_129 = arith.addi %mul3A_128, %add3A_126 : i32
      "tpu.region"() ({
        %run_scoped3A_201 = tpu.sem_alloc : memref<!tpu.dma_semaphore, #tpu.memory_space<semaphore_mem>>
        %dma_start3A_202 = tpu.memref_slice %arg3[%add3A_129] : memref<640000xi32, #tpu.memory_space<hbm>> -> memref<80xi32, #tpu.memory_space<hbm>>
        %dma_start3A_203 = tpu.memref_slice %arg3[%add3A_129] : memref<640000xi32, #tpu.memory_space<hbm>> -> memref<80xi32, #tpu.memory_space<hbm>>
        tpu.enqueue_dma source(%dma_start3A_203 : memref<80xi32, #tpu.memory_space<hbm>>) target(%arg11 : memref<80xi32, #tpu.memory_space<vmem>>) target_semaphore(%run_scoped3A_201 : memref<!tpu.dma_semaphore, #tpu.memory_space<semaphore_mem>>)
        %dma_wait3A_204 = tpu.memref_slice %arg3[%add3A_129] : memref<640000xi32, #tpu.memory_space<hbm>> -> memref<80xi32, #tpu.memory_space<hbm>>
        %dma_wait3A_205 = tpu.memref_slice %arg3[%add3A_129] : memref<640000xi32, #tpu.memory_space<hbm>> -> memref<80xi32, #tpu.memory_space<hbm>>
        tpu.wait_dma2 semaphore(%run_scoped3A_201 : memref<!tpu.dma_semaphore, #tpu.memory_space<semaphore_mem>>) src(%dma_wait3A_205 : memref<80xi32, #tpu.memory_space<hbm>>) dst(%arg11 : memref<80xi32, #tpu.memory_space<vmem>>)
        tpu.yield
      }) : () -> ()
      "tpu.region"() ({
        %run_scoped3A_201 = tpu.sem_alloc : memref<!tpu.dma_semaphore, #tpu.memory_space<semaphore_mem>>
        %dma_start3A_202 = tpu.memref_slice %arg4[%add3A_126] : memref<320000xi32, #tpu.memory_space<hbm>> -> memref<80xi32, #tpu.memory_space<hbm>>
        %dma_start3A_203 = tpu.memref_slice %arg4[%add3A_126] : memref<320000xi32, #tpu.memory_space<hbm>> -> memref<80xi32, #tpu.memory_space<hbm>>
        tpu.enqueue_dma source(%dma_start3A_203 : memref<80xi32, #tpu.memory_space<hbm>>) target(%arg15 : memref<80xi32, #tpu.memory_space<vmem>>) target_semaphore(%run_scoped3A_201 : memref<!tpu.dma_semaphore, #tpu.memory_space<semaphore_mem>>)
        %dma_wait3A_204 = tpu.memref_slice %arg4[%add3A_126] : memref<320000xi32, #tpu.memory_space<hbm>> -> memref<80xi32, #tpu.memory_space<hbm>>
        %dma_wait3A_205 = tpu.memref_slice %arg4[%add3A_126] : memref<320000xi32, #tpu.memory_space<hbm>> -> memref<80xi32, #tpu.memory_space<hbm>>
        tpu.wait_dma2 semaphore(%run_scoped3A_201 : memref<!tpu.dma_semaphore, #tpu.memory_space<semaphore_mem>>) src(%dma_wait3A_205 : memref<80xi32, #tpu.memory_space<hbm>>) dst(%arg15 : memref<80xi32, #tpu.memory_space<vmem>>)
        tpu.yield
      }) : () -> ()
      %dma_start3A_130 = arith.constant 0 : i32
      %dma_start3A_131 = arith.constant 0 : i32
      %dma_start3A_132 = tpu.memref_slice %arg2[%dma_start3A_130, %dma_start3A_131] : memref<20000x128xf32, #tpu.memory_space<hbm>> -> memref<20000x128xf32, #tpu.memory_space<hbm>>
      tpu.enqueue_indirect_dma source(%dma_start3A_132 : memref<20000x128xf32, #tpu.memory_space<hbm>>) target(%arg19 : memref<80x128xf32, #tpu.memory_space<vmem>>) offsets(%arg11 : memref<80xi32, #tpu.memory_space<vmem>>) semaphore(%arg23 : memref<!tpu.dma_semaphore, #tpu.memory_space<semaphore_mem>>)
      %dma_wait3A_133 = arith.constant 0 : i32
      %dma_wait3A_134 = arith.constant 0 : i32
      %dma_wait3A_135 = tpu.memref_slice %arg2[%dma_wait3A_133, %dma_wait3A_134] : memref<20000x128xf32, #tpu.memory_space<hbm>> -> memref<20000x128xf32, #tpu.memory_space<hbm>>
      tpu.wait_indirect_dma semaphore(%arg22 : memref<!tpu.dma_semaphore, #tpu.memory_space<semaphore_mem>>) src(%dma_wait3A_135 : memref<20000x128xf32, #tpu.memory_space<hbm>>) dst(%arg18 : memref<80x128xf32, #tpu.memory_space<vmem>>)
      %dma_start3A_136 = arith.constant 0 : i32
      %dma_start3A_137 = arith.constant 0 : i32
      %dma_start3A_138 = tpu.memref_slice %arg8[%dma_start3A_136, %dma_start3A_137] : memref<10112x128xf32, #tpu.memory_space<vmem_shared>> -> memref<10112x128xf32, #tpu.memory_space<vmem_shared>>
      tpu.enqueue_indirect_dma source(%arg18 : memref<80x128xf32, #tpu.memory_space<vmem>>) target(%dma_start3A_138 : memref<10112x128xf32, #tpu.memory_space<vmem_shared>>) offsets(%arg14 : memref<80xi32, #tpu.memory_space<vmem>>) semaphore(%arg26 : memref<!tpu.dma_semaphore, #tpu.memory_space<semaphore_mem>>) {add = true}
      %ge3A_139 = arith.constant 1 : i32
      %ge3A_140 = arith.cmpi sge, %scan3A_109, %ge3A_139 : i32
      %convert_element_type3A_141 = arith.extui %ge3A_140 : i1 to i32
      %cond3A_142 = arith.constant 0 : i32
      %cond3A_143 = arith.cmpi ne, %convert_element_type3A_141, %cond3A_142 : i32
      scf.if %cond3A_143 {
        %dma_wait3A_201 = arith.constant 0 : i32
        %dma_wait3A_202 = arith.constant 0 : i32
        %dma_wait3A_203 = tpu.memref_slice %arg8[%dma_wait3A_201, %dma_wait3A_202] : memref<10112x128xf32, #tpu.memory_space<vmem_shared>> -> memref<10112x128xf32, #tpu.memory_space<vmem_shared>>
        tpu.wait_indirect_dma semaphore(%arg28 : memref<!tpu.dma_semaphore, #tpu.memory_space<semaphore_mem>>) src(%arg20 : memref<80x128xf32, #tpu.memory_space<vmem>>) dst(%dma_wait3A_203 : memref<10112x128xf32, #tpu.memory_space<vmem_shared>>)
      } else {
      }
      %add3A_144 = arith.constant 1 : i32
      %add3A_145 = arith.addi %mul3A_111, %add3A_144 : i32
      %add3A_146 = arith.constant 2 : i32
      %add3A_147 = arith.addi %add3A_145, %add3A_146 : i32
      %mul3A_148 = arith.constant 80 : i32
      %mul3A_149 = arith.muli %add3A_147, %mul3A_148 : i32
      %add3A_150 = arith.addi %mul3A_2, %mul3A_149 : i32
      %mul3A_151 = arith.constant 320000 : i32
      %mul3A_152 = arith.muli %arg0, %mul3A_151 : i32
      %add3A_153 = arith.addi %mul3A_152, %add3A_150 : i32
      "tpu.region"() ({
        %run_scoped3A_201 = tpu.sem_alloc : memref<!tpu.dma_semaphore, #tpu.memory_space<semaphore_mem>>
        %dma_start3A_202 = tpu.memref_slice %arg3[%add3A_153] : memref<640000xi32, #tpu.memory_space<hbm>> -> memref<80xi32, #tpu.memory_space<hbm>>
        %dma_start3A_203 = tpu.memref_slice %arg3[%add3A_153] : memref<640000xi32, #tpu.memory_space<hbm>> -> memref<80xi32, #tpu.memory_space<hbm>>
        tpu.enqueue_dma source(%dma_start3A_203 : memref<80xi32, #tpu.memory_space<hbm>>) target(%arg12 : memref<80xi32, #tpu.memory_space<vmem>>) target_semaphore(%run_scoped3A_201 : memref<!tpu.dma_semaphore, #tpu.memory_space<semaphore_mem>>)
        %dma_wait3A_204 = tpu.memref_slice %arg3[%add3A_153] : memref<640000xi32, #tpu.memory_space<hbm>> -> memref<80xi32, #tpu.memory_space<hbm>>
        %dma_wait3A_205 = tpu.memref_slice %arg3[%add3A_153] : memref<640000xi32, #tpu.memory_space<hbm>> -> memref<80xi32, #tpu.memory_space<hbm>>
        tpu.wait_dma2 semaphore(%run_scoped3A_201 : memref<!tpu.dma_semaphore, #tpu.memory_space<semaphore_mem>>) src(%dma_wait3A_205 : memref<80xi32, #tpu.memory_space<hbm>>) dst(%arg12 : memref<80xi32, #tpu.memory_space<vmem>>)
        tpu.yield
      }) : () -> ()
      "tpu.region"() ({
        %run_scoped3A_201 = tpu.sem_alloc : memref<!tpu.dma_semaphore, #tpu.memory_space<semaphore_mem>>
        %dma_start3A_202 = tpu.memref_slice %arg4[%add3A_150] : memref<320000xi32, #tpu.memory_space<hbm>> -> memref<80xi32, #tpu.memory_space<hbm>>
        %dma_start3A_203 = tpu.memref_slice %arg4[%add3A_150] : memref<320000xi32, #tpu.memory_space<hbm>> -> memref<80xi32, #tpu.memory_space<hbm>>
        tpu.enqueue_dma source(%dma_start3A_203 : memref<80xi32, #tpu.memory_space<hbm>>) target(%arg16 : memref<80xi32, #tpu.memory_space<vmem>>) target_semaphore(%run_scoped3A_201 : memref<!tpu.dma_semaphore, #tpu.memory_space<semaphore_mem>>)
        %dma_wait3A_204 = tpu.memref_slice %arg4[%add3A_150] : memref<320000xi32, #tpu.memory_space<hbm>> -> memref<80xi32, #tpu.memory_space<hbm>>
        %dma_wait3A_205 = tpu.memref_slice %arg4[%add3A_150] : memref<320000xi32, #tpu.memory_space<hbm>> -> memref<80xi32, #tpu.memory_space<hbm>>
        tpu.wait_dma2 semaphore(%run_scoped3A_201 : memref<!tpu.dma_semaphore, #tpu.memory_space<semaphore_mem>>) src(%dma_wait3A_205 : memref<80xi32, #tpu.memory_space<hbm>>) dst(%arg16 : memref<80xi32, #tpu.memory_space<vmem>>)
        tpu.yield
      }) : () -> ()
      %dma_start3A_154 = arith.constant 0 : i32
      %dma_start3A_155 = arith.constant 0 : i32
      %dma_start3A_156 = tpu.memref_slice %arg2[%dma_start3A_154, %dma_start3A_155] : memref<20000x128xf32, #tpu.memory_space<hbm>> -> memref<20000x128xf32, #tpu.memory_space<hbm>>
      tpu.enqueue_indirect_dma source(%dma_start3A_156 : memref<20000x128xf32, #tpu.memory_space<hbm>>) target(%arg20 : memref<80x128xf32, #tpu.memory_space<vmem>>) offsets(%arg12 : memref<80xi32, #tpu.memory_space<vmem>>) semaphore(%arg24 : memref<!tpu.dma_semaphore, #tpu.memory_space<semaphore_mem>>)
      %dma_wait3A_157 = arith.constant 0 : i32
      %dma_wait3A_158 = arith.constant 0 : i32
      %dma_wait3A_159 = tpu.memref_slice %arg2[%dma_wait3A_157, %dma_wait3A_158] : memref<20000x128xf32, #tpu.memory_space<hbm>> -> memref<20000x128xf32, #tpu.memory_space<hbm>>
      tpu.wait_indirect_dma semaphore(%arg23 : memref<!tpu.dma_semaphore, #tpu.memory_space<semaphore_mem>>) src(%dma_wait3A_159 : memref<20000x128xf32, #tpu.memory_space<hbm>>) dst(%arg19 : memref<80x128xf32, #tpu.memory_space<vmem>>)
      %dma_start3A_160 = arith.constant 0 : i32
      %dma_start3A_161 = arith.constant 0 : i32
      %dma_start3A_162 = tpu.memref_slice %arg8[%dma_start3A_160, %dma_start3A_161] : memref<10112x128xf32, #tpu.memory_space<vmem_shared>> -> memref<10112x128xf32, #tpu.memory_space<vmem_shared>>
      tpu.enqueue_indirect_dma source(%arg19 : memref<80x128xf32, #tpu.memory_space<vmem>>) target(%dma_start3A_162 : memref<10112x128xf32, #tpu.memory_space<vmem_shared>>) offsets(%arg15 : memref<80xi32, #tpu.memory_space<vmem>>) semaphore(%arg27 : memref<!tpu.dma_semaphore, #tpu.memory_space<semaphore_mem>>) {add = true}
      %dma_wait3A_163 = arith.constant 0 : i32
      %dma_wait3A_164 = arith.constant 0 : i32
      %dma_wait3A_165 = tpu.memref_slice %arg8[%dma_wait3A_163, %dma_wait3A_164] : memref<10112x128xf32, #tpu.memory_space<vmem_shared>> -> memref<10112x128xf32, #tpu.memory_space<vmem_shared>>
      tpu.wait_indirect_dma semaphore(%arg25 : memref<!tpu.dma_semaphore, #tpu.memory_space<semaphore_mem>>) src(%arg17 : memref<80x128xf32, #tpu.memory_space<vmem>>) dst(%dma_wait3A_165 : memref<10112x128xf32, #tpu.memory_space<vmem_shared>>)
      %add3A_166 = arith.constant 2 : i32
      %add3A_167 = arith.addi %mul3A_111, %add3A_166 : i32
      %add3A_168 = arith.constant 2 : i32
      %add3A_169 = arith.addi %add3A_167, %add3A_168 : i32
      %mul3A_170 = arith.constant 80 : i32
      %mul3A_171 = arith.muli %add3A_169, %mul3A_170 : i32
      %add3A_172 = arith.addi %mul3A_2, %mul3A_171 : i32
      %mul3A_173 = arith.constant 320000 : i32
      %mul3A_174 = arith.muli %arg0, %mul3A_173 : i32
      %add3A_175 = arith.addi %mul3A_174, %add3A_172 : i32
      "tpu.region"() ({
        %run_scoped3A_201 = tpu.sem_alloc : memref<!tpu.dma_semaphore, #tpu.memory_space<semaphore_mem>>
        %dma_start3A_202 = tpu.memref_slice %arg3[%add3A_175] : memref<640000xi32, #tpu.memory_space<hbm>> -> memref<80xi32, #tpu.memory_space<hbm>>
        %dma_start3A_203 = tpu.memref_slice %arg3[%add3A_175] : memref<640000xi32, #tpu.memory_space<hbm>> -> memref<80xi32, #tpu.memory_space<hbm>>
        tpu.enqueue_dma source(%dma_start3A_203 : memref<80xi32, #tpu.memory_space<hbm>>) target(%arg9 : memref<80xi32, #tpu.memory_space<vmem>>) target_semaphore(%run_scoped3A_201 : memref<!tpu.dma_semaphore, #tpu.memory_space<semaphore_mem>>)
        %dma_wait3A_204 = tpu.memref_slice %arg3[%add3A_175] : memref<640000xi32, #tpu.memory_space<hbm>> -> memref<80xi32, #tpu.memory_space<hbm>>
        %dma_wait3A_205 = tpu.memref_slice %arg3[%add3A_175] : memref<640000xi32, #tpu.memory_space<hbm>> -> memref<80xi32, #tpu.memory_space<hbm>>
        tpu.wait_dma2 semaphore(%run_scoped3A_201 : memref<!tpu.dma_semaphore, #tpu.memory_space<semaphore_mem>>) src(%dma_wait3A_205 : memref<80xi32, #tpu.memory_space<hbm>>) dst(%arg9 : memref<80xi32, #tpu.memory_space<vmem>>)
        tpu.yield
      }) : () -> ()
      "tpu.region"() ({
        %run_scoped3A_201 = tpu.sem_alloc : memref<!tpu.dma_semaphore, #tpu.memory_space<semaphore_mem>>
        %dma_start3A_202 = tpu.memref_slice %arg4[%add3A_172] : memref<320000xi32, #tpu.memory_space<hbm>> -> memref<80xi32, #tpu.memory_space<hbm>>
        %dma_start3A_203 = tpu.memref_slice %arg4[%add3A_172] : memref<320000xi32, #tpu.memory_space<hbm>> -> memref<80xi32, #tpu.memory_space<hbm>>
        tpu.enqueue_dma source(%dma_start3A_203 : memref<80xi32, #tpu.memory_space<hbm>>) target(%arg13 : memref<80xi32, #tpu.memory_space<vmem>>) target_semaphore(%run_scoped3A_201 : memref<!tpu.dma_semaphore, #tpu.memory_space<semaphore_mem>>)
        %dma_wait3A_204 = tpu.memref_slice %arg4[%add3A_172] : memref<320000xi32, #tpu.memory_space<hbm>> -> memref<80xi32, #tpu.memory_space<hbm>>
        %dma_wait3A_205 = tpu.memref_slice %arg4[%add3A_172] : memref<320000xi32, #tpu.memory_space<hbm>> -> memref<80xi32, #tpu.memory_space<hbm>>
        tpu.wait_dma2 semaphore(%run_scoped3A_201 : memref<!tpu.dma_semaphore, #tpu.memory_space<semaphore_mem>>) src(%dma_wait3A_205 : memref<80xi32, #tpu.memory_space<hbm>>) dst(%arg13 : memref<80xi32, #tpu.memory_space<vmem>>)
        tpu.yield
      }) : () -> ()
      %dma_start3A_176 = arith.constant 0 : i32
      %dma_start3A_177 = arith.constant 0 : i32
      %dma_start3A_178 = tpu.memref_slice %arg2[%dma_start3A_176, %dma_start3A_177] : memref<20000x128xf32, #tpu.memory_space<hbm>> -> memref<20000x128xf32, #tpu.memory_space<hbm>>
      tpu.enqueue_indirect_dma source(%dma_start3A_178 : memref<20000x128xf32, #tpu.memory_space<hbm>>) target(%arg17 : memref<80x128xf32, #tpu.memory_space<vmem>>) offsets(%arg9 : memref<80xi32, #tpu.memory_space<vmem>>) semaphore(%arg21 : memref<!tpu.dma_semaphore, #tpu.memory_space<semaphore_mem>>)
      %dma_wait3A_179 = arith.constant 0 : i32
      %dma_wait3A_180 = arith.constant 0 : i32
      %dma_wait3A_181 = tpu.memref_slice %arg2[%dma_wait3A_179, %dma_wait3A_180] : memref<20000x128xf32, #tpu.memory_space<hbm>> -> memref<20000x128xf32, #tpu.memory_space<hbm>>
      tpu.wait_indirect_dma semaphore(%arg24 : memref<!tpu.dma_semaphore, #tpu.memory_space<semaphore_mem>>) src(%dma_wait3A_181 : memref<20000x128xf32, #tpu.memory_space<hbm>>) dst(%arg20 : memref<80x128xf32, #tpu.memory_space<vmem>>)
      %dma_start3A_182 = arith.constant 0 : i32
      %dma_start3A_183 = arith.constant 0 : i32
      %dma_start3A_184 = tpu.memref_slice %arg8[%dma_start3A_182, %dma_start3A_183] : memref<10112x128xf32, #tpu.memory_space<vmem_shared>> -> memref<10112x128xf32, #tpu.memory_space<vmem_shared>>
      tpu.enqueue_indirect_dma source(%arg20 : memref<80x128xf32, #tpu.memory_space<vmem>>) target(%dma_start3A_184 : memref<10112x128xf32, #tpu.memory_space<vmem_shared>>) offsets(%arg16 : memref<80xi32, #tpu.memory_space<vmem>>) semaphore(%arg28 : memref<!tpu.dma_semaphore, #tpu.memory_space<semaphore_mem>>) {add = true}
      %dma_wait3A_185 = arith.constant 0 : i32
      %dma_wait3A_186 = arith.constant 0 : i32
      %dma_wait3A_187 = tpu.memref_slice %arg8[%dma_wait3A_185, %dma_wait3A_186] : memref<10112x128xf32, #tpu.memory_space<vmem_shared>> -> memref<10112x128xf32, #tpu.memory_space<vmem_shared>>
      tpu.wait_indirect_dma semaphore(%arg26 : memref<!tpu.dma_semaphore, #tpu.memory_space<semaphore_mem>>) src(%arg18 : memref<80x128xf32, #tpu.memory_space<vmem>>) dst(%dma_wait3A_187 : memref<10112x128xf32, #tpu.memory_space<vmem_shared>>)
      %add3A_188 = arith.constant 3 : i32
      %add3A_189 = arith.addi %mul3A_111, %add3A_188 : i32
      %add3A_190 = arith.constant 2 : i32
      %add3A_191 = arith.addi %add3A_189, %add3A_190 : i32
      %mul3A_192 = arith.constant 80 : i32
      %mul3A_193 = arith.muli %add3A_191, %mul3A_192 : i32
      %add3A_194 = arith.addi %mul3A_2, %mul3A_193 : i32
      %mul3A_195 = arith.constant 320000 : i32
      %mul3A_196 = arith.muli %arg0, %mul3A_195 : i32
      %add3A_197 = arith.addi %mul3A_196, %add3A_194 : i32
      "tpu.region"() ({
        %run_scoped3A_201 = tpu.sem_alloc : memref<!tpu.dma_semaphore, #tpu.memory_space<semaphore_mem>>
        %dma_start3A_202 = tpu.memref_slice %arg3[%add3A_197] : memref<640000xi32, #tpu.memory_space<hbm>> -> memref<80xi32, #tpu.memory_space<hbm>>
        %dma_start3A_203 = tpu.memref_slice %arg3[%add3A_197] : memref<640000xi32, #tpu.memory_space<hbm>> -> memref<80xi32, #tpu.memory_space<hbm>>
        tpu.enqueue_dma source(%dma_start3A_203 : memref<80xi32, #tpu.memory_space<hbm>>) target(%arg10 : memref<80xi32, #tpu.memory_space<vmem>>) target_semaphore(%run_scoped3A_201 : memref<!tpu.dma_semaphore, #tpu.memory_space<semaphore_mem>>)
        %dma_wait3A_204 = tpu.memref_slice %arg3[%add3A_197] : memref<640000xi32, #tpu.memory_space<hbm>> -> memref<80xi32, #tpu.memory_space<hbm>>
        %dma_wait3A_205 = tpu.memref_slice %arg3[%add3A_197] : memref<640000xi32, #tpu.memory_space<hbm>> -> memref<80xi32, #tpu.memory_space<hbm>>
        tpu.wait_dma2 semaphore(%run_scoped3A_201 : memref<!tpu.dma_semaphore, #tpu.memory_space<semaphore_mem>>) src(%dma_wait3A_205 : memref<80xi32, #tpu.memory_space<hbm>>) dst(%arg10 : memref<80xi32, #tpu.memory_space<vmem>>)
        tpu.yield
      }) : () -> ()
      "tpu.region"() ({
        %run_scoped3A_201 = tpu.sem_alloc : memref<!tpu.dma_semaphore, #tpu.memory_space<semaphore_mem>>
        %dma_start3A_202 = tpu.memref_slice %arg4[%add3A_194] : memref<320000xi32, #tpu.memory_space<hbm>> -> memref<80xi32, #tpu.memory_space<hbm>>
        %dma_start3A_203 = tpu.memref_slice %arg4[%add3A_194] : memref<320000xi32, #tpu.memory_space<hbm>> -> memref<80xi32, #tpu.memory_space<hbm>>
        tpu.enqueue_dma source(%dma_start3A_203 : memref<80xi32, #tpu.memory_space<hbm>>) target(%arg14 : memref<80xi32, #tpu.memory_space<vmem>>) target_semaphore(%run_scoped3A_201 : memref<!tpu.dma_semaphore, #tpu.memory_space<semaphore_mem>>)
        %dma_wait3A_204 = tpu.memref_slice %arg4[%add3A_194] : memref<320000xi32, #tpu.memory_space<hbm>> -> memref<80xi32, #tpu.memory_space<hbm>>
        %dma_wait3A_205 = tpu.memref_slice %arg4[%add3A_194] : memref<320000xi32, #tpu.memory_space<hbm>> -> memref<80xi32, #tpu.memory_space<hbm>>
        tpu.wait_dma2 semaphore(%run_scoped3A_201 : memref<!tpu.dma_semaphore, #tpu.memory_space<semaphore_mem>>) src(%dma_wait3A_205 : memref<80xi32, #tpu.memory_space<hbm>>) dst(%arg14 : memref<80xi32, #tpu.memory_space<vmem>>)
        tpu.yield
      }) : () -> ()
      %dma_start3A_198 = arith.constant 0 : i32
      %dma_start3A_199 = arith.constant 0 : i32
      %dma_start3A_200 = tpu.memref_slice %arg2[%dma_start3A_198, %dma_start3A_199] : memref<20000x128xf32, #tpu.memory_space<hbm>> -> memref<20000x128xf32, #tpu.memory_space<hbm>>
      tpu.enqueue_indirect_dma source(%dma_start3A_200 : memref<20000x128xf32, #tpu.memory_space<hbm>>) target(%arg18 : memref<80x128xf32, #tpu.memory_space<vmem>>) offsets(%arg10 : memref<80xi32, #tpu.memory_space<vmem>>) semaphore(%arg22 : memref<!tpu.dma_semaphore, #tpu.memory_space<semaphore_mem>>)
    }
    %scan3A_21 = arith.constant 62 : i32
    %dma_wait3A = arith.constant 0 : i32
    %dma_wait3A_22 = arith.constant 0 : i32
    %dma_wait3A_23 = tpu.memref_slice %arg2[%dma_wait3A, %dma_wait3A_22] : memref<20000x128xf32, #tpu.memory_space<hbm>> -> memref<20000x128xf32, #tpu.memory_space<hbm>>
    tpu.wait_indirect_dma semaphore(%arg21 : memref<!tpu.dma_semaphore, #tpu.memory_space<semaphore_mem>>) src(%dma_wait3A_23 : memref<20000x128xf32, #tpu.memory_space<hbm>>) dst(%arg17 : memref<80x128xf32, #tpu.memory_space<vmem>>)
    %dma_start3A_24 = arith.constant 0 : i32
    %dma_start3A_25 = arith.constant 0 : i32
    %dma_start3A_26 = tpu.memref_slice %arg8[%dma_start3A_24, %dma_start3A_25] : memref<10112x128xf32, #tpu.memory_space<vmem_shared>> -> memref<10112x128xf32, #tpu.memory_space<vmem_shared>>
    tpu.enqueue_indirect_dma source(%arg17 : memref<80x128xf32, #tpu.memory_space<vmem>>) target(%dma_start3A_26 : memref<10112x128xf32, #tpu.memory_space<vmem_shared>>) offsets(%arg13 : memref<80xi32, #tpu.memory_space<vmem>>) semaphore(%arg25 : memref<!tpu.dma_semaphore, #tpu.memory_space<semaphore_mem>>) {add = true}
    %dma_wait3A_27 = arith.constant 0 : i32
    %dma_wait3A_28 = arith.constant 0 : i32
    %dma_wait3A_29 = tpu.memref_slice %arg2[%dma_wait3A_27, %dma_wait3A_28] : memref<20000x128xf32, #tpu.memory_space<hbm>> -> memref<20000x128xf32, #tpu.memory_space<hbm>>
    tpu.wait_indirect_dma semaphore(%arg22 : memref<!tpu.dma_semaphore, #tpu.memory_space<semaphore_mem>>) src(%dma_wait3A_29 : memref<20000x128xf32, #tpu.memory_space<hbm>>) dst(%arg18 : memref<80x128xf32, #tpu.memory_space<vmem>>)
    %dma_start3A_30 = arith.constant 0 : i32
    %dma_start3A_31 = arith.constant 0 : i32
    %dma_start3A_32 = tpu.memref_slice %arg8[%dma_start3A_30, %dma_start3A_31] : memref<10112x128xf32, #tpu.memory_space<vmem_shared>> -> memref<10112x128xf32, #tpu.memory_space<vmem_shared>>
    tpu.enqueue_indirect_dma source(%arg18 : memref<80x128xf32, #tpu.memory_space<vmem>>) target(%dma_start3A_32 : memref<10112x128xf32, #tpu.memory_space<vmem_shared>>) offsets(%arg14 : memref<80xi32, #tpu.memory_space<vmem>>) semaphore(%arg26 : memref<!tpu.dma_semaphore, #tpu.memory_space<semaphore_mem>>) {add = true}
    %dma_wait3A_33 = arith.constant 0 : i32
    %dma_wait3A_34 = arith.constant 0 : i32
    %dma_wait3A_35 = tpu.memref_slice %arg8[%dma_wait3A_33, %dma_wait3A_34] : memref<10112x128xf32, #tpu.memory_space<vmem_shared>> -> memref<10112x128xf32, #tpu.memory_space<vmem_shared>>
    tpu.wait_indirect_dma semaphore(%arg25 : memref<!tpu.dma_semaphore, #tpu.memory_space<semaphore_mem>>) src(%arg17 : memref<80x128xf32, #tpu.memory_space<vmem>>) dst(%dma_wait3A_35 : memref<10112x128xf32, #tpu.memory_space<vmem_shared>>)
    %dma_wait3A_36 = arith.constant 0 : i32
    %dma_wait3A_37 = arith.constant 0 : i32
    %dma_wait3A_38 = tpu.memref_slice %arg8[%dma_wait3A_36, %dma_wait3A_37] : memref<10112x128xf32, #tpu.memory_space<vmem_shared>> -> memref<10112x128xf32, #tpu.memory_space<vmem_shared>>
    tpu.wait_indirect_dma semaphore(%arg26 : memref<!tpu.dma_semaphore, #tpu.memory_space<semaphore_mem>>) src(%arg18 : memref<80x128xf32, #tpu.memory_space<vmem>>) dst(%dma_wait3A_38 : memref<10112x128xf32, #tpu.memory_space<vmem_shared>>)
    %dma_wait3A_39 = arith.constant 0 : i32
    %dma_wait3A_40 = arith.constant 0 : i32
    %dma_wait3A_41 = tpu.memref_slice %arg8[%dma_wait3A_39, %dma_wait3A_40] : memref<10112x128xf32, #tpu.memory_space<vmem_shared>> -> memref<10112x128xf32, #tpu.memory_space<vmem_shared>>
    tpu.wait_indirect_dma semaphore(%arg27 : memref<!tpu.dma_semaphore, #tpu.memory_space<semaphore_mem>>) src(%arg19 : memref<80x128xf32, #tpu.memory_space<vmem>>) dst(%dma_wait3A_41 : memref<10112x128xf32, #tpu.memory_space<vmem_shared>>)
    %dma_wait3A_42 = arith.constant 0 : i32
    %dma_wait3A_43 = arith.constant 0 : i32
    %dma_wait3A_44 = tpu.memref_slice %arg8[%dma_wait3A_42, %dma_wait3A_43] : memref<10112x128xf32, #tpu.memory_space<vmem_shared>> -> memref<10112x128xf32, #tpu.memory_space<vmem_shared>>
    tpu.wait_indirect_dma semaphore(%arg28 : memref<!tpu.dma_semaphore, #tpu.memory_space<semaphore_mem>>) src(%arg20 : memref<80x128xf32, #tpu.memory_space<vmem>>) dst(%dma_wait3A_44 : memref<10112x128xf32, #tpu.memory_space<vmem_shared>>)
    %barrier3A_45 = arith.constant 0 : index
    tpu.barrier barrier_id(%barrier3A_45)
    %mul3A_46 = arith.constant 632 : i32
    %mul3A_47 = arith.muli %arg1, %mul3A_46 : i32
    %mul3A_48 = arith.constant 632 : i32
    %mul3A_49 = arith.muli %arg1, %mul3A_48 : i32
    %run_scoped3A = arith.constant 0 : i32
    "tpu.region"() ({
      %run_scoped3A_109 = tpu.sem_alloc : memref<!tpu.dma_semaphore, #tpu.memory_space<semaphore_mem>>
      %dma_start3A_110 = arith.constant 0 : i32
      %dma_start3A_111 = tpu.memref_slice %arg7[%arg0, %run_scoped3A, %mul3A_49, %dma_start3A_110] : memref<2x2x10112x128xf32, #tpu.memory_space<hbm>> -> memref<1x1x632x128xf32, #tpu.memory_space<hbm>>
      %dma_start3A_112 = tpu.memref_squeeze %dma_start3A_111 : memref<1x1x632x128xf32, #tpu.memory_space<hbm>> -> memref<632x128xf32, #tpu.memory_space<hbm>>
      %dma_start3A_113 = arith.constant 0 : i32
      %dma_start3A_114 = tpu.memref_slice %arg8[%mul3A_47, %dma_start3A_113] : memref<10112x128xf32, #tpu.memory_space<vmem_shared>> -> memref<632x128xf32, #tpu.memory_space<vmem_shared>>
      tpu.enqueue_dma source(%dma_start3A_114 : memref<632x128xf32, #tpu.memory_space<vmem_shared>>) target(%dma_start3A_112 : memref<632x128xf32, #tpu.memory_space<hbm>>) target_semaphore(%run_scoped3A_109 : memref<!tpu.dma_semaphore, #tpu.memory_space<semaphore_mem>>)
      %dma_wait3A_115 = arith.constant 0 : i32
      %dma_wait3A_116 = tpu.memref_slice %arg7[%arg0, %run_scoped3A, %mul3A_49, %dma_wait3A_115] : memref<2x2x10112x128xf32, #tpu.memory_space<hbm>> -> memref<1x1x632x128xf32, #tpu.memory_space<hbm>>
      %dma_wait3A_117 = tpu.memref_squeeze %dma_wait3A_116 : memref<1x1x632x128xf32, #tpu.memory_space<hbm>> -> memref<632x128xf32, #tpu.memory_space<hbm>>
      %dma_wait3A_118 = arith.constant 0 : i32
      %dma_wait3A_119 = tpu.memref_slice %arg8[%mul3A_47, %dma_wait3A_118] : memref<10112x128xf32, #tpu.memory_space<vmem_shared>> -> memref<632x128xf32, #tpu.memory_space<vmem_shared>>
      tpu.wait_dma2 semaphore(%run_scoped3A_109 : memref<!tpu.dma_semaphore, #tpu.memory_space<semaphore_mem>>) src(%dma_wait3A_119 : memref<632x128xf32, #tpu.memory_space<vmem_shared>>) dst(%dma_wait3A_117 : memref<632x128xf32, #tpu.memory_space<hbm>>)
      tpu.yield
    }) : () -> ()
    %barrier3A_50 = arith.constant 0 : index
    tpu.barrier barrier_id(%barrier3A_50)
    %mul3A_51 = arith.constant 632 : i32
    %mul3A_52 = arith.muli %arg1, %mul3A_51 : i32
    "tpu.region"() ({
      %run_scoped3A_109 = tpu.sem_alloc : memref<!tpu.dma_semaphore, #tpu.memory_space<semaphore_mem>>
      %dma_start3A_110 = arith.constant 0 : i32
      %dma_start3A_111 = tpu.memref_slice %arg8[%mul3A_52, %dma_start3A_110] : memref<10112x128xf32, #tpu.memory_space<vmem_shared>> -> memref<632x128xf32, #tpu.memory_space<vmem_shared>>
      tpu.enqueue_dma source(%arg6 : memref<632x128xf32, #tpu.memory_space<hbm>>) target(%dma_start3A_111 : memref<632x128xf32, #tpu.memory_space<vmem_shared>>) target_semaphore(%run_scoped3A_109 : memref<!tpu.dma_semaphore, #tpu.memory_space<semaphore_mem>>)
      %dma_wait3A_112 = arith.constant 0 : i32
      %dma_wait3A_113 = tpu.memref_slice %arg8[%mul3A_52, %dma_wait3A_112] : memref<10112x128xf32, #tpu.memory_space<vmem_shared>> -> memref<632x128xf32, #tpu.memory_space<vmem_shared>>
      tpu.wait_dma2 semaphore(%run_scoped3A_109 : memref<!tpu.dma_semaphore, #tpu.memory_space<semaphore_mem>>) src(%arg6 : memref<632x128xf32, #tpu.memory_space<hbm>>) dst(%dma_wait3A_113 : memref<632x128xf32, #tpu.memory_space<vmem_shared>>)
      tpu.yield
    }) : () -> ()
    %barrier3A_53 = arith.constant 0 : index
    tpu.barrier barrier_id(%barrier3A_53)
    %mul3A_54 = arith.constant 20000 : i32
    %mul3A_55 = arith.muli %arg1, %mul3A_54 : i32
    %add3A_56 = arith.constant 0 : i32
    %add3A_57 = arith.addi %mul3A_55, %add3A_56 : i32
    %mul3A_58 = arith.constant 320000 : i32
    %mul3A_59 = arith.muli %arg0, %mul3A_58 : i32
    %add3A_60 = arith.addi %mul3A_59, %add3A_57 : i32
    "tpu.region"() ({
      %run_scoped3A_109 = tpu.sem_alloc : memref<!tpu.dma_semaphore, #tpu.memory_space<semaphore_mem>>
      %dma_start3A_110 = tpu.memref_slice %arg3[%add3A_60] : memref<640000xi32, #tpu.memory_space<hbm>> -> memref<80xi32, #tpu.memory_space<hbm>>
      %dma_start3A_111 = tpu.memref_slice %arg3[%add3A_60] : memref<640000xi32, #tpu.memory_space<hbm>> -> memref<80xi32, #tpu.memory_space<hbm>>
      tpu.enqueue_dma source(%dma_start3A_111 : memref<80xi32, #tpu.memory_space<hbm>>) target(%arg9 : memref<80xi32, #tpu.memory_space<vmem>>) target_semaphore(%run_scoped3A_109 : memref<!tpu.dma_semaphore, #tpu.memory_space<semaphore_mem>>)
      %dma_wait3A_112 = tpu.memref_slice %arg3[%add3A_60] : memref<640000xi32, #tpu.memory_space<hbm>> -> memref<80xi32, #tpu.memory_space<hbm>>
      %dma_wait3A_113 = tpu.memref_slice %arg3[%add3A_60] : memref<640000xi32, #tpu.memory_space<hbm>> -> memref<80xi32, #tpu.memory_space<hbm>>
      tpu.wait_dma2 semaphore(%run_scoped3A_109 : memref<!tpu.dma_semaphore, #tpu.memory_space<semaphore_mem>>) src(%dma_wait3A_113 : memref<80xi32, #tpu.memory_space<hbm>>) dst(%arg9 : memref<80xi32, #tpu.memory_space<vmem>>)
      tpu.yield
    }) : () -> ()
    "tpu.region"() ({
      %run_scoped3A_109 = tpu.sem_alloc : memref<!tpu.dma_semaphore, #tpu.memory_space<semaphore_mem>>
      %dma_start3A_110 = tpu.memref_slice %arg5[%add3A_57] : memref<320000xi32, #tpu.memory_space<hbm>> -> memref<80xi32, #tpu.memory_space<hbm>>
      %dma_start3A_111 = tpu.memref_slice %arg5[%add3A_57] : memref<320000xi32, #tpu.memory_space<hbm>> -> memref<80xi32, #tpu.memory_space<hbm>>
      tpu.enqueue_dma source(%dma_start3A_111 : memref<80xi32, #tpu.memory_space<hbm>>) target(%arg13 : memref<80xi32, #tpu.memory_space<vmem>>) target_semaphore(%run_scoped3A_109 : memref<!tpu.dma_semaphore, #tpu.memory_space<semaphore_mem>>)
      %dma_wait3A_112 = tpu.memref_slice %arg5[%add3A_57] : memref<320000xi32, #tpu.memory_space<hbm>> -> memref<80xi32, #tpu.memory_space<hbm>>
      %dma_wait3A_113 = tpu.memref_slice %arg5[%add3A_57] : memref<320000xi32, #tpu.memory_space<hbm>> -> memref<80xi32, #tpu.memory_space<hbm>>
      tpu.wait_dma2 semaphore(%run_scoped3A_109 : memref<!tpu.dma_semaphore, #tpu.memory_space<semaphore_mem>>) src(%dma_wait3A_113 : memref<80xi32, #tpu.memory_space<hbm>>) dst(%arg13 : memref<80xi32, #tpu.memory_space<vmem>>)
      tpu.yield
    }) : () -> ()
    %dma_start3A_61 = arith.constant 0 : i32
    %dma_start3A_62 = arith.constant 0 : i32
    %dma_start3A_63 = tpu.memref_slice %arg2[%dma_start3A_61, %dma_start3A_62] : memref<20000x128xf32, #tpu.memory_space<hbm>> -> memref<20000x128xf32, #tpu.memory_space<hbm>>
    tpu.enqueue_indirect_dma source(%dma_start3A_63 : memref<20000x128xf32, #tpu.memory_space<hbm>>) target(%arg17 : memref<80x128xf32, #tpu.memory_space<vmem>>) offsets(%arg9 : memref<80xi32, #tpu.memory_space<vmem>>) semaphore(%arg21 : memref<!tpu.dma_semaphore, #tpu.memory_space<semaphore_mem>>)
    %add3A_64 = arith.constant 80 : i32
    %add3A_65 = arith.addi %mul3A_55, %add3A_64 : i32
    %mul3A_66 = arith.constant 320000 : i32
    %mul3A_67 = arith.muli %arg0, %mul3A_66 : i32
    %add3A_68 = arith.addi %mul3A_67, %add3A_65 : i32
    "tpu.region"() ({
      %run_scoped3A_109 = tpu.sem_alloc : memref<!tpu.dma_semaphore, #tpu.memory_space<semaphore_mem>>
      %dma_start3A_110 = tpu.memref_slice %arg3[%add3A_68] : memref<640000xi32, #tpu.memory_space<hbm>> -> memref<80xi32, #tpu.memory_space<hbm>>
      %dma_start3A_111 = tpu.memref_slice %arg3[%add3A_68] : memref<640000xi32, #tpu.memory_space<hbm>> -> memref<80xi32, #tpu.memory_space<hbm>>
      tpu.enqueue_dma source(%dma_start3A_111 : memref<80xi32, #tpu.memory_space<hbm>>) target(%arg10 : memref<80xi32, #tpu.memory_space<vmem>>) target_semaphore(%run_scoped3A_109 : memref<!tpu.dma_semaphore, #tpu.memory_space<semaphore_mem>>)
      %dma_wait3A_112 = tpu.memref_slice %arg3[%add3A_68] : memref<640000xi32, #tpu.memory_space<hbm>> -> memref<80xi32, #tpu.memory_space<hbm>>
      %dma_wait3A_113 = tpu.memref_slice %arg3[%add3A_68] : memref<640000xi32, #tpu.memory_space<hbm>> -> memref<80xi32, #tpu.memory_space<hbm>>
      tpu.wait_dma2 semaphore(%run_scoped3A_109 : memref<!tpu.dma_semaphore, #tpu.memory_space<semaphore_mem>>) src(%dma_wait3A_113 : memref<80xi32, #tpu.memory_space<hbm>>) dst(%arg10 : memref<80xi32, #tpu.memory_space<vmem>>)
      tpu.yield
    }) : () -> ()
    "tpu.region"() ({
      %run_scoped3A_109 = tpu.sem_alloc : memref<!tpu.dma_semaphore, #tpu.memory_space<semaphore_mem>>
      %dma_start3A_110 = tpu.memref_slice %arg5[%add3A_65] : memref<320000xi32, #tpu.memory_space<hbm>> -> memref<80xi32, #tpu.memory_space<hbm>>
      %dma_start3A_111 = tpu.memref_slice %arg5[%add3A_65] : memref<320000xi32, #tpu.memory_space<hbm>> -> memref<80xi32, #tpu.memory_space<hbm>>
      tpu.enqueue_dma source(%dma_start3A_111 : memref<80xi32, #tpu.memory_space<hbm>>) target(%arg14 : memref<80xi32, #tpu.memory_space<vmem>>) target_semaphore(%run_scoped3A_109 : memref<!tpu.dma_semaphore, #tpu.memory_space<semaphore_mem>>)
      %dma_wait3A_112 = tpu.memref_slice %arg5[%add3A_65] : memref<320000xi32, #tpu.memory_space<hbm>> -> memref<80xi32, #tpu.memory_space<hbm>>
      %dma_wait3A_113 = tpu.memref_slice %arg5[%add3A_65] : memref<320000xi32, #tpu.memory_space<hbm>> -> memref<80xi32, #tpu.memory_space<hbm>>
      tpu.wait_dma2 semaphore(%run_scoped3A_109 : memref<!tpu.dma_semaphore, #tpu.memory_space<semaphore_mem>>) src(%dma_wait3A_113 : memref<80xi32, #tpu.memory_space<hbm>>) dst(%arg14 : memref<80xi32, #tpu.memory_space<vmem>>)
      tpu.yield
    }) : () -> ()
    %dma_start3A_69 = arith.constant 0 : i32
    %dma_start3A_70 = arith.constant 0 : i32
    %dma_start3A_71 = tpu.memref_slice %arg2[%dma_start3A_69, %dma_start3A_70] : memref<20000x128xf32, #tpu.memory_space<hbm>> -> memref<20000x128xf32, #tpu.memory_space<hbm>>
    tpu.enqueue_indirect_dma source(%dma_start3A_71 : memref<20000x128xf32, #tpu.memory_space<hbm>>) target(%arg18 : memref<80x128xf32, #tpu.memory_space<vmem>>) offsets(%arg10 : memref<80xi32, #tpu.memory_space<vmem>>) semaphore(%arg22 : memref<!tpu.dma_semaphore, #tpu.memory_space<semaphore_mem>>)
    %scan3A_72 = arith.constant 0 : i32
    %scan3A_73 = arith.constant 0 : i32
    %scan3A_74 = arith.constant 62 : i32
    %scan3A_75 = arith.addi %scan3A_73, %scan3A_74 : i32
    %scan3A_76 = arith.constant 1 : i32
    scf.for %scan3A_109 = %scan3A_73 to %scan3A_75 step %scan3A_76  : i32 {
      %mul3A_110 = arith.constant 4 : i32
      %mul3A_111 = arith.muli %mul3A_110, %scan3A_109 : i32
      %dma_wait3A_112 = arith.constant 0 : i32
      %dma_wait3A_113 = arith.constant 0 : i32
      %dma_wait3A_114 = tpu.memref_slice %arg2[%dma_wait3A_112, %dma_wait3A_113] : memref<20000x128xf32, #tpu.memory_space<hbm>> -> memref<20000x128xf32, #tpu.memory_space<hbm>>
      tpu.wait_indirect_dma semaphore(%arg21 : memref<!tpu.dma_semaphore, #tpu.memory_space<semaphore_mem>>) src(%dma_wait3A_114 : memref<20000x128xf32, #tpu.memory_space<hbm>>) dst(%arg17 : memref<80x128xf32, #tpu.memory_space<vmem>>)
      %dma_start3A_115 = arith.constant 0 : i32
      %dma_start3A_116 = arith.constant 0 : i32
      %dma_start3A_117 = tpu.memref_slice %arg8[%dma_start3A_115, %dma_start3A_116] : memref<10112x128xf32, #tpu.memory_space<vmem_shared>> -> memref<10112x128xf32, #tpu.memory_space<vmem_shared>>
      tpu.enqueue_indirect_dma source(%arg17 : memref<80x128xf32, #tpu.memory_space<vmem>>) target(%dma_start3A_117 : memref<10112x128xf32, #tpu.memory_space<vmem_shared>>) offsets(%arg13 : memref<80xi32, #tpu.memory_space<vmem>>) semaphore(%arg25 : memref<!tpu.dma_semaphore, #tpu.memory_space<semaphore_mem>>) {add = true}
      %ge3A = arith.constant 1 : i32
      %ge3A_118 = arith.cmpi sge, %scan3A_109, %ge3A : i32
      %convert_element_type3A = arith.extui %ge3A_118 : i1 to i32
      %cond3A = arith.constant 0 : i32
      %cond3A_119 = arith.cmpi ne, %convert_element_type3A, %cond3A : i32
      scf.if %cond3A_119 {
        %dma_wait3A_201 = arith.constant 0 : i32
        %dma_wait3A_202 = arith.constant 0 : i32
        %dma_wait3A_203 = tpu.memref_slice %arg8[%dma_wait3A_201, %dma_wait3A_202] : memref<10112x128xf32, #tpu.memory_space<vmem_shared>> -> memref<10112x128xf32, #tpu.memory_space<vmem_shared>>
        tpu.wait_indirect_dma semaphore(%arg27 : memref<!tpu.dma_semaphore, #tpu.memory_space<semaphore_mem>>) src(%arg19 : memref<80x128xf32, #tpu.memory_space<vmem>>) dst(%dma_wait3A_203 : memref<10112x128xf32, #tpu.memory_space<vmem_shared>>)
      } else {
      }
      %add3A_120 = arith.constant 0 : i32
      %add3A_121 = arith.addi %mul3A_111, %add3A_120 : i32
      %add3A_122 = arith.constant 2 : i32
      %add3A_123 = arith.addi %add3A_121, %add3A_122 : i32
      %mul3A_124 = arith.constant 80 : i32
      %mul3A_125 = arith.muli %add3A_123, %mul3A_124 : i32
      %add3A_126 = arith.addi %mul3A_55, %mul3A_125 : i32
      %mul3A_127 = arith.constant 320000 : i32
      %mul3A_128 = arith.muli %arg0, %mul3A_127 : i32
      %add3A_129 = arith.addi %mul3A_128, %add3A_126 : i32
      "tpu.region"() ({
        %run_scoped3A_201 = tpu.sem_alloc : memref<!tpu.dma_semaphore, #tpu.memory_space<semaphore_mem>>
        %dma_start3A_202 = tpu.memref_slice %arg3[%add3A_129] : memref<640000xi32, #tpu.memory_space<hbm>> -> memref<80xi32, #tpu.memory_space<hbm>>
        %dma_start3A_203 = tpu.memref_slice %arg3[%add3A_129] : memref<640000xi32, #tpu.memory_space<hbm>> -> memref<80xi32, #tpu.memory_space<hbm>>
        tpu.enqueue_dma source(%dma_start3A_203 : memref<80xi32, #tpu.memory_space<hbm>>) target(%arg11 : memref<80xi32, #tpu.memory_space<vmem>>) target_semaphore(%run_scoped3A_201 : memref<!tpu.dma_semaphore, #tpu.memory_space<semaphore_mem>>)
        %dma_wait3A_204 = tpu.memref_slice %arg3[%add3A_129] : memref<640000xi32, #tpu.memory_space<hbm>> -> memref<80xi32, #tpu.memory_space<hbm>>
        %dma_wait3A_205 = tpu.memref_slice %arg3[%add3A_129] : memref<640000xi32, #tpu.memory_space<hbm>> -> memref<80xi32, #tpu.memory_space<hbm>>
        tpu.wait_dma2 semaphore(%run_scoped3A_201 : memref<!tpu.dma_semaphore, #tpu.memory_space<semaphore_mem>>) src(%dma_wait3A_205 : memref<80xi32, #tpu.memory_space<hbm>>) dst(%arg11 : memref<80xi32, #tpu.memory_space<vmem>>)
        tpu.yield
      }) : () -> ()
      "tpu.region"() ({
        %run_scoped3A_201 = tpu.sem_alloc : memref<!tpu.dma_semaphore, #tpu.memory_space<semaphore_mem>>
        %dma_start3A_202 = tpu.memref_slice %arg5[%add3A_126] : memref<320000xi32, #tpu.memory_space<hbm>> -> memref<80xi32, #tpu.memory_space<hbm>>
        %dma_start3A_203 = tpu.memref_slice %arg5[%add3A_126] : memref<320000xi32, #tpu.memory_space<hbm>> -> memref<80xi32, #tpu.memory_space<hbm>>
        tpu.enqueue_dma source(%dma_start3A_203 : memref<80xi32, #tpu.memory_space<hbm>>) target(%arg15 : memref<80xi32, #tpu.memory_space<vmem>>) target_semaphore(%run_scoped3A_201 : memref<!tpu.dma_semaphore, #tpu.memory_space<semaphore_mem>>)
        %dma_wait3A_204 = tpu.memref_slice %arg5[%add3A_126] : memref<320000xi32, #tpu.memory_space<hbm>> -> memref<80xi32, #tpu.memory_space<hbm>>
        %dma_wait3A_205 = tpu.memref_slice %arg5[%add3A_126] : memref<320000xi32, #tpu.memory_space<hbm>> -> memref<80xi32, #tpu.memory_space<hbm>>
        tpu.wait_dma2 semaphore(%run_scoped3A_201 : memref<!tpu.dma_semaphore, #tpu.memory_space<semaphore_mem>>) src(%dma_wait3A_205 : memref<80xi32, #tpu.memory_space<hbm>>) dst(%arg15 : memref<80xi32, #tpu.memory_space<vmem>>)
        tpu.yield
      }) : () -> ()
      %dma_start3A_130 = arith.constant 0 : i32
      %dma_start3A_131 = arith.constant 0 : i32
      %dma_start3A_132 = tpu.memref_slice %arg2[%dma_start3A_130, %dma_start3A_131] : memref<20000x128xf32, #tpu.memory_space<hbm>> -> memref<20000x128xf32, #tpu.memory_space<hbm>>
      tpu.enqueue_indirect_dma source(%dma_start3A_132 : memref<20000x128xf32, #tpu.memory_space<hbm>>) target(%arg19 : memref<80x128xf32, #tpu.memory_space<vmem>>) offsets(%arg11 : memref<80xi32, #tpu.memory_space<vmem>>) semaphore(%arg23 : memref<!tpu.dma_semaphore, #tpu.memory_space<semaphore_mem>>)
      %dma_wait3A_133 = arith.constant 0 : i32
      %dma_wait3A_134 = arith.constant 0 : i32
      %dma_wait3A_135 = tpu.memref_slice %arg2[%dma_wait3A_133, %dma_wait3A_134] : memref<20000x128xf32, #tpu.memory_space<hbm>> -> memref<20000x128xf32, #tpu.memory_space<hbm>>
      tpu.wait_indirect_dma semaphore(%arg22 : memref<!tpu.dma_semaphore, #tpu.memory_space<semaphore_mem>>) src(%dma_wait3A_135 : memref<20000x128xf32, #tpu.memory_space<hbm>>) dst(%arg18 : memref<80x128xf32, #tpu.memory_space<vmem>>)
      %dma_start3A_136 = arith.constant 0 : i32
      %dma_start3A_137 = arith.constant 0 : i32
      %dma_start3A_138 = tpu.memref_slice %arg8[%dma_start3A_136, %dma_start3A_137] : memref<10112x128xf32, #tpu.memory_space<vmem_shared>> -> memref<10112x128xf32, #tpu.memory_space<vmem_shared>>
      tpu.enqueue_indirect_dma source(%arg18 : memref<80x128xf32, #tpu.memory_space<vmem>>) target(%dma_start3A_138 : memref<10112x128xf32, #tpu.memory_space<vmem_shared>>) offsets(%arg14 : memref<80xi32, #tpu.memory_space<vmem>>) semaphore(%arg26 : memref<!tpu.dma_semaphore, #tpu.memory_space<semaphore_mem>>) {add = true}
      %ge3A_139 = arith.constant 1 : i32
      %ge3A_140 = arith.cmpi sge, %scan3A_109, %ge3A_139 : i32
      %convert_element_type3A_141 = arith.extui %ge3A_140 : i1 to i32
      %cond3A_142 = arith.constant 0 : i32
      %cond3A_143 = arith.cmpi ne, %convert_element_type3A_141, %cond3A_142 : i32
      scf.if %cond3A_143 {
        %dma_wait3A_201 = arith.constant 0 : i32
        %dma_wait3A_202 = arith.constant 0 : i32
        %dma_wait3A_203 = tpu.memref_slice %arg8[%dma_wait3A_201, %dma_wait3A_202] : memref<10112x128xf32, #tpu.memory_space<vmem_shared>> -> memref<10112x128xf32, #tpu.memory_space<vmem_shared>>
        tpu.wait_indirect_dma semaphore(%arg28 : memref<!tpu.dma_semaphore, #tpu.memory_space<semaphore_mem>>) src(%arg20 : memref<80x128xf32, #tpu.memory_space<vmem>>) dst(%dma_wait3A_203 : memref<10112x128xf32, #tpu.memory_space<vmem_shared>>)
      } else {
      }
      %add3A_144 = arith.constant 1 : i32
      %add3A_145 = arith.addi %mul3A_111, %add3A_144 : i32
      %add3A_146 = arith.constant 2 : i32
      %add3A_147 = arith.addi %add3A_145, %add3A_146 : i32
      %mul3A_148 = arith.constant 80 : i32
      %mul3A_149 = arith.muli %add3A_147, %mul3A_148 : i32
      %add3A_150 = arith.addi %mul3A_55, %mul3A_149 : i32
      %mul3A_151 = arith.constant 320000 : i32
      %mul3A_152 = arith.muli %arg0, %mul3A_151 : i32
      %add3A_153 = arith.addi %mul3A_152, %add3A_150 : i32
      "tpu.region"() ({
        %run_scoped3A_201 = tpu.sem_alloc : memref<!tpu.dma_semaphore, #tpu.memory_space<semaphore_mem>>
        %dma_start3A_202 = tpu.memref_slice %arg3[%add3A_153] : memref<640000xi32, #tpu.memory_space<hbm>> -> memref<80xi32, #tpu.memory_space<hbm>>
        %dma_start3A_203 = tpu.memref_slice %arg3[%add3A_153] : memref<640000xi32, #tpu.memory_space<hbm>> -> memref<80xi32, #tpu.memory_space<hbm>>
        tpu.enqueue_dma source(%dma_start3A_203 : memref<80xi32, #tpu.memory_space<hbm>>) target(%arg12 : memref<80xi32, #tpu.memory_space<vmem>>) target_semaphore(%run_scoped3A_201 : memref<!tpu.dma_semaphore, #tpu.memory_space<semaphore_mem>>)
        %dma_wait3A_204 = tpu.memref_slice %arg3[%add3A_153] : memref<640000xi32, #tpu.memory_space<hbm>> -> memref<80xi32, #tpu.memory_space<hbm>>
        %dma_wait3A_205 = tpu.memref_slice %arg3[%add3A_153] : memref<640000xi32, #tpu.memory_space<hbm>> -> memref<80xi32, #tpu.memory_space<hbm>>
        tpu.wait_dma2 semaphore(%run_scoped3A_201 : memref<!tpu.dma_semaphore, #tpu.memory_space<semaphore_mem>>) src(%dma_wait3A_205 : memref<80xi32, #tpu.memory_space<hbm>>) dst(%arg12 : memref<80xi32, #tpu.memory_space<vmem>>)
        tpu.yield
      }) : () -> ()
      "tpu.region"() ({
        %run_scoped3A_201 = tpu.sem_alloc : memref<!tpu.dma_semaphore, #tpu.memory_space<semaphore_mem>>
        %dma_start3A_202 = tpu.memref_slice %arg5[%add3A_150] : memref<320000xi32, #tpu.memory_space<hbm>> -> memref<80xi32, #tpu.memory_space<hbm>>
        %dma_start3A_203 = tpu.memref_slice %arg5[%add3A_150] : memref<320000xi32, #tpu.memory_space<hbm>> -> memref<80xi32, #tpu.memory_space<hbm>>
        tpu.enqueue_dma source(%dma_start3A_203 : memref<80xi32, #tpu.memory_space<hbm>>) target(%arg16 : memref<80xi32, #tpu.memory_space<vmem>>) target_semaphore(%run_scoped3A_201 : memref<!tpu.dma_semaphore, #tpu.memory_space<semaphore_mem>>)
        %dma_wait3A_204 = tpu.memref_slice %arg5[%add3A_150] : memref<320000xi32, #tpu.memory_space<hbm>> -> memref<80xi32, #tpu.memory_space<hbm>>
        %dma_wait3A_205 = tpu.memref_slice %arg5[%add3A_150] : memref<320000xi32, #tpu.memory_space<hbm>> -> memref<80xi32, #tpu.memory_space<hbm>>
        tpu.wait_dma2 semaphore(%run_scoped3A_201 : memref<!tpu.dma_semaphore, #tpu.memory_space<semaphore_mem>>) src(%dma_wait3A_205 : memref<80xi32, #tpu.memory_space<hbm>>) dst(%arg16 : memref<80xi32, #tpu.memory_space<vmem>>)
        tpu.yield
      }) : () -> ()
      %dma_start3A_154 = arith.constant 0 : i32
      %dma_start3A_155 = arith.constant 0 : i32
      %dma_start3A_156 = tpu.memref_slice %arg2[%dma_start3A_154, %dma_start3A_155] : memref<20000x128xf32, #tpu.memory_space<hbm>> -> memref<20000x128xf32, #tpu.memory_space<hbm>>
      tpu.enqueue_indirect_dma source(%dma_start3A_156 : memref<20000x128xf32, #tpu.memory_space<hbm>>) target(%arg20 : memref<80x128xf32, #tpu.memory_space<vmem>>) offsets(%arg12 : memref<80xi32, #tpu.memory_space<vmem>>) semaphore(%arg24 : memref<!tpu.dma_semaphore, #tpu.memory_space<semaphore_mem>>)
      %dma_wait3A_157 = arith.constant 0 : i32
      %dma_wait3A_158 = arith.constant 0 : i32
      %dma_wait3A_159 = tpu.memref_slice %arg2[%dma_wait3A_157, %dma_wait3A_158] : memref<20000x128xf32, #tpu.memory_space<hbm>> -> memref<20000x128xf32, #tpu.memory_space<hbm>>
      tpu.wait_indirect_dma semaphore(%arg23 : memref<!tpu.dma_semaphore, #tpu.memory_space<semaphore_mem>>) src(%dma_wait3A_159 : memref<20000x128xf32, #tpu.memory_space<hbm>>) dst(%arg19 : memref<80x128xf32, #tpu.memory_space<vmem>>)
      %dma_start3A_160 = arith.constant 0 : i32
      %dma_start3A_161 = arith.constant 0 : i32
      %dma_start3A_162 = tpu.memref_slice %arg8[%dma_start3A_160, %dma_start3A_161] : memref<10112x128xf32, #tpu.memory_space<vmem_shared>> -> memref<10112x128xf32, #tpu.memory_space<vmem_shared>>
      tpu.enqueue_indirect_dma source(%arg19 : memref<80x128xf32, #tpu.memory_space<vmem>>) target(%dma_start3A_162 : memref<10112x128xf32, #tpu.memory_space<vmem_shared>>) offsets(%arg15 : memref<80xi32, #tpu.memory_space<vmem>>) semaphore(%arg27 : memref<!tpu.dma_semaphore, #tpu.memory_space<semaphore_mem>>) {add = true}
      %dma_wait3A_163 = arith.constant 0 : i32
      %dma_wait3A_164 = arith.constant 0 : i32
      %dma_wait3A_165 = tpu.memref_slice %arg8[%dma_wait3A_163, %dma_wait3A_164] : memref<10112x128xf32, #tpu.memory_space<vmem_shared>> -> memref<10112x128xf32, #tpu.memory_space<vmem_shared>>
      tpu.wait_indirect_dma semaphore(%arg25 : memref<!tpu.dma_semaphore, #tpu.memory_space<semaphore_mem>>) src(%arg17 : memref<80x128xf32, #tpu.memory_space<vmem>>) dst(%dma_wait3A_165 : memref<10112x128xf32, #tpu.memory_space<vmem_shared>>)
      %add3A_166 = arith.constant 2 : i32
      %add3A_167 = arith.addi %mul3A_111, %add3A_166 : i32
      %add3A_168 = arith.constant 2 : i32
      %add3A_169 = arith.addi %add3A_167, %add3A_168 : i32
      %mul3A_170 = arith.constant 80 : i32
      %mul3A_171 = arith.muli %add3A_169, %mul3A_170 : i32
      %add3A_172 = arith.addi %mul3A_55, %mul3A_171 : i32
      %mul3A_173 = arith.constant 320000 : i32
      %mul3A_174 = arith.muli %arg0, %mul3A_173 : i32
      %add3A_175 = arith.addi %mul3A_174, %add3A_172 : i32
      "tpu.region"() ({
        %run_scoped3A_201 = tpu.sem_alloc : memref<!tpu.dma_semaphore, #tpu.memory_space<semaphore_mem>>
        %dma_start3A_202 = tpu.memref_slice %arg3[%add3A_175] : memref<640000xi32, #tpu.memory_space<hbm>> -> memref<80xi32, #tpu.memory_space<hbm>>
        %dma_start3A_203 = tpu.memref_slice %arg3[%add3A_175] : memref<640000xi32, #tpu.memory_space<hbm>> -> memref<80xi32, #tpu.memory_space<hbm>>
        tpu.enqueue_dma source(%dma_start3A_203 : memref<80xi32, #tpu.memory_space<hbm>>) target(%arg9 : memref<80xi32, #tpu.memory_space<vmem>>) target_semaphore(%run_scoped3A_201 : memref<!tpu.dma_semaphore, #tpu.memory_space<semaphore_mem>>)
        %dma_wait3A_204 = tpu.memref_slice %arg3[%add3A_175] : memref<640000xi32, #tpu.memory_space<hbm>> -> memref<80xi32, #tpu.memory_space<hbm>>
        %dma_wait3A_205 = tpu.memref_slice %arg3[%add3A_175] : memref<640000xi32, #tpu.memory_space<hbm>> -> memref<80xi32, #tpu.memory_space<hbm>>
        tpu.wait_dma2 semaphore(%run_scoped3A_201 : memref<!tpu.dma_semaphore, #tpu.memory_space<semaphore_mem>>) src(%dma_wait3A_205 : memref<80xi32, #tpu.memory_space<hbm>>) dst(%arg9 : memref<80xi32, #tpu.memory_space<vmem>>)
        tpu.yield
      }) : () -> ()
      "tpu.region"() ({
        %run_scoped3A_201 = tpu.sem_alloc : memref<!tpu.dma_semaphore, #tpu.memory_space<semaphore_mem>>
        %dma_start3A_202 = tpu.memref_slice %arg5[%add3A_172] : memref<320000xi32, #tpu.memory_space<hbm>> -> memref<80xi32, #tpu.memory_space<hbm>>
        %dma_start3A_203 = tpu.memref_slice %arg5[%add3A_172] : memref<320000xi32, #tpu.memory_space<hbm>> -> memref<80xi32, #tpu.memory_space<hbm>>
        tpu.enqueue_dma source(%dma_start3A_203 : memref<80xi32, #tpu.memory_space<hbm>>) target(%arg13 : memref<80xi32, #tpu.memory_space<vmem>>) target_semaphore(%run_scoped3A_201 : memref<!tpu.dma_semaphore, #tpu.memory_space<semaphore_mem>>)
        %dma_wait3A_204 = tpu.memref_slice %arg5[%add3A_172] : memref<320000xi32, #tpu.memory_space<hbm>> -> memref<80xi32, #tpu.memory_space<hbm>>
        %dma_wait3A_205 = tpu.memref_slice %arg5[%add3A_172] : memref<320000xi32, #tpu.memory_space<hbm>> -> memref<80xi32, #tpu.memory_space<hbm>>
        tpu.wait_dma2 semaphore(%run_scoped3A_201 : memref<!tpu.dma_semaphore, #tpu.memory_space<semaphore_mem>>) src(%dma_wait3A_205 : memref<80xi32, #tpu.memory_space<hbm>>) dst(%arg13 : memref<80xi32, #tpu.memory_space<vmem>>)
        tpu.yield
      }) : () -> ()
      %dma_start3A_176 = arith.constant 0 : i32
      %dma_start3A_177 = arith.constant 0 : i32
      %dma_start3A_178 = tpu.memref_slice %arg2[%dma_start3A_176, %dma_start3A_177] : memref<20000x128xf32, #tpu.memory_space<hbm>> -> memref<20000x128xf32, #tpu.memory_space<hbm>>
      tpu.enqueue_indirect_dma source(%dma_start3A_178 : memref<20000x128xf32, #tpu.memory_space<hbm>>) target(%arg17 : memref<80x128xf32, #tpu.memory_space<vmem>>) offsets(%arg9 : memref<80xi32, #tpu.memory_space<vmem>>) semaphore(%arg21 : memref<!tpu.dma_semaphore, #tpu.memory_space<semaphore_mem>>)
      %dma_wait3A_179 = arith.constant 0 : i32
      %dma_wait3A_180 = arith.constant 0 : i32
      %dma_wait3A_181 = tpu.memref_slice %arg2[%dma_wait3A_179, %dma_wait3A_180] : memref<20000x128xf32, #tpu.memory_space<hbm>> -> memref<20000x128xf32, #tpu.memory_space<hbm>>
      tpu.wait_indirect_dma semaphore(%arg24 : memref<!tpu.dma_semaphore, #tpu.memory_space<semaphore_mem>>) src(%dma_wait3A_181 : memref<20000x128xf32, #tpu.memory_space<hbm>>) dst(%arg20 : memref<80x128xf32, #tpu.memory_space<vmem>>)
      %dma_start3A_182 = arith.constant 0 : i32
      %dma_start3A_183 = arith.constant 0 : i32
      %dma_start3A_184 = tpu.memref_slice %arg8[%dma_start3A_182, %dma_start3A_183] : memref<10112x128xf32, #tpu.memory_space<vmem_shared>> -> memref<10112x128xf32, #tpu.memory_space<vmem_shared>>
      tpu.enqueue_indirect_dma source(%arg20 : memref<80x128xf32, #tpu.memory_space<vmem>>) target(%dma_start3A_184 : memref<10112x128xf32, #tpu.memory_space<vmem_shared>>) offsets(%arg16 : memref<80xi32, #tpu.memory_space<vmem>>) semaphore(%arg28 : memref<!tpu.dma_semaphore, #tpu.memory_space<semaphore_mem>>) {add = true}
      %dma_wait3A_185 = arith.constant 0 : i32
      %dma_wait3A_186 = arith.constant 0 : i32
      %dma_wait3A_187 = tpu.memref_slice %arg8[%dma_wait3A_185, %dma_wait3A_186] : memref<10112x128xf32, #tpu.memory_space<vmem_shared>> -> memref<10112x128xf32, #tpu.memory_space<vmem_shared>>
      tpu.wait_indirect_dma semaphore(%arg26 : memref<!tpu.dma_semaphore, #tpu.memory_space<semaphore_mem>>) src(%arg18 : memref<80x128xf32, #tpu.memory_space<vmem>>) dst(%dma_wait3A_187 : memref<10112x128xf32, #tpu.memory_space<vmem_shared>>)
      %add3A_188 = arith.constant 3 : i32
      %add3A_189 = arith.addi %mul3A_111, %add3A_188 : i32
      %add3A_190 = arith.constant 2 : i32
      %add3A_191 = arith.addi %add3A_189, %add3A_190 : i32
      %mul3A_192 = arith.constant 80 : i32
      %mul3A_193 = arith.muli %add3A_191, %mul3A_192 : i32
      %add3A_194 = arith.addi %mul3A_55, %mul3A_193 : i32
      %mul3A_195 = arith.constant 320000 : i32
      %mul3A_196 = arith.muli %arg0, %mul3A_195 : i32
      %add3A_197 = arith.addi %mul3A_196, %add3A_194 : i32
      "tpu.region"() ({
        %run_scoped3A_201 = tpu.sem_alloc : memref<!tpu.dma_semaphore, #tpu.memory_space<semaphore_mem>>
        %dma_start3A_202 = tpu.memref_slice %arg3[%add3A_197] : memref<640000xi32, #tpu.memory_space<hbm>> -> memref<80xi32, #tpu.memory_space<hbm>>
        %dma_start3A_203 = tpu.memref_slice %arg3[%add3A_197] : memref<640000xi32, #tpu.memory_space<hbm>> -> memref<80xi32, #tpu.memory_space<hbm>>
        tpu.enqueue_dma source(%dma_start3A_203 : memref<80xi32, #tpu.memory_space<hbm>>) target(%arg10 : memref<80xi32, #tpu.memory_space<vmem>>) target_semaphore(%run_scoped3A_201 : memref<!tpu.dma_semaphore, #tpu.memory_space<semaphore_mem>>)
        %dma_wait3A_204 = tpu.memref_slice %arg3[%add3A_197] : memref<640000xi32, #tpu.memory_space<hbm>> -> memref<80xi32, #tpu.memory_space<hbm>>
        %dma_wait3A_205 = tpu.memref_slice %arg3[%add3A_197] : memref<640000xi32, #tpu.memory_space<hbm>> -> memref<80xi32, #tpu.memory_space<hbm>>
        tpu.wait_dma2 semaphore(%run_scoped3A_201 : memref<!tpu.dma_semaphore, #tpu.memory_space<semaphore_mem>>) src(%dma_wait3A_205 : memref<80xi32, #tpu.memory_space<hbm>>) dst(%arg10 : memref<80xi32, #tpu.memory_space<vmem>>)
        tpu.yield
      }) : () -> ()
      "tpu.region"() ({
        %run_scoped3A_201 = tpu.sem_alloc : memref<!tpu.dma_semaphore, #tpu.memory_space<semaphore_mem>>
        %dma_start3A_202 = tpu.memref_slice %arg5[%add3A_194] : memref<320000xi32, #tpu.memory_space<hbm>> -> memref<80xi32, #tpu.memory_space<hbm>>
        %dma_start3A_203 = tpu.memref_slice %arg5[%add3A_194] : memref<320000xi32, #tpu.memory_space<hbm>> -> memref<80xi32, #tpu.memory_space<hbm>>
        tpu.enqueue_dma source(%dma_start3A_203 : memref<80xi32, #tpu.memory_space<hbm>>) target(%arg14 : memref<80xi32, #tpu.memory_space<vmem>>) target_semaphore(%run_scoped3A_201 : memref<!tpu.dma_semaphore, #tpu.memory_space<semaphore_mem>>)
        %dma_wait3A_204 = tpu.memref_slice %arg5[%add3A_194] : memref<320000xi32, #tpu.memory_space<hbm>> -> memref<80xi32, #tpu.memory_space<hbm>>
        %dma_wait3A_205 = tpu.memref_slice %arg5[%add3A_194] : memref<320000xi32, #tpu.memory_space<hbm>> -> memref<80xi32, #tpu.memory_space<hbm>>
        tpu.wait_dma2 semaphore(%run_scoped3A_201 : memref<!tpu.dma_semaphore, #tpu.memory_space<semaphore_mem>>) src(%dma_wait3A_205 : memref<80xi32, #tpu.memory_space<hbm>>) dst(%arg14 : memref<80xi32, #tpu.memory_space<vmem>>)
        tpu.yield
      }) : () -> ()
      %dma_start3A_198 = arith.constant 0 : i32
      %dma_start3A_199 = arith.constant 0 : i32
      %dma_start3A_200 = tpu.memref_slice %arg2[%dma_start3A_198, %dma_start3A_199] : memref<20000x128xf32, #tpu.memory_space<hbm>> -> memref<20000x128xf32, #tpu.memory_space<hbm>>
      tpu.enqueue_indirect_dma source(%dma_start3A_200 : memref<20000x128xf32, #tpu.memory_space<hbm>>) target(%arg18 : memref<80x128xf32, #tpu.memory_space<vmem>>) offsets(%arg10 : memref<80xi32, #tpu.memory_space<vmem>>) semaphore(%arg22 : memref<!tpu.dma_semaphore, #tpu.memory_space<semaphore_mem>>)
    }
    %scan3A_77 = arith.constant 62 : i32
    %dma_wait3A_78 = arith.constant 0 : i32
    %dma_wait3A_79 = arith.constant 0 : i32
    %dma_wait3A_80 = tpu.memref_slice %arg2[%dma_wait3A_78, %dma_wait3A_79] : memref<20000x128xf32, #tpu.memory_space<hbm>> -> memref<20000x128xf32, #tpu.memory_space<hbm>>
    tpu.wait_indirect_dma semaphore(%arg21 : memref<!tpu.dma_semaphore, #tpu.memory_space<semaphore_mem>>) src(%dma_wait3A_80 : memref<20000x128xf32, #tpu.memory_space<hbm>>) dst(%arg17 : memref<80x128xf32, #tpu.memory_space<vmem>>)
    %dma_start3A_81 = arith.constant 0 : i32
    %dma_start3A_82 = arith.constant 0 : i32
    %dma_start3A_83 = tpu.memref_slice %arg8[%dma_start3A_81, %dma_start3A_82] : memref<10112x128xf32, #tpu.memory_space<vmem_shared>> -> memref<10112x128xf32, #tpu.memory_space<vmem_shared>>
    tpu.enqueue_indirect_dma source(%arg17 : memref<80x128xf32, #tpu.memory_space<vmem>>) target(%dma_start3A_83 : memref<10112x128xf32, #tpu.memory_space<vmem_shared>>) offsets(%arg13 : memref<80xi32, #tpu.memory_space<vmem>>) semaphore(%arg25 : memref<!tpu.dma_semaphore, #tpu.memory_space<semaphore_mem>>) {add = true}
    %dma_wait3A_84 = arith.constant 0 : i32
    %dma_wait3A_85 = arith.constant 0 : i32
    %dma_wait3A_86 = tpu.memref_slice %arg2[%dma_wait3A_84, %dma_wait3A_85] : memref<20000x128xf32, #tpu.memory_space<hbm>> -> memref<20000x128xf32, #tpu.memory_space<hbm>>
    tpu.wait_indirect_dma semaphore(%arg22 : memref<!tpu.dma_semaphore, #tpu.memory_space<semaphore_mem>>) src(%dma_wait3A_86 : memref<20000x128xf32, #tpu.memory_space<hbm>>) dst(%arg18 : memref<80x128xf32, #tpu.memory_space<vmem>>)
    %dma_start3A_87 = arith.constant 0 : i32
    %dma_start3A_88 = arith.constant 0 : i32
    %dma_start3A_89 = tpu.memref_slice %arg8[%dma_start3A_87, %dma_start3A_88] : memref<10112x128xf32, #tpu.memory_space<vmem_shared>> -> memref<10112x128xf32, #tpu.memory_space<vmem_shared>>
    tpu.enqueue_indirect_dma source(%arg18 : memref<80x128xf32, #tpu.memory_space<vmem>>) target(%dma_start3A_89 : memref<10112x128xf32, #tpu.memory_space<vmem_shared>>) offsets(%arg14 : memref<80xi32, #tpu.memory_space<vmem>>) semaphore(%arg26 : memref<!tpu.dma_semaphore, #tpu.memory_space<semaphore_mem>>) {add = true}
    %dma_wait3A_90 = arith.constant 0 : i32
    %dma_wait3A_91 = arith.constant 0 : i32
    %dma_wait3A_92 = tpu.memref_slice %arg8[%dma_wait3A_90, %dma_wait3A_91] : memref<10112x128xf32, #tpu.memory_space<vmem_shared>> -> memref<10112x128xf32, #tpu.memory_space<vmem_shared>>
    tpu.wait_indirect_dma semaphore(%arg25 : memref<!tpu.dma_semaphore, #tpu.memory_space<semaphore_mem>>) src(%arg17 : memref<80x128xf32, #tpu.memory_space<vmem>>) dst(%dma_wait3A_92 : memref<10112x128xf32, #tpu.memory_space<vmem_shared>>)
    %dma_wait3A_93 = arith.constant 0 : i32
    %dma_wait3A_94 = arith.constant 0 : i32
    %dma_wait3A_95 = tpu.memref_slice %arg8[%dma_wait3A_93, %dma_wait3A_94] : memref<10112x128xf32, #tpu.memory_space<vmem_shared>> -> memref<10112x128xf32, #tpu.memory_space<vmem_shared>>
    tpu.wait_indirect_dma semaphore(%arg26 : memref<!tpu.dma_semaphore, #tpu.memory_space<semaphore_mem>>) src(%arg18 : memref<80x128xf32, #tpu.memory_space<vmem>>) dst(%dma_wait3A_95 : memref<10112x128xf32, #tpu.memory_space<vmem_shared>>)
    %dma_wait3A_96 = arith.constant 0 : i32
    %dma_wait3A_97 = arith.constant 0 : i32
    %dma_wait3A_98 = tpu.memref_slice %arg8[%dma_wait3A_96, %dma_wait3A_97] : memref<10112x128xf32, #tpu.memory_space<vmem_shared>> -> memref<10112x128xf32, #tpu.memory_space<vmem_shared>>
    tpu.wait_indirect_dma semaphore(%arg27 : memref<!tpu.dma_semaphore, #tpu.memory_space<semaphore_mem>>) src(%arg19 : memref<80x128xf32, #tpu.memory_space<vmem>>) dst(%dma_wait3A_98 : memref<10112x128xf32, #tpu.memory_space<vmem_shared>>)
    %dma_wait3A_99 = arith.constant 0 : i32
    %dma_wait3A_100 = arith.constant 0 : i32
    %dma_wait3A_101 = tpu.memref_slice %arg8[%dma_wait3A_99, %dma_wait3A_100] : memref<10112x128xf32, #tpu.memory_space<vmem_shared>> -> memref<10112x128xf32, #tpu.memory_space<vmem_shared>>
    tpu.wait_indirect_dma semaphore(%arg28 : memref<!tpu.dma_semaphore, #tpu.memory_space<semaphore_mem>>) src(%arg20 : memref<80x128xf32, #tpu.memory_space<vmem>>) dst(%dma_wait3A_101 : memref<10112x128xf32, #tpu.memory_space<vmem_shared>>)
    %barrier3A_102 = arith.constant 0 : index
    tpu.barrier barrier_id(%barrier3A_102)
    %mul3A_103 = arith.constant 632 : i32
    %mul3A_104 = arith.muli %arg1, %mul3A_103 : i32
    %mul3A_105 = arith.constant 632 : i32
    %mul3A_106 = arith.muli %arg1, %mul3A_105 : i32
    %run_scoped3A_107 = arith.constant 1 : i32
    "tpu.region"() ({
      %run_scoped3A_109 = tpu.sem_alloc : memref<!tpu.dma_semaphore, #tpu.memory_space<semaphore_mem>>
      %dma_start3A_110 = arith.constant 0 : i32
      %dma_start3A_111 = tpu.memref_slice %arg7[%arg0, %run_scoped3A_107, %mul3A_106, %dma_start3A_110] : memref<2x2x10112x128xf32, #tpu.memory_space<hbm>> -> memref<1x1x632x128xf32, #tpu.memory_space<hbm>>
      %dma_start3A_112 = tpu.memref_squeeze %dma_start3A_111 : memref<1x1x632x128xf32, #tpu.memory_space<hbm>> -> memref<632x128xf32, #tpu.memory_space<hbm>>
      %dma_start3A_113 = arith.constant 0 : i32
      %dma_start3A_114 = tpu.memref_slice %arg8[%mul3A_104, %dma_start3A_113] : memref<10112x128xf32, #tpu.memory_space<vmem_shared>> -> memref<632x128xf32, #tpu.memory_space<vmem_shared>>
      tpu.enqueue_dma source(%dma_start3A_114 : memref<632x128xf32, #tpu.memory_space<vmem_shared>>) target(%dma_start3A_112 : memref<632x128xf32, #tpu.memory_space<hbm>>) target_semaphore(%run_scoped3A_109 : memref<!tpu.dma_semaphore, #tpu.memory_space<semaphore_mem>>)
      %dma_wait3A_115 = arith.constant 0 : i32
      %dma_wait3A_116 = tpu.memref_slice %arg7[%arg0, %run_scoped3A_107, %mul3A_106, %dma_wait3A_115] : memref<2x2x10112x128xf32, #tpu.memory_space<hbm>> -> memref<1x1x632x128xf32, #tpu.memory_space<hbm>>
      %dma_wait3A_117 = tpu.memref_squeeze %dma_wait3A_116 : memref<1x1x632x128xf32, #tpu.memory_space<hbm>> -> memref<632x128xf32, #tpu.memory_space<hbm>>
      %dma_wait3A_118 = arith.constant 0 : i32
      %dma_wait3A_119 = tpu.memref_slice %arg8[%mul3A_104, %dma_wait3A_118] : memref<10112x128xf32, #tpu.memory_space<vmem_shared>> -> memref<632x128xf32, #tpu.memory_space<vmem_shared>>
      tpu.wait_dma2 semaphore(%run_scoped3A_109 : memref<!tpu.dma_semaphore, #tpu.memory_space<semaphore_mem>>) src(%dma_wait3A_119 : memref<632x128xf32, #tpu.memory_space<vmem_shared>>) dst(%dma_wait3A_117 : memref<632x128xf32, #tpu.memory_space<hbm>>)
      tpu.yield
    }) : () -> ()
    %barrier3A_108 = arith.constant 0 : index
    tpu.barrier barrier_id(%barrier3A_108)
    return
  }
}

#map = affine_map<(d0, d1) -> (0, 0)>
#map1 = affine_map<(d0, d1) -> (0)>
#map2 = affine_map<(d0, d1) -> (0, 0, 0, 0)>
module attributes {stable_mosaic.version = 14 : i64} {
  func.func @_seg_body(%arg0: i32, %arg1: i32, %arg2: memref<20000x128xf32, #tpu.memory_space<hbm>>, %arg3: memref<640000xi32, #tpu.memory_space<hbm>>, %arg4: memref<320000xi32, #tpu.memory_space<hbm>>, %arg5: memref<320000xi32, #tpu.memory_space<hbm>>, %arg6: memref<632x128xf32, #tpu.memory_space<hbm>>, %arg7: memref<2x2x10112x128xf32, #tpu.memory_space<hbm>>, %arg8: memref<10112x128xf32, #tpu.memory_space<vmem_shared>>, %arg9: memref<80xi32, #tpu.memory_space<vmem>>, %arg10: memref<80xi32, #tpu.memory_space<vmem>>, %arg11: memref<80xi32, #tpu.memory_space<vmem>>, %arg12: memref<80xi32, #tpu.memory_space<vmem>>, %arg13: memref<80xi32, #tpu.memory_space<vmem>>, %arg14: memref<80xi32, #tpu.memory_space<vmem>>, %arg15: memref<80xi32, #tpu.memory_space<vmem>>, %arg16: memref<80xi32, #tpu.memory_space<vmem>>, %arg17: memref<80x128xf32, #tpu.memory_space<vmem>>, %arg18: memref<80x128xf32, #tpu.memory_space<vmem>>, %arg19: memref<80x128xf32, #tpu.memory_space<vmem>>, %arg20: memref<80x128xf32, #tpu.memory_space<vmem>>, %arg21: memref<!tpu.dma_semaphore, #tpu.memory_space<semaphore_mem>>, %arg22: memref<!tpu.dma_semaphore, #tpu.memory_space<semaphore_mem>>, %arg23: memref<!tpu.dma_semaphore, #tpu.memory_space<semaphore_mem>>, %arg24: memref<!tpu.dma_semaphore, #tpu.memory_space<semaphore_mem>>, %arg25: memref<!tpu.dma_semaphore, #tpu.memory_space<semaphore_mem>>, %arg26: memref<!tpu.dma_semaphore, #tpu.memory_space<semaphore_mem>>, %arg27: memref<!tpu.dma_semaphore, #tpu.memory_space<semaphore_mem>>, %arg28: memref<!tpu.dma_semaphore, #tpu.memory_space<semaphore_mem>>) attributes {dimension_semantics = [#tpu.dimension_semantics<core_parallel>, #tpu.dimension_semantics<subcore_parallel>], iteration_bounds = array<i64: 2, 16>, scalar_prefetch = 0 : i64, scratch_operands = 21 : i64, tpu.core_type = #tpu.core_type<sc_vector_subcore>, window_params = [{transform_indices = #map}, {transform_indices = #map1}, {transform_indices = #map1}, {transform_indices = #map1}, {transform_indices = #map}, {transform_indices = #map2}]} {
    %mul3A = arith.constant 632 : i32
    %mul3A_0 = arith.muli %arg1, %mul3A : i32
    "tpu.region"() ({
      %run_scoped3A_109 = tpu.sem_alloc : memref<!tpu.dma_semaphore, #tpu.memory_space<semaphore_mem>>
      %dma_start3A_110 = arith.constant 0 : i32
      %dma_start3A_111 = tpu.memref_slice %arg8[%mul3A_0, %dma_start3A_110] : memref<10112x128xf32, #tpu.memory_space<vmem_shared>> -> memref<632x128xf32, #tpu.memory_space<vmem_shared>>
      tpu.enqueue_dma source(%arg6 : memref<632x128xf32, #tpu.memory_space<hbm>>) target(%dma_start3A_111 : memref<632x128xf32, #tpu.memory_space<vmem_shared>>) target_semaphore(%run_scoped3A_109 : memref<!tpu.dma_semaphore, #tpu.memory_space<semaphore_mem>>)
      %dma_wait3A_112 = arith.constant 0 : i32
      %dma_wait3A_113 = tpu.memref_slice %arg8[%mul3A_0, %dma_wait3A_112] : memref<10112x128xf32, #tpu.memory_space<vmem_shared>> -> memref<632x128xf32, #tpu.memory_space<vmem_shared>>
      tpu.wait_dma2 semaphore(%run_scoped3A_109 : memref<!tpu.dma_semaphore, #tpu.memory_space<semaphore_mem>>) src(%arg6 : memref<632x128xf32, #tpu.memory_space<hbm>>) dst(%dma_wait3A_113 : memref<632x128xf32, #tpu.memory_space<vmem_shared>>)
      tpu.yield
    }) : () -> ()
    %barrier3A = arith.constant 0 : index
    tpu.barrier barrier_id(%barrier3A)
    %mul3A_1 = arith.constant 20000 : i32
    %mul3A_2 = arith.muli %arg1, %mul3A_1 : i32
    %add3A = arith.constant 0 : i32
    %add3A_3 = arith.addi %mul3A_2, %add3A : i32
    %mul3A_4 = arith.constant 320000 : i32
    %mul3A_5 = arith.muli %arg0, %mul3A_4 : i32
    %add3A_6 = arith.addi %mul3A_5, %add3A_3 : i32
    "tpu.region"() ({
      %run_scoped3A_109 = tpu.sem_alloc : memref<!tpu.dma_semaphore, #tpu.memory_space<semaphore_mem>>
      %dma_start3A_110 = tpu.memref_slice %arg3[%add3A_6] : memref<640000xi32, #tpu.memory_space<hbm>> -> memref<80xi32, #tpu.memory_space<hbm>>
      %dma_start3A_111 = tpu.memref_slice %arg3[%add3A_6] : memref<640000xi32, #tpu.memory_space<hbm>> -> memref<80xi32, #tpu.memory_space<hbm>>
      tpu.enqueue_dma source(%dma_start3A_111 : memref<80xi32, #tpu.memory_space<hbm>>) target(%arg9 : memref<80xi32, #tpu.memory_space<vmem>>) target_semaphore(%run_scoped3A_109 : memref<!tpu.dma_semaphore, #tpu.memory_space<semaphore_mem>>)
      %dma_wait3A_112 = tpu.memref_slice %arg3[%add3A_6] : memref<640000xi32, #tpu.memory_space<hbm>> -> memref<80xi32, #tpu.memory_space<hbm>>
      %dma_wait3A_113 = tpu.memref_slice %arg3[%add3A_6] : memref<640000xi32, #tpu.memory_space<hbm>> -> memref<80xi32, #tpu.memory_space<hbm>>
      tpu.wait_dma2 semaphore(%run_scoped3A_109 : memref<!tpu.dma_semaphore, #tpu.memory_space<semaphore_mem>>) src(%dma_wait3A_113 : memref<80xi32, #tpu.memory_space<hbm>>) dst(%arg9 : memref<80xi32, #tpu.memory_space<vmem>>)
      tpu.yield
    }) : () -> ()
    "tpu.region"() ({
      %run_scoped3A_109 = tpu.sem_alloc : memref<!tpu.dma_semaphore, #tpu.memory_space<semaphore_mem>>
      %dma_start3A_110 = tpu.memref_slice %arg4[%add3A_3] : memref<320000xi32, #tpu.memory_space<hbm>> -> memref<80xi32, #tpu.memory_space<hbm>>
      %dma_start3A_111 = tpu.memref_slice %arg4[%add3A_3] : memref<320000xi32, #tpu.memory_space<hbm>> -> memref<80xi32, #tpu.memory_space<hbm>>
      tpu.enqueue_dma source(%dma_start3A_111 : memref<80xi32, #tpu.memory_space<hbm>>) target(%arg13 : memref<80xi32, #tpu.memory_space<vmem>>) target_semaphore(%run_scoped3A_109 : memref<!tpu.dma_semaphore, #tpu.memory_space<semaphore_mem>>)
      %dma_wait3A_112 = tpu.memref_slice %arg4[%add3A_3] : memref<320000xi32, #tpu.memory_space<hbm>> -> memref<80xi32, #tpu.memory_space<hbm>>
      %dma_wait3A_113 = tpu.memref_slice %arg4[%add3A_3] : memref<320000xi32, #tpu.memory_space<hbm>> -> memref<80xi32, #tpu.memory_space<hbm>>
      tpu.wait_dma2 semaphore(%run_scoped3A_109 : memref<!tpu.dma_semaphore, #tpu.memory_space<semaphore_mem>>) src(%dma_wait3A_113 : memref<80xi32, #tpu.memory_space<hbm>>) dst(%arg13 : memref<80xi32, #tpu.memory_space<vmem>>)
      tpu.yield
    }) : () -> ()
    %dma_start3A = arith.constant 0 : i32
    %dma_start3A_7 = arith.constant 0 : i32
    %dma_start3A_8 = tpu.memref_slice %arg2[%dma_start3A, %dma_start3A_7] : memref<20000x128xf32, #tpu.memory_space<hbm>> -> memref<20000x128xf32, #tpu.memory_space<hbm>>
    tpu.enqueue_indirect_dma source(%dma_start3A_8 : memref<20000x128xf32, #tpu.memory_space<hbm>>) target(%arg17 : memref<80x128xf32, #tpu.memory_space<vmem>>) offsets(%arg9 : memref<80xi32, #tpu.memory_space<vmem>>) semaphore(%arg21 : memref<!tpu.dma_semaphore, #tpu.memory_space<semaphore_mem>>)
    %add3A_9 = arith.constant 80 : i32
    %add3A_10 = arith.addi %mul3A_2, %add3A_9 : i32
    %mul3A_11 = arith.constant 320000 : i32
    %mul3A_12 = arith.muli %arg0, %mul3A_11 : i32
    %add3A_13 = arith.addi %mul3A_12, %add3A_10 : i32
    "tpu.region"() ({
      %run_scoped3A_109 = tpu.sem_alloc : memref<!tpu.dma_semaphore, #tpu.memory_space<semaphore_mem>>
      %dma_start3A_110 = tpu.memref_slice %arg3[%add3A_13] : memref<640000xi32, #tpu.memory_space<hbm>> -> memref<80xi32, #tpu.memory_space<hbm>>
      %dma_start3A_111 = tpu.memref_slice %arg3[%add3A_13] : memref<640000xi32, #tpu.memory_space<hbm>> -> memref<80xi32, #tpu.memory_space<hbm>>
      tpu.enqueue_dma source(%dma_start3A_111 : memref<80xi32, #tpu.memory_space<hbm>>) target(%arg10 : memref<80xi32, #tpu.memory_space<vmem>>) target_semaphore(%run_scoped3A_109 : memref<!tpu.dma_semaphore, #tpu.memory_space<semaphore_mem>>)
      %dma_wait3A_112 = tpu.memref_slice %arg3[%add3A_13] : memref<640000xi32, #tpu.memory_space<hbm>> -> memref<80xi32, #tpu.memory_space<hbm>>
      %dma_wait3A_113 = tpu.memref_slice %arg3[%add3A_13] : memref<640000xi32, #tpu.memory_space<hbm>> -> memref<80xi32, #tpu.memory_space<hbm>>
      tpu.wait_dma2 semaphore(%run_scoped3A_109 : memref<!tpu.dma_semaphore, #tpu.memory_space<semaphore_mem>>) src(%dma_wait3A_113 : memref<80xi32, #tpu.memory_space<hbm>>) dst(%arg10 : memref<80xi32, #tpu.memory_space<vmem>>)
      tpu.yield
    }) : () -> ()
    "tpu.region"() ({
      %run_scoped3A_109 = tpu.sem_alloc : memref<!tpu.dma_semaphore, #tpu.memory_space<semaphore_mem>>
      %dma_start3A_110 = tpu.memref_slice %arg4[%add3A_10] : memref<320000xi32, #tpu.memory_space<hbm>> -> memref<80xi32, #tpu.memory_space<hbm>>
      %dma_start3A_111 = tpu.memref_slice %arg4[%add3A_10] : memref<320000xi32, #tpu.memory_space<hbm>> -> memref<80xi32, #tpu.memory_space<hbm>>
      tpu.enqueue_dma source(%dma_start3A_111 : memref<80xi32, #tpu.memory_space<hbm>>) target(%arg14 : memref<80xi32, #tpu.memory_space<vmem>>) target_semaphore(%run_scoped3A_109 : memref<!tpu.dma_semaphore, #tpu.memory_space<semaphore_mem>>)
      %dma_wait3A_112 = tpu.memref_slice %arg4[%add3A_10] : memref<320000xi32, #tpu.memory_space<hbm>> -> memref<80xi32, #tpu.memory_space<hbm>>
      %dma_wait3A_113 = tpu.memref_slice %arg4[%add3A_10] : memref<320000xi32, #tpu.memory_space<hbm>> -> memref<80xi32, #tpu.memory_space<hbm>>
      tpu.wait_dma2 semaphore(%run_scoped3A_109 : memref<!tpu.dma_semaphore, #tpu.memory_space<semaphore_mem>>) src(%dma_wait3A_113 : memref<80xi32, #tpu.memory_space<hbm>>) dst(%arg14 : memref<80xi32, #tpu.memory_space<vmem>>)
      tpu.yield
    }) : () -> ()
    %dma_start3A_14 = arith.constant 0 : i32
    %dma_start3A_15 = arith.constant 0 : i32
    %dma_start3A_16 = tpu.memref_slice %arg2[%dma_start3A_14, %dma_start3A_15] : memref<20000x128xf32, #tpu.memory_space<hbm>> -> memref<20000x128xf32, #tpu.memory_space<hbm>>
    tpu.enqueue_indirect_dma source(%dma_start3A_16 : memref<20000x128xf32, #tpu.memory_space<hbm>>) target(%arg18 : memref<80x128xf32, #tpu.memory_space<vmem>>) offsets(%arg10 : memref<80xi32, #tpu.memory_space<vmem>>) semaphore(%arg22 : memref<!tpu.dma_semaphore, #tpu.memory_space<semaphore_mem>>)
    %scan3A = arith.constant 0 : i32
    %scan3A_17 = arith.constant 0 : i32
    %scan3A_18 = arith.constant 62 : i32
    %scan3A_19 = arith.addi %scan3A_17, %scan3A_18 : i32
    %scan3A_20 = arith.constant 1 : i32
    scf.for %scan3A_109 = %scan3A_17 to %scan3A_19 step %scan3A_20  : i32 {
      %mul3A_110 = arith.constant 4 : i32
      %mul3A_111 = arith.muli %mul3A_110, %scan3A_109 : i32
      %dma_wait3A_112 = arith.constant 0 : i32
      %dma_wait3A_113 = arith.constant 0 : i32
      %dma_wait3A_114 = tpu.memref_slice %arg2[%dma_wait3A_112, %dma_wait3A_113] : memref<20000x128xf32, #tpu.memory_space<hbm>> -> memref<20000x128xf32, #tpu.memory_space<hbm>>
      tpu.wait_indirect_dma semaphore(%arg21 : memref<!tpu.dma_semaphore, #tpu.memory_space<semaphore_mem>>) src(%dma_wait3A_114 : memref<20000x128xf32, #tpu.memory_space<hbm>>) dst(%arg17 : memref<80x128xf32, #tpu.memory_space<vmem>>)
      %dma_start3A_115 = arith.constant 0 : i32
      %dma_start3A_116 = arith.constant 0 : i32
      %dma_start3A_117 = tpu.memref_slice %arg8[%dma_start3A_115, %dma_start3A_116] : memref<10112x128xf32, #tpu.memory_space<vmem_shared>> -> memref<10112x128xf32, #tpu.memory_space<vmem_shared>>
      tpu.enqueue_indirect_dma source(%arg17 : memref<80x128xf32, #tpu.memory_space<vmem>>) target(%dma_start3A_117 : memref<10112x128xf32, #tpu.memory_space<vmem_shared>>) offsets(%arg13 : memref<80xi32, #tpu.memory_space<vmem>>) semaphore(%arg25 : memref<!tpu.dma_semaphore, #tpu.memory_space<semaphore_mem>>) {add = true}
      %ge3A = arith.constant 1 : i32
      %ge3A_118 = arith.cmpi sge, %scan3A_109, %ge3A : i32
      %convert_element_type3A = arith.extui %ge3A_118 : i1 to i32
      %cond3A = arith.constant 0 : i32
      %cond3A_119 = arith.cmpi ne, %convert_element_type3A, %cond3A : i32
      scf.if %cond3A_119 {
        %dma_wait3A_201 = arith.constant 0 : i32
        %dma_wait3A_202 = arith.constant 0 : i32
        %dma_wait3A_203 = tpu.memref_slice %arg8[%dma_wait3A_201, %dma_wait3A_202] : memref<10112x128xf32, #tpu.memory_space<vmem_shared>> -> memref<10112x128xf32, #tpu.memory_space<vmem_shared>>
        tpu.wait_indirect_dma semaphore(%arg27 : memref<!tpu.dma_semaphore, #tpu.memory_space<semaphore_mem>>) src(%arg19 : memref<80x128xf32, #tpu.memory_space<vmem>>) dst(%dma_wait3A_203 : memref<10112x128xf32, #tpu.memory_space<vmem_shared>>)
      } else {
      }
      %add3A_120 = arith.constant 0 : i32
      %add3A_121 = arith.addi %mul3A_111, %add3A_120 : i32
      %add3A_122 = arith.constant 2 : i32
      %add3A_123 = arith.addi %add3A_121, %add3A_122 : i32
      %mul3A_124 = arith.constant 80 : i32
      %mul3A_125 = arith.muli %add3A_123, %mul3A_124 : i32
      %add3A_126 = arith.addi %mul3A_2, %mul3A_125 : i32
      %mul3A_127 = arith.constant 320000 : i32
      %mul3A_128 = arith.muli %arg0, %mul3A_127 : i32
      %add3A_129 = arith.addi %mul3A_128, %add3A_126 : i32
      "tpu.region"() ({
        %run_scoped3A_201 = tpu.sem_alloc : memref<!tpu.dma_semaphore, #tpu.memory_space<semaphore_mem>>
        %dma_start3A_202 = tpu.memref_slice %arg3[%add3A_129] : memref<640000xi32, #tpu.memory_space<hbm>> -> memref<80xi32, #tpu.memory_space<hbm>>
        %dma_start3A_203 = tpu.memref_slice %arg3[%add3A_129] : memref<640000xi32, #tpu.memory_space<hbm>> -> memref<80xi32, #tpu.memory_space<hbm>>
        tpu.enqueue_dma source(%dma_start3A_203 : memref<80xi32, #tpu.memory_space<hbm>>) target(%arg11 : memref<80xi32, #tpu.memory_space<vmem>>) target_semaphore(%run_scoped3A_201 : memref<!tpu.dma_semaphore, #tpu.memory_space<semaphore_mem>>)
        %dma_wait3A_204 = tpu.memref_slice %arg3[%add3A_129] : memref<640000xi32, #tpu.memory_space<hbm>> -> memref<80xi32, #tpu.memory_space<hbm>>
        %dma_wait3A_205 = tpu.memref_slice %arg3[%add3A_129] : memref<640000xi32, #tpu.memory_space<hbm>> -> memref<80xi32, #tpu.memory_space<hbm>>
        tpu.wait_dma2 semaphore(%run_scoped3A_201 : memref<!tpu.dma_semaphore, #tpu.memory_space<semaphore_mem>>) src(%dma_wait3A_205 : memref<80xi32, #tpu.memory_space<hbm>>) dst(%arg11 : memref<80xi32, #tpu.memory_space<vmem>>)
        tpu.yield
      }) : () -> ()
      "tpu.region"() ({
        %run_scoped3A_201 = tpu.sem_alloc : memref<!tpu.dma_semaphore, #tpu.memory_space<semaphore_mem>>
        %dma_start3A_202 = tpu.memref_slice %arg4[%add3A_126] : memref<320000xi32, #tpu.memory_space<hbm>> -> memref<80xi32, #tpu.memory_space<hbm>>
        %dma_start3A_203 = tpu.memref_slice %arg4[%add3A_126] : memref<320000xi32, #tpu.memory_space<hbm>> -> memref<80xi32, #tpu.memory_space<hbm>>
        tpu.enqueue_dma source(%dma_start3A_203 : memref<80xi32, #tpu.memory_space<hbm>>) target(%arg15 : memref<80xi32, #tpu.memory_space<vmem>>) target_semaphore(%run_scoped3A_201 : memref<!tpu.dma_semaphore, #tpu.memory_space<semaphore_mem>>)
        %dma_wait3A_204 = tpu.memref_slice %arg4[%add3A_126] : memref<320000xi32, #tpu.memory_space<hbm>> -> memref<80xi32, #tpu.memory_space<hbm>>
        %dma_wait3A_205 = tpu.memref_slice %arg4[%add3A_126] : memref<320000xi32, #tpu.memory_space<hbm>> -> memref<80xi32, #tpu.memory_space<hbm>>
        tpu.wait_dma2 semaphore(%run_scoped3A_201 : memref<!tpu.dma_semaphore, #tpu.memory_space<semaphore_mem>>) src(%dma_wait3A_205 : memref<80xi32, #tpu.memory_space<hbm>>) dst(%arg15 : memref<80xi32, #tpu.memory_space<vmem>>)
        tpu.yield
      }) : () -> ()
      %dma_start3A_130 = arith.constant 0 : i32
      %dma_start3A_131 = arith.constant 0 : i32
      %dma_start3A_132 = tpu.memref_slice %arg2[%dma_start3A_130, %dma_start3A_131] : memref<20000x128xf32, #tpu.memory_space<hbm>> -> memref<20000x128xf32, #tpu.memory_space<hbm>>
      tpu.enqueue_indirect_dma source(%dma_start3A_132 : memref<20000x128xf32, #tpu.memory_space<hbm>>) target(%arg19 : memref<80x128xf32, #tpu.memory_space<vmem>>) offsets(%arg11 : memref<80xi32, #tpu.memory_space<vmem>>) semaphore(%arg23 : memref<!tpu.dma_semaphore, #tpu.memory_space<semaphore_mem>>)
      %dma_wait3A_133 = arith.constant 0 : i32
      %dma_wait3A_134 = arith.constant 0 : i32
      %dma_wait3A_135 = tpu.memref_slice %arg2[%dma_wait3A_133, %dma_wait3A_134] : memref<20000x128xf32, #tpu.memory_space<hbm>> -> memref<20000x128xf32, #tpu.memory_space<hbm>>
      tpu.wait_indirect_dma semaphore(%arg22 : memref<!tpu.dma_semaphore, #tpu.memory_space<semaphore_mem>>) src(%dma_wait3A_135 : memref<20000x128xf32, #tpu.memory_space<hbm>>) dst(%arg18 : memref<80x128xf32, #tpu.memory_space<vmem>>)
      %dma_start3A_136 = arith.constant 0 : i32
      %dma_start3A_137 = arith.constant 0 : i32
      %dma_start3A_138 = tpu.memref_slice %arg8[%dma_start3A_136, %dma_start3A_137] : memref<10112x128xf32, #tpu.memory_space<vmem_shared>> -> memref<10112x128xf32, #tpu.memory_space<vmem_shared>>
      tpu.enqueue_indirect_dma source(%arg18 : memref<80x128xf32, #tpu.memory_space<vmem>>) target(%dma_start3A_138 : memref<10112x128xf32, #tpu.memory_space<vmem_shared>>) offsets(%arg14 : memref<80xi32, #tpu.memory_space<vmem>>) semaphore(%arg26 : memref<!tpu.dma_semaphore, #tpu.memory_space<semaphore_mem>>) {add = true}
      %ge3A_139 = arith.constant 1 : i32
      %ge3A_140 = arith.cmpi sge, %scan3A_109, %ge3A_139 : i32
      %convert_element_type3A_141 = arith.extui %ge3A_140 : i1 to i32
      %cond3A_142 = arith.constant 0 : i32
      %cond3A_143 = arith.cmpi ne, %convert_element_type3A_141, %cond3A_142 : i32
      scf.if %cond3A_143 {
        %dma_wait3A_201 = arith.constant 0 : i32
        %dma_wait3A_202 = arith.constant 0 : i32
        %dma_wait3A_203 = tpu.memref_slice %arg8[%dma_wait3A_201, %dma_wait3A_202] : memref<10112x128xf32, #tpu.memory_space<vmem_shared>> -> memref<10112x128xf32, #tpu.memory_space<vmem_shared>>
        tpu.wait_indirect_dma semaphore(%arg28 : memref<!tpu.dma_semaphore, #tpu.memory_space<semaphore_mem>>) src(%arg20 : memref<80x128xf32, #tpu.memory_space<vmem>>) dst(%dma_wait3A_203 : memref<10112x128xf32, #tpu.memory_space<vmem_shared>>)
      } else {
      }
      %add3A_144 = arith.constant 1 : i32
      %add3A_145 = arith.addi %mul3A_111, %add3A_144 : i32
      %add3A_146 = arith.constant 2 : i32
      %add3A_147 = arith.addi %add3A_145, %add3A_146 : i32
      %mul3A_148 = arith.constant 80 : i32
      %mul3A_149 = arith.muli %add3A_147, %mul3A_148 : i32
      %add3A_150 = arith.addi %mul3A_2, %mul3A_149 : i32
      %mul3A_151 = arith.constant 320000 : i32
      %mul3A_152 = arith.muli %arg0, %mul3A_151 : i32
      %add3A_153 = arith.addi %mul3A_152, %add3A_150 : i32
      "tpu.region"() ({
        %run_scoped3A_201 = tpu.sem_alloc : memref<!tpu.dma_semaphore, #tpu.memory_space<semaphore_mem>>
        %dma_start3A_202 = tpu.memref_slice %arg3[%add3A_153] : memref<640000xi32, #tpu.memory_space<hbm>> -> memref<80xi32, #tpu.memory_space<hbm>>
        %dma_start3A_203 = tpu.memref_slice %arg3[%add3A_153] : memref<640000xi32, #tpu.memory_space<hbm>> -> memref<80xi32, #tpu.memory_space<hbm>>
        tpu.enqueue_dma source(%dma_start3A_203 : memref<80xi32, #tpu.memory_space<hbm>>) target(%arg12 : memref<80xi32, #tpu.memory_space<vmem>>) target_semaphore(%run_scoped3A_201 : memref<!tpu.dma_semaphore, #tpu.memory_space<semaphore_mem>>)
        %dma_wait3A_204 = tpu.memref_slice %arg3[%add3A_153] : memref<640000xi32, #tpu.memory_space<hbm>> -> memref<80xi32, #tpu.memory_space<hbm>>
        %dma_wait3A_205 = tpu.memref_slice %arg3[%add3A_153] : memref<640000xi32, #tpu.memory_space<hbm>> -> memref<80xi32, #tpu.memory_space<hbm>>
        tpu.wait_dma2 semaphore(%run_scoped3A_201 : memref<!tpu.dma_semaphore, #tpu.memory_space<semaphore_mem>>) src(%dma_wait3A_205 : memref<80xi32, #tpu.memory_space<hbm>>) dst(%arg12 : memref<80xi32, #tpu.memory_space<vmem>>)
        tpu.yield
      }) : () -> ()
      "tpu.region"() ({
        %run_scoped3A_201 = tpu.sem_alloc : memref<!tpu.dma_semaphore, #tpu.memory_space<semaphore_mem>>
        %dma_start3A_202 = tpu.memref_slice %arg4[%add3A_150] : memref<320000xi32, #tpu.memory_space<hbm>> -> memref<80xi32, #tpu.memory_space<hbm>>
        %dma_start3A_203 = tpu.memref_slice %arg4[%add3A_150] : memref<320000xi32, #tpu.memory_space<hbm>> -> memref<80xi32, #tpu.memory_space<hbm>>
        tpu.enqueue_dma source(%dma_start3A_203 : memref<80xi32, #tpu.memory_space<hbm>>) target(%arg16 : memref<80xi32, #tpu.memory_space<vmem>>) target_semaphore(%run_scoped3A_201 : memref<!tpu.dma_semaphore, #tpu.memory_space<semaphore_mem>>)
        %dma_wait3A_204 = tpu.memref_slice %arg4[%add3A_150] : memref<320000xi32, #tpu.memory_space<hbm>> -> memref<80xi32, #tpu.memory_space<hbm>>
        %dma_wait3A_205 = tpu.memref_slice %arg4[%add3A_150] : memref<320000xi32, #tpu.memory_space<hbm>> -> memref<80xi32, #tpu.memory_space<hbm>>
        tpu.wait_dma2 semaphore(%run_scoped3A_201 : memref<!tpu.dma_semaphore, #tpu.memory_space<semaphore_mem>>) src(%dma_wait3A_205 : memref<80xi32, #tpu.memory_space<hbm>>) dst(%arg16 : memref<80xi32, #tpu.memory_space<vmem>>)
        tpu.yield
      }) : () -> ()
      %dma_start3A_154 = arith.constant 0 : i32
      %dma_start3A_155 = arith.constant 0 : i32
      %dma_start3A_156 = tpu.memref_slice %arg2[%dma_start3A_154, %dma_start3A_155] : memref<20000x128xf32, #tpu.memory_space<hbm>> -> memref<20000x128xf32, #tpu.memory_space<hbm>>
      tpu.enqueue_indirect_dma source(%dma_start3A_156 : memref<20000x128xf32, #tpu.memory_space<hbm>>) target(%arg20 : memref<80x128xf32, #tpu.memory_space<vmem>>) offsets(%arg12 : memref<80xi32, #tpu.memory_space<vmem>>) semaphore(%arg24 : memref<!tpu.dma_semaphore, #tpu.memory_space<semaphore_mem>>)
      %dma_wait3A_157 = arith.constant 0 : i32
      %dma_wait3A_158 = arith.constant 0 : i32
      %dma_wait3A_159 = tpu.memref_slice %arg2[%dma_wait3A_157, %dma_wait3A_158] : memref<20000x128xf32, #tpu.memory_space<hbm>> -> memref<20000x128xf32, #tpu.memory_space<hbm>>
      tpu.wait_indirect_dma semaphore(%arg23 : memref<!tpu.dma_semaphore, #tpu.memory_space<semaphore_mem>>) src(%dma_wait3A_159 : memref<20000x128xf32, #tpu.memory_space<hbm>>) dst(%arg19 : memref<80x128xf32, #tpu.memory_space<vmem>>)
      %dma_start3A_160 = arith.constant 0 : i32
      %dma_start3A_161 = arith.constant 0 : i32
      %dma_start3A_162 = tpu.memref_slice %arg8[%dma_start3A_160, %dma_start3A_161] : memref<10112x128xf32, #tpu.memory_space<vmem_shared>> -> memref<10112x128xf32, #tpu.memory_space<vmem_shared>>
      tpu.enqueue_indirect_dma source(%arg19 : memref<80x128xf32, #tpu.memory_space<vmem>>) target(%dma_start3A_162 : memref<10112x128xf32, #tpu.memory_space<vmem_shared>>) offsets(%arg15 : memref<80xi32, #tpu.memory_space<vmem>>) semaphore(%arg27 : memref<!tpu.dma_semaphore, #tpu.memory_space<semaphore_mem>>) {add = true}
      %dma_wait3A_163 = arith.constant 0 : i32
      %dma_wait3A_164 = arith.constant 0 : i32
      %dma_wait3A_165 = tpu.memref_slice %arg8[%dma_wait3A_163, %dma_wait3A_164] : memref<10112x128xf32, #tpu.memory_space<vmem_shared>> -> memref<10112x128xf32, #tpu.memory_space<vmem_shared>>
      tpu.wait_indirect_dma semaphore(%arg25 : memref<!tpu.dma_semaphore, #tpu.memory_space<semaphore_mem>>) src(%arg17 : memref<80x128xf32, #tpu.memory_space<vmem>>) dst(%dma_wait3A_165 : memref<10112x128xf32, #tpu.memory_space<vmem_shared>>)
      %add3A_166 = arith.constant 2 : i32
      %add3A_167 = arith.addi %mul3A_111, %add3A_166 : i32
      %add3A_168 = arith.constant 2 : i32
      %add3A_169 = arith.addi %add3A_167, %add3A_168 : i32
      %mul3A_170 = arith.constant 80 : i32
      %mul3A_171 = arith.muli %add3A_169, %mul3A_170 : i32
      %add3A_172 = arith.addi %mul3A_2, %mul3A_171 : i32
      %mul3A_173 = arith.constant 320000 : i32
      %mul3A_174 = arith.muli %arg0, %mul3A_173 : i32
      %add3A_175 = arith.addi %mul3A_174, %add3A_172 : i32
      "tpu.region"() ({
        %run_scoped3A_201 = tpu.sem_alloc : memref<!tpu.dma_semaphore, #tpu.memory_space<semaphore_mem>>
        %dma_start3A_202 = tpu.memref_slice %arg3[%add3A_175] : memref<640000xi32, #tpu.memory_space<hbm>> -> memref<80xi32, #tpu.memory_space<hbm>>
        %dma_start3A_203 = tpu.memref_slice %arg3[%add3A_175] : memref<640000xi32, #tpu.memory_space<hbm>> -> memref<80xi32, #tpu.memory_space<hbm>>
        tpu.enqueue_dma source(%dma_start3A_203 : memref<80xi32, #tpu.memory_space<hbm>>) target(%arg9 : memref<80xi32, #tpu.memory_space<vmem>>) target_semaphore(%run_scoped3A_201 : memref<!tpu.dma_semaphore, #tpu.memory_space<semaphore_mem>>)
        %dma_wait3A_204 = tpu.memref_slice %arg3[%add3A_175] : memref<640000xi32, #tpu.memory_space<hbm>> -> memref<80xi32, #tpu.memory_space<hbm>>
        %dma_wait3A_205 = tpu.memref_slice %arg3[%add3A_175] : memref<640000xi32, #tpu.memory_space<hbm>> -> memref<80xi32, #tpu.memory_space<hbm>>
        tpu.wait_dma2 semaphore(%run_scoped3A_201 : memref<!tpu.dma_semaphore, #tpu.memory_space<semaphore_mem>>) src(%dma_wait3A_205 : memref<80xi32, #tpu.memory_space<hbm>>) dst(%arg9 : memref<80xi32, #tpu.memory_space<vmem>>)
        tpu.yield
      }) : () -> ()
      "tpu.region"() ({
        %run_scoped3A_201 = tpu.sem_alloc : memref<!tpu.dma_semaphore, #tpu.memory_space<semaphore_mem>>
        %dma_start3A_202 = tpu.memref_slice %arg4[%add3A_172] : memref<320000xi32, #tpu.memory_space<hbm>> -> memref<80xi32, #tpu.memory_space<hbm>>
        %dma_start3A_203 = tpu.memref_slice %arg4[%add3A_172] : memref<320000xi32, #tpu.memory_space<hbm>> -> memref<80xi32, #tpu.memory_space<hbm>>
        tpu.enqueue_dma source(%dma_start3A_203 : memref<80xi32, #tpu.memory_space<hbm>>) target(%arg13 : memref<80xi32, #tpu.memory_space<vmem>>) target_semaphore(%run_scoped3A_201 : memref<!tpu.dma_semaphore, #tpu.memory_space<semaphore_mem>>)
        %dma_wait3A_204 = tpu.memref_slice %arg4[%add3A_172] : memref<320000xi32, #tpu.memory_space<hbm>> -> memref<80xi32, #tpu.memory_space<hbm>>
        %dma_wait3A_205 = tpu.memref_slice %arg4[%add3A_172] : memref<320000xi32, #tpu.memory_space<hbm>> -> memref<80xi32, #tpu.memory_space<hbm>>
        tpu.wait_dma2 semaphore(%run_scoped3A_201 : memref<!tpu.dma_semaphore, #tpu.memory_space<semaphore_mem>>) src(%dma_wait3A_205 : memref<80xi32, #tpu.memory_space<hbm>>) dst(%arg13 : memref<80xi32, #tpu.memory_space<vmem>>)
        tpu.yield
      }) : () -> ()
      %dma_start3A_176 = arith.constant 0 : i32
      %dma_start3A_177 = arith.constant 0 : i32
      %dma_start3A_178 = tpu.memref_slice %arg2[%dma_start3A_176, %dma_start3A_177] : memref<20000x128xf32, #tpu.memory_space<hbm>> -> memref<20000x128xf32, #tpu.memory_space<hbm>>
      tpu.enqueue_indirect_dma source(%dma_start3A_178 : memref<20000x128xf32, #tpu.memory_space<hbm>>) target(%arg17 : memref<80x128xf32, #tpu.memory_space<vmem>>) offsets(%arg9 : memref<80xi32, #tpu.memory_space<vmem>>) semaphore(%arg21 : memref<!tpu.dma_semaphore, #tpu.memory_space<semaphore_mem>>)
      %dma_wait3A_179 = arith.constant 0 : i32
      %dma_wait3A_180 = arith.constant 0 : i32
      %dma_wait3A_181 = tpu.memref_slice %arg2[%dma_wait3A_179, %dma_wait3A_180] : memref<20000x128xf32, #tpu.memory_space<hbm>> -> memref<20000x128xf32, #tpu.memory_space<hbm>>
      tpu.wait_indirect_dma semaphore(%arg24 : memref<!tpu.dma_semaphore, #tpu.memory_space<semaphore_mem>>) src(%dma_wait3A_181 : memref<20000x128xf32, #tpu.memory_space<hbm>>) dst(%arg20 : memref<80x128xf32, #tpu.memory_space<vmem>>)
      %dma_start3A_182 = arith.constant 0 : i32
      %dma_start3A_183 = arith.constant 0 : i32
      %dma_start3A_184 = tpu.memref_slice %arg8[%dma_start3A_182, %dma_start3A_183] : memref<10112x128xf32, #tpu.memory_space<vmem_shared>> -> memref<10112x128xf32, #tpu.memory_space<vmem_shared>>
      tpu.enqueue_indirect_dma source(%arg20 : memref<80x128xf32, #tpu.memory_space<vmem>>) target(%dma_start3A_184 : memref<10112x128xf32, #tpu.memory_space<vmem_shared>>) offsets(%arg16 : memref<80xi32, #tpu.memory_space<vmem>>) semaphore(%arg28 : memref<!tpu.dma_semaphore, #tpu.memory_space<semaphore_mem>>) {add = true}
      %dma_wait3A_185 = arith.constant 0 : i32
      %dma_wait3A_186 = arith.constant 0 : i32
      %dma_wait3A_187 = tpu.memref_slice %arg8[%dma_wait3A_185, %dma_wait3A_186] : memref<10112x128xf32, #tpu.memory_space<vmem_shared>> -> memref<10112x128xf32, #tpu.memory_space<vmem_shared>>
      tpu.wait_indirect_dma semaphore(%arg26 : memref<!tpu.dma_semaphore, #tpu.memory_space<semaphore_mem>>) src(%arg18 : memref<80x128xf32, #tpu.memory_space<vmem>>) dst(%dma_wait3A_187 : memref<10112x128xf32, #tpu.memory_space<vmem_shared>>)
      %add3A_188 = arith.constant 3 : i32
      %add3A_189 = arith.addi %mul3A_111, %add3A_188 : i32
      %add3A_190 = arith.constant 2 : i32
      %add3A_191 = arith.addi %add3A_189, %add3A_190 : i32
      %mul3A_192 = arith.constant 80 : i32
      %mul3A_193 = arith.muli %add3A_191, %mul3A_192 : i32
      %add3A_194 = arith.addi %mul3A_2, %mul3A_193 : i32
      %mul3A_195 = arith.constant 320000 : i32
      %mul3A_196 = arith.muli %arg0, %mul3A_195 : i32
      %add3A_197 = arith.addi %mul3A_196, %add3A_194 : i32
      "tpu.region"() ({
        %run_scoped3A_201 = tpu.sem_alloc : memref<!tpu.dma_semaphore, #tpu.memory_space<semaphore_mem>>
        %dma_start3A_202 = tpu.memref_slice %arg3[%add3A_197] : memref<640000xi32, #tpu.memory_space<hbm>> -> memref<80xi32, #tpu.memory_space<hbm>>
        %dma_start3A_203 = tpu.memref_slice %arg3[%add3A_197] : memref<640000xi32, #tpu.memory_space<hbm>> -> memref<80xi32, #tpu.memory_space<hbm>>
        tpu.enqueue_dma source(%dma_start3A_203 : memref<80xi32, #tpu.memory_space<hbm>>) target(%arg10 : memref<80xi32, #tpu.memory_space<vmem>>) target_semaphore(%run_scoped3A_201 : memref<!tpu.dma_semaphore, #tpu.memory_space<semaphore_mem>>)
        %dma_wait3A_204 = tpu.memref_slice %arg3[%add3A_197] : memref<640000xi32, #tpu.memory_space<hbm>> -> memref<80xi32, #tpu.memory_space<hbm>>
        %dma_wait3A_205 = tpu.memref_slice %arg3[%add3A_197] : memref<640000xi32, #tpu.memory_space<hbm>> -> memref<80xi32, #tpu.memory_space<hbm>>
        tpu.wait_dma2 semaphore(%run_scoped3A_201 : memref<!tpu.dma_semaphore, #tpu.memory_space<semaphore_mem>>) src(%dma_wait3A_205 : memref<80xi32, #tpu.memory_space<hbm>>) dst(%arg10 : memref<80xi32, #tpu.memory_space<vmem>>)
        tpu.yield
      }) : () -> ()
      "tpu.region"() ({
        %run_scoped3A_201 = tpu.sem_alloc : memref<!tpu.dma_semaphore, #tpu.memory_space<semaphore_mem>>
        %dma_start3A_202 = tpu.memref_slice %arg4[%add3A_194] : memref<320000xi32, #tpu.memory_space<hbm>> -> memref<80xi32, #tpu.memory_space<hbm>>
        %dma_start3A_203 = tpu.memref_slice %arg4[%add3A_194] : memref<320000xi32, #tpu.memory_space<hbm>> -> memref<80xi32, #tpu.memory_space<hbm>>
        tpu.enqueue_dma source(%dma_start3A_203 : memref<80xi32, #tpu.memory_space<hbm>>) target(%arg14 : memref<80xi32, #tpu.memory_space<vmem>>) target_semaphore(%run_scoped3A_201 : memref<!tpu.dma_semaphore, #tpu.memory_space<semaphore_mem>>)
        %dma_wait3A_204 = tpu.memref_slice %arg4[%add3A_194] : memref<320000xi32, #tpu.memory_space<hbm>> -> memref<80xi32, #tpu.memory_space<hbm>>
        %dma_wait3A_205 = tpu.memref_slice %arg4[%add3A_194] : memref<320000xi32, #tpu.memory_space<hbm>> -> memref<80xi32, #tpu.memory_space<hbm>>
        tpu.wait_dma2 semaphore(%run_scoped3A_201 : memref<!tpu.dma_semaphore, #tpu.memory_space<semaphore_mem>>) src(%dma_wait3A_205 : memref<80xi32, #tpu.memory_space<hbm>>) dst(%arg14 : memref<80xi32, #tpu.memory_space<vmem>>)
        tpu.yield
      }) : () -> ()
      %dma_start3A_198 = arith.constant 0 : i32
      %dma_start3A_199 = arith.constant 0 : i32
      %dma_start3A_200 = tpu.memref_slice %arg2[%dma_start3A_198, %dma_start3A_199] : memref<20000x128xf32, #tpu.memory_space<hbm>> -> memref<20000x128xf32, #tpu.memory_space<hbm>>
      tpu.enqueue_indirect_dma source(%dma_start3A_200 : memref<20000x128xf32, #tpu.memory_space<hbm>>) target(%arg18 : memref<80x128xf32, #tpu.memory_space<vmem>>) offsets(%arg10 : memref<80xi32, #tpu.memory_space<vmem>>) semaphore(%arg22 : memref<!tpu.dma_semaphore, #tpu.memory_space<semaphore_mem>>)
    }
    %scan3A_21 = arith.constant 62 : i32
    %dma_wait3A = arith.constant 0 : i32
    %dma_wait3A_22 = arith.constant 0 : i32
    %dma_wait3A_23 = tpu.memref_slice %arg2[%dma_wait3A, %dma_wait3A_22] : memref<20000x128xf32, #tpu.memory_space<hbm>> -> memref<20000x128xf32, #tpu.memory_space<hbm>>
    tpu.wait_indirect_dma semaphore(%arg21 : memref<!tpu.dma_semaphore, #tpu.memory_space<semaphore_mem>>) src(%dma_wait3A_23 : memref<20000x128xf32, #tpu.memory_space<hbm>>) dst(%arg17 : memref<80x128xf32, #tpu.memory_space<vmem>>)
    %dma_start3A_24 = arith.constant 0 : i32
    %dma_start3A_25 = arith.constant 0 : i32
    %dma_start3A_26 = tpu.memref_slice %arg8[%dma_start3A_24, %dma_start3A_25] : memref<10112x128xf32, #tpu.memory_space<vmem_shared>> -> memref<10112x128xf32, #tpu.memory_space<vmem_shared>>
    tpu.enqueue_indirect_dma source(%arg17 : memref<80x128xf32, #tpu.memory_space<vmem>>) target(%dma_start3A_26 : memref<10112x128xf32, #tpu.memory_space<vmem_shared>>) offsets(%arg13 : memref<80xi32, #tpu.memory_space<vmem>>) semaphore(%arg25 : memref<!tpu.dma_semaphore, #tpu.memory_space<semaphore_mem>>) {add = true}
    %dma_wait3A_27 = arith.constant 0 : i32
    %dma_wait3A_28 = arith.constant 0 : i32
    %dma_wait3A_29 = tpu.memref_slice %arg2[%dma_wait3A_27, %dma_wait3A_28] : memref<20000x128xf32, #tpu.memory_space<hbm>> -> memref<20000x128xf32, #tpu.memory_space<hbm>>
    tpu.wait_indirect_dma semaphore(%arg22 : memref<!tpu.dma_semaphore, #tpu.memory_space<semaphore_mem>>) src(%dma_wait3A_29 : memref<20000x128xf32, #tpu.memory_space<hbm>>) dst(%arg18 : memref<80x128xf32, #tpu.memory_space<vmem>>)
    %dma_start3A_30 = arith.constant 0 : i32
    %dma_start3A_31 = arith.constant 0 : i32
    %dma_start3A_32 = tpu.memref_slice %arg8[%dma_start3A_30, %dma_start3A_31] : memref<10112x128xf32, #tpu.memory_space<vmem_shared>> -> memref<10112x128xf32, #tpu.memory_space<vmem_shared>>
    tpu.enqueue_indirect_dma source(%arg18 : memref<80x128xf32, #tpu.memory_space<vmem>>) target(%dma_start3A_32 : memref<10112x128xf32, #tpu.memory_space<vmem_shared>>) offsets(%arg14 : memref<80xi32, #tpu.memory_space<vmem>>) semaphore(%arg26 : memref<!tpu.dma_semaphore, #tpu.memory_space<semaphore_mem>>) {add = true}
    %dma_wait3A_33 = arith.constant 0 : i32
    %dma_wait3A_34 = arith.constant 0 : i32
    %dma_wait3A_35 = tpu.memref_slice %arg8[%dma_wait3A_33, %dma_wait3A_34] : memref<10112x128xf32, #tpu.memory_space<vmem_shared>> -> memref<10112x128xf32, #tpu.memory_space<vmem_shared>>
    tpu.wait_indirect_dma semaphore(%arg25 : memref<!tpu.dma_semaphore, #tpu.memory_space<semaphore_mem>>) src(%arg17 : memref<80x128xf32, #tpu.memory_space<vmem>>) dst(%dma_wait3A_35 : memref<10112x128xf32, #tpu.memory_space<vmem_shared>>)
    %dma_wait3A_36 = arith.constant 0 : i32
    %dma_wait3A_37 = arith.constant 0 : i32
    %dma_wait3A_38 = tpu.memref_slice %arg8[%dma_wait3A_36, %dma_wait3A_37] : memref<10112x128xf32, #tpu.memory_space<vmem_shared>> -> memref<10112x128xf32, #tpu.memory_space<vmem_shared>>
    tpu.wait_indirect_dma semaphore(%arg26 : memref<!tpu.dma_semaphore, #tpu.memory_space<semaphore_mem>>) src(%arg18 : memref<80x128xf32, #tpu.memory_space<vmem>>) dst(%dma_wait3A_38 : memref<10112x128xf32, #tpu.memory_space<vmem_shared>>)
    %dma_wait3A_39 = arith.constant 0 : i32
    %dma_wait3A_40 = arith.constant 0 : i32
    %dma_wait3A_41 = tpu.memref_slice %arg8[%dma_wait3A_39, %dma_wait3A_40] : memref<10112x128xf32, #tpu.memory_space<vmem_shared>> -> memref<10112x128xf32, #tpu.memory_space<vmem_shared>>
    tpu.wait_indirect_dma semaphore(%arg27 : memref<!tpu.dma_semaphore, #tpu.memory_space<semaphore_mem>>) src(%arg19 : memref<80x128xf32, #tpu.memory_space<vmem>>) dst(%dma_wait3A_41 : memref<10112x128xf32, #tpu.memory_space<vmem_shared>>)
    %dma_wait3A_42 = arith.constant 0 : i32
    %dma_wait3A_43 = arith.constant 0 : i32
    %dma_wait3A_44 = tpu.memref_slice %arg8[%dma_wait3A_42, %dma_wait3A_43] : memref<10112x128xf32, #tpu.memory_space<vmem_shared>> -> memref<10112x128xf32, #tpu.memory_space<vmem_shared>>
    tpu.wait_indirect_dma semaphore(%arg28 : memref<!tpu.dma_semaphore, #tpu.memory_space<semaphore_mem>>) src(%arg20 : memref<80x128xf32, #tpu.memory_space<vmem>>) dst(%dma_wait3A_44 : memref<10112x128xf32, #tpu.memory_space<vmem_shared>>)
    %barrier3A_45 = arith.constant 0 : index
    tpu.barrier barrier_id(%barrier3A_45)
    %mul3A_46 = arith.constant 632 : i32
    %mul3A_47 = arith.muli %arg1, %mul3A_46 : i32
    %mul3A_48 = arith.constant 632 : i32
    %mul3A_49 = arith.muli %arg1, %mul3A_48 : i32
    %run_scoped3A = arith.constant 0 : i32
    "tpu.region"() ({
      %run_scoped3A_109 = tpu.sem_alloc : memref<!tpu.dma_semaphore, #tpu.memory_space<semaphore_mem>>
      %dma_start3A_110 = arith.constant 0 : i32
      %dma_start3A_111 = tpu.memref_slice %arg7[%arg0, %run_scoped3A, %mul3A_49, %dma_start3A_110] : memref<2x2x10112x128xf32, #tpu.memory_space<hbm>> -> memref<1x1x632x128xf32, #tpu.memory_space<hbm>>
      %dma_start3A_112 = tpu.memref_squeeze %dma_start3A_111 : memref<1x1x632x128xf32, #tpu.memory_space<hbm>> -> memref<632x128xf32, #tpu.memory_space<hbm>>
      %dma_start3A_113 = arith.constant 0 : i32
      %dma_start3A_114 = tpu.memref_slice %arg8[%mul3A_47, %dma_start3A_113] : memref<10112x128xf32, #tpu.memory_space<vmem_shared>> -> memref<632x128xf32, #tpu.memory_space<vmem_shared>>
      tpu.enqueue_dma source(%dma_start3A_114 : memref<632x128xf32, #tpu.memory_space<vmem_shared>>) target(%dma_start3A_112 : memref<632x128xf32, #tpu.memory_space<hbm>>) target_semaphore(%run_scoped3A_109 : memref<!tpu.dma_semaphore, #tpu.memory_space<semaphore_mem>>)
      %dma_wait3A_115 = arith.constant 0 : i32
      %dma_wait3A_116 = tpu.memref_slice %arg7[%arg0, %run_scoped3A, %mul3A_49, %dma_wait3A_115] : memref<2x2x10112x128xf32, #tpu.memory_space<hbm>> -> memref<1x1x632x128xf32, #tpu.memory_space<hbm>>
      %dma_wait3A_117 = tpu.memref_squeeze %dma_wait3A_116 : memref<1x1x632x128xf32, #tpu.memory_space<hbm>> -> memref<632x128xf32, #tpu.memory_space<hbm>>
      %dma_wait3A_118 = arith.constant 0 : i32
      %dma_wait3A_119 = tpu.memref_slice %arg8[%mul3A_47, %dma_wait3A_118] : memref<10112x128xf32, #tpu.memory_space<vmem_shared>> -> memref<632x128xf32, #tpu.memory_space<vmem_shared>>
      tpu.wait_dma2 semaphore(%run_scoped3A_109 : memref<!tpu.dma_semaphore, #tpu.memory_space<semaphore_mem>>) src(%dma_wait3A_119 : memref<632x128xf32, #tpu.memory_space<vmem_shared>>) dst(%dma_wait3A_117 : memref<632x128xf32, #tpu.memory_space<hbm>>)
      tpu.yield
    }) : () -> ()
    %barrier3A_50 = arith.constant 0 : index
    tpu.barrier barrier_id(%barrier3A_50)
    %mul3A_51 = arith.constant 632 : i32
    %mul3A_52 = arith.muli %arg1, %mul3A_51 : i32
    "tpu.region"() ({
      %run_scoped3A_109 = tpu.sem_alloc : memref<!tpu.dma_semaphore, #tpu.memory_space<semaphore_mem>>
      %dma_start3A_110 = arith.constant 0 : i32
      %dma_start3A_111 = tpu.memref_slice %arg8[%mul3A_52, %dma_start3A_110] : memref<10112x128xf32, #tpu.memory_space<vmem_shared>> -> memref<632x128xf32, #tpu.memory_space<vmem_shared>>
      tpu.enqueue_dma source(%arg6 : memref<632x128xf32, #tpu.memory_space<hbm>>) target(%dma_start3A_111 : memref<632x128xf32, #tpu.memory_space<vmem_shared>>) target_semaphore(%run_scoped3A_109 : memref<!tpu.dma_semaphore, #tpu.memory_space<semaphore_mem>>)
      %dma_wait3A_112 = arith.constant 0 : i32
      %dma_wait3A_113 = tpu.memref_slice %arg8[%mul3A_52, %dma_wait3A_112] : memref<10112x128xf32, #tpu.memory_space<vmem_shared>> -> memref<632x128xf32, #tpu.memory_space<vmem_shared>>
      tpu.wait_dma2 semaphore(%run_scoped3A_109 : memref<!tpu.dma_semaphore, #tpu.memory_space<semaphore_mem>>) src(%arg6 : memref<632x128xf32, #tpu.memory_space<hbm>>) dst(%dma_wait3A_113 : memref<632x128xf32, #tpu.memory_space<vmem_shared>>)
      tpu.yield
    }) : () -> ()
    %barrier3A_53 = arith.constant 0 : index
    tpu.barrier barrier_id(%barrier3A_53)
    %mul3A_54 = arith.constant 20000 : i32
    %mul3A_55 = arith.muli %arg1, %mul3A_54 : i32
    %add3A_56 = arith.constant 0 : i32
    %add3A_57 = arith.addi %mul3A_55, %add3A_56 : i32
    %mul3A_58 = arith.constant 320000 : i32
    %mul3A_59 = arith.muli %arg0, %mul3A_58 : i32
    %add3A_60 = arith.addi %mul3A_59, %add3A_57 : i32
    "tpu.region"() ({
      %run_scoped3A_109 = tpu.sem_alloc : memref<!tpu.dma_semaphore, #tpu.memory_space<semaphore_mem>>
      %dma_start3A_110 = tpu.memref_slice %arg3[%add3A_60] : memref<640000xi32, #tpu.memory_space<hbm>> -> memref<80xi32, #tpu.memory_space<hbm>>
      %dma_start3A_111 = tpu.memref_slice %arg3[%add3A_60] : memref<640000xi32, #tpu.memory_space<hbm>> -> memref<80xi32, #tpu.memory_space<hbm>>
      tpu.enqueue_dma source(%dma_start3A_111 : memref<80xi32, #tpu.memory_space<hbm>>) target(%arg9 : memref<80xi32, #tpu.memory_space<vmem>>) target_semaphore(%run_scoped3A_109 : memref<!tpu.dma_semaphore, #tpu.memory_space<semaphore_mem>>)
      %dma_wait3A_112 = tpu.memref_slice %arg3[%add3A_60] : memref<640000xi32, #tpu.memory_space<hbm>> -> memref<80xi32, #tpu.memory_space<hbm>>
      %dma_wait3A_113 = tpu.memref_slice %arg3[%add3A_60] : memref<640000xi32, #tpu.memory_space<hbm>> -> memref<80xi32, #tpu.memory_space<hbm>>
      tpu.wait_dma2 semaphore(%run_scoped3A_109 : memref<!tpu.dma_semaphore, #tpu.memory_space<semaphore_mem>>) src(%dma_wait3A_113 : memref<80xi32, #tpu.memory_space<hbm>>) dst(%arg9 : memref<80xi32, #tpu.memory_space<vmem>>)
      tpu.yield
    }) : () -> ()
    "tpu.region"() ({
      %run_scoped3A_109 = tpu.sem_alloc : memref<!tpu.dma_semaphore, #tpu.memory_space<semaphore_mem>>
      %dma_start3A_110 = tpu.memref_slice %arg5[%add3A_57] : memref<320000xi32, #tpu.memory_space<hbm>> -> memref<80xi32, #tpu.memory_space<hbm>>
      %dma_start3A_111 = tpu.memref_slice %arg5[%add3A_57] : memref<320000xi32, #tpu.memory_space<hbm>> -> memref<80xi32, #tpu.memory_space<hbm>>
      tpu.enqueue_dma source(%dma_start3A_111 : memref<80xi32, #tpu.memory_space<hbm>>) target(%arg13 : memref<80xi32, #tpu.memory_space<vmem>>) target_semaphore(%run_scoped3A_109 : memref<!tpu.dma_semaphore, #tpu.memory_space<semaphore_mem>>)
      %dma_wait3A_112 = tpu.memref_slice %arg5[%add3A_57] : memref<320000xi32, #tpu.memory_space<hbm>> -> memref<80xi32, #tpu.memory_space<hbm>>
      %dma_wait3A_113 = tpu.memref_slice %arg5[%add3A_57] : memref<320000xi32, #tpu.memory_space<hbm>> -> memref<80xi32, #tpu.memory_space<hbm>>
      tpu.wait_dma2 semaphore(%run_scoped3A_109 : memref<!tpu.dma_semaphore, #tpu.memory_space<semaphore_mem>>) src(%dma_wait3A_113 : memref<80xi32, #tpu.memory_space<hbm>>) dst(%arg13 : memref<80xi32, #tpu.memory_space<vmem>>)
      tpu.yield
    }) : () -> ()
    %dma_start3A_61 = arith.constant 0 : i32
    %dma_start3A_62 = arith.constant 0 : i32
    %dma_start3A_63 = tpu.memref_slice %arg2[%dma_start3A_61, %dma_start3A_62] : memref<20000x128xf32, #tpu.memory_space<hbm>> -> memref<20000x128xf32, #tpu.memory_space<hbm>>
    tpu.enqueue_indirect_dma source(%dma_start3A_63 : memref<20000x128xf32, #tpu.memory_space<hbm>>) target(%arg17 : memref<80x128xf32, #tpu.memory_space<vmem>>) offsets(%arg9 : memref<80xi32, #tpu.memory_space<vmem>>) semaphore(%arg21 : memref<!tpu.dma_semaphore, #tpu.memory_space<semaphore_mem>>)
    %add3A_64 = arith.constant 80 : i32
    %add3A_65 = arith.addi %mul3A_55, %add3A_64 : i32
    %mul3A_66 = arith.constant 320000 : i32
    %mul3A_67 = arith.muli %arg0, %mul3A_66 : i32
    %add3A_68 = arith.addi %mul3A_67, %add3A_65 : i32
    "tpu.region"() ({
      %run_scoped3A_109 = tpu.sem_alloc : memref<!tpu.dma_semaphore, #tpu.memory_space<semaphore_mem>>
      %dma_start3A_110 = tpu.memref_slice %arg3[%add3A_68] : memref<640000xi32, #tpu.memory_space<hbm>> -> memref<80xi32, #tpu.memory_space<hbm>>
      %dma_start3A_111 = tpu.memref_slice %arg3[%add3A_68] : memref<640000xi32, #tpu.memory_space<hbm>> -> memref<80xi32, #tpu.memory_space<hbm>>
      tpu.enqueue_dma source(%dma_start3A_111 : memref<80xi32, #tpu.memory_space<hbm>>) target(%arg10 : memref<80xi32, #tpu.memory_space<vmem>>) target_semaphore(%run_scoped3A_109 : memref<!tpu.dma_semaphore, #tpu.memory_space<semaphore_mem>>)
      %dma_wait3A_112 = tpu.memref_slice %arg3[%add3A_68] : memref<640000xi32, #tpu.memory_space<hbm>> -> memref<80xi32, #tpu.memory_space<hbm>>
      %dma_wait3A_113 = tpu.memref_slice %arg3[%add3A_68] : memref<640000xi32, #tpu.memory_space<hbm>> -> memref<80xi32, #tpu.memory_space<hbm>>
      tpu.wait_dma2 semaphore(%run_scoped3A_109 : memref<!tpu.dma_semaphore, #tpu.memory_space<semaphore_mem>>) src(%dma_wait3A_113 : memref<80xi32, #tpu.memory_space<hbm>>) dst(%arg10 : memref<80xi32, #tpu.memory_space<vmem>>)
      tpu.yield
    }) : () -> ()
    "tpu.region"() ({
      %run_scoped3A_109 = tpu.sem_alloc : memref<!tpu.dma_semaphore, #tpu.memory_space<semaphore_mem>>
      %dma_start3A_110 = tpu.memref_slice %arg5[%add3A_65] : memref<320000xi32, #tpu.memory_space<hbm>> -> memref<80xi32, #tpu.memory_space<hbm>>
      %dma_start3A_111 = tpu.memref_slice %arg5[%add3A_65] : memref<320000xi32, #tpu.memory_space<hbm>> -> memref<80xi32, #tpu.memory_space<hbm>>
      tpu.enqueue_dma source(%dma_start3A_111 : memref<80xi32, #tpu.memory_space<hbm>>) target(%arg14 : memref<80xi32, #tpu.memory_space<vmem>>) target_semaphore(%run_scoped3A_109 : memref<!tpu.dma_semaphore, #tpu.memory_space<semaphore_mem>>)
      %dma_wait3A_112 = tpu.memref_slice %arg5[%add3A_65] : memref<320000xi32, #tpu.memory_space<hbm>> -> memref<80xi32, #tpu.memory_space<hbm>>
      %dma_wait3A_113 = tpu.memref_slice %arg5[%add3A_65] : memref<320000xi32, #tpu.memory_space<hbm>> -> memref<80xi32, #tpu.memory_space<hbm>>
      tpu.wait_dma2 semaphore(%run_scoped3A_109 : memref<!tpu.dma_semaphore, #tpu.memory_space<semaphore_mem>>) src(%dma_wait3A_113 : memref<80xi32, #tpu.memory_space<hbm>>) dst(%arg14 : memref<80xi32, #tpu.memory_space<vmem>>)
      tpu.yield
    }) : () -> ()
    %dma_start3A_69 = arith.constant 0 : i32
    %dma_start3A_70 = arith.constant 0 : i32
    %dma_start3A_71 = tpu.memref_slice %arg2[%dma_start3A_69, %dma_start3A_70] : memref<20000x128xf32, #tpu.memory_space<hbm>> -> memref<20000x128xf32, #tpu.memory_space<hbm>>
    tpu.enqueue_indirect_dma source(%dma_start3A_71 : memref<20000x128xf32, #tpu.memory_space<hbm>>) target(%arg18 : memref<80x128xf32, #tpu.memory_space<vmem>>) offsets(%arg10 : memref<80xi32, #tpu.memory_space<vmem>>) semaphore(%arg22 : memref<!tpu.dma_semaphore, #tpu.memory_space<semaphore_mem>>)
    %scan3A_72 = arith.constant 0 : i32
    %scan3A_73 = arith.constant 0 : i32
    %scan3A_74 = arith.constant 62 : i32
    %scan3A_75 = arith.addi %scan3A_73, %scan3A_74 : i32
    %scan3A_76 = arith.constant 1 : i32
    scf.for %scan3A_109 = %scan3A_73 to %scan3A_75 step %scan3A_76  : i32 {
      %mul3A_110 = arith.constant 4 : i32
      %mul3A_111 = arith.muli %mul3A_110, %scan3A_109 : i32
      %dma_wait3A_112 = arith.constant 0 : i32
      %dma_wait3A_113 = arith.constant 0 : i32
      %dma_wait3A_114 = tpu.memref_slice %arg2[%dma_wait3A_112, %dma_wait3A_113] : memref<20000x128xf32, #tpu.memory_space<hbm>> -> memref<20000x128xf32, #tpu.memory_space<hbm>>
      tpu.wait_indirect_dma semaphore(%arg21 : memref<!tpu.dma_semaphore, #tpu.memory_space<semaphore_mem>>) src(%dma_wait3A_114 : memref<20000x128xf32, #tpu.memory_space<hbm>>) dst(%arg17 : memref<80x128xf32, #tpu.memory_space<vmem>>)
      %dma_start3A_115 = arith.constant 0 : i32
      %dma_start3A_116 = arith.constant 0 : i32
      %dma_start3A_117 = tpu.memref_slice %arg8[%dma_start3A_115, %dma_start3A_116] : memref<10112x128xf32, #tpu.memory_space<vmem_shared>> -> memref<10112x128xf32, #tpu.memory_space<vmem_shared>>
      tpu.enqueue_indirect_dma source(%arg17 : memref<80x128xf32, #tpu.memory_space<vmem>>) target(%dma_start3A_117 : memref<10112x128xf32, #tpu.memory_space<vmem_shared>>) offsets(%arg13 : memref<80xi32, #tpu.memory_space<vmem>>) semaphore(%arg25 : memref<!tpu.dma_semaphore, #tpu.memory_space<semaphore_mem>>) {add = true}
      %ge3A = arith.constant 1 : i32
      %ge3A_118 = arith.cmpi sge, %scan3A_109, %ge3A : i32
      %convert_element_type3A = arith.extui %ge3A_118 : i1 to i32
      %cond3A = arith.constant 0 : i32
      %cond3A_119 = arith.cmpi ne, %convert_element_type3A, %cond3A : i32
      scf.if %cond3A_119 {
        %dma_wait3A_201 = arith.constant 0 : i32
        %dma_wait3A_202 = arith.constant 0 : i32
        %dma_wait3A_203 = tpu.memref_slice %arg8[%dma_wait3A_201, %dma_wait3A_202] : memref<10112x128xf32, #tpu.memory_space<vmem_shared>> -> memref<10112x128xf32, #tpu.memory_space<vmem_shared>>
        tpu.wait_indirect_dma semaphore(%arg27 : memref<!tpu.dma_semaphore, #tpu.memory_space<semaphore_mem>>) src(%arg19 : memref<80x128xf32, #tpu.memory_space<vmem>>) dst(%dma_wait3A_203 : memref<10112x128xf32, #tpu.memory_space<vmem_shared>>)
      } else {
      }
      %add3A_120 = arith.constant 0 : i32
      %add3A_121 = arith.addi %mul3A_111, %add3A_120 : i32
      %add3A_122 = arith.constant 2 : i32
      %add3A_123 = arith.addi %add3A_121, %add3A_122 : i32
      %mul3A_124 = arith.constant 80 : i32
      %mul3A_125 = arith.muli %add3A_123, %mul3A_124 : i32
      %add3A_126 = arith.addi %mul3A_55, %mul3A_125 : i32
      %mul3A_127 = arith.constant 320000 : i32
      %mul3A_128 = arith.muli %arg0, %mul3A_127 : i32
      %add3A_129 = arith.addi %mul3A_128, %add3A_126 : i32
      "tpu.region"() ({
        %run_scoped3A_201 = tpu.sem_alloc : memref<!tpu.dma_semaphore, #tpu.memory_space<semaphore_mem>>
        %dma_start3A_202 = tpu.memref_slice %arg3[%add3A_129] : memref<640000xi32, #tpu.memory_space<hbm>> -> memref<80xi32, #tpu.memory_space<hbm>>
        %dma_start3A_203 = tpu.memref_slice %arg3[%add3A_129] : memref<640000xi32, #tpu.memory_space<hbm>> -> memref<80xi32, #tpu.memory_space<hbm>>
        tpu.enqueue_dma source(%dma_start3A_203 : memref<80xi32, #tpu.memory_space<hbm>>) target(%arg11 : memref<80xi32, #tpu.memory_space<vmem>>) target_semaphore(%run_scoped3A_201 : memref<!tpu.dma_semaphore, #tpu.memory_space<semaphore_mem>>)
        %dma_wait3A_204 = tpu.memref_slice %arg3[%add3A_129] : memref<640000xi32, #tpu.memory_space<hbm>> -> memref<80xi32, #tpu.memory_space<hbm>>
        %dma_wait3A_205 = tpu.memref_slice %arg3[%add3A_129] : memref<640000xi32, #tpu.memory_space<hbm>> -> memref<80xi32, #tpu.memory_space<hbm>>
        tpu.wait_dma2 semaphore(%run_scoped3A_201 : memref<!tpu.dma_semaphore, #tpu.memory_space<semaphore_mem>>) src(%dma_wait3A_205 : memref<80xi32, #tpu.memory_space<hbm>>) dst(%arg11 : memref<80xi32, #tpu.memory_space<vmem>>)
        tpu.yield
      }) : () -> ()
      "tpu.region"() ({
        %run_scoped3A_201 = tpu.sem_alloc : memref<!tpu.dma_semaphore, #tpu.memory_space<semaphore_mem>>
        %dma_start3A_202 = tpu.memref_slice %arg5[%add3A_126] : memref<320000xi32, #tpu.memory_space<hbm>> -> memref<80xi32, #tpu.memory_space<hbm>>
        %dma_start3A_203 = tpu.memref_slice %arg5[%add3A_126] : memref<320000xi32, #tpu.memory_space<hbm>> -> memref<80xi32, #tpu.memory_space<hbm>>
        tpu.enqueue_dma source(%dma_start3A_203 : memref<80xi32, #tpu.memory_space<hbm>>) target(%arg15 : memref<80xi32, #tpu.memory_space<vmem>>) target_semaphore(%run_scoped3A_201 : memref<!tpu.dma_semaphore, #tpu.memory_space<semaphore_mem>>)
        %dma_wait3A_204 = tpu.memref_slice %arg5[%add3A_126] : memref<320000xi32, #tpu.memory_space<hbm>> -> memref<80xi32, #tpu.memory_space<hbm>>
        %dma_wait3A_205 = tpu.memref_slice %arg5[%add3A_126] : memref<320000xi32, #tpu.memory_space<hbm>> -> memref<80xi32, #tpu.memory_space<hbm>>
        tpu.wait_dma2 semaphore(%run_scoped3A_201 : memref<!tpu.dma_semaphore, #tpu.memory_space<semaphore_mem>>) src(%dma_wait3A_205 : memref<80xi32, #tpu.memory_space<hbm>>) dst(%arg15 : memref<80xi32, #tpu.memory_space<vmem>>)
        tpu.yield
      }) : () -> ()
      %dma_start3A_130 = arith.constant 0 : i32
      %dma_start3A_131 = arith.constant 0 : i32
      %dma_start3A_132 = tpu.memref_slice %arg2[%dma_start3A_130, %dma_start3A_131] : memref<20000x128xf32, #tpu.memory_space<hbm>> -> memref<20000x128xf32, #tpu.memory_space<hbm>>
      tpu.enqueue_indirect_dma source(%dma_start3A_132 : memref<20000x128xf32, #tpu.memory_space<hbm>>) target(%arg19 : memref<80x128xf32, #tpu.memory_space<vmem>>) offsets(%arg11 : memref<80xi32, #tpu.memory_space<vmem>>) semaphore(%arg23 : memref<!tpu.dma_semaphore, #tpu.memory_space<semaphore_mem>>)
      %dma_wait3A_133 = arith.constant 0 : i32
      %dma_wait3A_134 = arith.constant 0 : i32
      %dma_wait3A_135 = tpu.memref_slice %arg2[%dma_wait3A_133, %dma_wait3A_134] : memref<20000x128xf32, #tpu.memory_space<hbm>> -> memref<20000x128xf32, #tpu.memory_space<hbm>>
      tpu.wait_indirect_dma semaphore(%arg22 : memref<!tpu.dma_semaphore, #tpu.memory_space<semaphore_mem>>) src(%dma_wait3A_135 : memref<20000x128xf32, #tpu.memory_space<hbm>>) dst(%arg18 : memref<80x128xf32, #tpu.memory_space<vmem>>)
      %dma_start3A_136 = arith.constant 0 : i32
      %dma_start3A_137 = arith.constant 0 : i32
      %dma_start3A_138 = tpu.memref_slice %arg8[%dma_start3A_136, %dma_start3A_137] : memref<10112x128xf32, #tpu.memory_space<vmem_shared>> -> memref<10112x128xf32, #tpu.memory_space<vmem_shared>>
      tpu.enqueue_indirect_dma source(%arg18 : memref<80x128xf32, #tpu.memory_space<vmem>>) target(%dma_start3A_138 : memref<10112x128xf32, #tpu.memory_space<vmem_shared>>) offsets(%arg14 : memref<80xi32, #tpu.memory_space<vmem>>) semaphore(%arg26 : memref<!tpu.dma_semaphore, #tpu.memory_space<semaphore_mem>>) {add = true}
      %ge3A_139 = arith.constant 1 : i32
      %ge3A_140 = arith.cmpi sge, %scan3A_109, %ge3A_139 : i32
      %convert_element_type3A_141 = arith.extui %ge3A_140 : i1 to i32
      %cond3A_142 = arith.constant 0 : i32
      %cond3A_143 = arith.cmpi ne, %convert_element_type3A_141, %cond3A_142 : i32
      scf.if %cond3A_143 {
        %dma_wait3A_201 = arith.constant 0 : i32
        %dma_wait3A_202 = arith.constant 0 : i32
        %dma_wait3A_203 = tpu.memref_slice %arg8[%dma_wait3A_201, %dma_wait3A_202] : memref<10112x128xf32, #tpu.memory_space<vmem_shared>> -> memref<10112x128xf32, #tpu.memory_space<vmem_shared>>
        tpu.wait_indirect_dma semaphore(%arg28 : memref<!tpu.dma_semaphore, #tpu.memory_space<semaphore_mem>>) src(%arg20 : memref<80x128xf32, #tpu.memory_space<vmem>>) dst(%dma_wait3A_203 : memref<10112x128xf32, #tpu.memory_space<vmem_shared>>)
      } else {
      }
      %add3A_144 = arith.constant 1 : i32
      %add3A_145 = arith.addi %mul3A_111, %add3A_144 : i32
      %add3A_146 = arith.constant 2 : i32
      %add3A_147 = arith.addi %add3A_145, %add3A_146 : i32
      %mul3A_148 = arith.constant 80 : i32
      %mul3A_149 = arith.muli %add3A_147, %mul3A_148 : i32
      %add3A_150 = arith.addi %mul3A_55, %mul3A_149 : i32
      %mul3A_151 = arith.constant 320000 : i32
      %mul3A_152 = arith.muli %arg0, %mul3A_151 : i32
      %add3A_153 = arith.addi %mul3A_152, %add3A_150 : i32
      "tpu.region"() ({
        %run_scoped3A_201 = tpu.sem_alloc : memref<!tpu.dma_semaphore, #tpu.memory_space<semaphore_mem>>
        %dma_start3A_202 = tpu.memref_slice %arg3[%add3A_153] : memref<640000xi32, #tpu.memory_space<hbm>> -> memref<80xi32, #tpu.memory_space<hbm>>
        %dma_start3A_203 = tpu.memref_slice %arg3[%add3A_153] : memref<640000xi32, #tpu.memory_space<hbm>> -> memref<80xi32, #tpu.memory_space<hbm>>
        tpu.enqueue_dma source(%dma_start3A_203 : memref<80xi32, #tpu.memory_space<hbm>>) target(%arg12 : memref<80xi32, #tpu.memory_space<vmem>>) target_semaphore(%run_scoped3A_201 : memref<!tpu.dma_semaphore, #tpu.memory_space<semaphore_mem>>)
        %dma_wait3A_204 = tpu.memref_slice %arg3[%add3A_153] : memref<640000xi32, #tpu.memory_space<hbm>> -> memref<80xi32, #tpu.memory_space<hbm>>
        %dma_wait3A_205 = tpu.memref_slice %arg3[%add3A_153] : memref<640000xi32, #tpu.memory_space<hbm>> -> memref<80xi32, #tpu.memory_space<hbm>>
        tpu.wait_dma2 semaphore(%run_scoped3A_201 : memref<!tpu.dma_semaphore, #tpu.memory_space<semaphore_mem>>) src(%dma_wait3A_205 : memref<80xi32, #tpu.memory_space<hbm>>) dst(%arg12 : memref<80xi32, #tpu.memory_space<vmem>>)
        tpu.yield
      }) : () -> ()
      "tpu.region"() ({
        %run_scoped3A_201 = tpu.sem_alloc : memref<!tpu.dma_semaphore, #tpu.memory_space<semaphore_mem>>
        %dma_start3A_202 = tpu.memref_slice %arg5[%add3A_150] : memref<320000xi32, #tpu.memory_space<hbm>> -> memref<80xi32, #tpu.memory_space<hbm>>
        %dma_start3A_203 = tpu.memref_slice %arg5[%add3A_150] : memref<320000xi32, #tpu.memory_space<hbm>> -> memref<80xi32, #tpu.memory_space<hbm>>
        tpu.enqueue_dma source(%dma_start3A_203 : memref<80xi32, #tpu.memory_space<hbm>>) target(%arg16 : memref<80xi32, #tpu.memory_space<vmem>>) target_semaphore(%run_scoped3A_201 : memref<!tpu.dma_semaphore, #tpu.memory_space<semaphore_mem>>)
        %dma_wait3A_204 = tpu.memref_slice %arg5[%add3A_150] : memref<320000xi32, #tpu.memory_space<hbm>> -> memref<80xi32, #tpu.memory_space<hbm>>
        %dma_wait3A_205 = tpu.memref_slice %arg5[%add3A_150] : memref<320000xi32, #tpu.memory_space<hbm>> -> memref<80xi32, #tpu.memory_space<hbm>>
        tpu.wait_dma2 semaphore(%run_scoped3A_201 : memref<!tpu.dma_semaphore, #tpu.memory_space<semaphore_mem>>) src(%dma_wait3A_205 : memref<80xi32, #tpu.memory_space<hbm>>) dst(%arg16 : memref<80xi32, #tpu.memory_space<vmem>>)
        tpu.yield
      }) : () -> ()
      %dma_start3A_154 = arith.constant 0 : i32
      %dma_start3A_155 = arith.constant 0 : i32
      %dma_start3A_156 = tpu.memref_slice %arg2[%dma_start3A_154, %dma_start3A_155] : memref<20000x128xf32, #tpu.memory_space<hbm>> -> memref<20000x128xf32, #tpu.memory_space<hbm>>
      tpu.enqueue_indirect_dma source(%dma_start3A_156 : memref<20000x128xf32, #tpu.memory_space<hbm>>) target(%arg20 : memref<80x128xf32, #tpu.memory_space<vmem>>) offsets(%arg12 : memref<80xi32, #tpu.memory_space<vmem>>) semaphore(%arg24 : memref<!tpu.dma_semaphore, #tpu.memory_space<semaphore_mem>>)
      %dma_wait3A_157 = arith.constant 0 : i32
      %dma_wait3A_158 = arith.constant 0 : i32
      %dma_wait3A_159 = tpu.memref_slice %arg2[%dma_wait3A_157, %dma_wait3A_158] : memref<20000x128xf32, #tpu.memory_space<hbm>> -> memref<20000x128xf32, #tpu.memory_space<hbm>>
      tpu.wait_indirect_dma semaphore(%arg23 : memref<!tpu.dma_semaphore, #tpu.memory_space<semaphore_mem>>) src(%dma_wait3A_159 : memref<20000x128xf32, #tpu.memory_space<hbm>>) dst(%arg19 : memref<80x128xf32, #tpu.memory_space<vmem>>)
      %dma_start3A_160 = arith.constant 0 : i32
      %dma_start3A_161 = arith.constant 0 : i32
      %dma_start3A_162 = tpu.memref_slice %arg8[%dma_start3A_160, %dma_start3A_161] : memref<10112x128xf32, #tpu.memory_space<vmem_shared>> -> memref<10112x128xf32, #tpu.memory_space<vmem_shared>>
      tpu.enqueue_indirect_dma source(%arg19 : memref<80x128xf32, #tpu.memory_space<vmem>>) target(%dma_start3A_162 : memref<10112x128xf32, #tpu.memory_space<vmem_shared>>) offsets(%arg15 : memref<80xi32, #tpu.memory_space<vmem>>) semaphore(%arg27 : memref<!tpu.dma_semaphore, #tpu.memory_space<semaphore_mem>>) {add = true}
      %dma_wait3A_163 = arith.constant 0 : i32
      %dma_wait3A_164 = arith.constant 0 : i32
      %dma_wait3A_165 = tpu.memref_slice %arg8[%dma_wait3A_163, %dma_wait3A_164] : memref<10112x128xf32, #tpu.memory_space<vmem_shared>> -> memref<10112x128xf32, #tpu.memory_space<vmem_shared>>
      tpu.wait_indirect_dma semaphore(%arg25 : memref<!tpu.dma_semaphore, #tpu.memory_space<semaphore_mem>>) src(%arg17 : memref<80x128xf32, #tpu.memory_space<vmem>>) dst(%dma_wait3A_165 : memref<10112x128xf32, #tpu.memory_space<vmem_shared>>)
      %add3A_166 = arith.constant 2 : i32
      %add3A_167 = arith.addi %mul3A_111, %add3A_166 : i32
      %add3A_168 = arith.constant 2 : i32
      %add3A_169 = arith.addi %add3A_167, %add3A_168 : i32
      %mul3A_170 = arith.constant 80 : i32
      %mul3A_171 = arith.muli %add3A_169, %mul3A_170 : i32
      %add3A_172 = arith.addi %mul3A_55, %mul3A_171 : i32
      %mul3A_173 = arith.constant 320000 : i32
      %mul3A_174 = arith.muli %arg0, %mul3A_173 : i32
      %add3A_175 = arith.addi %mul3A_174, %add3A_172 : i32
      "tpu.region"() ({
        %run_scoped3A_201 = tpu.sem_alloc : memref<!tpu.dma_semaphore, #tpu.memory_space<semaphore_mem>>
        %dma_start3A_202 = tpu.memref_slice %arg3[%add3A_175] : memref<640000xi32, #tpu.memory_space<hbm>> -> memref<80xi32, #tpu.memory_space<hbm>>
        %dma_start3A_203 = tpu.memref_slice %arg3[%add3A_175] : memref<640000xi32, #tpu.memory_space<hbm>> -> memref<80xi32, #tpu.memory_space<hbm>>
        tpu.enqueue_dma source(%dma_start3A_203 : memref<80xi32, #tpu.memory_space<hbm>>) target(%arg9 : memref<80xi32, #tpu.memory_space<vmem>>) target_semaphore(%run_scoped3A_201 : memref<!tpu.dma_semaphore, #tpu.memory_space<semaphore_mem>>)
        %dma_wait3A_204 = tpu.memref_slice %arg3[%add3A_175] : memref<640000xi32, #tpu.memory_space<hbm>> -> memref<80xi32, #tpu.memory_space<hbm>>
        %dma_wait3A_205 = tpu.memref_slice %arg3[%add3A_175] : memref<640000xi32, #tpu.memory_space<hbm>> -> memref<80xi32, #tpu.memory_space<hbm>>
        tpu.wait_dma2 semaphore(%run_scoped3A_201 : memref<!tpu.dma_semaphore, #tpu.memory_space<semaphore_mem>>) src(%dma_wait3A_205 : memref<80xi32, #tpu.memory_space<hbm>>) dst(%arg9 : memref<80xi32, #tpu.memory_space<vmem>>)
        tpu.yield
      }) : () -> ()
      "tpu.region"() ({
        %run_scoped3A_201 = tpu.sem_alloc : memref<!tpu.dma_semaphore, #tpu.memory_space<semaphore_mem>>
        %dma_start3A_202 = tpu.memref_slice %arg5[%add3A_172] : memref<320000xi32, #tpu.memory_space<hbm>> -> memref<80xi32, #tpu.memory_space<hbm>>
        %dma_start3A_203 = tpu.memref_slice %arg5[%add3A_172] : memref<320000xi32, #tpu.memory_space<hbm>> -> memref<80xi32, #tpu.memory_space<hbm>>
        tpu.enqueue_dma source(%dma_start3A_203 : memref<80xi32, #tpu.memory_space<hbm>>) target(%arg13 : memref<80xi32, #tpu.memory_space<vmem>>) target_semaphore(%run_scoped3A_201 : memref<!tpu.dma_semaphore, #tpu.memory_space<semaphore_mem>>)
        %dma_wait3A_204 = tpu.memref_slice %arg5[%add3A_172] : memref<320000xi32, #tpu.memory_space<hbm>> -> memref<80xi32, #tpu.memory_space<hbm>>
        %dma_wait3A_205 = tpu.memref_slice %arg5[%add3A_172] : memref<320000xi32, #tpu.memory_space<hbm>> -> memref<80xi32, #tpu.memory_space<hbm>>
        tpu.wait_dma2 semaphore(%run_scoped3A_201 : memref<!tpu.dma_semaphore, #tpu.memory_space<semaphore_mem>>) src(%dma_wait3A_205 : memref<80xi32, #tpu.memory_space<hbm>>) dst(%arg13 : memref<80xi32, #tpu.memory_space<vmem>>)
        tpu.yield
      }) : () -> ()
      %dma_start3A_176 = arith.constant 0 : i32
      %dma_start3A_177 = arith.constant 0 : i32
      %dma_start3A_178 = tpu.memref_slice %arg2[%dma_start3A_176, %dma_start3A_177] : memref<20000x128xf32, #tpu.memory_space<hbm>> -> memref<20000x128xf32, #tpu.memory_space<hbm>>
      tpu.enqueue_indirect_dma source(%dma_start3A_178 : memref<20000x128xf32, #tpu.memory_space<hbm>>) target(%arg17 : memref<80x128xf32, #tpu.memory_space<vmem>>) offsets(%arg9 : memref<80xi32, #tpu.memory_space<vmem>>) semaphore(%arg21 : memref<!tpu.dma_semaphore, #tpu.memory_space<semaphore_mem>>)
      %dma_wait3A_179 = arith.constant 0 : i32
      %dma_wait3A_180 = arith.constant 0 : i32
      %dma_wait3A_181 = tpu.memref_slice %arg2[%dma_wait3A_179, %dma_wait3A_180] : memref<20000x128xf32, #tpu.memory_space<hbm>> -> memref<20000x128xf32, #tpu.memory_space<hbm>>
      tpu.wait_indirect_dma semaphore(%arg24 : memref<!tpu.dma_semaphore, #tpu.memory_space<semaphore_mem>>) src(%dma_wait3A_181 : memref<20000x128xf32, #tpu.memory_space<hbm>>) dst(%arg20 : memref<80x128xf32, #tpu.memory_space<vmem>>)
      %dma_start3A_182 = arith.constant 0 : i32
      %dma_start3A_183 = arith.constant 0 : i32
      %dma_start3A_184 = tpu.memref_slice %arg8[%dma_start3A_182, %dma_start3A_183] : memref<10112x128xf32, #tpu.memory_space<vmem_shared>> -> memref<10112x128xf32, #tpu.memory_space<vmem_shared>>
      tpu.enqueue_indirect_dma source(%arg20 : memref<80x128xf32, #tpu.memory_space<vmem>>) target(%dma_start3A_184 : memref<10112x128xf32, #tpu.memory_space<vmem_shared>>) offsets(%arg16 : memref<80xi32, #tpu.memory_space<vmem>>) semaphore(%arg28 : memref<!tpu.dma_semaphore, #tpu.memory_space<semaphore_mem>>) {add = true}
      %dma_wait3A_185 = arith.constant 0 : i32
      %dma_wait3A_186 = arith.constant 0 : i32
      %dma_wait3A_187 = tpu.memref_slice %arg8[%dma_wait3A_185, %dma_wait3A_186] : memref<10112x128xf32, #tpu.memory_space<vmem_shared>> -> memref<10112x128xf32, #tpu.memory_space<vmem_shared>>
      tpu.wait_indirect_dma semaphore(%arg26 : memref<!tpu.dma_semaphore, #tpu.memory_space<semaphore_mem>>) src(%arg18 : memref<80x128xf32, #tpu.memory_space<vmem>>) dst(%dma_wait3A_187 : memref<10112x128xf32, #tpu.memory_space<vmem_shared>>)
      %add3A_188 = arith.constant 3 : i32
      %add3A_189 = arith.addi %mul3A_111, %add3A_188 : i32
      %add3A_190 = arith.constant 2 : i32
      %add3A_191 = arith.addi %add3A_189, %add3A_190 : i32
      %mul3A_192 = arith.constant 80 : i32
      %mul3A_193 = arith.muli %add3A_191, %mul3A_192 : i32
      %add3A_194 = arith.addi %mul3A_55, %mul3A_193 : i32
      %mul3A_195 = arith.constant 320000 : i32
      %mul3A_196 = arith.muli %arg0, %mul3A_195 : i32
      %add3A_197 = arith.addi %mul3A_196, %add3A_194 : i32
      "tpu.region"() ({
        %run_scoped3A_201 = tpu.sem_alloc : memref<!tpu.dma_semaphore, #tpu.memory_space<semaphore_mem>>
        %dma_start3A_202 = tpu.memref_slice %arg3[%add3A_197] : memref<640000xi32, #tpu.memory_space<hbm>> -> memref<80xi32, #tpu.memory_space<hbm>>
        %dma_start3A_203 = tpu.memref_slice %arg3[%add3A_197] : memref<640000xi32, #tpu.memory_space<hbm>> -> memref<80xi32, #tpu.memory_space<hbm>>
        tpu.enqueue_dma source(%dma_start3A_203 : memref<80xi32, #tpu.memory_space<hbm>>) target(%arg10 : memref<80xi32, #tpu.memory_space<vmem>>) target_semaphore(%run_scoped3A_201 : memref<!tpu.dma_semaphore, #tpu.memory_space<semaphore_mem>>)
        %dma_wait3A_204 = tpu.memref_slice %arg3[%add3A_197] : memref<640000xi32, #tpu.memory_space<hbm>> -> memref<80xi32, #tpu.memory_space<hbm>>
        %dma_wait3A_205 = tpu.memref_slice %arg3[%add3A_197] : memref<640000xi32, #tpu.memory_space<hbm>> -> memref<80xi32, #tpu.memory_space<hbm>>
        tpu.wait_dma2 semaphore(%run_scoped3A_201 : memref<!tpu.dma_semaphore, #tpu.memory_space<semaphore_mem>>) src(%dma_wait3A_205 : memref<80xi32, #tpu.memory_space<hbm>>) dst(%arg10 : memref<80xi32, #tpu.memory_space<vmem>>)
        tpu.yield
      }) : () -> ()
      "tpu.region"() ({
        %run_scoped3A_201 = tpu.sem_alloc : memref<!tpu.dma_semaphore, #tpu.memory_space<semaphore_mem>>
        %dma_start3A_202 = tpu.memref_slice %arg5[%add3A_194] : memref<320000xi32, #tpu.memory_space<hbm>> -> memref<80xi32, #tpu.memory_space<hbm>>
        %dma_start3A_203 = tpu.memref_slice %arg5[%add3A_194] : memref<320000xi32, #tpu.memory_space<hbm>> -> memref<80xi32, #tpu.memory_space<hbm>>
        tpu.enqueue_dma source(%dma_start3A_203 : memref<80xi32, #tpu.memory_space<hbm>>) target(%arg14 : memref<80xi32, #tpu.memory_space<vmem>>) target_semaphore(%run_scoped3A_201 : memref<!tpu.dma_semaphore, #tpu.memory_space<semaphore_mem>>)
        %dma_wait3A_204 = tpu.memref_slice %arg5[%add3A_194] : memref<320000xi32, #tpu.memory_space<hbm>> -> memref<80xi32, #tpu.memory_space<hbm>>
        %dma_wait3A_205 = tpu.memref_slice %arg5[%add3A_194] : memref<320000xi32, #tpu.memory_space<hbm>> -> memref<80xi32, #tpu.memory_space<hbm>>
        tpu.wait_dma2 semaphore(%run_scoped3A_201 : memref<!tpu.dma_semaphore, #tpu.memory_space<semaphore_mem>>) src(%dma_wait3A_205 : memref<80xi32, #tpu.memory_space<hbm>>) dst(%arg14 : memref<80xi32, #tpu.memory_space<vmem>>)
        tpu.yield
      }) : () -> ()
      %dma_start3A_198 = arith.constant 0 : i32
      %dma_start3A_199 = arith.constant 0 : i32
      %dma_start3A_200 = tpu.memref_slice %arg2[%dma_start3A_198, %dma_start3A_199] : memref<20000x128xf32, #tpu.memory_space<hbm>> -> memref<20000x128xf32, #tpu.memory_space<hbm>>
      tpu.enqueue_indirect_dma source(%dma_start3A_200 : memref<20000x128xf32, #tpu.memory_space<hbm>>) target(%arg18 : memref<80x128xf32, #tpu.memory_space<vmem>>) offsets(%arg10 : memref<80xi32, #tpu.memory_space<vmem>>) semaphore(%arg22 : memref<!tpu.dma_semaphore, #tpu.memory_space<semaphore_mem>>)
    }
    %scan3A_77 = arith.constant 62 : i32
    %dma_wait3A_78 = arith.constant 0 : i32
    %dma_wait3A_79 = arith.constant 0 : i32
    %dma_wait3A_80 = tpu.memref_slice %arg2[%dma_wait3A_78, %dma_wait3A_79] : memref<20000x128xf32, #tpu.memory_space<hbm>> -> memref<20000x128xf32, #tpu.memory_space<hbm>>
    tpu.wait_indirect_dma semaphore(%arg21 : memref<!tpu.dma_semaphore, #tpu.memory_space<semaphore_mem>>) src(%dma_wait3A_80 : memref<20000x128xf32, #tpu.memory_space<hbm>>) dst(%arg17 : memref<80x128xf32, #tpu.memory_space<vmem>>)
    %dma_start3A_81 = arith.constant 0 : i32
    %dma_start3A_82 = arith.constant 0 : i32
    %dma_start3A_83 = tpu.memref_slice %arg8[%dma_start3A_81, %dma_start3A_82] : memref<10112x128xf32, #tpu.memory_space<vmem_shared>> -> memref<10112x128xf32, #tpu.memory_space<vmem_shared>>
    tpu.enqueue_indirect_dma source(%arg17 : memref<80x128xf32, #tpu.memory_space<vmem>>) target(%dma_start3A_83 : memref<10112x128xf32, #tpu.memory_space<vmem_shared>>) offsets(%arg13 : memref<80xi32, #tpu.memory_space<vmem>>) semaphore(%arg25 : memref<!tpu.dma_semaphore, #tpu.memory_space<semaphore_mem>>) {add = true}
    %dma_wait3A_84 = arith.constant 0 : i32
    %dma_wait3A_85 = arith.constant 0 : i32
    %dma_wait3A_86 = tpu.memref_slice %arg2[%dma_wait3A_84, %dma_wait3A_85] : memref<20000x128xf32, #tpu.memory_space<hbm>> -> memref<20000x128xf32, #tpu.memory_space<hbm>>
    tpu.wait_indirect_dma semaphore(%arg22 : memref<!tpu.dma_semaphore, #tpu.memory_space<semaphore_mem>>) src(%dma_wait3A_86 : memref<20000x128xf32, #tpu.memory_space<hbm>>) dst(%arg18 : memref<80x128xf32, #tpu.memory_space<vmem>>)
    %dma_start3A_87 = arith.constant 0 : i32
    %dma_start3A_88 = arith.constant 0 : i32
    %dma_start3A_89 = tpu.memref_slice %arg8[%dma_start3A_87, %dma_start3A_88] : memref<10112x128xf32, #tpu.memory_space<vmem_shared>> -> memref<10112x128xf32, #tpu.memory_space<vmem_shared>>
    tpu.enqueue_indirect_dma source(%arg18 : memref<80x128xf32, #tpu.memory_space<vmem>>) target(%dma_start3A_89 : memref<10112x128xf32, #tpu.memory_space<vmem_shared>>) offsets(%arg14 : memref<80xi32, #tpu.memory_space<vmem>>) semaphore(%arg26 : memref<!tpu.dma_semaphore, #tpu.memory_space<semaphore_mem>>) {add = true}
    %dma_wait3A_90 = arith.constant 0 : i32
    %dma_wait3A_91 = arith.constant 0 : i32
    %dma_wait3A_92 = tpu.memref_slice %arg8[%dma_wait3A_90, %dma_wait3A_91] : memref<10112x128xf32, #tpu.memory_space<vmem_shared>> -> memref<10112x128xf32, #tpu.memory_space<vmem_shared>>
    tpu.wait_indirect_dma semaphore(%arg25 : memref<!tpu.dma_semaphore, #tpu.memory_space<semaphore_mem>>) src(%arg17 : memref<80x128xf32, #tpu.memory_space<vmem>>) dst(%dma_wait3A_92 : memref<10112x128xf32, #tpu.memory_space<vmem_shared>>)
    %dma_wait3A_93 = arith.constant 0 : i32
    %dma_wait3A_94 = arith.constant 0 : i32
    %dma_wait3A_95 = tpu.memref_slice %arg8[%dma_wait3A_93, %dma_wait3A_94] : memref<10112x128xf32, #tpu.memory_space<vmem_shared>> -> memref<10112x128xf32, #tpu.memory_space<vmem_shared>>
    tpu.wait_indirect_dma semaphore(%arg26 : memref<!tpu.dma_semaphore, #tpu.memory_space<semaphore_mem>>) src(%arg18 : memref<80x128xf32, #tpu.memory_space<vmem>>) dst(%dma_wait3A_95 : memref<10112x128xf32, #tpu.memory_space<vmem_shared>>)
    %dma_wait3A_96 = arith.constant 0 : i32
    %dma_wait3A_97 = arith.constant 0 : i32
    %dma_wait3A_98 = tpu.memref_slice %arg8[%dma_wait3A_96, %dma_wait3A_97] : memref<10112x128xf32, #tpu.memory_space<vmem_shared>> -> memref<10112x128xf32, #tpu.memory_space<vmem_shared>>
    tpu.wait_indirect_dma semaphore(%arg27 : memref<!tpu.dma_semaphore, #tpu.memory_space<semaphore_mem>>) src(%arg19 : memref<80x128xf32, #tpu.memory_space<vmem>>) dst(%dma_wait3A_98 : memref<10112x128xf32, #tpu.memory_space<vmem_shared>>)
    %dma_wait3A_99 = arith.constant 0 : i32
    %dma_wait3A_100 = arith.constant 0 : i32
    %dma_wait3A_101 = tpu.memref_slice %arg8[%dma_wait3A_99, %dma_wait3A_100] : memref<10112x128xf32, #tpu.memory_space<vmem_shared>> -> memref<10112x128xf32, #tpu.memory_space<vmem_shared>>
    tpu.wait_indirect_dma semaphore(%arg28 : memref<!tpu.dma_semaphore, #tpu.memory_space<semaphore_mem>>) src(%arg20 : memref<80x128xf32, #tpu.memory_space<vmem>>) dst(%dma_wait3A_101 : memref<10112x128xf32, #tpu.memory_space<vmem_shared>>)
    %barrier3A_102 = arith.constant 0 : index
    tpu.barrier barrier_id(%barrier3A_102)
    %mul3A_103 = arith.constant 632 : i32
    %mul3A_104 = arith.muli %arg1, %mul3A_103 : i32
    %mul3A_105 = arith.constant 632 : i32
    %mul3A_106 = arith.muli %arg1, %mul3A_105 : i32
    %run_scoped3A_107 = arith.constant 1 : i32
    "tpu.region"() ({
      %run_scoped3A_109 = tpu.sem_alloc : memref<!tpu.dma_semaphore, #tpu.memory_space<semaphore_mem>>
      %dma_start3A_110 = arith.constant 0 : i32
      %dma_start3A_111 = tpu.memref_slice %arg7[%arg0, %run_scoped3A_107, %mul3A_106, %dma_start3A_110] : memref<2x2x10112x128xf32, #tpu.memory_space<hbm>> -> memref<1x1x632x128xf32, #tpu.memory_space<hbm>>
      %dma_start3A_112 = tpu.memref_squeeze %dma_start3A_111 : memref<1x1x632x128xf32, #tpu.memory_space<hbm>> -> memref<632x128xf32, #tpu.memory_space<hbm>>
      %dma_start3A_113 = arith.constant 0 : i32
      %dma_start3A_114 = tpu.memref_slice %arg8[%mul3A_104, %dma_start3A_113] : memref<10112x128xf32, #tpu.memory_space<vmem_shared>> -> memref<632x128xf32, #tpu.memory_space<vmem_shared>>
      tpu.enqueue_dma source(%dma_start3A_114 : memref<632x128xf32, #tpu.memory_space<vmem_shared>>) target(%dma_start3A_112 : memref<632x128xf32, #tpu.memory_space<hbm>>) target_semaphore(%run_scoped3A_109 : memref<!tpu.dma_semaphore, #tpu.memory_space<semaphore_mem>>)
      %dma_wait3A_115 = arith.constant 0 : i32
      %dma_wait3A_116 = tpu.memref_slice %arg7[%arg0, %run_scoped3A_107, %mul3A_106, %dma_wait3A_115] : memref<2x2x10112x128xf32, #tpu.memory_space<hbm>> -> memref<1x1x632x128xf32, #tpu.memory_space<hbm>>
      %dma_wait3A_117 = tpu.memref_squeeze %dma_wait3A_116 : memref<1x1x632x128xf32, #tpu.memory_space<hbm>> -> memref<632x128xf32, #tpu.memory_space<hbm>>
      %dma_wait3A_118 = arith.constant 0 : i32
      %dma_wait3A_119 = tpu.memref_slice %arg8[%mul3A_104, %dma_wait3A_118] : memref<10112x128xf32, #tpu.memory_space<vmem_shared>> -> memref<632x128xf32, #tpu.memory_space<vmem_shared>>
      tpu.wait_dma2 semaphore(%run_scoped3A_109 : memref<!tpu.dma_semaphore, #tpu.memory_space<semaphore_mem>>) src(%dma_wait3A_119 : memref<632x128xf32, #tpu.memory_space<vmem_shared>>) dst(%dma_wait3A_117 : memref<632x128xf32, #tpu.memory_space<hbm>>)
      tpu.yield
    }) : () -> ()
    %barrier3A_108 = arith.constant 0 : index
    tpu.barrier barrier_id(%barrier3A_108)
    return
  }
}

module attributes {stable_mosaic.version = 14 : i64} {
  func.func @_layer_body(%arg0: i32, %arg1: memref<2x1000x128xf32, #tpu.memory_space<vmem>>, %arg2: memref<1x1x1000x128xf32, #tpu.memory_space<vmem>>, %arg3: memref<1x1x1000x128xf32, #tpu.memory_space<vmem>>, %arg4: memref<1x1x1000x128xf32, #tpu.memory_space<vmem>>, %arg5: memref<1x1x1000x128xf32, #tpu.memory_space<vmem>>, %arg6: memref<2x200x200xf32, #tpu.memory_space<vmem>>, %arg7: memref<2x2xf32, #tpu.memory_space<vmem>>, %arg8: memref<200x200xf32, #tpu.memory_space<vmem>>, %arg9: memref<1x200xf32, #tpu.memory_space<vmem>>, %arg10: memref<2x1000x128xf32, #tpu.memory_space<vmem>>) attributes {dimension_semantics = [#tpu.dimension_semantics<arbitrary>], iteration_bounds = array<i64: 10>, scalar_prefetch = 0 : i64, scratch_operands = 0 : i64, tpu.core_type = #tpu.core_type<tc>, window_params = [{transform_indices = @transform_0, window_bounds = array<i64: 2, 1000, 128>}, {transform_indices = @transform_1, window_bounds = array<i64: 1, 1, 1000, 128>}, {transform_indices = @transform_2, window_bounds = array<i64: 1, 1, 1000, 128>}, {transform_indices = @transform_3, window_bounds = array<i64: 1, 1, 1000, 128>}, {transform_indices = @transform_4, window_bounds = array<i64: 1, 1, 1000, 128>}, {pipeline_mode = #tpu.pipeline_mode<synchronous>, transform_indices = @transform_5, window_bounds = array<i64: 2, 200, 200>}, {pipeline_mode = #tpu.pipeline_mode<synchronous>, transform_indices = @transform_6, window_bounds = array<i64: 2, 2>}, {pipeline_mode = #tpu.pipeline_mode<synchronous>, transform_indices = @transform_7, window_bounds = array<i64: 200, 200>}, {pipeline_mode = #tpu.pipeline_mode<synchronous>, transform_indices = @transform_8, window_bounds = array<i64: 1, 200>}, {transform_indices = @transform_9, window_bounds = array<i64: 2, 1000, 128>}]} {
    %get3A = arith.constant 0 : index
    %get3A_0 = arith.constant 0 : index
    %get3A_1 = arith.constant 0 : index
    %get3A_2 = vector.load %arg1[%get3A, %get3A_0, %get3A_1] : memref<2x1000x128xf32, #tpu.memory_space<vmem>>, vector<1x1000x128xf32>
    %get3A_3 = vector.shape_cast %get3A_2 : vector<1x1000x128xf32> to vector<1000x128xf32>
    %slice3A = vector.extract_strided_slice %get3A_3 {offsets = [0, 0], sizes = [1000, 100], strides = [1, 1]} : vector<1000x128xf32> to vector<1000x100xf32>
    %get3A_4 = arith.constant 1 : index
    %get3A_5 = arith.constant 0 : index
    %get3A_6 = arith.constant 0 : index
    %get3A_7 = vector.load %arg1[%get3A_4, %get3A_5, %get3A_6] : memref<2x1000x128xf32, #tpu.memory_space<vmem>>, vector<1x1000x128xf32>
    %get3A_8 = vector.shape_cast %get3A_7 : vector<1x1000x128xf32> to vector<1000x128xf32>
    %slice3A_9 = vector.extract_strided_slice %get3A_8 {offsets = [0, 0], sizes = [1000, 100], strides = [1, 1]} : vector<1000x128xf32> to vector<1000x100xf32>
    %concatenate3A = tpu.concatenate %slice3A, %slice3A_9 in 1 : vector<1000x100xf32>, vector<1000x100xf32> -> vector<1000x200xf32>
    %get3A_10 = arith.constant 0 : index
    %get3A_11 = arith.constant 0 : index
    %get3A_12 = vector.load %arg7[%get3A_10, %get3A_11] : memref<2x2xf32, #tpu.memory_space<vmem>>, vector<2x2xf32>
    %get3A_13 = arith.constant 0 : index
    %get3A_14 = arith.constant 0 : index
    %get3A_15 = arith.constant 0 : index
    %get3A_16 = vector.load %arg6[%get3A_13, %get3A_14, %get3A_15] : memref<2x200x200xf32, #tpu.memory_space<vmem>>, vector<2x200x200xf32>
    %slice3A_17 = vector.extract_strided_slice %get3A_12 {offsets = [0, 0], sizes = [1, 1], strides = [1, 1]} : vector<2x2xf32> to vector<1x1xf32>
    %squeeze3A = vector.extract %slice3A_17[0, 0] : f32 from vector<1x1xf32>
    %slice3A_18 = vector.extract_strided_slice %get3A_16 {offsets = [0, 0, 0], sizes = [1, 200, 200], strides = [1, 1, 1]} : vector<2x200x200xf32> to vector<1x200x200xf32>
    %squeeze3A_19 = vector.shape_cast %slice3A_18 : vector<1x200x200xf32> to vector<200x200xf32>
    %mul3A = vector.broadcast %squeeze3A : f32 to vector<200x200xf32>
    %mul3A_20 = arith.mulf %mul3A, %squeeze3A_19 : vector<200x200xf32>
    %slice3A_21 = vector.extract_strided_slice %get3A_12 {offsets = [0, 1], sizes = [1, 1], strides = [1, 1]} : vector<2x2xf32> to vector<1x1xf32>
    %squeeze3A_22 = vector.extract %slice3A_21[0, 0] : f32 from vector<1x1xf32>
    %slice3A_23 = vector.extract_strided_slice %get3A_16 {offsets = [1, 0, 0], sizes = [1, 200, 200], strides = [1, 1, 1]} : vector<2x200x200xf32> to vector<1x200x200xf32>
    %squeeze3A_24 = vector.shape_cast %slice3A_23 : vector<1x200x200xf32> to vector<200x200xf32>
    %mul3A_25 = vector.broadcast %squeeze3A_22 : f32 to vector<200x200xf32>
    %mul3A_26 = arith.mulf %mul3A_25, %squeeze3A_24 : vector<200x200xf32>
    %add3A = arith.addf %mul3A_20, %mul3A_26 : vector<200x200xf32>
    %slice3A_27 = vector.extract_strided_slice %get3A_12 {offsets = [1, 0], sizes = [1, 1], strides = [1, 1]} : vector<2x2xf32> to vector<1x1xf32>
    %squeeze3A_28 = vector.extract %slice3A_27[0, 0] : f32 from vector<1x1xf32>
    %slice3A_29 = vector.extract_strided_slice %get3A_16 {offsets = [0, 0, 0], sizes = [1, 200, 200], strides = [1, 1, 1]} : vector<2x200x200xf32> to vector<1x200x200xf32>
    %squeeze3A_30 = vector.shape_cast %slice3A_29 : vector<1x200x200xf32> to vector<200x200xf32>
    %mul3A_31 = vector.broadcast %squeeze3A_28 : f32 to vector<200x200xf32>
    %mul3A_32 = arith.mulf %mul3A_31, %squeeze3A_30 : vector<200x200xf32>
    %slice3A_33 = vector.extract_strided_slice %get3A_12 {offsets = [1, 1], sizes = [1, 1], strides = [1, 1]} : vector<2x2xf32> to vector<1x1xf32>
    %squeeze3A_34 = vector.extract %slice3A_33[0, 0] : f32 from vector<1x1xf32>
    %slice3A_35 = vector.extract_strided_slice %get3A_16 {offsets = [1, 0, 0], sizes = [1, 200, 200], strides = [1, 1, 1]} : vector<2x200x200xf32> to vector<1x200x200xf32>
    %squeeze3A_36 = vector.shape_cast %slice3A_35 : vector<1x200x200xf32> to vector<200x200xf32>
    %mul3A_37 = vector.broadcast %squeeze3A_34 : f32 to vector<200x200xf32>
    %mul3A_38 = arith.mulf %mul3A_37, %squeeze3A_36 : vector<200x200xf32>
    %add3A_39 = arith.addf %mul3A_32, %mul3A_38 : vector<200x200xf32>
    %get3A_40 = arith.constant 0 : index
    %get3A_41 = arith.constant 0 : index
    %get3A_42 = arith.constant 0 : index
    %get3A_43 = arith.constant 0 : index
    %get3A_44 = vector.load %arg2[%get3A_40, %get3A_41, %get3A_42, %get3A_43] : memref<1x1x1000x128xf32, #tpu.memory_space<vmem>>, vector<1x1x1000x128xf32>
    %get3A_45 = vector.shape_cast %get3A_44 : vector<1x1x1000x128xf32> to vector<1000x128xf32>
    %slice3A_46 = vector.extract_strided_slice %get3A_45 {offsets = [0, 100], sizes = [1000, 1], strides = [1, 1]} : vector<1000x128xf32> to vector<1000x1xf32>
    %squeeze3A_47 = vector.shape_cast %slice3A_46 : vector<1000x1xf32> to vector<1000xf32>
    %max3A = arith.constant 1.000000e+00 : f32
    %max3A_48 = vector.broadcast %max3A : f32 to vector<1000xf32>
    %max3A_49 = arith.maximumf %squeeze3A_47, %max3A_48 : vector<1000xf32>
    %div3A = arith.constant 1.000000e+00 : f32
    %div3A_50 = vector.broadcast %div3A : f32 to vector<1000xf32>
    %div3A_51 = arith.divf %div3A_50, %max3A_49 : vector<1000xf32>
    %get3A_52 = arith.constant 0 : index
    %get3A_53 = arith.constant 0 : index
    %get3A_54 = arith.constant 0 : index
    %get3A_55 = arith.constant 0 : index
    %get3A_56 = vector.load %arg3[%get3A_52, %get3A_53, %get3A_54, %get3A_55] : memref<1x1x1000x128xf32, #tpu.memory_space<vmem>>, vector<1x1x1000x128xf32>
    %get3A_57 = vector.shape_cast %get3A_56 : vector<1x1x1000x128xf32> to vector<1000x128xf32>
    %slice3A_58 = vector.extract_strided_slice %get3A_57 {offsets = [0, 100], sizes = [1000, 1], strides = [1, 1]} : vector<1000x128xf32> to vector<1000x1xf32>
    %squeeze3A_59 = vector.shape_cast %slice3A_58 : vector<1000x1xf32> to vector<1000xf32>
    %max3A_60 = arith.constant 1.000000e+00 : f32
    %max3A_61 = vector.broadcast %max3A_60 : f32 to vector<1000xf32>
    %max3A_62 = arith.maximumf %squeeze3A_59, %max3A_61 : vector<1000xf32>
    %div3A_63 = arith.constant 1.000000e+00 : f32
    %div3A_64 = vector.broadcast %div3A_63 : f32 to vector<1000xf32>
    %div3A_65 = arith.divf %div3A_64, %max3A_62 : vector<1000xf32>
    %get3A_66 = arith.constant 0 : index
    %get3A_67 = arith.constant 0 : index
    %get3A_68 = arith.constant 0 : index
    %get3A_69 = arith.constant 0 : index
    %get3A_70 = vector.load %arg2[%get3A_66, %get3A_67, %get3A_68, %get3A_69] : memref<1x1x1000x128xf32, #tpu.memory_space<vmem>>, vector<1x1x1000x128xf32>
    %get3A_71 = vector.shape_cast %get3A_70 : vector<1x1x1000x128xf32> to vector<1000x128xf32>
    %slice3A_72 = vector.extract_strided_slice %get3A_71 {offsets = [0, 0], sizes = [1000, 100], strides = [1, 1]} : vector<1000x128xf32> to vector<1000x100xf32>
    %get3A_73 = arith.constant 0 : index
    %get3A_74 = arith.constant 0 : index
    %get3A_75 = arith.constant 0 : index
    %get3A_76 = arith.constant 0 : index
    %get3A_77 = vector.load %arg4[%get3A_73, %get3A_74, %get3A_75, %get3A_76] : memref<1x1x1000x128xf32, #tpu.memory_space<vmem>>, vector<1x1x1000x128xf32>
    %get3A_78 = vector.shape_cast %get3A_77 : vector<1x1x1000x128xf32> to vector<1000x128xf32>
    %slice3A_79 = vector.extract_strided_slice %get3A_78 {offsets = [0, 0], sizes = [1000, 100], strides = [1, 1]} : vector<1000x128xf32> to vector<1000x100xf32>
    %concatenate3A_80 = tpu.concatenate %slice3A_72, %slice3A_79 in 1 : vector<1000x100xf32>, vector<1000x100xf32> -> vector<1000x200xf32>
    %broadcast_in_dim3A = vector.shape_cast %div3A_51 : vector<1000xf32> to vector<1000x1xf32>
    %mul3A_81 = vector.broadcast %broadcast_in_dim3A : vector<1000x1xf32> to vector<1000x200xf32>
    %mul3A_82 = arith.mulf %concatenate3A_80, %mul3A_81 : vector<1000x200xf32>
    %get3A_83 = arith.constant 0 : index
    %get3A_84 = arith.constant 0 : index
    %get3A_85 = arith.constant 0 : index
    %get3A_86 = arith.constant 0 : index
    %get3A_87 = vector.load %arg3[%get3A_83, %get3A_84, %get3A_85, %get3A_86] : memref<1x1x1000x128xf32, #tpu.memory_space<vmem>>, vector<1x1x1000x128xf32>
    %get3A_88 = vector.shape_cast %get3A_87 : vector<1x1x1000x128xf32> to vector<1000x128xf32>
    %slice3A_89 = vector.extract_strided_slice %get3A_88 {offsets = [0, 0], sizes = [1000, 100], strides = [1, 1]} : vector<1000x128xf32> to vector<1000x100xf32>
    %get3A_90 = arith.constant 0 : index
    %get3A_91 = arith.constant 0 : index
    %get3A_92 = arith.constant 0 : index
    %get3A_93 = arith.constant 0 : index
    %get3A_94 = vector.load %arg5[%get3A_90, %get3A_91, %get3A_92, %get3A_93] : memref<1x1x1000x128xf32, #tpu.memory_space<vmem>>, vector<1x1x1000x128xf32>
    %get3A_95 = vector.shape_cast %get3A_94 : vector<1x1x1000x128xf32> to vector<1000x128xf32>
    %slice3A_96 = vector.extract_strided_slice %get3A_95 {offsets = [0, 0], sizes = [1000, 100], strides = [1, 1]} : vector<1000x128xf32> to vector<1000x100xf32>
    %concatenate3A_97 = tpu.concatenate %slice3A_89, %slice3A_96 in 1 : vector<1000x100xf32>, vector<1000x100xf32> -> vector<1000x200xf32>
    %broadcast_in_dim3A_98 = vector.shape_cast %div3A_65 : vector<1000xf32> to vector<1000x1xf32>
    %mul3A_99 = vector.broadcast %broadcast_in_dim3A_98 : vector<1000x1xf32> to vector<1000x200xf32>
    %mul3A_100 = arith.mulf %concatenate3A_97, %mul3A_99 : vector<1000x200xf32>
    %dot_general3A = arith.constant dense<0.000000e+00> : vector<1000x200xf32>
    %dot_general3A_101 = tpu.matmul %mul3A_82, %add3A, %dot_general3A {dimension_numbers = #tpu.dot_dimension_numbers<[1], [0], [0], [1], [0, 0, 1, 1], [], []>, precision = #tpu.contract_precision<fp32>, transpose_lhs_hint = false} : vector<1000x200xf32>, vector<200x200xf32>, vector<1000x200xf32> -> vector<1000x200xf32>
    %dot_general3A_102 = arith.constant dense<0.000000e+00> : vector<1000x200xf32>
    %dot_general3A_103 = tpu.matmul %mul3A_100, %add3A_39, %dot_general3A_102 {dimension_numbers = #tpu.dot_dimension_numbers<[1], [0], [0], [1], [0, 0, 1, 1], [], []>, precision = #tpu.contract_precision<fp32>, transpose_lhs_hint = false} : vector<1000x200xf32>, vector<200x200xf32>, vector<1000x200xf32> -> vector<1000x200xf32>
    %add3A_104 = arith.addf %dot_general3A_101, %dot_general3A_103 : vector<1000x200xf32>
    %get3A_105 = arith.constant 0 : index
    %get3A_106 = arith.constant 0 : index
    %get3A_107 = vector.load %arg8[%get3A_105, %get3A_106] : memref<200x200xf32, #tpu.memory_space<vmem>>, vector<200x200xf32>
    %dot_general3A_108 = arith.constant dense<0.000000e+00> : vector<1000x200xf32>
    %dot_general3A_109 = tpu.matmul %concatenate3A, %get3A_107, %dot_general3A_108 {dimension_numbers = #tpu.dot_dimension_numbers<[1], [0], [0], [1], [0, 0, 1, 1], [], []>, precision = #tpu.contract_precision<fp32>, transpose_lhs_hint = false} : vector<1000x200xf32>, vector<200x200xf32>, vector<1000x200xf32> -> vector<1000x200xf32>
    %add3A_110 = arith.addf %add3A_104, %dot_general3A_109 : vector<1000x200xf32>
    %get3A_111 = arith.constant 0 : index
    %get3A_112 = arith.constant 0 : index
    %get3A_113 = vector.load %arg9[%get3A_111, %get3A_112] : memref<1x200xf32, #tpu.memory_space<vmem>>, vector<1x200xf32>
    %add3A_114 = vector.broadcast %get3A_113 : vector<1x200xf32> to vector<1000x200xf32>
    %add3A_115 = arith.addf %add3A_110, %add3A_114 : vector<1000x200xf32>
    %gt3A = arith.constant 0.000000e+00 : f32
    %gt3A_116 = vector.broadcast %gt3A : f32 to vector<1000x200xf32>
    %gt3A_117 = arith.cmpf ogt, %add3A_115, %gt3A_116 : vector<1000x200xf32>
    %mul3A_118 = arith.constant 0.00999999977 : f32
    %mul3A_119 = vector.broadcast %mul3A_118 : f32 to vector<1000x200xf32>
    %mul3A_120 = arith.mulf %mul3A_119, %add3A_115 : vector<1000x200xf32>
    %select_n3A = arith.select %gt3A_117, %add3A_115, %mul3A_120 : vector<1000x200xi1>, vector<1000x200xf32>
    %broadcast_in_dim3A_121 = arith.constant 1.000000e+00 : f32
    %broadcast_in_dim3A_122 = vector.broadcast %broadcast_in_dim3A_121 : f32 to vector<1000x1xf32>
    %broadcast_in_dim3A_123 = arith.constant 0.000000e+00 : f32
    %broadcast_in_dim3A_124 = vector.broadcast %broadcast_in_dim3A_123 : f32 to vector<1000x27xf32>
    %slice3A_125 = vector.extract_strided_slice %select_n3A {offsets = [0, 0], sizes = [1000, 100], strides = [1, 1]} : vector<1000x200xf32> to vector<1000x100xf32>
    %concatenate3A_126 = tpu.concatenate %slice3A_125, %broadcast_in_dim3A_122, %broadcast_in_dim3A_124 in 1 : vector<1000x100xf32>, vector<1000x1xf32>, vector<1000x27xf32> -> vector<1000x128xf32>
    %swap3A = arith.constant 0 : index
    %swap3A_127 = arith.constant 0 : index
    %swap3A_128 = arith.constant 0 : index
    %swap3A_129 = vector.load %arg10[%swap3A, %swap3A_127, %swap3A_128] : memref<2x1000x128xf32, #tpu.memory_space<vmem>>, vector<1x1000x128xf32>
    %swap3A_130 = vector.shape_cast %swap3A_129 : vector<1x1000x128xf32> to vector<1000x128xf32>
    %swap3A_131 = vector.shape_cast %concatenate3A_126 : vector<1000x128xf32> to vector<1x1000x128xf32>
    tpu.vector_store %arg10[%swap3A, %swap3A_127, %swap3A_128], %swap3A_131 {strides = array<i32>} : memref<2x1000x128xf32, #tpu.memory_space<vmem>>, vector<1x1000x128xf32>,
    %slice3A_132 = vector.extract_strided_slice %select_n3A {offsets = [0, 100], sizes = [1000, 100], strides = [1, 1]} : vector<1000x200xf32> to vector<1000x100xf32>
    %broadcast_in_dim3A_133 = arith.constant 0.000000e+00 : f32
    %broadcast_in_dim3A_134 = vector.broadcast %broadcast_in_dim3A_133 : f32 to vector<1000x28xf32>
    %concatenate3A_135 = tpu.concatenate %slice3A_132, %broadcast_in_dim3A_134 in 1 : vector<1000x100xf32>, vector<1000x28xf32> -> vector<1000x128xf32>
    %swap3A_136 = arith.constant 1 : index
    %swap3A_137 = arith.constant 0 : index
    %swap3A_138 = arith.constant 0 : index
    %swap3A_139 = vector.load %arg10[%swap3A_136, %swap3A_137, %swap3A_138] : memref<2x1000x128xf32, #tpu.memory_space<vmem>>, vector<1x1000x128xf32>
    %swap3A_140 = vector.shape_cast %swap3A_139 : vector<1x1000x128xf32> to vector<1000x128xf32>
    %swap3A_141 = vector.shape_cast %concatenate3A_135 : vector<1000x128xf32> to vector<1x1000x128xf32>
    tpu.vector_store %arg10[%swap3A_136, %swap3A_137, %swap3A_138], %swap3A_141 {strides = array<i32>} : memref<2x1000x128xf32, #tpu.memory_space<vmem>>, vector<1x1000x128xf32>,
    return
  }
  func.func @transform_0(%arg0: i32) -> (i32, i32, i32) {
    %c0_i32 = arith.constant 0 : i32
    %c0_i32_0 = arith.constant 0 : i32
    %c0_i32_1 = arith.constant 0 : i32
    return %c0_i32, %arg0, %c0_i32_0 : i32, i32, i32
  }
  func.func @transform_1(%arg0: i32) -> (i32, i32, i32, i32) {
    %c0_i32 = arith.constant 0 : i32
    %c0_i32_0 = arith.constant 0 : i32
    %c0_i32_1 = arith.constant 0 : i32
    %c0_i32_2 = arith.constant 0 : i32
    return %c0_i32, %c0_i32_0, %arg0, %c0_i32_1 : i32, i32, i32, i32
  }
  func.func @transform_2(%arg0: i32) -> (i32, i32, i32, i32) {
    %c0_i32 = arith.constant 0 : i32
    %c1_i32 = arith.constant 1 : i32
    %c0_i32_0 = arith.constant 0 : i32
    %c0_i32_1 = arith.constant 0 : i32
    return %c0_i32, %c1_i32, %arg0, %c0_i32_0 : i32, i32, i32, i32
  }
  func.func @transform_3(%arg0: i32) -> (i32, i32, i32, i32) {
    %c1_i32 = arith.constant 1 : i32
    %c0_i32 = arith.constant 0 : i32
    %c0_i32_0 = arith.constant 0 : i32
    %c0_i32_1 = arith.constant 0 : i32
    return %c1_i32, %c0_i32, %arg0, %c0_i32_0 : i32, i32, i32, i32
  }
  func.func @transform_4(%arg0: i32) -> (i32, i32, i32, i32) {
    %c1_i32 = arith.constant 1 : i32
    %c1_i32_0 = arith.constant 1 : i32
    %c0_i32 = arith.constant 0 : i32
    %c0_i32_1 = arith.constant 0 : i32
    return %c1_i32, %c1_i32_0, %arg0, %c0_i32 : i32, i32, i32, i32
  }
  func.func @transform_5(%arg0: i32) -> (i32, i32, i32) {
    %c0_i32 = arith.constant 0 : i32
    %c0_i32_0 = arith.constant 0 : i32
    %c0_i32_1 = arith.constant 0 : i32
    %c0_i32_2 = arith.constant 0 : i32
    return %c0_i32, %c0_i32_0, %c0_i32_1 : i32, i32, i32
  }
  func.func @transform_6(%arg0: i32) -> (i32, i32) {
    %c0_i32 = arith.constant 0 : i32
    %c0_i32_0 = arith.constant 0 : i32
    %c0_i32_1 = arith.constant 0 : i32
    return %c0_i32, %c0_i32_0 : i32, i32
  }
  func.func @transform_7(%arg0: i32) -> (i32, i32) {
    %c0_i32 = arith.constant 0 : i32
    %c0_i32_0 = arith.constant 0 : i32
    %c0_i32_1 = arith.constant 0 : i32
    return %c0_i32, %c0_i32_0 : i32, i32
  }
  func.func @transform_8(%arg0: i32) -> (i32, i32) {
    %c0_i32 = arith.constant 0 : i32
    %c0_i32_0 = arith.constant 0 : i32
    %c0_i32_1 = arith.constant 0 : i32
    return %c0_i32, %c0_i32_0 : i32, i32
  }
  func.func @transform_9(%arg0: i32) -> (i32, i32, i32) {
    %c0_i32 = arith.constant 0 : i32
    %c0_i32_0 = arith.constant 0 : i32
    %c0_i32_1 = arith.constant 0 : i32
    return %c0_i32, %arg0, %c0_i32_0 : i32, i32, i32
  }
}

module attributes {stable_mosaic.version = 14 : i64} {
  func.func @_layer_body(%arg0: i32, %arg1: memref<2x1000x128xf32, #tpu.memory_space<vmem>>, %arg2: memref<1x1x1000x128xf32, #tpu.memory_space<vmem>>, %arg3: memref<1x1x1000x128xf32, #tpu.memory_space<vmem>>, %arg4: memref<1x1x1000x128xf32, #tpu.memory_space<vmem>>, %arg5: memref<1x1x1000x128xf32, #tpu.memory_space<vmem>>, %arg6: memref<2x200x200xf32, #tpu.memory_space<vmem>>, %arg7: memref<2x2xf32, #tpu.memory_space<vmem>>, %arg8: memref<200x200xf32, #tpu.memory_space<vmem>>, %arg9: memref<1x200xf32, #tpu.memory_space<vmem>>, %arg10: memref<2x1000x128xf32, #tpu.memory_space<vmem>>) attributes {dimension_semantics = [#tpu.dimension_semantics<arbitrary>], iteration_bounds = array<i64: 10>, scalar_prefetch = 0 : i64, scratch_operands = 0 : i64, tpu.core_type = #tpu.core_type<tc>, window_params = [{transform_indices = @transform_0, window_bounds = array<i64: 2, 1000, 128>}, {transform_indices = @transform_1, window_bounds = array<i64: 1, 1, 1000, 128>}, {transform_indices = @transform_2, window_bounds = array<i64: 1, 1, 1000, 128>}, {transform_indices = @transform_3, window_bounds = array<i64: 1, 1, 1000, 128>}, {transform_indices = @transform_4, window_bounds = array<i64: 1, 1, 1000, 128>}, {pipeline_mode = #tpu.pipeline_mode<synchronous>, transform_indices = @transform_5, window_bounds = array<i64: 2, 200, 200>}, {pipeline_mode = #tpu.pipeline_mode<synchronous>, transform_indices = @transform_6, window_bounds = array<i64: 2, 2>}, {pipeline_mode = #tpu.pipeline_mode<synchronous>, transform_indices = @transform_7, window_bounds = array<i64: 200, 200>}, {pipeline_mode = #tpu.pipeline_mode<synchronous>, transform_indices = @transform_8, window_bounds = array<i64: 1, 200>}, {transform_indices = @transform_9, window_bounds = array<i64: 2, 1000, 128>}]} {
    %get3A = arith.constant 0 : index
    %get3A_0 = arith.constant 0 : index
    %get3A_1 = arith.constant 0 : index
    %get3A_2 = vector.load %arg1[%get3A, %get3A_0, %get3A_1] : memref<2x1000x128xf32, #tpu.memory_space<vmem>>, vector<1x1000x128xf32>
    %get3A_3 = vector.shape_cast %get3A_2 : vector<1x1000x128xf32> to vector<1000x128xf32>
    %slice3A = vector.extract_strided_slice %get3A_3 {offsets = [0, 0], sizes = [1000, 100], strides = [1, 1]} : vector<1000x128xf32> to vector<1000x100xf32>
    %get3A_4 = arith.constant 1 : index
    %get3A_5 = arith.constant 0 : index
    %get3A_6 = arith.constant 0 : index
    %get3A_7 = vector.load %arg1[%get3A_4, %get3A_5, %get3A_6] : memref<2x1000x128xf32, #tpu.memory_space<vmem>>, vector<1x1000x128xf32>
    %get3A_8 = vector.shape_cast %get3A_7 : vector<1x1000x128xf32> to vector<1000x128xf32>
    %slice3A_9 = vector.extract_strided_slice %get3A_8 {offsets = [0, 0], sizes = [1000, 100], strides = [1, 1]} : vector<1000x128xf32> to vector<1000x100xf32>
    %concatenate3A = tpu.concatenate %slice3A, %slice3A_9 in 1 : vector<1000x100xf32>, vector<1000x100xf32> -> vector<1000x200xf32>
    %get3A_10 = arith.constant 0 : index
    %get3A_11 = arith.constant 0 : index
    %get3A_12 = vector.load %arg7[%get3A_10, %get3A_11] : memref<2x2xf32, #tpu.memory_space<vmem>>, vector<2x2xf32>
    %get3A_13 = arith.constant 0 : index
    %get3A_14 = arith.constant 0 : index
    %get3A_15 = arith.constant 0 : index
    %get3A_16 = vector.load %arg6[%get3A_13, %get3A_14, %get3A_15] : memref<2x200x200xf32, #tpu.memory_space<vmem>>, vector<2x200x200xf32>
    %slice3A_17 = vector.extract_strided_slice %get3A_12 {offsets = [0, 0], sizes = [1, 1], strides = [1, 1]} : vector<2x2xf32> to vector<1x1xf32>
    %squeeze3A = vector.extract %slice3A_17[0, 0] : f32 from vector<1x1xf32>
    %slice3A_18 = vector.extract_strided_slice %get3A_16 {offsets = [0, 0, 0], sizes = [1, 200, 200], strides = [1, 1, 1]} : vector<2x200x200xf32> to vector<1x200x200xf32>
    %squeeze3A_19 = vector.shape_cast %slice3A_18 : vector<1x200x200xf32> to vector<200x200xf32>
    %mul3A = vector.broadcast %squeeze3A : f32 to vector<200x200xf32>
    %mul3A_20 = arith.mulf %mul3A, %squeeze3A_19 : vector<200x200xf32>
    %slice3A_21 = vector.extract_strided_slice %get3A_12 {offsets = [0, 1], sizes = [1, 1], strides = [1, 1]} : vector<2x2xf32> to vector<1x1xf32>
    %squeeze3A_22 = vector.extract %slice3A_21[0, 0] : f32 from vector<1x1xf32>
    %slice3A_23 = vector.extract_strided_slice %get3A_16 {offsets = [1, 0, 0], sizes = [1, 200, 200], strides = [1, 1, 1]} : vector<2x200x200xf32> to vector<1x200x200xf32>
    %squeeze3A_24 = vector.shape_cast %slice3A_23 : vector<1x200x200xf32> to vector<200x200xf32>
    %mul3A_25 = vector.broadcast %squeeze3A_22 : f32 to vector<200x200xf32>
    %mul3A_26 = arith.mulf %mul3A_25, %squeeze3A_24 : vector<200x200xf32>
    %add3A = arith.addf %mul3A_20, %mul3A_26 : vector<200x200xf32>
    %slice3A_27 = vector.extract_strided_slice %get3A_12 {offsets = [1, 0], sizes = [1, 1], strides = [1, 1]} : vector<2x2xf32> to vector<1x1xf32>
    %squeeze3A_28 = vector.extract %slice3A_27[0, 0] : f32 from vector<1x1xf32>
    %slice3A_29 = vector.extract_strided_slice %get3A_16 {offsets = [0, 0, 0], sizes = [1, 200, 200], strides = [1, 1, 1]} : vector<2x200x200xf32> to vector<1x200x200xf32>
    %squeeze3A_30 = vector.shape_cast %slice3A_29 : vector<1x200x200xf32> to vector<200x200xf32>
    %mul3A_31 = vector.broadcast %squeeze3A_28 : f32 to vector<200x200xf32>
    %mul3A_32 = arith.mulf %mul3A_31, %squeeze3A_30 : vector<200x200xf32>
    %slice3A_33 = vector.extract_strided_slice %get3A_12 {offsets = [1, 1], sizes = [1, 1], strides = [1, 1]} : vector<2x2xf32> to vector<1x1xf32>
    %squeeze3A_34 = vector.extract %slice3A_33[0, 0] : f32 from vector<1x1xf32>
    %slice3A_35 = vector.extract_strided_slice %get3A_16 {offsets = [1, 0, 0], sizes = [1, 200, 200], strides = [1, 1, 1]} : vector<2x200x200xf32> to vector<1x200x200xf32>
    %squeeze3A_36 = vector.shape_cast %slice3A_35 : vector<1x200x200xf32> to vector<200x200xf32>
    %mul3A_37 = vector.broadcast %squeeze3A_34 : f32 to vector<200x200xf32>
    %mul3A_38 = arith.mulf %mul3A_37, %squeeze3A_36 : vector<200x200xf32>
    %add3A_39 = arith.addf %mul3A_32, %mul3A_38 : vector<200x200xf32>
    %get3A_40 = arith.constant 0 : index
    %get3A_41 = arith.constant 0 : index
    %get3A_42 = arith.constant 0 : index
    %get3A_43 = arith.constant 0 : index
    %get3A_44 = vector.load %arg2[%get3A_40, %get3A_41, %get3A_42, %get3A_43] : memref<1x1x1000x128xf32, #tpu.memory_space<vmem>>, vector<1x1x1000x128xf32>
    %get3A_45 = vector.shape_cast %get3A_44 : vector<1x1x1000x128xf32> to vector<1000x128xf32>
    %slice3A_46 = vector.extract_strided_slice %get3A_45 {offsets = [0, 100], sizes = [1000, 1], strides = [1, 1]} : vector<1000x128xf32> to vector<1000x1xf32>
    %squeeze3A_47 = vector.shape_cast %slice3A_46 : vector<1000x1xf32> to vector<1000xf32>
    %max3A = arith.constant 1.000000e+00 : f32
    %max3A_48 = vector.broadcast %max3A : f32 to vector<1000xf32>
    %max3A_49 = arith.maximumf %squeeze3A_47, %max3A_48 : vector<1000xf32>
    %div3A = arith.constant 1.000000e+00 : f32
    %div3A_50 = vector.broadcast %div3A : f32 to vector<1000xf32>
    %div3A_51 = arith.divf %div3A_50, %max3A_49 : vector<1000xf32>
    %get3A_52 = arith.constant 0 : index
    %get3A_53 = arith.constant 0 : index
    %get3A_54 = arith.constant 0 : index
    %get3A_55 = arith.constant 0 : index
    %get3A_56 = vector.load %arg3[%get3A_52, %get3A_53, %get3A_54, %get3A_55] : memref<1x1x1000x128xf32, #tpu.memory_space<vmem>>, vector<1x1x1000x128xf32>
    %get3A_57 = vector.shape_cast %get3A_56 : vector<1x1x1000x128xf32> to vector<1000x128xf32>
    %slice3A_58 = vector.extract_strided_slice %get3A_57 {offsets = [0, 100], sizes = [1000, 1], strides = [1, 1]} : vector<1000x128xf32> to vector<1000x1xf32>
    %squeeze3A_59 = vector.shape_cast %slice3A_58 : vector<1000x1xf32> to vector<1000xf32>
    %max3A_60 = arith.constant 1.000000e+00 : f32
    %max3A_61 = vector.broadcast %max3A_60 : f32 to vector<1000xf32>
    %max3A_62 = arith.maximumf %squeeze3A_59, %max3A_61 : vector<1000xf32>
    %div3A_63 = arith.constant 1.000000e+00 : f32
    %div3A_64 = vector.broadcast %div3A_63 : f32 to vector<1000xf32>
    %div3A_65 = arith.divf %div3A_64, %max3A_62 : vector<1000xf32>
    %get3A_66 = arith.constant 0 : index
    %get3A_67 = arith.constant 0 : index
    %get3A_68 = arith.constant 0 : index
    %get3A_69 = arith.constant 0 : index
    %get3A_70 = vector.load %arg2[%get3A_66, %get3A_67, %get3A_68, %get3A_69] : memref<1x1x1000x128xf32, #tpu.memory_space<vmem>>, vector<1x1x1000x128xf32>
    %get3A_71 = vector.shape_cast %get3A_70 : vector<1x1x1000x128xf32> to vector<1000x128xf32>
    %slice3A_72 = vector.extract_strided_slice %get3A_71 {offsets = [0, 0], sizes = [1000, 100], strides = [1, 1]} : vector<1000x128xf32> to vector<1000x100xf32>
    %get3A_73 = arith.constant 0 : index
    %get3A_74 = arith.constant 0 : index
    %get3A_75 = arith.constant 0 : index
    %get3A_76 = arith.constant 0 : index
    %get3A_77 = vector.load %arg4[%get3A_73, %get3A_74, %get3A_75, %get3A_76] : memref<1x1x1000x128xf32, #tpu.memory_space<vmem>>, vector<1x1x1000x128xf32>
    %get3A_78 = vector.shape_cast %get3A_77 : vector<1x1x1000x128xf32> to vector<1000x128xf32>
    %slice3A_79 = vector.extract_strided_slice %get3A_78 {offsets = [0, 0], sizes = [1000, 100], strides = [1, 1]} : vector<1000x128xf32> to vector<1000x100xf32>
    %concatenate3A_80 = tpu.concatenate %slice3A_72, %slice3A_79 in 1 : vector<1000x100xf32>, vector<1000x100xf32> -> vector<1000x200xf32>
    %broadcast_in_dim3A = vector.shape_cast %div3A_51 : vector<1000xf32> to vector<1000x1xf32>
    %mul3A_81 = vector.broadcast %broadcast_in_dim3A : vector<1000x1xf32> to vector<1000x200xf32>
    %mul3A_82 = arith.mulf %concatenate3A_80, %mul3A_81 : vector<1000x200xf32>
    %get3A_83 = arith.constant 0 : index
    %get3A_84 = arith.constant 0 : index
    %get3A_85 = arith.constant 0 : index
    %get3A_86 = arith.constant 0 : index
    %get3A_87 = vector.load %arg3[%get3A_83, %get3A_84, %get3A_85, %get3A_86] : memref<1x1x1000x128xf32, #tpu.memory_space<vmem>>, vector<1x1x1000x128xf32>
    %get3A_88 = vector.shape_cast %get3A_87 : vector<1x1x1000x128xf32> to vector<1000x128xf32>
    %slice3A_89 = vector.extract_strided_slice %get3A_88 {offsets = [0, 0], sizes = [1000, 100], strides = [1, 1]} : vector<1000x128xf32> to vector<1000x100xf32>
    %get3A_90 = arith.constant 0 : index
    %get3A_91 = arith.constant 0 : index
    %get3A_92 = arith.constant 0 : index
    %get3A_93 = arith.constant 0 : index
    %get3A_94 = vector.load %arg5[%get3A_90, %get3A_91, %get3A_92, %get3A_93] : memref<1x1x1000x128xf32, #tpu.memory_space<vmem>>, vector<1x1x1000x128xf32>
    %get3A_95 = vector.shape_cast %get3A_94 : vector<1x1x1000x128xf32> to vector<1000x128xf32>
    %slice3A_96 = vector.extract_strided_slice %get3A_95 {offsets = [0, 0], sizes = [1000, 100], strides = [1, 1]} : vector<1000x128xf32> to vector<1000x100xf32>
    %concatenate3A_97 = tpu.concatenate %slice3A_89, %slice3A_96 in 1 : vector<1000x100xf32>, vector<1000x100xf32> -> vector<1000x200xf32>
    %broadcast_in_dim3A_98 = vector.shape_cast %div3A_65 : vector<1000xf32> to vector<1000x1xf32>
    %mul3A_99 = vector.broadcast %broadcast_in_dim3A_98 : vector<1000x1xf32> to vector<1000x200xf32>
    %mul3A_100 = arith.mulf %concatenate3A_97, %mul3A_99 : vector<1000x200xf32>
    %dot_general3A = arith.constant dense<0.000000e+00> : vector<1000x200xf32>
    %dot_general3A_101 = tpu.matmul %mul3A_82, %add3A, %dot_general3A {dimension_numbers = #tpu.dot_dimension_numbers<[1], [0], [0], [1], [0, 0, 1, 1], [], []>, precision = #tpu.contract_precision<fp32>, transpose_lhs_hint = false} : vector<1000x200xf32>, vector<200x200xf32>, vector<1000x200xf32> -> vector<1000x200xf32>
    %dot_general3A_102 = arith.constant dense<0.000000e+00> : vector<1000x200xf32>
    %dot_general3A_103 = tpu.matmul %mul3A_100, %add3A_39, %dot_general3A_102 {dimension_numbers = #tpu.dot_dimension_numbers<[1], [0], [0], [1], [0, 0, 1, 1], [], []>, precision = #tpu.contract_precision<fp32>, transpose_lhs_hint = false} : vector<1000x200xf32>, vector<200x200xf32>, vector<1000x200xf32> -> vector<1000x200xf32>
    %add3A_104 = arith.addf %dot_general3A_101, %dot_general3A_103 : vector<1000x200xf32>
    %get3A_105 = arith.constant 0 : index
    %get3A_106 = arith.constant 0 : index
    %get3A_107 = vector.load %arg8[%get3A_105, %get3A_106] : memref<200x200xf32, #tpu.memory_space<vmem>>, vector<200x200xf32>
    %dot_general3A_108 = arith.constant dense<0.000000e+00> : vector<1000x200xf32>
    %dot_general3A_109 = tpu.matmul %concatenate3A, %get3A_107, %dot_general3A_108 {dimension_numbers = #tpu.dot_dimension_numbers<[1], [0], [0], [1], [0, 0, 1, 1], [], []>, precision = #tpu.contract_precision<fp32>, transpose_lhs_hint = false} : vector<1000x200xf32>, vector<200x200xf32>, vector<1000x200xf32> -> vector<1000x200xf32>
    %add3A_110 = arith.addf %add3A_104, %dot_general3A_109 : vector<1000x200xf32>
    %get3A_111 = arith.constant 0 : index
    %get3A_112 = arith.constant 0 : index
    %get3A_113 = vector.load %arg9[%get3A_111, %get3A_112] : memref<1x200xf32, #tpu.memory_space<vmem>>, vector<1x200xf32>
    %add3A_114 = vector.broadcast %get3A_113 : vector<1x200xf32> to vector<1000x200xf32>
    %add3A_115 = arith.addf %add3A_110, %add3A_114 : vector<1000x200xf32>
    %broadcast_in_dim3A_116 = arith.constant 1.000000e+00 : f32
    %broadcast_in_dim3A_117 = vector.broadcast %broadcast_in_dim3A_116 : f32 to vector<1000x1xf32>
    %broadcast_in_dim3A_118 = arith.constant 0.000000e+00 : f32
    %broadcast_in_dim3A_119 = vector.broadcast %broadcast_in_dim3A_118 : f32 to vector<1000x27xf32>
    %slice3A_120 = vector.extract_strided_slice %add3A_115 {offsets = [0, 0], sizes = [1000, 100], strides = [1, 1]} : vector<1000x200xf32> to vector<1000x100xf32>
    %concatenate3A_121 = tpu.concatenate %slice3A_120, %broadcast_in_dim3A_117, %broadcast_in_dim3A_119 in 1 : vector<1000x100xf32>, vector<1000x1xf32>, vector<1000x27xf32> -> vector<1000x128xf32>
    %swap3A = arith.constant 0 : index
    %swap3A_122 = arith.constant 0 : index
    %swap3A_123 = arith.constant 0 : index
    %swap3A_124 = vector.load %arg10[%swap3A, %swap3A_122, %swap3A_123] : memref<2x1000x128xf32, #tpu.memory_space<vmem>>, vector<1x1000x128xf32>
    %swap3A_125 = vector.shape_cast %swap3A_124 : vector<1x1000x128xf32> to vector<1000x128xf32>
    %swap3A_126 = vector.shape_cast %concatenate3A_121 : vector<1000x128xf32> to vector<1x1000x128xf32>
    tpu.vector_store %arg10[%swap3A, %swap3A_122, %swap3A_123], %swap3A_126 {strides = array<i32>} : memref<2x1000x128xf32, #tpu.memory_space<vmem>>, vector<1x1000x128xf32>,
    %slice3A_127 = vector.extract_strided_slice %add3A_115 {offsets = [0, 100], sizes = [1000, 100], strides = [1, 1]} : vector<1000x200xf32> to vector<1000x100xf32>
    %broadcast_in_dim3A_128 = arith.constant 0.000000e+00 : f32
    %broadcast_in_dim3A_129 = vector.broadcast %broadcast_in_dim3A_128 : f32 to vector<1000x28xf32>
    %concatenate3A_130 = tpu.concatenate %slice3A_127, %broadcast_in_dim3A_129 in 1 : vector<1000x100xf32>, vector<1000x28xf32> -> vector<1000x128xf32>
    %swap3A_131 = arith.constant 1 : index
    %swap3A_132 = arith.constant 0 : index
    %swap3A_133 = arith.constant 0 : index
    %swap3A_134 = vector.load %arg10[%swap3A_131, %swap3A_132, %swap3A_133] : memref<2x1000x128xf32, #tpu.memory_space<vmem>>, vector<1x1000x128xf32>
    %swap3A_135 = vector.shape_cast %swap3A_134 : vector<1x1000x128xf32> to vector<1000x128xf32>
    %swap3A_136 = vector.shape_cast %concatenate3A_130 : vector<1000x128xf32> to vector<1x1000x128xf32>
    tpu.vector_store %arg10[%swap3A_131, %swap3A_132, %swap3A_133], %swap3A_136 {strides = array<i32>} : memref<2x1000x128xf32, #tpu.memory_space<vmem>>, vector<1x1000x128xf32>,
    return
  }
  func.func @transform_0(%arg0: i32) -> (i32, i32, i32) {
    %c0_i32 = arith.constant 0 : i32
    %c0_i32_0 = arith.constant 0 : i32
    %c0_i32_1 = arith.constant 0 : i32
    return %c0_i32, %arg0, %c0_i32_0 : i32, i32, i32
  }
  func.func @transform_1(%arg0: i32) -> (i32, i32, i32, i32) {
    %c0_i32 = arith.constant 0 : i32
    %c0_i32_0 = arith.constant 0 : i32
    %c0_i32_1 = arith.constant 0 : i32
    %c0_i32_2 = arith.constant 0 : i32
    return %c0_i32, %c0_i32_0, %arg0, %c0_i32_1 : i32, i32, i32, i32
  }
  func.func @transform_2(%arg0: i32) -> (i32, i32, i32, i32) {
    %c0_i32 = arith.constant 0 : i32
    %c1_i32 = arith.constant 1 : i32
    %c0_i32_0 = arith.constant 0 : i32
    %c0_i32_1 = arith.constant 0 : i32
    return %c0_i32, %c1_i32, %arg0, %c0_i32_0 : i32, i32, i32, i32
  }
  func.func @transform_3(%arg0: i32) -> (i32, i32, i32, i32) {
    %c1_i32 = arith.constant 1 : i32
    %c0_i32 = arith.constant 0 : i32
    %c0_i32_0 = arith.constant 0 : i32
    %c0_i32_1 = arith.constant 0 : i32
    return %c1_i32, %c0_i32, %arg0, %c0_i32_0 : i32, i32, i32, i32
  }
  func.func @transform_4(%arg0: i32) -> (i32, i32, i32, i32) {
    %c1_i32 = arith.constant 1 : i32
    %c1_i32_0 = arith.constant 1 : i32
    %c0_i32 = arith.constant 0 : i32
    %c0_i32_1 = arith.constant 0 : i32
    return %c1_i32, %c1_i32_0, %arg0, %c0_i32 : i32, i32, i32, i32
  }
  func.func @transform_5(%arg0: i32) -> (i32, i32, i32) {
    %c0_i32 = arith.constant 0 : i32
    %c0_i32_0 = arith.constant 0 : i32
    %c0_i32_1 = arith.constant 0 : i32
    %c0_i32_2 = arith.constant 0 : i32
    return %c0_i32, %c0_i32_0, %c0_i32_1 : i32, i32, i32
  }
  func.func @transform_6(%arg0: i32) -> (i32, i32) {
    %c0_i32 = arith.constant 0 : i32
    %c0_i32_0 = arith.constant 0 : i32
    %c0_i32_1 = arith.constant 0 : i32
    return %c0_i32, %c0_i32_0 : i32, i32
  }
  func.func @transform_7(%arg0: i32) -> (i32, i32) {
    %c0_i32 = arith.constant 0 : i32
    %c0_i32_0 = arith.constant 0 : i32
    %c0_i32_1 = arith.constant 0 : i32
    return %c0_i32, %c0_i32_0 : i32, i32
  }
  func.func @transform_8(%arg0: i32) -> (i32, i32) {
    %c0_i32 = arith.constant 0 : i32
    %c0_i32_0 = arith.constant 0 : i32
    %c0_i32_1 = arith.constant 0 : i32
    return %c0_i32, %c0_i32_0 : i32, i32
  }
  func.func @transform_9(%arg0: i32) -> (i32, i32, i32) {
    %c0_i32 = arith.constant 0 : i32
    %c0_i32_0 = arith.constant 0 : i32
    %c0_i32_1 = arith.constant 0 : i32
    return %c0_i32, %arg0, %c0_i32_0 : i32, i32, i32
  }
}

module attributes {stable_mosaic.version = 14 : i64} {
  func.func @_head_body(%arg0: memref<1024x200xf32, #tpu.memory_space<vmem>>, %arg1: memref<1x200xf32, #tpu.memory_space<vmem>>, %arg2: memref<400x200xf32, #tpu.memory_space<vmem>>, %arg3: memref<1x200xf32, #tpu.memory_space<vmem>>, %arg4: memref<200x1xf32, #tpu.memory_space<vmem>>, %arg5: memref<1x1xf32, #tpu.memory_space<vmem>>, %arg6: memref<1024x1xf32, #tpu.memory_space<vmem>>) attributes {dimension_semantics = [], scalar_prefetch = 0 : i64, scratch_operands = 0 : i64, tpu.core_type = #tpu.core_type<tc>} {
    %get3A = arith.constant 0 : index
    %get3A_0 = arith.constant 0 : index
    %get3A_1 = vector.load %arg0[%get3A, %get3A_0] : memref<1024x200xf32, #tpu.memory_space<vmem>>, vector<1024x200xf32>
    %get3A_2 = arith.constant 0 : index
    %get3A_3 = arith.constant 0 : index
    %get3A_4 = vector.load %arg1[%get3A_2, %get3A_3] : memref<1x200xf32, #tpu.memory_space<vmem>>, vector<1x200xf32>
    %get3A_5 = arith.constant 0 : index
    %get3A_6 = arith.constant 0 : index
    %get3A_7 = vector.load %arg2[%get3A_5, %get3A_6] : memref<400x200xf32, #tpu.memory_space<vmem>>, vector<400x200xf32>
    %sub3A = vector.broadcast %get3A_4 : vector<1x200xf32> to vector<1024x200xf32>
    %sub3A_8 = arith.subf %get3A_1, %sub3A : vector<1024x200xf32>
    %abs3A = math.absf %sub3A_8 : vector<1024x200xf32>
    %mul3A = vector.broadcast %get3A_4 : vector<1x200xf32> to vector<1024x200xf32>
    %mul3A_9 = arith.mulf %get3A_1, %mul3A : vector<1024x200xf32>
    %slice3A = vector.extract_strided_slice %get3A_7 {offsets = [0, 0], sizes = [200, 200], strides = [1, 1]} : vector<400x200xf32> to vector<200x200xf32>
    %dot_general3A = arith.constant dense<0.000000e+00> : vector<1024x200xf32>
    %dot_general3A_10 = tpu.matmul %abs3A, %slice3A, %dot_general3A {dimension_numbers = #tpu.dot_dimension_numbers<[1], [0], [0], [1], [0, 0, 1, 1], [], []>, precision = #tpu.contract_precision<fp32>, transpose_lhs_hint = false} : vector<1024x200xf32>, vector<200x200xf32>, vector<1024x200xf32> -> vector<1024x200xf32>
    %slice3A_11 = vector.extract_strided_slice %get3A_7 {offsets = [200, 0], sizes = [200, 200], strides = [1, 1]} : vector<400x200xf32> to vector<200x200xf32>
    %dot_general3A_12 = arith.constant dense<0.000000e+00> : vector<1024x200xf32>
    %dot_general3A_13 = tpu.matmul %mul3A_9, %slice3A_11, %dot_general3A_12 {dimension_numbers = #tpu.dot_dimension_numbers<[1], [0], [0], [1], [0, 0, 1, 1], [], []>, precision = #tpu.contract_precision<fp32>, transpose_lhs_hint = false} : vector<1024x200xf32>, vector<200x200xf32>, vector<1024x200xf32> -> vector<1024x200xf32>
    %add3A = arith.addf %dot_general3A_10, %dot_general3A_13 : vector<1024x200xf32>
    %get3A_14 = arith.constant 0 : index
    %get3A_15 = arith.constant 0 : index
    %get3A_16 = vector.load %arg3[%get3A_14, %get3A_15] : memref<1x200xf32, #tpu.memory_space<vmem>>, vector<1x200xf32>
    %add3A_17 = vector.broadcast %get3A_16 : vector<1x200xf32> to vector<1024x200xf32>
    %add3A_18 = arith.addf %add3A, %add3A_17 : vector<1024x200xf32>
    %gt3A = arith.constant 0.000000e+00 : f32
    %gt3A_19 = vector.broadcast %gt3A : f32 to vector<1024x200xf32>
    %gt3A_20 = arith.cmpf ogt, %add3A_18, %gt3A_19 : vector<1024x200xf32>
    %mul3A_21 = arith.constant 0.00999999977 : f32
    %mul3A_22 = vector.broadcast %mul3A_21 : f32 to vector<1024x200xf32>
    %mul3A_23 = arith.mulf %mul3A_22, %add3A_18 : vector<1024x200xf32>
    %select_n3A = arith.select %gt3A_20, %add3A_18, %mul3A_23 : vector<1024x200xi1>, vector<1024x200xf32>
    %get3A_24 = arith.constant 0 : index
    %get3A_25 = arith.constant 0 : index
    %get3A_26 = vector.load %arg4[%get3A_24, %get3A_25] : memref<200x1xf32, #tpu.memory_space<vmem>>, vector<200x1xf32>
    %dot_general3A_27 = arith.constant dense<0.000000e+00> : vector<1024x1xf32>
    %dot_general3A_28 = tpu.matmul %select_n3A, %get3A_26, %dot_general3A_27 {dimension_numbers = #tpu.dot_dimension_numbers<[1], [0], [0], [1], [0, 0, 1, 1], [], []>, precision = #tpu.contract_precision<fp32>, transpose_lhs_hint = false} : vector<1024x200xf32>, vector<200x1xf32>, vector<1024x1xf32> -> vector<1024x1xf32>
    %get3A_29 = arith.constant 0 : index
    %get3A_30 = arith.constant 0 : index
    %get3A_31 = vector.load %arg5[%get3A_29, %get3A_30] : memref<1x1xf32, #tpu.memory_space<vmem>>, vector<1x1xf32>
    %add3A_32 = vector.broadcast %get3A_31 : vector<1x1xf32> to vector<1024x1xf32>
    %add3A_33 = arith.addf %dot_general3A_28, %add3A_32 : vector<1024x1xf32>
    %swap3A = arith.constant 0 : index
    %swap3A_34 = arith.constant 0 : index
    %swap3A_35 = vector.load %arg6[%swap3A, %swap3A_34] : memref<1024x1xf32, #tpu.memory_space<vmem>>, vector<1024x1xf32>
    tpu.vector_store %arg6[%swap3A, %swap3A_34], %add3A_33 {strides = array<i32>} : memref<1024x1xf32, #tpu.memory_space<vmem>>, vector<1024x1xf32>,
    return
  }
}

</mosaic_0001>

<sc_bundles>
// kernel: kernel.12.cloned.1.call-start
scs
__scs_entry_jumppad:
0x0: {  	(pc) =	sbr.rel $0x88, $3  }
0x1: {  	(tag) =	ssettag $0x0;
	lr =	simm.s32 $0x1  }
0x2: {  	[smem:$0x3F95] =	sst lr;
	_ =	strace $0xD0000000  }
0x3: {  	_ = 	snop  }
0x4: {  	_ = 	snop  }
0x5: {  	_ = 	snop  }
0x6: {  	_ = 	snop  }
0x7: {  	_ = 	snop  }
__scs_overlays_trampoline_lowered:
0x8: {  	[smem:$0x3FA4] =	sst s0  }
0x9: {  	[smem:$0x3FA5] =	sst s1  }
0xa: {  	[smem:$0x3FA6] =	sst s2  }
0xb: {  	[smem:$0x3FA7] =	sst s3  }
0xc: {  	[smem:$0x3FA8] =	sst s4  }
0xd: {  	[smem:$0x3FA9] =	sst s5  }
0xe: {  	[smem:$0x3FAA] =	sst s6  }
0xf: {  	[smem:$0x3FAB] =	sst s7  }
0x10: {  	[smem:$0x3FAC] =	sst s8  }
0x11: {  	[smem:$0x3FAD] =	sst s9;
	s0 =	simm.s32 @!p0 $0x0  }
0x12: {  	s1 =	sld [smem:$0x3F93];
	s0 =	simm.s32 @p0 $0x1  }
0x13: {  	[smem:$0x3FAE] =	sst s0;
	s0 =	simm.s32 @!p1 $0x0  }
0x14: {  	s2 =	sld [smem:$0x3F92];
	s0 =	simm.s32 @p1 $0x1  }
0x15: {  	[smem:$0x3FAF] =	sst s0;
	s0 =	simm.s32 @!p2 $0x0  }
0x16: {  	s3 =	sld [smem:$0x3FDB];
	s0 =	simm.s32 @p2 $0x1  }
0x17: {  	s4 =	simm.s32 $0x1BF5;
	[smem:$0x3FB1] =	sst s0  }
0x18: {  	s0 =	sld [smem:$0x3F94];
	_ =	swait.ge [sflag:s4], $0x0  }
0x19: {  	s7 =	sld [smem:$0x3F95]  }
0x1a: {  	s8 =	sadd.s32 $0xFFFFE003, lr  }
0x1b: {  	s9 =	sadd.s32 $0xFFFFFEF7, lr;
	s5 =	simm.s32 $0xFFFFFFFF;
	p2 =	slt.u32 s8, $0xFFFFF086  }
0x1c: {  	p1 =	slt.u32 s9, $0xF7A;
	s5 =	simm.s32 @!p2 $0x0  }
0x1d: {  	s5 =	simm.s32 @p1 $0x1;
	p0 =	seq.s32 s7, s2  }
0x1e: {  	s7 =	smul.u32 @!p0 $0xF7A, s2;
	p2 =	seq.s32 @!p0 s5, $0x0  }
0x1f: {  	s9 =	smul.u32 $0xF7A, s1;
	s8 =	simm.s32 @!p0 $0x1BF5;
	p2 =	por !p2, p0  }
0x20: {  	[sflag:s8] =	ssyncset.s32 @!p0 $0xFFFFF086;
	s6 =	sadd.s32 @!p0 s3, s7;
	s7 =	simm.s32 @!p0 $0x108  }
0x21: {  	s3 =	sadd.s32 s3, s9;
	s6 =	sadd.s32 @!p0 $0x88, s6;
	s7 =	simm.s32 @p2 $0x1082  }
0x22: {  	[simem:s7], [sflag:s8] =	dma.local @!p0 [hbm:s6], $0xF7A  }
0x23: {  	s9 =	sor.u32 $0xD0000000, s2;
	s6 =	simm.s32 $0x108;
	_ =	swait.ge @!p0 [sflag:s8], $0x0  }
0x24: {  	s3 =	sadd.s32 $0x88, s3;
	s6 =	simm.s32 @!p1 $0x1082;
	[sflag:s4] =	ssyncset.s32 $0xFFFFF086  }
0x25: {  	[simem:s6], [sflag:s4] =	dma.local [hbm:s3], $0xF7A  }
0x26: {  	[smem:$0x3F95] =	sst s1;
	(tag) =	ssettag s2;
	_ =	strace s9  }
0x27: {  	s1 =	sld [smem:$0x3FA5]  }
0x28: {  	s2 =	sld [smem:$0x3FA6]  }
0x29: {  	s4 =	sld [smem:$0x3FA8]  }
0x2a: {  	p0 =	seq.s32 s5, $0x0;
	s5 =	sld [smem:$0x3FA9]  }
0x2b: {  	s6 =	sld [smem:$0x3FAA]  }
0x2c: {  	s7 =	sld [smem:$0x3FAB]  }
0x2d: {  	s3 =	simm.s32 $0x108;
	s8 =	sld [smem:$0x3FAC]  }
0x2e: {  	s3 =	simm.s32 @!p0 $0x1082;
	s9 =	sld [smem:$0x3FAD]  }
0x2f: {  	lr =	sadd.s32 s0, s3;
	s0 =	sld [smem:$0x3FA4]  }
0x30: {  	s3 =	sld [smem:$0x3FA7]  }
0x31: {  	[smem:$0x3FB0] =	sst s10  }
0x32: {  	s10 =	sld [smem:$0x3FAE];
	_ =	sdelay $0x3  }
0x33: {  	p0 =	seq.s32 s10, $0x1;
	s10 =	sld [smem:$0x3FB0];
	_ =	sdelay $0x3  }
0x34: {  	[smem:$0x3FB0] =	sst s10  }
0x35: {  	s10 =	sld [smem:$0x3FAF];
	_ =	sdelay $0x3  }
0x36: {  	p1 =	seq.s32 s10, $0x1;
	s10 =	sld [smem:$0x3FB0];
	_ =	sdelay $0x3  }
0x37: {  	[smem:$0x3FB0] =	sst s10  }
0x38: {  	s10 =	sld [smem:$0x3FB1]  }
0x39: {  	_ = 	snop;
	(pc) =	sbr.ind lr, $3  }
0x3a: {  	_ = 	snop  }
0x3b: {  	_ = 	snop  }
0x3c: {  	p2 =	seq.s32 s10, $0x1;
	s10 =	sld [smem:$0x3FB0]  }
0x3d: {  	_ =	shalt  }
0x3e: {  	_ =	shalt  }
0x3f: {  	_ =	shalt  }
0x40: {  	_ =	shalt  }
0x41: {  	_ =	shalt  }
0x42: {  	_ =	shalt  }
0x43: {  	_ =	shalt  }
0x44: {  	_ =	shalt  }
0x45: {  	_ =	shalt  }
0x46: {  	_ =	shalt  }
0x47: {  	_ =	shalt  }
0x48: {  	_ =	shalt  }
0x49: {  	_ =	shalt  }
0x4a: {  	_ =	shalt  }
0x4b: {  	_ =	shalt  }
0x4c: {  	_ =	shalt  }
0x4d: {  	_ =	shalt  }
0x4e: {  	_ =	shalt  }
0x4f: {  	_ =	shalt  }
0x50: {  	_ =	shalt  }
0x51: {  	_ =	shalt  }
0x52: {  	_ =	shalt  }
0x53: {  	_ =	shalt  }
0x54: {  	_ =	shalt  }
0x55: {  	_ =	shalt  }
0x56: {  	_ =	shalt  }
0x57: {  	_ =	shalt  }
0x58: {  	_ =	shalt  }
0x59: {  	_ =	shalt  }
0x5a: {  	_ =	shalt  }
0x5b: {  	_ =	shalt  }
0x5c: {  	_ =	shalt  }
0x5d: {  	_ =	shalt  }
0x5e: {  	_ =	shalt  }
0x5f: {  	_ =	shalt  }
0x60: {  	_ =	shalt  }
0x61: {  	_ =	shalt  }
0x62: {  	_ =	shalt  }
0x63: {  	_ =	shalt  }
0x64: {  	_ =	shalt  }
0x65: {  	_ =	shalt  }
0x66: {  	_ =	shalt  }
0x67: {  	_ =	shalt  }
0x68: {  	_ =	shalt  }
0x69: {  	_ =	shalt  }
0x6a: {  	_ =	shalt  }
0x6b: {  	_ =	shalt  }
0x6c: {  	_ =	shalt  }
0x6d: {  	_ =	shalt  }
0x6e: {  	_ =	shalt  }
0x6f: {  	_ =	shalt  }
0x70: {  	_ =	shalt  }
0x71: {  	_ =	shalt  }
0x72: {  	_ =	shalt  }
0x73: {  	_ =	shalt  }
0x74: {  	_ =	shalt  }
0x75: {  	_ =	shalt  }
0x76: {  	_ =	shalt  }
0x77: {  	_ =	shalt  }
0x78: {  	_ =	shalt  }
0x79: {  	_ =	shalt  }
0x7a: {  	_ =	shalt  }
0x7b: {  	_ =	shalt  }
0x7c: {  	_ =	shalt  }
0x7d: {  	_ =	shalt  }
0x7e: {  	_ =	shalt  }
0x7f: {  	_ =	shalt  }
0x80: {  	_ =	shalt  }
0x81: {  	_ =	shalt  }
0x82: {  	_ =	shalt  }
0x83: {  	_ =	shalt  }
0x84: {  	_ =	shalt  }
0x85: {  	_ =	shalt  }
0x86: {  	_ =	shalt  }
0x87: {  	_ =	shalt  }
.Lfunc_end0:
.L_simem_size_0:
called_computation.1_lowered:
.L_overlay_start_0:
0x88: {  	s2 =	sld [smem:$0x3FD9]  }
0x89: {  	s3 =	sld [smem:$0x3FFE];
	_ =	sdelay $0x1  }
0x8a: {  	s1 =	srdreg.scid  }
0x8b: {  	s0 =	sand.u32 $0x1, s1  }
0x8c: {  	s16 =	sshll.u32 s0, $0xA;
	s2 =	sadd.s32 s3, s2  }
0x8d: {  	s2 =	sadd.s32 s2, s16  }
0x8e: {  	[smem:$0x3FBC] =	sst s2  }
0x8f: {  	_ = 	snop  }
0x90: {  	(tm) =	ssettm $0x1  }
0x91: {  	s17 =	sld [smem:$0x3FFB];
	_ =	sdelay $0x3  }
0x92: {  	_ =	strace s17  }
0x93: {  	s2 =	sld [smem:$0x3FFC];
	_ =	sdelay $0x3  }
0x94: {  	_ =	strace s2  }
0x95: {  	s2 =	sld [smem:$0x3FFD];
	_ =	sdelay $0x3  }
0x96: {  	_ =	strace s2  }
0x97: {  	_ =	strace $0x8FFFFFFF  }
0x98: {  	s18 =	sld [smem:$0x3FDB];
	_ =	sdelay $0x1  }
0x99: {  	s19 =	simm.s32 $_scs_section_size  }
0x9a: {  	s4 =	simm.s32 $_size__tile_overlayer_lowered;
	s5 =	simm.s32 $_tile_overlayer_lowered  }
0x9b: {  	s22 =	simm.s32 $0x1BFF;
	s21 =	sshll.u32 s5, $0x1;
	s2 =	sadd.s32 s19, s18  }
0x9c: {  	s6 =	simm.s32 $0x0;
	s20 =	sshll.u32 s4, $0x1;
	s4 =	sadd.s32 s21, s2  }
0x9d: {  	[timem:s6], [sflag:s22] =	dma.local [hbm:s4], s20  }
0x9e: {  	_ =	swait.ge [sflag:s22], s20  }
0x9f: {  	s3 =	ssub.s32 $0x0, s20;
	[sflag:s22] =	ssyncset.done $0x0  }
0xa0: {  	[sflag:s22] =	ssyncadd.s32 s3;
	_ =	sdelay $0x1  }
0xa1: {  	s23 =	simm.s32 $0x1B8B  }
0xa2: {  	_ =	swait.ge [sflag:s23], $0x1  }
0xa3: {  	[sflag:s23] =	ssyncset.done $0x0  }
0xa4: {  	s25 =	simm.s32 $0x1B8E;
	s24 =	sld [smem:$0x3FFE];
	[sflag:s23] =	ssyncadd.s32 $0xFFFFFFFF  }
0xa5: {  	s26 =	simm.s32 $execute0_lowered;
	[smem:$0x3FD2] =	sst s25  }
0xa6: {  	s4 =	sshll.u32 s26, $0x1;
	_ =	strace $0x80000049;
	[dreg:$0x1] =	wrdreg $0xFFFFFFFF  }
0xa7: {  	s28 =	simm.s32 $_size_execute0_lowered;
	s2 =	sadd.s32 s2, s4;
	[dreg:$0x0] =	wrdreg $0x0  }
0xa8: {  	s4 =	sshll.u32 s28, $0x1;
	[dreg:$0x2] =	wrdreg s2  }
0xa9: {  	[dreg:$0x3] =	wrdreg s4  }
0xaa: {  	[dreg:$0x4] =	wrdreg $0xC0  }
0xab: {  	_ =	task [dreg:s6], $0x5FFFF  }
0xac: {  	[dreg:$0x1] =	wrdreg $0xFFFFFFFF  }
0xad: {  	[dreg:$0x0] =	wrdreg $0x60  }
0xae: {  	[dreg:$0x2] =	wrdreg s24  }
0xaf: {  	[dreg:$0x3] =	wrdreg $0x0  }
0xb0: {  	[dreg:$0x4] =	wrdreg $0x9  }
0xb1: {  	_ =	task.clear_ibuf [dreg:s6], $0x5FFFF;
	_ =	strace $0x90000049  }
0xb2: {  	s29 =	simm.s32 $0x9;
	_ =	strace $0x8000004B  }
0xb3: {  	_ =	swait.ge [sflag:s29], $0x1  }
0xb4: {  	[sflag:s29] =	ssyncadd.s32 $0xFFFFFFFF  }
0xb5: {  	_ =	strace $0x9000004B  }
0xb6: {  	_ =	sfence  }
0xb7: {  	s30 =	sld [smem:$0x0];
	_ =	sdelay $0x2  }
0xb8: {  	s31 =	sshll.u32 s1, $0xD;
	s1 =	sshrl.u32 s1, $0x2  }
0xb9: {  	s3 =	sand.u32 $0x4000, s31;
	s1 =	sadd.s32 s1, s30  }
0xba: {  	s0 =	sor.u32 s3, s0;
	s1 =	sshll.u32 s1, $0x11  }
0xbb: {  	s0 =	sor.u32 s1, s0  }
0xbc: {  	s0 =	sadd.s32 $0x8F2B, s0  }
0xbd: {  	[sflag:s0] =	ssyncadd.remote.s32 $0x1  }
0xbe: {  	_ =	sfence.sel $0xFFFF  }
0xbf: {  	[dreg:$0x0] =	wrdreg $0xFFFFFFFF;
	(pc) =	sbr.abs _section_cstart, $3  }
0xc0: {  	[dreg:$0x1] =	wrdreg $0xFFFFFFFF  }
0xc1: {  	_ =	task.clear_ibuf [dreg:s6], $0x2FFFF;
	_ =	strace $0x9FFFFFFF  }
0xc2: {  	(tm) =	ssettm $0x7FFFFFFF  }
0xc3: {  	_ =	shalt  }
tec
execute0_lowered:
.L_overlay_start_1:
0x0: {  	(tag) =	ssettag $0x1  }
0x1: {  	s0 =	rddreg [dreg:$0x0]  }
0x2: {  	s1 =	rddreg [dreg:$0x1];
	s2 =	simm.s32 $0x0  }
0x3: {  	s3 =	srdreg.scid;
	s5 =	stileid.u32;
	s30 =	simm.s32 $0x13C80  }
0x4: {  	s31 =	simm.s32 $0x1;
	s29 =	simm.s32 $0x13D00;
	[smem:$0x7FF] =	sst s2  }
0x5: {  	s3 =	sand.u32 $0x1, s3;
	s4 =	sadd.s32 $0x17800, s0;
	s8 =	smul.u32 $0x13C00, s5  }
0x6: {  	s18 =	sadd.s32 $0x3E00, s0;
	s7 =	sadd.s32 $0x6F800, s0;
	s20 =	smul.u32 $0x4F000, s5  }
0x7: {  	s9 =	sadd.s32 $0x65A00, s0;
	s10 =	sadd.s32 $0x79600, s0;
	s11 =	smul.u32 $0x4E20, s5  }
0x8: {  	s24 =	sshll.u32 s5, $0x6;
	s14 =	smul.u32 $0x9C4, s5;
	_ =	strace $0x8000004A  }
0x9: {  	s6 =	smul.u32 $0x278000, s3;
	[dreg:$0x7] =	wrdreg s10;
	s21 =	ssub.s32 $0x2, s3  }
0xa: {  	s3 =	smul.u32 $0x4E200, s3;
	s19 =	sor.u32 $0x1C09, s24;
	s12 =	sshrl.u32 s21, $0x1  }
0xb: {  	s23 =	sshrl.u32 s20, $0x2;
	s26 =	sadd.s32 $0x50, s11;
	s28 =	sshrl.u32 s11, $0x3  }
0xc: {  	s20 =	sadd.s32 s14, s7;
	[dreg:$0x9] =	wrdreg s19;
	s6 =	sadd.s32 s8, s6  }
0xd: {  	s22 =	ssub.s32 s21, s12;
	s8 =	sadd.s32 s23, s1;
	s10 =	sadd.s32 s11, s3  }
0xe: {  	s3 =	sadd.s32 s3, s26;
	s11 =	sadd.s32 s7, s28;
	s12 =	sshrl.u32 s26, $0x3  }
0xf: {  	s16 =	sadd.s32 s9, s28;
	[dreg:$0x3] =	wrdreg s20;
	s28 =	sadd.s32 s14, s9  }
0x10: {  	s20 =	simm.s32 $0x13C00;
	s14 =	simm.s32 $0x1B800;
	[dreg:$0x8] =	wrdreg s8  }
0x11: {  	s6 =	sshrl.u32 s6, $0x3;
	s25 =	sshrl.u32 s10, $0x3;
	[dreg:$0xb] =	wrdreg s11  }
0x12: {  	s3 =	sshrl.u32 s3, $0x3;
	s13 =	sadd.s32 s7, s12;
	[dreg:$0xf] =	wrdreg s16  }
0x13: {  	s17 =	sadd.s32 s9, s12;
	s21 =	sadd.s32 $0x190, s10;
	s22 =	smax.u32 s22, $0x1  }
0x14: {  	s24 =	sadd.s32 $0xF0, s10;
	s26 =	sadd.s32 $0x140, s10;
	[dreg:$0x4] =	wrdreg s28  }
0x15: {  	s7 =	simm.s32 $0x19000;
	s12 =	simm.s32 $0x13D80;
	[dreg:$0xd] =	wrdreg s13  }
0x16: {  	s16 =	simm.s32 $0x5;
	s0 =	sadd.s32 s6, s0;
	[dreg:$0x10] =	wrdreg s17  }
0x17: {  	s8 =	sadd.s32 s18, s25;
	s3 =	sadd.s32 s18, s3;
	[dreg:$0x12] =	wrdreg s22  }
0x18: {  	s23 =	sshrl.u32 s21, $0x3;
	s25 =	sadd.s32 $0xA0, s10;
	[dreg:$0x13] =	wrdreg s26  }
0x19: {  	s22 =	simm.s32 $0x9;
	s10 =	simm.s32 $0x2;
	s13 =	simm.s32 $0x13F80  }
0x1a: {  	s17 =	simm.s32 $0x4;
	s26 =	simm.s32 $0x7;
	[dreg:$0xa] =	wrdreg s8  }
0x1b: {  	[dreg:$0xc] =	wrdreg s3;
	s15 =	sadd.s32 $0x7BE00, s0;
	s0 =	sadd.s32 $0xA3600, s0  }
0x1c: {  	s6 =	sshrl.u32 s25, $0x3;
	s25 =	simm.s32 $0x50;
	[dreg:$0xe] =	wrdreg s15  }
0x1d: {  	s3 =	simm.s32 $0x13F00;
	[dreg:$0x11] =	wrdreg s0;
	s0 =	sadd.s32 s23, s18  }
0x1e: {  	s11 =	sadd.s32 s6, s18;
	s15 =	simm.s32 $0x3;
	[dreg:$0x5] =	wrdreg s0  }
0x1f: {  	s6 =	simm.s32 $0x6;
	s0 =	sshrl.u32 s24, $0x3;
	[dreg:$0x6] =	wrdreg s11  }
0x20: {  	s24 =	simm.s32 $0x13C00;
	s23 =	sadd.s32 s0, s18;
	s0 =	simm.s32 $0x0  }
.LBB2_1:
0x21: {  	[dreg:$0x14] =	wrdreg s0  }
0x22: {  	s5 =	rddreg [dreg:$0x8]  }
0x23: {  	s21 =	rddreg [dreg:$0x7];
	s9 =	sshrl.u32 s5, $0x3  }
0x24: {  	[dreg:$0x15] =	wrdreg s9  }
0x25: {  	[spmem:s9], [sflag:s19] =	dma.local [hbm:s21], $0x2780  }
0x26: {  	_ =	swait.ge [sflag:s22], $0x2780  }
0x27: {  	[sflag:s22] =	ssyncset.done $0x0  }
0x28: {  	[sflag:s22] =	ssyncadd.s32 $0xFFFFD880  }
0x29: {  	[bflag:$0x0] =	sbarrier.arrive $0xFFFF  }
0x2a: {  	s28 =	rddreg [dreg:$0xa]  }
0x2b: {  	[tilespmem:s20], [sflag:$0x9] =	stream.linear.gather [hbm4b:s28+s2], $0x50, $0x38;
	[tilespmem:$0x1E000] =	vst v63  }
0x2c: {  	_ =	swait.ge [sflag:s22], $0x50  }
0x2d: {  	[sflag:s22] =	ssyncset.done $0x0  }
0x2e: {  	s19 =	simm.s32 $0x13E00;
	s0 =	rddreg [dreg:$0xb];
	[sflag:s22] =	ssyncadd.s32 $0xFFFFFFB0  }
0x2f: {  	[tilespmem:s19], [sflag:$0x9] =	stream.linear.gather [hbm4b:s0+s2], $0x50, $0x38;
	[tilespmem:$0x1E000] =	vst v63  }
0x30: {  	_ =	swait.ge [sflag:s22], $0x50  }
0x31: {  	[sflag:s22] =	ssyncset.done $0x0  }
0x32: {  	s21 =	simm.s32 $0x14000;
	[sflag:s22] =	ssyncadd.s32 $0xFFFFFFB0  }
0x33: {  	[tilespmem:s21], [sflag:$0x1] =	stream.indirect.gather [hbm4b:s4+s25], $0x80, s20, s25, $0xb8;
	[tilespmem:$0x1E000] =	vst v63  }
0x34: {  	s8 =	rddreg [dreg:$0xc]  }
0x35: {  	[tilespmem:s30], [sflag:$0x9] =	stream.linear.gather [hbm4b:s8+s2], $0x50, $0x38;
	[tilespmem:$0x1E000] =	vst v63  }
0x36: {  	_ =	swait.ge [sflag:s22], $0x50  }
0x37: {  	[sflag:s22] =	ssyncset.done $0x0  }
0x38: {  	s0 =	simm.s32 $0x13E80;
	s9 =	rddreg [dreg:$0xd];
	[sflag:s22] =	ssyncadd.s32 $0xFFFFFFB0  }
0x39: {  	[tilespmem:s0], [sflag:$0x9] =	stream.linear.gather [hbm4b:s9+s2], $0x50, $0x38;
	[tilespmem:$0x1E000] =	vst v63  }
0x3a: {  	_ =	swait.ge [sflag:s22], $0x50  }
0x3b: {  	[sflag:s22] =	ssyncset.done $0x0  }
0x3c: {  	s5 =	simm.s32 $0x16800;
	[sflag:s22] =	ssyncadd.s32 $0xFFFFFFB0  }
0x3d: {  	[tilespmem:s5], [sflag:$0x2] =	stream.indirect.gather [hbm4b:s4+s25], $0x80, s30, s25, $0xb8;
	[tilespmem:$0x1E000] =	vst v63  }
0x3e: {  	_ =	swait.ge [sflag:s31], $0x2800  }
0x3f: {  	p0 =	por $0x1, $0x1;
	[sflag:s31] =	ssyncset.done $0x0  }
0x40: {  	s8 =	simm.s32 @!p0 $0x7;
	[sflag:s31] =	ssyncadd.s32 $0xFFFFD800  }
0x41: {  	[spmem:s1] =	stream.indirect.scatter.add.f32 [tilespmem:s21], [sflag:$0x5], $0x80, s19, s25, $0xb8;
	[tilespmem:$0x1E000] =	vst v63  }
0x42: {  	_ =	swait.ge @!p0 [sflag:s8], $0x2800  }
0x43: {  	[sflag:s8] =	ssyncset.done @!p0 $0x0  }
0x44: {  	s9 =	sadd.s32 $0x0, s11;
	[sflag:s8] =	ssyncadd.s32 @!p0 $0xFFFFD800  }
0x45: {  	[tilespmem:s29], [sflag:$0x9] =	stream.linear.gather [hbm4b:s9+s2], $0x50, $0x38;
	[tilespmem:$0x1E000] =	vst v63  }
0x46: {  	_ =	swait.ge [sflag:s22], $0x50  }
0x47: {  	s11 =	rddreg [dreg:$0x3]  }
0x48: {  	[sflag:s22] =	ssyncset.done $0x0;
	s8 =	sadd.s32 $0x0, s11  }
0x49: {  	[sflag:s22] =	ssyncadd.s32 $0xFFFFFFB0;
	s28 =	sadd.s32 $0x14, s8  }
0x4a: {  	[tilespmem:s3], [sflag:$0x9] =	stream.linear.gather [hbm4b:s28+s2], $0x50, $0x38;
	[tilespmem:$0x1E000] =	vst v63  }
0x4b: {  	_ =	swait.ge [sflag:s22], $0x50  }
0x4c: {  	[sflag:s22] =	ssyncset.done $0x0  }
0x4d: {  	[sflag:s22] =	ssyncadd.s32 $0xFFFFFFB0  }
0x4e: {  	[tilespmem:s7], [sflag:$0x3] =	stream.indirect.gather [hbm4b:s4+s25], $0x80, s29, s25, $0xb8;
	[tilespmem:$0x1E000] =	vst v63  }
0x4f: {  	_ =	swait.ge [sflag:s10], $0x2800  }
0x50: {  	[sflag:s10] =	ssyncset.done $0x0  }
0x51: {  	s9 =	simm.s32 @!p0 $0x8;
	[sflag:s10] =	ssyncadd.s32 $0xFFFFD800  }
0x52: {  	[spmem:s1] =	stream.indirect.scatter.add.f32 [tilespmem:s5], [sflag:$0x6], $0x80, s0, s25, $0xb8;
	[tilespmem:$0x1E000] =	vst v63  }
0x53: {  	_ =	swait.ge @!p0 [sflag:s9], $0x2800  }
0x54: {  	[sflag:s9] =	ssyncset.done @!p0 $0x0  }
0x55: {  	s5 =	sadd.s32 $0x0, s23;
	[sflag:s9] =	ssyncadd.s32 @!p0 $0xFFFFD800  }
0x56: {  	[tilespmem:s12], [sflag:$0x9] =	stream.linear.gather [hbm4b:s5+s2], $0x50, $0x38;
	[tilespmem:$0x1E000] =	vst v63  }
0x57: {  	_ =	swait.ge [sflag:s22], $0x50  }
0x58: {  	[sflag:s22] =	ssyncset.done $0x0  }
0x59: {  	s28 =	sadd.s32 $0x1E, s8;
	[sflag:s22] =	ssyncadd.s32 $0xFFFFFFB0  }
0x5a: {  	[tilespmem:s13], [sflag:$0x9] =	stream.linear.gather [hbm4b:s28+s2], $0x50, $0x38;
	[tilespmem:$0x1E000] =	vst v63  }
0x5b: {  	_ =	swait.ge [sflag:s22], $0x50  }
0x5c: {  	[sflag:s22] =	ssyncset.done $0x0  }
0x5d: {  	[sflag:s22] =	ssyncadd.s32 $0xFFFFFFB0  }
0x5e: {  	[tilespmem:s14], [sflag:$0x4] =	stream.indirect.gather [hbm4b:s4+s25], $0x80, s12, s25, $0xb8;
	[tilespmem:$0x1E000] =	vst v63  }
0x5f: {  	_ =	swait.ge [sflag:s15], $0x2800  }
0x60: {  	[sflag:s15] =	ssyncset.done $0x0  }
0x61: {  	[sflag:s15] =	ssyncadd.s32 $0xFFFFD800  }
0x62: {  	[spmem:s1] =	stream.indirect.scatter.add.f32 [tilespmem:s7], [sflag:$0x7], $0x80, s3, s25, $0xb8;
	[tilespmem:$0x1E000] =	vst v63  }
0x63: {  	_ =	swait.ge [sflag:s16], $0x2800  }
0x64: {  	s11 =	rddreg [dreg:$0x13]  }
0x65: {  	s5 =	sshrl.u32 s11, $0x3  }
0x66: {  	[sflag:s16] =	ssyncset.done $0x0;
	s28 =	sadd.s32 s18, s5  }
0x67: {  	[sflag:s16] =	ssyncadd.s32 $0xFFFFD800;
	[dreg:$0x16] =	wrdreg s28  }
0x68: {  	[tilespmem:s20], [sflag:$0x9] =	stream.linear.gather [hbm4b:s28+s2], $0x50, $0x38;
	[tilespmem:$0x1E000] =	vst v63  }
0x69: {  	_ =	swait.ge [sflag:s22], $0x50  }
0x6a: {  	[sflag:s22] =	ssyncset.done $0x0  }
0x6b: {  	s5 =	sadd.s32 $0x28, s8;
	[sflag:s22] =	ssyncadd.s32 $0xFFFFFFB0  }
0x6c: {  	[tilespmem:s19], [sflag:$0x9] =	stream.linear.gather [hbm4b:s5+s2], $0x50, $0x38;
	[tilespmem:$0x1E000] =	vst v63  }
0x6d: {  	_ =	swait.ge [sflag:s22], $0x50  }
0x6e: {  	[sflag:s22] =	ssyncset.done $0x0  }
0x6f: {  	[sflag:s22] =	ssyncadd.s32 $0xFFFFFFB0  }
0x70: {  	[tilespmem:s21], [sflag:$0x1] =	stream.indirect.gather [hbm4b:s4+s25], $0x80, s20, s25, $0xb8;
	[tilespmem:$0x1E000] =	vst v63  }
0x71: {  	_ =	swait.ge [sflag:s17], $0x2800  }
0x72: {  	[sflag:s17] =	ssyncset.done $0x0  }
0x73: {  	[sflag:s17] =	ssyncadd.s32 $0xFFFFD800  }
0x74: {  	[spmem:s1] =	stream.indirect.scatter.add.f32 [tilespmem:s14], [sflag:$0x8], $0x80, s13, s25, $0xb8;
	[tilespmem:$0x1E000] =	vst v63  }
0x75: {  	_ =	swait.ge [sflag:s6], $0x2800  }
0x76: {  	[sflag:s6] =	ssyncset.done $0x0;
	s21 =	rddreg [dreg:$0x5]  }
0x77: {  	s28 =	sadd.s32 $0x0, s21;
	[sflag:s6] =	ssyncadd.s32 $0xFFFFD800  }
0x78: {  	[tilespmem:s30], [sflag:$0x9] =	stream.linear.gather [hbm4b:s28+s2], $0x50, $0x38;
	[tilespmem:$0x1E000] =	vst v63  }
0x79: {  	_ =	swait.ge [sflag:s22], $0x50  }
0x7a: {  	[sflag:s22] =	ssyncset.done $0x0  }
0x7b: {  	s8 =	sadd.s32 $0x32, s8;
	[sflag:s22] =	ssyncadd.s32 $0xFFFFFFB0  }
0x7c: {  	[tilespmem:s0], [sflag:$0x9] =	stream.linear.gather [hbm4b:s8+s2], $0x50, $0x38;
	[tilespmem:$0x1E000] =	vst v63  }
0x7d: {  	_ =	swait.ge [sflag:s22], $0x50  }
0x7e: {  	s9 =	smov.u32 s11;
	s8 =	simm.s32 $0x28;
	[sflag:s22] =	ssyncset.done $0x0  }
.LBB2_2:
0x7f: {  	[sflag:s22] =	ssyncadd.s32 $0xFFFFFFB0;
	s0 =	simm.s32 $0x16800  }
0x80: {  	[tilespmem:s0], [sflag:$0x2] =	stream.indirect.gather [hbm4b:s4+s25], $0x80, s30, s25, $0xb8;
	[tilespmem:$0x1E000] =	vst v63  }
0x81: {  	s11 =	smov.u32 s8;
	_ =	swait.ge [sflag:s31], $0x2800  }
0x82: {  	s21 =	simm.s32 $0x13E00;
	p1 =	seq.s32 s11, $0x0;
	[sflag:s31] =	ssyncset.done $0x0  }
0x83: {  	s28 =	simm.s32 $0x14000;
	s19 =	simm.s32 @!p1 $0x7;
	[sflag:s31] =	ssyncadd.s32 $0xFFFFD800  }
0x84: {  	[spmem:s1] =	stream.indirect.scatter.add.f32 [tilespmem:s28], [sflag:$0x5], $0x80, s21, s25, $0xb8;
	[tilespmem:$0x1E000] =	vst v63  }
0x85: {  	_ =	swait.ge @!p1 [sflag:s19], $0x2800  }
0x86: {  	[sflag:s19] =	ssyncset.done @!p1 $0x0;
	s5 =	rddreg [dreg:$0x6]  }
0x87: {  	s5 =	sadd.s32 s11, s5;
	[sflag:s19] =	ssyncadd.s32 @!p1 $0xFFFFD800  }
0x88: {  	[tilespmem:s29], [sflag:$0x9] =	stream.linear.gather [hbm4b:s5+s2], $0x50, $0x38;
	[tilespmem:$0x1E000] =	vst v63  }
0x89: {  	_ =	swait.ge [sflag:s22], $0x50  }
0x8a: {  	s20 =	rddreg [dreg:$0x3]  }
0x8b: {  	[sflag:s22] =	ssyncset.done $0x0;
	s19 =	sadd.s32 s11, s20  }
0x8c: {  	[sflag:s22] =	ssyncadd.s32 $0xFFFFFFB0;
	s5 =	sadd.s32 $0x14, s19  }
0x8d: {  	[tilespmem:s3], [sflag:$0x9] =	stream.linear.gather [hbm4b:s5+s2], $0x50, $0x38;
	[tilespmem:$0x1E000] =	vst v63  }
0x8e: {  	_ =	swait.ge [sflag:s22], $0x50  }
0x8f: {  	[sflag:s22] =	ssyncset.done $0x0  }
0x90: {  	[sflag:s22] =	ssyncadd.s32 $0xFFFFFFB0  }
0x91: {  	[tilespmem:s7], [sflag:$0x3] =	stream.indirect.gather [hbm4b:s4+s25], $0x80, s29, s25, $0xb8;
	[tilespmem:$0x1E000] =	vst v63  }
0x92: {  	_ =	swait.ge [sflag:s10], $0x2800  }
0x93: {  	[sflag:s10] =	ssyncset.done $0x0  }
0x94: {  	s5 =	simm.s32 @!p1 $0x8;
	s29 =	simm.s32 $0x13E80;
	[sflag:s10] =	ssyncadd.s32 $0xFFFFD800  }
0x95: {  	[spmem:s1] =	stream.indirect.scatter.add.f32 [tilespmem:s0], [sflag:$0x6], $0x80, s29, s25, $0xb8;
	[tilespmem:$0x1E000] =	vst v63  }
0x96: {  	_ =	swait.ge @!p1 [sflag:s5], $0x2800  }
0x97: {  	[sflag:s5] =	ssyncset.done @!p1 $0x0  }
0x98: {  	s0 =	sadd.s32 s11, s23;
	[sflag:s5] =	ssyncadd.s32 @!p1 $0xFFFFD800  }
0x99: {  	[tilespmem:s12], [sflag:$0x9] =	stream.linear.gather [hbm4b:s0+s2], $0x50, $0x38;
	[tilespmem:$0x1E000] =	vst v63  }
0x9a: {  	_ =	swait.ge [sflag:s22], $0x50  }
0x9b: {  	[sflag:s22] =	ssyncset.done $0x0  }
0x9c: {  	s0 =	sadd.s32 $0x1E, s19;
	[sflag:s22] =	ssyncadd.s32 $0xFFFFFFB0  }
0x9d: {  	[tilespmem:s13], [sflag:$0x9] =	stream.linear.gather [hbm4b:s0+s2], $0x50, $0x38;
	[tilespmem:$0x1E000] =	vst v63  }
0x9e: {  	_ =	swait.ge [sflag:s22], $0x50  }
0x9f: {  	[sflag:s22] =	ssyncset.done $0x0  }
0xa0: {  	[sflag:s22] =	ssyncadd.s32 $0xFFFFFFB0  }
0xa1: {  	[tilespmem:s14], [sflag:$0x4] =	stream.indirect.gather [hbm4b:s4+s25], $0x80, s12, s25, $0xb8;
	[tilespmem:$0x1E000] =	vst v63  }
0xa2: {  	_ =	swait.ge [sflag:s15], $0x2800  }
0xa3: {  	[sflag:s15] =	ssyncset.done $0x0  }
0xa4: {  	[sflag:s15] =	ssyncadd.s32 $0xFFFFD800  }
0xa5: {  	[spmem:s1] =	stream.indirect.scatter.add.f32 [tilespmem:s7], [sflag:$0x7], $0x80, s3, s25, $0xb8;
	[tilespmem:$0x1E000] =	vst v63  }
0xa6: {  	s9 =	sadd.s32 $0x140, s9;
	_ =	swait.ge [sflag:s16], $0x2800  }
0xa7: {  	s20 =	smov.u32 s18;
	s0 =	sshrl.u32 s9, $0x3;
	[sflag:s16] =	ssyncset.done $0x0  }
0xa8: {  	s5 =	sadd.s32 s20, s0;
	[sflag:s16] =	ssyncadd.s32 $0xFFFFD800  }
0xa9: {  	[tilespmem:s24], [sflag:$0x9] =	stream.linear.gather [hbm4b:s5+s2], $0x50, $0x38;
	[tilespmem:$0x1E000] =	vst v63  }
0xaa: {  	_ =	swait.ge [sflag:s22], $0x50  }
0xab: {  	[sflag:s22] =	ssyncset.done $0x0  }
0xac: {  	s0 =	sadd.s32 $0x28, s19;
	[sflag:s22] =	ssyncadd.s32 $0xFFFFFFB0  }
0xad: {  	[tilespmem:s21], [sflag:$0x9] =	stream.linear.gather [hbm4b:s0+s2], $0x50, $0x38;
	[tilespmem:$0x1E000] =	vst v63  }
0xae: {  	_ =	swait.ge [sflag:s22], $0x50  }
0xaf: {  	[sflag:s22] =	ssyncset.done $0x0  }
0xb0: {  	[sflag:s22] =	ssyncadd.s32 $0xFFFFFFB0  }
0xb1: {  	[tilespmem:s28], [sflag:$0x1] =	stream.indirect.gather [hbm4b:s4+s25], $0x80, s24, s25, $0xb8;
	[tilespmem:$0x1E000] =	vst v63  }
0xb2: {  	_ =	swait.ge [sflag:s17], $0x2800  }
0xb3: {  	[sflag:s17] =	ssyncset.done $0x0  }
0xb4: {  	[sflag:s17] =	ssyncadd.s32 $0xFFFFD800  }
0xb5: {  	[spmem:s1] =	stream.indirect.scatter.add.f32 [tilespmem:s14], [sflag:$0x8], $0x80, s13, s25, $0xb8;
	[tilespmem:$0x1E000] =	vst v63  }
0xb6: {  	_ =	swait.ge [sflag:s6], $0x2800  }
0xb7: {  	[sflag:s6] =	ssyncset.done $0x0;
	s21 =	rddreg [dreg:$0x5]  }
0xb8: {  	s8 =	sadd.s32 $0x28, s8;
	s5 =	sadd.s32 s11, s21;
	[sflag:s6] =	ssyncadd.s32 $0xFFFFD800  }
0xb9: {  	[tilespmem:s30], [sflag:$0x9] =	stream.linear.gather [hbm4b:s5+s2], $0x50, $0x38;
	[tilespmem:$0x1E000] =	vst v63  }
0xba: {  	p0 =	sne.s32 s8, $0x9B0;
	s21 =	rddreg [dreg:$0x5];
	_ =	swait.ge [sflag:s22], $0x50  }
.Ltmp0:
0xbb: {  	[sflag:s22] =	ssyncset.done $0x0;
	(pc) =	sbr.rel @p0 .LBB2_2-.Ltmp0, $4  }
0xbc: {  	s28 =	sadd.s32 $0x32, s19;
	[sflag:s22] =	ssyncadd.s32 $0xFFFFFFB0  }
0xbd: {  	[tilespmem:s29], [sflag:$0x9] =	stream.linear.gather [hbm4b:s28+s2], $0x50, $0x38;
	[tilespmem:$0x1E000] =	vst v63  }
0xbe: {  	_ =	swait.ge [sflag:s22], $0x50  }
0xbf: {  	s18 =	smov.u32 s20;
	s29 =	simm.s32 $0x13D00;
	[sflag:s22] =	ssyncset.done $0x0  }
0xc0: {  	[sflag:s22] =	ssyncadd.s32 $0xFFFFFFB0;
	s0 =	simm.s32 $0x16800  }
0xc1: {  	[tilespmem:s0], [sflag:$0x2] =	stream.indirect.gather [hbm4b:s4+s25], $0x80, s30, s25, $0xb8;
	[tilespmem:$0x1E000] =	vst v63  }
0xc2: {  	_ =	swait.ge [sflag:s31], $0x2800  }
0xc3: {  	[sflag:s31] =	ssyncset.done $0x0  }
0xc4: {  	s9 =	simm.s32 $0x13E00;
	s11 =	simm.s32 $0x14000;
	[sflag:s31] =	ssyncadd.s32 $0xFFFFD800  }
0xc5: {  	[spmem:s1] =	stream.indirect.scatter.add.f32 [tilespmem:s11], [sflag:$0x5], $0x80, s9, s25, $0xb8;
	[tilespmem:$0x1E000] =	vst v63  }
0xc6: {  	_ =	swait.ge [sflag:s10], $0x2800  }
0xc7: {  	[sflag:s10] =	ssyncset.done $0x0  }
0xc8: {  	s18 =	simm.s32 $0x13E80;
	[sflag:s10] =	ssyncadd.s32 $0xFFFFD800  }
0xc9: {  	[spmem:s1] =	stream.indirect.scatter.add.f32 [tilespmem:s0], [sflag:$0x6], $0x80, s18, s25, $0xb8;
	[tilespmem:$0x1E000] =	vst v63  }
0xca: {  	_ =	swait.ge [sflag:s16], $0x2800  }
0xcb: {  	[sflag:s16] =	ssyncset.done $0x0  }
0xcc: {  	[sflag:s16] =	ssyncadd.s32 $0xFFFFD800  }
0xcd: {  	_ =	swait.ge [sflag:s6], $0x2800  }
0xce: {  	[sflag:s6] =	ssyncset.done $0x0  }
0xcf: {  	[sflag:s6] =	ssyncadd.s32 $0xFFFFD800  }
0xd0: {  	_ =	swait.ge [sflag:s26], $0x2800  }
0xd1: {  	[sflag:s26] =	ssyncset.done $0x0  }
0xd2: {  	s5 =	simm.s32 $0x8;
	[sflag:s26] =	ssyncadd.s32 $0xFFFFD800  }
0xd3: {  	_ =	swait.ge [sflag:s5], $0x2800  }
0xd4: {  	[sflag:s5] =	ssyncset.done $0x0  }
0xd5: {  	[sflag:s5] =	ssyncadd.s32 $0xFFFFD800  }
0xd6: {  	[bflag:$0x0] =	sbarrier.arrive $0xFFFF  }
0xd7: {  	s8 =	rddreg [dreg:$0x9]  }
0xd8: {  	s28 =	rddreg [dreg:$0xe]  }
0xd9: {  	s19 =	rddreg [dreg:$0x15]  }
0xda: {  	[hbm:s28], [sflag:s8] =	dma.local [spmem:s19], $0x2780  }
0xdb: {  	_ =	swait.ge [sflag:s22], $0x2780  }
0xdc: {  	[sflag:s22] =	ssyncset.done $0x0  }
0xdd: {  	[sflag:s22] =	ssyncadd.s32 $0xFFFFD880  }
0xde: {  	[bflag:$0x0] =	sbarrier.arrive $0xFFFF  }
0xdf: {  	s26 =	rddreg [dreg:$0x7]  }
0xe0: {  	[spmem:s19], [sflag:s8] =	dma.local [hbm:s26], $0x2780  }
0xe1: {  	_ =	swait.ge [sflag:s22], $0x2780  }
0xe2: {  	[sflag:s22] =	ssyncset.done $0x0  }
0xe3: {  	[sflag:s22] =	ssyncadd.s32 $0xFFFFD880  }
0xe4: {  	[bflag:$0x0] =	sbarrier.arrive $0xFFFF  }
0xe5: {  	s5 =	simm.s32 $0x0;
	s28 =	rddreg [dreg:$0xa]  }
0xe6: {  	[tilespmem:s24], [sflag:$0x9] =	stream.linear.gather [hbm4b:s28+s5], $0x50, $0x38;
	[tilespmem:$0x1E000] =	vst v63  }
0xe7: {  	_ =	swait.ge [sflag:s22], $0x50  }
0xe8: {  	[sflag:s22] =	ssyncset.done $0x0  }
0xe9: {  	s19 =	rddreg [dreg:$0xf];
	[sflag:s22] =	ssyncadd.s32 $0xFFFFFFB0  }
0xea: {  	[tilespmem:s9], [sflag:$0x9] =	stream.linear.gather [hbm4b:s19+s5], $0x50, $0x38;
	[tilespmem:$0x1E000] =	vst v63  }
0xeb: {  	_ =	swait.ge [sflag:s22], $0x50  }
0xec: {  	[sflag:s22] =	ssyncset.done $0x0  }
0xed: {  	[sflag:s22] =	ssyncadd.s32 $0xFFFFFFB0  }
0xee: {  	[tilespmem:s11], [sflag:$0x1] =	stream.indirect.gather [hbm4b:s4+s25], $0x80, s24, s25, $0xb8;
	[tilespmem:$0x1E000] =	vst v63  }
0xef: {  	s26 =	rddreg [dreg:$0xc]  }
0xf0: {  	[tilespmem:s30], [sflag:$0x9] =	stream.linear.gather [hbm4b:s26+s5], $0x50, $0x38;
	[tilespmem:$0x1E000] =	vst v63  }
0xf1: {  	_ =	swait.ge [sflag:s22], $0x50  }
0xf2: {  	[sflag:s22] =	ssyncset.done $0x0  }
0xf3: {  	s28 =	rddreg [dreg:$0x10];
	[sflag:s22] =	ssyncadd.s32 $0xFFFFFFB0  }
0xf4: {  	[tilespmem:s18], [sflag:$0x9] =	stream.linear.gather [hbm4b:s28+s5], $0x50, $0x38;
	[tilespmem:$0x1E000] =	vst v63  }
0xf5: {  	_ =	swait.ge [sflag:s22], $0x50  }
0xf6: {  	[sflag:s22] =	ssyncset.done $0x0  }
0xf7: {  	[sflag:s22] =	ssyncadd.s32 $0xFFFFFFB0  }
0xf8: {  	[tilespmem:s0], [sflag:$0x2] =	stream.indirect.gather [hbm4b:s4+s25], $0x80, s30, s25, $0xb8;
	[tilespmem:$0x1E000] =	vst v63  }
0xf9: {  	_ =	swait.ge [sflag:s31], $0x2800  }
0xfa: {  	p0 =	por $0x1, $0x1;
	[sflag:s31] =	ssyncset.done $0x0  }
0xfb: {  	s5 =	simm.s32 @!p0 $0x7;
	[sflag:s31] =	ssyncadd.s32 $0xFFFFD800  }
0xfc: {  	[spmem:s1] =	stream.indirect.scatter.add.f32 [tilespmem:s11], [sflag:$0x5], $0x80, s9, s25, $0xb8;
	[tilespmem:$0x1E000] =	vst v63  }
0xfd: {  	_ =	swait.ge @!p0 [sflag:s5], $0x2800  }
0xfe: {  	[sflag:s5] =	ssyncset.done @!p0 $0x0;
	s19 =	rddreg [dreg:$0x6]  }
0xff: {  	s8 =	sadd.s32 $0x0, s19;
	[sflag:s5] =	ssyncadd.s32 @!p0 $0xFFFFD800  }
0x100: {  	[tilespmem:s29], [sflag:$0x9] =	stream.linear.gather [hbm4b:s8+s2], $0x50, $0x38;
	[tilespmem:$0x1E000] =	vst v63  }
0x101: {  	_ =	swait.ge [sflag:s22], $0x50  }
0x102: {  	s26 =	rddreg [dreg:$0x4]  }
0x103: {  	[sflag:s22] =	ssyncset.done $0x0;
	s5 =	sadd.s32 $0x0, s26  }
0x104: {  	[sflag:s22] =	ssyncadd.s32 $0xFFFFFFB0;
	s28 =	sadd.s32 $0x14, s5  }
0x105: {  	[tilespmem:s3], [sflag:$0x9] =	stream.linear.gather [hbm4b:s28+s2], $0x50, $0x38;
	[tilespmem:$0x1E000] =	vst v63  }
0x106: {  	_ =	swait.ge [sflag:s22], $0x50  }
0x107: {  	[sflag:s22] =	ssyncset.done $0x0  }
0x108: {  	[sflag:s22] =	ssyncadd.s32 $0xFFFFFFB0  }
0x109: {  	[tilespmem:s7], [sflag:$0x3] =	stream.indirect.gather [hbm4b:s4+s25], $0x80, s29, s25, $0xb8;
	[tilespmem:$0x1E000] =	vst v63  }
0x10a: {  	_ =	swait.ge [sflag:s10], $0x2800  }
0x10b: {  	[sflag:s10] =	ssyncset.done $0x0  }
0x10c: {  	s8 =	simm.s32 @!p0 $0x8;
	[sflag:s10] =	ssyncadd.s32 $0xFFFFD800  }
0x10d: {  	[spmem:s1] =	stream.indirect.scatter.add.f32 [tilespmem:s0], [sflag:$0x6], $0x80, s18, s25, $0xb8;
	[tilespmem:$0x1E000] =	vst v63  }
0x10e: {  	_ =	swait.ge @!p0 [sflag:s8], $0x2800  }
0x10f: {  	[sflag:s8] =	ssyncset.done @!p0 $0x0  }
0x110: {  	s0 =	sadd.s32 $0x0, s23;
	[sflag:s8] =	ssyncadd.s32 @!p0 $0xFFFFD800  }
0x111: {  	[tilespmem:s12], [sflag:$0x9] =	stream.linear.gather [hbm4b:s0+s2], $0x50, $0x38;
	[tilespmem:$0x1E000] =	vst v63  }
0x112: {  	_ =	swait.ge [sflag:s22], $0x50  }
0x113: {  	[sflag:s22] =	ssyncset.done $0x0  }
0x114: {  	s19 =	sadd.s32 $0x1E, s5;
	[sflag:s22] =	ssyncadd.s32 $0xFFFFFFB0  }
0x115: {  	[tilespmem:s13], [sflag:$0x9] =	stream.linear.gather [hbm4b:s19+s2], $0x50, $0x38;
	[tilespmem:$0x1E000] =	vst v63  }
0x116: {  	_ =	swait.ge [sflag:s22], $0x50  }
0x117: {  	[sflag:s22] =	ssyncset.done $0x0  }
0x118: {  	[sflag:s22] =	ssyncadd.s32 $0xFFFFFFB0  }
0x119: {  	[tilespmem:s14], [sflag:$0x4] =	stream.indirect.gather [hbm4b:s4+s25], $0x80, s12, s25, $0xb8;
	[tilespmem:$0x1E000] =	vst v63  }
0x11a: {  	_ =	swait.ge [sflag:s15], $0x2800  }
0x11b: {  	[sflag:s15] =	ssyncset.done $0x0  }
0x11c: {  	[sflag:s15] =	ssyncadd.s32 $0xFFFFD800  }
0x11d: {  	[spmem:s1] =	stream.indirect.scatter.add.f32 [tilespmem:s7], [sflag:$0x7], $0x80, s3, s25, $0xb8;
	[tilespmem:$0x1E000] =	vst v63  }
0x11e: {  	_ =	swait.ge [sflag:s16], $0x2800  }
0x11f: {  	[sflag:s16] =	ssyncset.done $0x0  }
0x120: {  	s26 =	rddreg [dreg:$0x16];
	[sflag:s16] =	ssyncadd.s32 $0xFFFFD800  }
0x121: {  	[tilespmem:s24], [sflag:$0x9] =	stream.linear.gather [hbm4b:s26+s2], $0x50, $0x38;
	[tilespmem:$0x1E000] =	vst v63  }
0x122: {  	_ =	swait.ge [sflag:s22], $0x50  }
0x123: {  	[sflag:s22] =	ssyncset.done $0x0  }
0x124: {  	s28 =	sadd.s32 $0x28, s5;
	[sflag:s22] =	ssyncadd.s32 $0xFFFFFFB0  }
0x125: {  	[tilespmem:s9], [sflag:$0x9] =	stream.linear.gather [hbm4b:s28+s2], $0x50, $0x38;
	[tilespmem:$0x1E000] =	vst v63  }
0x126: {  	_ =	swait.ge [sflag:s22], $0x50  }
0x127: {  	[sflag:s22] =	ssyncset.done $0x0  }
0x128: {  	[sflag:s22] =	ssyncadd.s32 $0xFFFFFFB0  }
0x129: {  	[tilespmem:s11], [sflag:$0x1] =	stream.indirect.gather [hbm4b:s4+s25], $0x80, s24, s25, $0xb8;
	[tilespmem:$0x1E000] =	vst v63  }
0x12a: {  	_ =	swait.ge [sflag:s17], $0x2800  }
0x12b: {  	[sflag:s17] =	ssyncset.done $0x0  }
0x12c: {  	[sflag:s17] =	ssyncadd.s32 $0xFFFFD800  }
0x12d: {  	[spmem:s1] =	stream.indirect.scatter.add.f32 [tilespmem:s14], [sflag:$0x8], $0x80, s13, s25, $0xb8;
	[tilespmem:$0x1E000] =	vst v63  }
0x12e: {  	_ =	swait.ge [sflag:s6], $0x2800  }
0x12f: {  	[sflag:s6] =	ssyncset.done $0x0  }
0x130: {  	s29 =	sadd.s32 $0x0, s21;
	[sflag:s6] =	ssyncadd.s32 $0xFFFFD800  }
0x131: {  	[tilespmem:s30], [sflag:$0x9] =	stream.linear.gather [hbm4b:s29+s2], $0x50, $0x38;
	[tilespmem:$0x1E000] =	vst v63  }
0x132: {  	s5 =	sadd.s32 $0x32, s5;
	_ =	swait.ge [sflag:s22], $0x50  }
0x133: {  	s8 =	simm.s32 $0x28;
	s12 =	simm.s32 $0x19000;
	[sflag:s22] =	ssyncset.done $0x0  }
0x134: {  	s7 =	simm.s32 $0x13F00;
	s3 =	simm.s32 $0x13D00;
	[sflag:s22] =	ssyncadd.s32 $0xFFFFFFB0  }
0x135: {  	[tilespmem:s18], [sflag:$0x9] =	stream.linear.gather [hbm4b:s5+s2], $0x50, $0x38;
	[tilespmem:$0x1E000] =	vst v63  }
0x136: {  	s26 =	simm.s32 $0x1B800;
	s14 =	simm.s32 $0x13F80;
	_ =	swait.ge [sflag:s22], $0x50  }
0x137: {  	s13 =	simm.s32 $0x13D80;
	[sflag:s22] =	ssyncset.done $0x0;
	s9 =	rddreg [dreg:$0x13]  }
.LBB2_4:
0x138: {  	[sflag:s22] =	ssyncadd.s32 $0xFFFFFFB0;
	s29 =	simm.s32 $0x16800  }
0x139: {  	[tilespmem:s29], [sflag:$0x2] =	stream.indirect.gather [hbm4b:s4+s25], $0x80, s30, s25, $0xb8;
	[tilespmem:$0x1E000] =	vst v63  }
0x13a: {  	s11 =	smov.u32 s8;
	_ =	swait.ge [sflag:s31], $0x2800  }
0x13b: {  	s28 =	simm.s32 $0x13E00;
	p1 =	seq.s32 s11, $0x0;
	[sflag:s31] =	ssyncset.done $0x0  }
0x13c: {  	s30 =	simm.s32 $0x14000;
	s5 =	simm.s32 @!p1 $0x7;
	[sflag:s31] =	ssyncadd.s32 $0xFFFFD800  }
0x13d: {  	[spmem:s1] =	stream.indirect.scatter.add.f32 [tilespmem:s30], [sflag:$0x5], $0x80, s28, s25, $0xb8;
	[tilespmem:$0x1E000] =	vst v63  }
0x13e: {  	_ =	swait.ge @!p1 [sflag:s5], $0x2800  }
0x13f: {  	[sflag:s5] =	ssyncset.done @!p1 $0x0;
	s0 =	rddreg [dreg:$0x6]  }
0x140: {  	s18 =	sadd.s32 s11, s0;
	[sflag:s5] =	ssyncadd.s32 @!p1 $0xFFFFD800  }
0x141: {  	[tilespmem:s3], [sflag:$0x9] =	stream.linear.gather [hbm4b:s18+s2], $0x50, $0x38;
	[tilespmem:$0x1E000] =	vst v63  }
0x142: {  	_ =	swait.ge [sflag:s22], $0x50  }
0x143: {  	s0 =	rddreg [dreg:$0x4]  }
0x144: {  	[sflag:s22] =	ssyncset.done $0x0;
	s19 =	sadd.s32 s11, s0  }
0x145: {  	[sflag:s22] =	ssyncadd.s32 $0xFFFFFFB0;
	s5 =	sadd.s32 $0x14, s19  }
0x146: {  	[tilespmem:s7], [sflag:$0x9] =	stream.linear.gather [hbm4b:s5+s2], $0x50, $0x38;
	[tilespmem:$0x1E000] =	vst v63  }
0x147: {  	_ =	swait.ge [sflag:s22], $0x50  }
0x148: {  	[sflag:s22] =	ssyncset.done $0x0  }
0x149: {  	[sflag:s22] =	ssyncadd.s32 $0xFFFFFFB0  }
0x14a: {  	[tilespmem:s12], [sflag:$0x3] =	stream.indirect.gather [hbm4b:s4+s25], $0x80, s3, s25, $0xb8;
	[tilespmem:$0x1E000] =	vst v63  }
0x14b: {  	_ =	swait.ge [sflag:s10], $0x2800  }
0x14c: {  	[sflag:s10] =	ssyncset.done $0x0  }
0x14d: {  	s0 =	simm.s32 $0x13E80;
	s5 =	simm.s32 @!p1 $0x8;
	[sflag:s10] =	ssyncadd.s32 $0xFFFFD800  }
0x14e: {  	[spmem:s1] =	stream.indirect.scatter.add.f32 [tilespmem:s29], [sflag:$0x6], $0x80, s0, s25, $0xb8;
	[tilespmem:$0x1E000] =	vst v63  }
0x14f: {  	_ =	swait.ge @!p1 [sflag:s5], $0x2800  }
0x150: {  	[sflag:s5] =	ssyncset.done @!p1 $0x0  }
0x151: {  	s18 =	sadd.s32 s11, s23;
	[sflag:s5] =	ssyncadd.s32 @!p1 $0xFFFFD800  }
0x152: {  	[tilespmem:s13], [sflag:$0x9] =	stream.linear.gather [hbm4b:s18+s2], $0x50, $0x38;
	[tilespmem:$0x1E000] =	vst v63  }
0x153: {  	_ =	swait.ge [sflag:s22], $0x50  }
0x154: {  	[sflag:s22] =	ssyncset.done $0x0  }
0x155: {  	s18 =	sadd.s32 $0x1E, s19;
	[sflag:s22] =	ssyncadd.s32 $0xFFFFFFB0  }
0x156: {  	[tilespmem:s14], [sflag:$0x9] =	stream.linear.gather [hbm4b:s18+s2], $0x50, $0x38;
	[tilespmem:$0x1E000] =	vst v63  }
0x157: {  	_ =	swait.ge [sflag:s22], $0x50  }
0x158: {  	[sflag:s22] =	ssyncset.done $0x0  }
0x159: {  	[sflag:s22] =	ssyncadd.s32 $0xFFFFFFB0  }
0x15a: {  	[tilespmem:s26], [sflag:$0x4] =	stream.indirect.gather [hbm4b:s4+s25], $0x80, s13, s25, $0xb8;
	[tilespmem:$0x1E000] =	vst v63  }
0x15b: {  	_ =	swait.ge [sflag:s15], $0x2800  }
0x15c: {  	[sflag:s15] =	ssyncset.done $0x0  }
0x15d: {  	[sflag:s15] =	ssyncadd.s32 $0xFFFFD800  }
0x15e: {  	[spmem:s1] =	stream.indirect.scatter.add.f32 [tilespmem:s12], [sflag:$0x7], $0x80, s7, s25, $0xb8;
	[tilespmem:$0x1E000] =	vst v63  }
0x15f: {  	s9 =	sadd.s32 $0x140, s9;
	_ =	swait.ge [sflag:s16], $0x2800  }
0x160: {  	s18 =	sshrl.u32 s9, $0x3;
	[sflag:s16] =	ssyncset.done $0x0  }
0x161: {  	s5 =	sadd.s32 s20, s18;
	[sflag:s16] =	ssyncadd.s32 $0xFFFFD800  }
0x162: {  	[tilespmem:s24], [sflag:$0x9] =	stream.linear.gather [hbm4b:s5+s2], $0x50, $0x38;
	[tilespmem:$0x1E000] =	vst v63  }
0x163: {  	_ =	swait.ge [sflag:s22], $0x50  }
0x164: {  	[sflag:s22] =	ssyncset.done $0x0  }
0x165: {  	s18 =	sadd.s32 $0x28, s19;
	[sflag:s22] =	ssyncadd.s32 $0xFFFFFFB0  }
0x166: {  	[tilespmem:s28], [sflag:$0x9] =	stream.linear.gather [hbm4b:s18+s2], $0x50, $0x38;
	[tilespmem:$0x1E000] =	vst v63  }
0x167: {  	_ =	swait.ge [sflag:s22], $0x50  }
0x168: {  	[sflag:s22] =	ssyncset.done $0x0  }
0x169: {  	[sflag:s22] =	ssyncadd.s32 $0xFFFFFFB0  }
0x16a: {  	[tilespmem:s30], [sflag:$0x1] =	stream.indirect.gather [hbm4b:s4+s25], $0x80, s24, s25, $0xb8;
	[tilespmem:$0x1E000] =	vst v63  }
0x16b: {  	_ =	swait.ge [sflag:s17], $0x2800  }
0x16c: {  	[sflag:s17] =	ssyncset.done $0x0  }
0x16d: {  	[sflag:s17] =	ssyncadd.s32 $0xFFFFD800  }
0x16e: {  	[spmem:s1] =	stream.indirect.scatter.add.f32 [tilespmem:s26], [sflag:$0x8], $0x80, s14, s25, $0xb8;
	[tilespmem:$0x1E000] =	vst v63  }
0x16f: {  	_ =	swait.ge [sflag:s6], $0x2800  }
0x170: {  	s8 =	sadd.s32 $0x28, s8;
	[sflag:s6] =	ssyncset.done $0x0  }
0x171: {  	s18 =	sadd.s32 s11, s21;
	s30 =	simm.s32 $0x13C80;
	[sflag:s6] =	ssyncadd.s32 $0xFFFFD800  }
0x172: {  	[tilespmem:s30], [sflag:$0x9] =	stream.linear.gather [hbm4b:s18+s2], $0x50, $0x38;
	[tilespmem:$0x1E000] =	vst v63  }
0x173: {  	p0 =	sne.s32 s8, $0x9B0;
	_ =	swait.ge [sflag:s22], $0x50  }
.Ltmp1:
0x174: {  	[sflag:s22] =	ssyncset.done $0x0;
	(pc) =	sbr.rel @p0 .LBB2_4-.Ltmp1, $4  }
0x175: {  	s19 =	sadd.s32 $0x32, s19;
	[sflag:s22] =	ssyncadd.s32 $0xFFFFFFB0  }
0x176: {  	[tilespmem:s0], [sflag:$0x9] =	stream.linear.gather [hbm4b:s19+s2], $0x50, $0x38;
	[tilespmem:$0x1E000] =	vst v63  }
0x177: {  	s29 =	simm.s32 $0x13E00;
	_ =	swait.ge [sflag:s22], $0x50  }
0x178: {  	s28 =	simm.s32 $0x14000;
	s11 =	simm.s32 $0x13E80;
	[sflag:s22] =	ssyncset.done $0x0  }
0x179: {  	[sflag:s22] =	ssyncadd.s32 $0xFFFFFFB0;
	s0 =	simm.s32 $0x16800  }
0x17a: {  	[tilespmem:s0], [sflag:$0x2] =	stream.indirect.gather [hbm4b:s4+s25], $0x80, s30, s25, $0xb8;
	[tilespmem:$0x1E000] =	vst v63  }
0x17b: {  	_ =	swait.ge [sflag:s31], $0x2800  }
0x17c: {  	[sflag:s31] =	ssyncset.done $0x0  }
0x17d: {  	[sflag:s31] =	ssyncadd.s32 $0xFFFFD800  }
0x17e: {  	[spmem:s1] =	stream.indirect.scatter.add.f32 [tilespmem:s28], [sflag:$0x5], $0x80, s29, s25, $0xb8;
	[tilespmem:$0x1E000] =	vst v63  }
0x17f: {  	_ =	swait.ge [sflag:s10], $0x2800  }
0x180: {  	[sflag:s10] =	ssyncset.done $0x0  }
0x181: {  	[sflag:s10] =	ssyncadd.s32 $0xFFFFD800  }
0x182: {  	[spmem:s1] =	stream.indirect.scatter.add.f32 [tilespmem:s0], [sflag:$0x6], $0x80, s11, s25, $0xb8;
	[tilespmem:$0x1E000] =	vst v63  }
0x183: {  	_ =	swait.ge [sflag:s16], $0x2800  }
0x184: {  	[sflag:s16] =	ssyncset.done $0x0  }
0x185: {  	[sflag:s16] =	ssyncadd.s32 $0xFFFFD800  }
0x186: {  	_ =	swait.ge [sflag:s6], $0x2800  }
0x187: {  	[sflag:s6] =	ssyncset.done $0x0  }
0x188: {  	s26 =	simm.s32 $0x7;
	[sflag:s6] =	ssyncadd.s32 $0xFFFFD800  }
0x189: {  	_ =	swait.ge [sflag:s26], $0x2800  }
0x18a: {  	[sflag:s26] =	ssyncset.done $0x0  }
0x18b: {  	s19 =	simm.s32 $0x8;
	[sflag:s26] =	ssyncadd.s32 $0xFFFFD800  }
0x18c: {  	_ =	swait.ge [sflag:s19], $0x2800  }
0x18d: {  	[sflag:s19] =	ssyncset.done $0x0  }
0x18e: {  	[sflag:s19] =	ssyncadd.s32 $0xFFFFD800  }
0x18f: {  	[bflag:$0x0] =	sbarrier.arrive $0xFFFF  }
0x190: {  	s19 =	rddreg [dreg:$0x9]  }
0x191: {  	s5 =	rddreg [dreg:$0x11]  }
0x192: {  	s18 =	smov.u32 s20;
	s20 =	rddreg [dreg:$0x15]  }
0x193: {  	[hbm:s5], [sflag:s19] =	dma.local [spmem:s20], $0x2780  }
0x194: {  	_ =	swait.ge [sflag:s22], $0x2780  }
0x195: {  	s21 =	rddreg [dreg:$0x14]  }
0x196: {  	s28 =	rddreg [dreg:$0x12];
	s0 =	sadd.s32 $0x1, s21  }
0x197: {  	p0 =	sne.s32 s0, s28  }
.Ltmp2:
0x198: {  	_ = 	snop;
	(pc) =	sbr.rel @p0 .LBB2_1-.Ltmp2, $4  }
0x199: {  	s3 =	simm.s32 $0x13F00;
	[sflag:s22] =	ssyncset.done $0x0  }
0x19a: {  	s7 =	simm.s32 $0x19000;
	s12 =	simm.s32 $0x13D80;
	[sflag:s22] =	ssyncadd.s32 $0xFFFFD880  }
0x19b: {  	s13 =	simm.s32 $0x13F80;
	s14 =	simm.s32 $0x1B800;
	[bflag:$0x0] =	sbarrier.arrive $0xFFFF  }
0x19c: {  	s29 =	simm.s32 $0x13D00;
	s20 =	simm.s32 $0x13C00;
	s11 =	rddreg [dreg:$0x6]  }
0x19d: {  	_ =	sfence.sel $0x180000  }
0x19e: {  	[bflag:$0x0] =	sbarrier.arrive $0xFFFF  }
0x19f: {  	_ =	strace $0x9000004A  }
0x1a0: {  	s0 =	stileid.u32;
	[bflag:$0x2] =	sbarrier.arrive $0xFFFF  }
0x1a1: {  	p0 =	sne.s32 s0, $0x0;
	s0 =	rddreg [dreg:$0x2]  }
0x1a2: {  	s0 =	sadd.s32 @!p0 $0x100000, s0  }
0x1a3: {  	[sflag:s0] =	ssyncadd.tile.s32 @!p0 $0x1;
	_ =	shalt  }
.Lfunc_end2:
_tile_overlayer_lowered:
.L_overlay_start_2:
0x1a4: {  	(tag) =	ssettag $0x2  }
0x1a5: {  	s0 =	rddreg [dreg:$0x0];
	s2 =	stileid.u32  }
0x1a6: {  	s1 =	rddreg [dreg:$0x1];
	p0 =	sne.s32 s2, $0x0  }
0x1a7: {  	s3 =	rddreg [dreg:$0x2];
	[bflag:$0x3] =	sbarrier.arrive $0xFFFF;
	s2 =	simm.s32 @!p0 $0x1C09  }
0x1a8: {  	[timem:s3], [sflag:s2] =	dma.local @!p0 [hbm:s0], s1  }
0x1a9: {  	s0 =	simm.s32 @!p0 $0x9  }
0x1aa: {  	_ =	swait.ge @!p0 [sflag:s0], s1  }
0x1ab: {  	s1 =	ssub.s32 @!p0 $0x0, s1;
	[sflag:s0] =	ssyncset.done @!p0 $0x0  }
0x1ac: {  	[sflag:s0] =	ssyncadd.s32 @!p0 s1  }
0x1ad: {  	[bflag:$0x3] =	sbarrier.arrive $0xFFFF  }
0x1ae: {  	_ =	shalt  }

// kernel: kernel.15.cloned.1.call-start
scs
__scs_entry_jumppad:
0x0: {  	(pc) =	sbr.rel $0x88, $3  }
0x1: {  	(tag) =	ssettag $0x0;
	lr =	simm.s32 $0x1  }
0x2: {  	[smem:$0x3F95] =	sst lr;
	_ =	strace $0xD0000000  }
0x3: {  	_ = 	snop  }
0x4: {  	_ = 	snop  }
0x5: {  	_ = 	snop  }
0x6: {  	_ = 	snop  }
0x7: {  	_ = 	snop  }
__scs_overlays_trampoline_lowered:
0x8: {  	[smem:$0x3FA4] =	sst s0  }
0x9: {  	[smem:$0x3FA5] =	sst s1  }
0xa: {  	[smem:$0x3FA6] =	sst s2  }
0xb: {  	[smem:$0x3FA7] =	sst s3  }
0xc: {  	[smem:$0x3FA8] =	sst s4  }
0xd: {  	[smem:$0x3FA9] =	sst s5  }
0xe: {  	[smem:$0x3FAA] =	sst s6  }
0xf: {  	[smem:$0x3FAB] =	sst s7  }
0x10: {  	[smem:$0x3FAC] =	sst s8  }
0x11: {  	[smem:$0x3FAD] =	sst s9;
	s0 =	simm.s32 @!p0 $0x0  }
0x12: {  	s1 =	sld [smem:$0x3F93];
	s0 =	simm.s32 @p0 $0x1  }
0x13: {  	[smem:$0x3FAE] =	sst s0;
	s0 =	simm.s32 @!p1 $0x0  }
0x14: {  	s2 =	sld [smem:$0x3F92];
	s0 =	simm.s32 @p1 $0x1  }
0x15: {  	[smem:$0x3FAF] =	sst s0;
	s0 =	simm.s32 @!p2 $0x0  }
0x16: {  	s3 =	sld [smem:$0x3FDB];
	s0 =	simm.s32 @p2 $0x1  }
0x17: {  	s4 =	simm.s32 $0x1BF5;
	[smem:$0x3FB1] =	sst s0  }
0x18: {  	s0 =	sld [smem:$0x3F94];
	_ =	swait.ge [sflag:s4], $0x0  }
0x19: {  	s7 =	sld [smem:$0x3F95]  }
0x1a: {  	s8 =	sadd.s32 $0xFFFFE003, lr  }
0x1b: {  	s9 =	sadd.s32 $0xFFFFFEF7, lr;
	s5 =	simm.s32 $0xFFFFFFFF;
	p2 =	slt.u32 s8, $0xFFFFF086  }
0x1c: {  	p1 =	slt.u32 s9, $0xF7A;
	s5 =	simm.s32 @!p2 $0x0  }
0x1d: {  	s5 =	simm.s32 @p1 $0x1;
	p0 =	seq.s32 s7, s2  }
0x1e: {  	s7 =	smul.u32 @!p0 $0xF7A, s2;
	p2 =	seq.s32 @!p0 s5, $0x0  }
0x1f: {  	s9 =	smul.u32 $0xF7A, s1;
	s8 =	simm.s32 @!p0 $0x1BF5;
	p2 =	por !p2, p0  }
0x20: {  	[sflag:s8] =	ssyncset.s32 @!p0 $0xFFFFF086;
	s6 =	sadd.s32 @!p0 s3, s7;
	s7 =	simm.s32 @!p0 $0x108  }
0x21: {  	s3 =	sadd.s32 s3, s9;
	s6 =	sadd.s32 @!p0 $0x88, s6;
	s7 =	simm.s32 @p2 $0x1082  }
0x22: {  	[simem:s7], [sflag:s8] =	dma.local @!p0 [hbm:s6], $0xF7A  }
0x23: {  	s9 =	sor.u32 $0xD0000000, s2;
	s6 =	simm.s32 $0x108;
	_ =	swait.ge @!p0 [sflag:s8], $0x0  }
0x24: {  	s3 =	sadd.s32 $0x88, s3;
	s6 =	simm.s32 @!p1 $0x1082;
	[sflag:s4] =	ssyncset.s32 $0xFFFFF086  }
0x25: {  	[simem:s6], [sflag:s4] =	dma.local [hbm:s3], $0xF7A  }
0x26: {  	[smem:$0x3F95] =	sst s1;
	(tag) =	ssettag s2;
	_ =	strace s9  }
0x27: {  	s1 =	sld [smem:$0x3FA5]  }
0x28: {  	s2 =	sld [smem:$0x3FA6]  }
0x29: {  	s4 =	sld [smem:$0x3FA8]  }
0x2a: {  	p0 =	seq.s32 s5, $0x0;
	s5 =	sld [smem:$0x3FA9]  }
0x2b: {  	s6 =	sld [smem:$0x3FAA]  }
0x2c: {  	s7 =	sld [smem:$0x3FAB]  }
0x2d: {  	s3 =	simm.s32 $0x108;
	s8 =	sld [smem:$0x3FAC]  }
0x2e: {  	s3 =	simm.s32 @!p0 $0x1082;
	s9 =	sld [smem:$0x3FAD]  }
0x2f: {  	lr =	sadd.s32 s0, s3;
	s0 =	sld [smem:$0x3FA4]  }
0x30: {  	s3 =	sld [smem:$0x3FA7]  }
0x31: {  	[smem:$0x3FB0] =	sst s10  }
0x32: {  	s10 =	sld [smem:$0x3FAE];
	_ =	sdelay $0x3  }
0x33: {  	p0 =	seq.s32 s10, $0x1;
	s10 =	sld [smem:$0x3FB0];
	_ =	sdelay $0x3  }
0x34: {  	[smem:$0x3FB0] =	sst s10  }
0x35: {  	s10 =	sld [smem:$0x3FAF];
	_ =	sdelay $0x3  }
0x36: {  	p1 =	seq.s32 s10, $0x1;
	s10 =	sld [smem:$0x3FB0];
	_ =	sdelay $0x3  }
0x37: {  	[smem:$0x3FB0] =	sst s10  }
0x38: {  	s10 =	sld [smem:$0x3FB1]  }
0x39: {  	_ = 	snop;
	(pc) =	sbr.ind lr, $3  }
0x3a: {  	_ = 	snop  }
0x3b: {  	_ = 	snop  }
0x3c: {  	p2 =	seq.s32 s10, $0x1;
	s10 =	sld [smem:$0x3FB0]  }
0x3d: {  	_ =	shalt  }
0x3e: {  	_ =	shalt  }
0x3f: {  	_ =	shalt  }
0x40: {  	_ =	shalt  }
0x41: {  	_ =	shalt  }
0x42: {  	_ =	shalt  }
0x43: {  	_ =	shalt  }
0x44: {  	_ =	shalt  }
0x45: {  	_ =	shalt  }
0x46: {  	_ =	shalt  }
0x47: {  	_ =	shalt  }
0x48: {  	_ =	shalt  }
0x49: {  	_ =	shalt  }
0x4a: {  	_ =	shalt  }
0x4b: {  	_ =	shalt  }
0x4c: {  	_ =	shalt  }
0x4d: {  	_ =	shalt  }
0x4e: {  	_ =	shalt  }
0x4f: {  	_ =	shalt  }
0x50: {  	_ =	shalt  }
0x51: {  	_ =	shalt  }
0x52: {  	_ =	shalt  }
0x53: {  	_ =	shalt  }
0x54: {  	_ =	shalt  }
0x55: {  	_ =	shalt  }
0x56: {  	_ =	shalt  }
0x57: {  	_ =	shalt  }
0x58: {  	_ =	shalt  }
0x59: {  	_ =	shalt  }
0x5a: {  	_ =	shalt  }
0x5b: {  	_ =	shalt  }
0x5c: {  	_ =	shalt  }
0x5d: {  	_ =	shalt  }
0x5e: {  	_ =	shalt  }
0x5f: {  	_ =	shalt  }
0x60: {  	_ =	shalt  }
0x61: {  	_ =	shalt  }
0x62: {  	_ =	shalt  }
0x63: {  	_ =	shalt  }
0x64: {  	_ =	shalt  }
0x65: {  	_ =	shalt  }
0x66: {  	_ =	shalt  }
0x67: {  	_ =	shalt  }
0x68: {  	_ =	shalt  }
0x69: {  	_ =	shalt  }
0x6a: {  	_ =	shalt  }
0x6b: {  	_ =	shalt  }
0x6c: {  	_ =	shalt  }
0x6d: {  	_ =	shalt  }
0x6e: {  	_ =	shalt  }
0x6f: {  	_ =	shalt  }
0x70: {  	_ =	shalt  }
0x71: {  	_ =	shalt  }
0x72: {  	_ =	shalt  }
0x73: {  	_ =	shalt  }
0x74: {  	_ =	shalt  }
0x75: {  	_ =	shalt  }
0x76: {  	_ =	shalt  }
0x77: {  	_ =	shalt  }
0x78: {  	_ =	shalt  }
0x79: {  	_ =	shalt  }
0x7a: {  	_ =	shalt  }
0x7b: {  	_ =	shalt  }
0x7c: {  	_ =	shalt  }
0x7d: {  	_ =	shalt  }
0x7e: {  	_ =	shalt  }
0x7f: {  	_ =	shalt  }
0x80: {  	_ =	shalt  }
0x81: {  	_ =	shalt  }
0x82: {  	_ =	shalt  }
0x83: {  	_ =	shalt  }
0x84: {  	_ =	shalt  }
0x85: {  	_ =	shalt  }
0x86: {  	_ =	shalt  }
0x87: {  	_ =	shalt  }
.Lfunc_end0:
.L_simem_size_0:
called_computation.2_lowered:
.L_overlay_start_0:
0x88: {  	s2 =	sld [smem:$0x3FD9]  }
0x89: {  	s3 =	sld [smem:$0x3FFE];
	_ =	sdelay $0x1  }
0x8a: {  	s1 =	srdreg.scid  }
0x8b: {  	s0 =	sand.u32 $0x1, s1  }
0x8c: {  	s16 =	sshll.u32 s0, $0xA;
	s2 =	sadd.s32 s3, s2  }
0x8d: {  	s2 =	sadd.s32 s2, s16  }
0x8e: {  	[smem:$0x3FBC] =	sst s2  }
0x8f: {  	_ = 	snop  }
0x90: {  	(tm) =	ssettm $0x1  }
0x91: {  	s17 =	sld [smem:$0x3FFB];
	_ =	sdelay $0x3  }
0x92: {  	_ =	strace s17  }
0x93: {  	s2 =	sld [smem:$0x3FFC];
	_ =	sdelay $0x3  }
0x94: {  	_ =	strace s2  }
0x95: {  	s2 =	sld [smem:$0x3FFD];
	_ =	sdelay $0x3  }
0x96: {  	_ =	strace s2  }
0x97: {  	_ =	strace $0x8FFFFFFF  }
0x98: {  	s18 =	sld [smem:$0x3FDB];
	_ =	sdelay $0x1  }
0x99: {  	s19 =	simm.s32 $_scs_section_size  }
0x9a: {  	s4 =	simm.s32 $_size__tile_overlayer_lowered;
	s5 =	simm.s32 $_tile_overlayer_lowered  }
0x9b: {  	s22 =	simm.s32 $0x1BFF;
	s21 =	sshll.u32 s5, $0x1;
	s2 =	sadd.s32 s19, s18  }
0x9c: {  	s6 =	simm.s32 $0x0;
	s20 =	sshll.u32 s4, $0x1;
	s4 =	sadd.s32 s21, s2  }
0x9d: {  	[timem:s6], [sflag:s22] =	dma.local [hbm:s4], s20  }
0x9e: {  	_ =	swait.ge [sflag:s22], s20  }
0x9f: {  	s3 =	ssub.s32 $0x0, s20;
	[sflag:s22] =	ssyncset.done $0x0  }
0xa0: {  	[sflag:s22] =	ssyncadd.s32 s3;
	_ =	sdelay $0x1  }
0xa1: {  	s23 =	simm.s32 $0x1B8B  }
0xa2: {  	_ =	swait.ge [sflag:s23], $0x1  }
0xa3: {  	[sflag:s23] =	ssyncset.done $0x0  }
0xa4: {  	s25 =	simm.s32 $0x1B8E;
	s24 =	sld [smem:$0x3FFE];
	[sflag:s23] =	ssyncadd.s32 $0xFFFFFFFF  }
0xa5: {  	s26 =	simm.s32 $execute0_lowered;
	[smem:$0x3FD2] =	sst s25  }
0xa6: {  	s4 =	sshll.u32 s26, $0x1;
	_ =	strace $0x8000004C;
	[dreg:$0x1] =	wrdreg $0xFFFFFFFF  }
0xa7: {  	s28 =	simm.s32 $_size_execute0_lowered;
	s2 =	sadd.s32 s2, s4;
	[dreg:$0x0] =	wrdreg $0x0  }
0xa8: {  	s4 =	sshll.u32 s28, $0x1;
	[dreg:$0x2] =	wrdreg s2  }
0xa9: {  	[dreg:$0x3] =	wrdreg s4  }
0xaa: {  	[dreg:$0x4] =	wrdreg $0xC0  }
0xab: {  	_ =	task [dreg:s6], $0x5FFFF  }
0xac: {  	[dreg:$0x1] =	wrdreg $0xFFFFFFFF  }
0xad: {  	[dreg:$0x0] =	wrdreg $0x60  }
0xae: {  	[dreg:$0x2] =	wrdreg s24  }
0xaf: {  	[dreg:$0x3] =	wrdreg $0x0  }
0xb0: {  	[dreg:$0x4] =	wrdreg $0x9  }
0xb1: {  	_ =	task.clear_ibuf [dreg:s6], $0x5FFFF;
	_ =	strace $0x9000004C  }
0xb2: {  	s29 =	simm.s32 $0x9;
	_ =	strace $0x8000004E  }
0xb3: {  	_ =	swait.ge [sflag:s29], $0x1  }
0xb4: {  	[sflag:s29] =	ssyncadd.s32 $0xFFFFFFFF  }
0xb5: {  	_ =	strace $0x9000004E  }
0xb6: {  	_ =	sfence  }
0xb7: {  	s30 =	sld [smem:$0x0];
	_ =	sdelay $0x2  }
0xb8: {  	s31 =	sshll.u32 s1, $0xD;
	s1 =	sshrl.u32 s1, $0x2  }
0xb9: {  	s3 =	sand.u32 $0x4000, s31;
	s1 =	sadd.s32 s1, s30  }
0xba: {  	s0 =	sor.u32 s3, s0;
	s1 =	sshll.u32 s1, $0x11  }
0xbb: {  	s0 =	sor.u32 s1, s0  }
0xbc: {  	s0 =	sadd.s32 $0x8F2B, s0  }
0xbd: {  	[sflag:s0] =	ssyncadd.remote.s32 $0x1  }
0xbe: {  	_ =	sfence.sel $0xFFFF  }
0xbf: {  	[dreg:$0x0] =	wrdreg $0xFFFFFFFF;
	(pc) =	sbr.abs _section_cstart, $3  }
0xc0: {  	[dreg:$0x1] =	wrdreg $0xFFFFFFFF  }
0xc1: {  	_ =	task.clear_ibuf [dreg:s6], $0x2FFFF;
	_ =	strace $0x9FFFFFFF  }
0xc2: {  	(tm) =	ssettm $0x7FFFFFFF  }
0xc3: {  	_ =	shalt  }
tec
execute0_lowered:
.L_overlay_start_1:
0x0: {  	(tag) =	ssettag $0x1  }
0x1: {  	s0 =	rddreg [dreg:$0x0]  }
0x2: {  	s1 =	rddreg [dreg:$0x1];
	s2 =	simm.s32 $0x0  }
0x3: {  	s3 =	srdreg.scid;
	s5 =	stileid.u32;
	s30 =	simm.s32 $0x13C80  }
0x4: {  	s31 =	simm.s32 $0x1;
	s29 =	simm.s32 $0x13D00;
	[smem:$0x7FF] =	sst s2  }
0x5: {  	s3 =	sand.u32 $0x1, s3;
	s4 =	sadd.s32 $0x17800, s0;
	s8 =	smul.u32 $0x13C00, s5  }
0x6: {  	s18 =	sadd.s32 $0x3E00, s0;
	s7 =	sadd.s32 $0x6F800, s0;
	s20 =	smul.u32 $0x4F000, s5  }
0x7: {  	s9 =	sadd.s32 $0x65A00, s0;
	s10 =	sadd.s32 $0x79600, s0;
	s11 =	smul.u32 $0x4E20, s5  }
0x8: {  	s24 =	sshll.u32 s5, $0x6;
	s14 =	smul.u32 $0x9C4, s5;
	_ =	strace $0x8000004D  }
0x9: {  	s6 =	smul.u32 $0x278000, s3;
	[dreg:$0x7] =	wrdreg s10;
	s21 =	ssub.s32 $0x2, s3  }
0xa: {  	s3 =	smul.u32 $0x4E200, s3;
	s19 =	sor.u32 $0x1C09, s24;
	s12 =	sshrl.u32 s21, $0x1  }
0xb: {  	s23 =	sshrl.u32 s20, $0x2;
	s26 =	sadd.s32 $0x50, s11;
	s28 =	sshrl.u32 s11, $0x3  }
0xc: {  	s20 =	sadd.s32 s14, s7;
	[dreg:$0x9] =	wrdreg s19;
	s6 =	sadd.s32 s8, s6  }
0xd: {  	s22 =	ssub.s32 s21, s12;
	s8 =	sadd.s32 s23, s1;
	s10 =	sadd.s32 s11, s3  }
0xe: {  	s3 =	sadd.s32 s3, s26;
	s11 =	sadd.s32 s7, s28;
	s12 =	sshrl.u32 s26, $0x3  }
0xf: {  	s16 =	sadd.s32 s9, s28;
	[dreg:$0x3] =	wrdreg s20;
	s28 =	sadd.s32 s14, s9  }
0x10: {  	s20 =	simm.s32 $0x13C00;
	s14 =	simm.s32 $0x1B800;
	[dreg:$0x8] =	wrdreg s8  }
0x11: {  	s6 =	sshrl.u32 s6, $0x3;
	s25 =	sshrl.u32 s10, $0x3;
	[dreg:$0xb] =	wrdreg s11  }
0x12: {  	s3 =	sshrl.u32 s3, $0x3;
	s13 =	sadd.s32 s7, s12;
	[dreg:$0xf] =	wrdreg s16  }
0x13: {  	s17 =	sadd.s32 s9, s12;
	s21 =	sadd.s32 $0x190, s10;
	s22 =	smax.u32 s22, $0x1  }
0x14: {  	s24 =	sadd.s32 $0xF0, s10;
	s26 =	sadd.s32 $0x140, s10;
	[dreg:$0x4] =	wrdreg s28  }
0x15: {  	s7 =	simm.s32 $0x19000;
	s12 =	simm.s32 $0x13D80;
	[dreg:$0xd] =	wrdreg s13  }
0x16: {  	s16 =	simm.s32 $0x5;
	s0 =	sadd.s32 s6, s0;
	[dreg:$0x10] =	wrdreg s17  }
0x17: {  	s8 =	sadd.s32 s18, s25;
	s3 =	sadd.s32 s18, s3;
	[dreg:$0x12] =	wrdreg s22  }
0x18: {  	s23 =	sshrl.u32 s21, $0x3;
	s25 =	sadd.s32 $0xA0, s10;
	[dreg:$0x13] =	wrdreg s26  }
0x19: {  	s22 =	simm.s32 $0x9;
	s10 =	simm.s32 $0x2;
	s13 =	simm.s32 $0x13F80  }
0x1a: {  	s17 =	simm.s32 $0x4;
	s26 =	simm.s32 $0x7;
	[dreg:$0xa] =	wrdreg s8  }
0x1b: {  	[dreg:$0xc] =	wrdreg s3;
	s15 =	sadd.s32 $0x7BE00, s0;
	s0 =	sadd.s32 $0xA3600, s0  }
0x1c: {  	s6 =	sshrl.u32 s25, $0x3;
	s25 =	simm.s32 $0x50;
	[dreg:$0xe] =	wrdreg s15  }
0x1d: {  	s3 =	simm.s32 $0x13F00;
	[dreg:$0x11] =	wrdreg s0;
	s0 =	sadd.s32 s23, s18  }
0x1e: {  	s11 =	sadd.s32 s6, s18;
	s15 =	simm.s32 $0x3;
	[dreg:$0x5] =	wrdreg s0  }
0x1f: {  	s6 =	simm.s32 $0x6;
	s0 =	sshrl.u32 s24, $0x3;
	[dreg:$0x6] =	wrdreg s11  }
0x20: {  	s24 =	simm.s32 $0x13C00;
	s23 =	sadd.s32 s0, s18;
	s0 =	simm.s32 $0x0  }
.LBB2_1:
0x21: {  	[dreg:$0x14] =	wrdreg s0  }
0x22: {  	s5 =	rddreg [dreg:$0x8]  }
0x23: {  	s21 =	rddreg [dreg:$0x7];
	s9 =	sshrl.u32 s5, $0x3  }
0x24: {  	[dreg:$0x15] =	wrdreg s9  }
0x25: {  	[spmem:s9], [sflag:s19] =	dma.local [hbm:s21], $0x2780  }
0x26: {  	_ =	swait.ge [sflag:s22], $0x2780  }
0x27: {  	[sflag:s22] =	ssyncset.done $0x0  }
0x28: {  	[sflag:s22] =	ssyncadd.s32 $0xFFFFD880  }
0x29: {  	[bflag:$0x0] =	sbarrier.arrive $0xFFFF  }
0x2a: {  	s28 =	rddreg [dreg:$0xa]  }
0x2b: {  	[tilespmem:s20], [sflag:$0x9] =	stream.linear.gather [hbm4b:s28+s2], $0x50, $0x38;
	[tilespmem:$0x1E000] =	vst v63  }
0x2c: {  	_ =	swait.ge [sflag:s22], $0x50  }
0x2d: {  	[sflag:s22] =	ssyncset.done $0x0  }
0x2e: {  	s19 =	simm.s32 $0x13E00;
	s0 =	rddreg [dreg:$0xb];
	[sflag:s22] =	ssyncadd.s32 $0xFFFFFFB0  }
0x2f: {  	[tilespmem:s19], [sflag:$0x9] =	stream.linear.gather [hbm4b:s0+s2], $0x50, $0x38;
	[tilespmem:$0x1E000] =	vst v63  }
0x30: {  	_ =	swait.ge [sflag:s22], $0x50  }
0x31: {  	[sflag:s22] =	ssyncset.done $0x0  }
0x32: {  	s21 =	simm.s32 $0x14000;
	[sflag:s22] =	ssyncadd.s32 $0xFFFFFFB0  }
0x33: {  	[tilespmem:s21], [sflag:$0x1] =	stream.indirect.gather [hbm4b:s4+s25], $0x80, s20, s25, $0xb8;
	[tilespmem:$0x1E000] =	vst v63  }
0x34: {  	s8 =	rddreg [dreg:$0xc]  }
0x35: {  	[tilespmem:s30], [sflag:$0x9] =	stream.linear.gather [hbm4b:s8+s2], $0x50, $0x38;
	[tilespmem:$0x1E000] =	vst v63  }
0x36: {  	_ =	swait.ge [sflag:s22], $0x50  }
0x37: {  	[sflag:s22] =	ssyncset.done $0x0  }
0x38: {  	s0 =	simm.s32 $0x13E80;
	s9 =	rddreg [dreg:$0xd];
	[sflag:s22] =	ssyncadd.s32 $0xFFFFFFB0  }
0x39: {  	[tilespmem:s0], [sflag:$0x9] =	stream.linear.gather [hbm4b:s9+s2], $0x50, $0x38;
	[tilespmem:$0x1E000] =	vst v63  }
0x3a: {  	_ =	swait.ge [sflag:s22], $0x50  }
0x3b: {  	[sflag:s22] =	ssyncset.done $0x0  }
0x3c: {  	s5 =	simm.s32 $0x16800;
	[sflag:s22] =	ssyncadd.s32 $0xFFFFFFB0  }
0x3d: {  	[tilespmem:s5], [sflag:$0x2] =	stream.indirect.gather [hbm4b:s4+s25], $0x80, s30, s25, $0xb8;
	[tilespmem:$0x1E000] =	vst v63  }
0x3e: {  	_ =	swait.ge [sflag:s31], $0x2800  }
0x3f: {  	p0 =	por $0x1, $0x1;
	[sflag:s31] =	ssyncset.done $0x0  }
0x40: {  	s8 =	simm.s32 @!p0 $0x7;
	[sflag:s31] =	ssyncadd.s32 $0xFFFFD800  }
0x41: {  	[spmem:s1] =	stream.indirect.scatter.add.f32 [tilespmem:s21], [sflag:$0x5], $0x80, s19, s25, $0xb8;
	[tilespmem:$0x1E000] =	vst v63  }
0x42: {  	_ =	swait.ge @!p0 [sflag:s8], $0x2800  }
0x43: {  	[sflag:s8] =	ssyncset.done @!p0 $0x0  }
0x44: {  	s9 =	sadd.s32 $0x0, s11;
	[sflag:s8] =	ssyncadd.s32 @!p0 $0xFFFFD800  }
0x45: {  	[tilespmem:s29], [sflag:$0x9] =	stream.linear.gather [hbm4b:s9+s2], $0x50, $0x38;
	[tilespmem:$0x1E000] =	vst v63  }
0x46: {  	_ =	swait.ge [sflag:s22], $0x50  }
0x47: {  	s11 =	rddreg [dreg:$0x3]  }
0x48: {  	[sflag:s22] =	ssyncset.done $0x0;
	s8 =	sadd.s32 $0x0, s11  }
0x49: {  	[sflag:s22] =	ssyncadd.s32 $0xFFFFFFB0;
	s28 =	sadd.s32 $0x14, s8  }
0x4a: {  	[tilespmem:s3], [sflag:$0x9] =	stream.linear.gather [hbm4b:s28+s2], $0x50, $0x38;
	[tilespmem:$0x1E000] =	vst v63  }
0x4b: {  	_ =	swait.ge [sflag:s22], $0x50  }
0x4c: {  	[sflag:s22] =	ssyncset.done $0x0  }
0x4d: {  	[sflag:s22] =	ssyncadd.s32 $0xFFFFFFB0  }
0x4e: {  	[tilespmem:s7], [sflag:$0x3] =	stream.indirect.gather [hbm4b:s4+s25], $0x80, s29, s25, $0xb8;
	[tilespmem:$0x1E000] =	vst v63  }
0x4f: {  	_ =	swait.ge [sflag:s10], $0x2800  }
0x50: {  	[sflag:s10] =	ssyncset.done $0x0  }
0x51: {  	s9 =	simm.s32 @!p0 $0x8;
	[sflag:s10] =	ssyncadd.s32 $0xFFFFD800  }
0x52: {  	[spmem:s1] =	stream.indirect.scatter.add.f32 [tilespmem:s5], [sflag:$0x6], $0x80, s0, s25, $0xb8;
	[tilespmem:$0x1E000] =	vst v63  }
0x53: {  	_ =	swait.ge @!p0 [sflag:s9], $0x2800  }
0x54: {  	[sflag:s9] =	ssyncset.done @!p0 $0x0  }
0x55: {  	s5 =	sadd.s32 $0x0, s23;
	[sflag:s9] =	ssyncadd.s32 @!p0 $0xFFFFD800  }
0x56: {  	[tilespmem:s12], [sflag:$0x9] =	stream.linear.gather [hbm4b:s5+s2], $0x50, $0x38;
	[tilespmem:$0x1E000] =	vst v63  }
0x57: {  	_ =	swait.ge [sflag:s22], $0x50  }
0x58: {  	[sflag:s22] =	ssyncset.done $0x0  }
0x59: {  	s28 =	sadd.s32 $0x1E, s8;
	[sflag:s22] =	ssyncadd.s32 $0xFFFFFFB0  }
0x5a: {  	[tilespmem:s13], [sflag:$0x9] =	stream.linear.gather [hbm4b:s28+s2], $0x50, $0x38;
	[tilespmem:$0x1E000] =	vst v63  }
0x5b: {  	_ =	swait.ge [sflag:s22], $0x50  }
0x5c: {  	[sflag:s22] =	ssyncset.done $0x0  }
0x5d: {  	[sflag:s22] =	ssyncadd.s32 $0xFFFFFFB0  }
0x5e: {  	[tilespmem:s14], [sflag:$0x4] =	stream.indirect.gather [hbm4b:s4+s25], $0x80, s12, s25, $0xb8;
	[tilespmem:$0x1E000] =	vst v63  }
0x5f: {  	_ =	swait.ge [sflag:s15], $0x2800  }
0x60: {  	[sflag:s15] =	ssyncset.done $0x0  }
0x61: {  	[sflag:s15] =	ssyncadd.s32 $0xFFFFD800  }
0x62: {  	[spmem:s1] =	stream.indirect.scatter.add.f32 [tilespmem:s7], [sflag:$0x7], $0x80, s3, s25, $0xb8;
	[tilespmem:$0x1E000] =	vst v63  }
0x63: {  	_ =	swait.ge [sflag:s16], $0x2800  }
0x64: {  	s11 =	rddreg [dreg:$0x13]  }
0x65: {  	s5 =	sshrl.u32 s11, $0x3  }
0x66: {  	[sflag:s16] =	ssyncset.done $0x0;
	s28 =	sadd.s32 s18, s5  }
0x67: {  	[sflag:s16] =	ssyncadd.s32 $0xFFFFD800;
	[dreg:$0x16] =	wrdreg s28  }
0x68: {  	[tilespmem:s20], [sflag:$0x9] =	stream.linear.gather [hbm4b:s28+s2], $0x50, $0x38;
	[tilespmem:$0x1E000] =	vst v63  }
0x69: {  	_ =	swait.ge [sflag:s22], $0x50  }
0x6a: {  	[sflag:s22] =	ssyncset.done $0x0  }
0x6b: {  	s5 =	sadd.s32 $0x28, s8;
	[sflag:s22] =	ssyncadd.s32 $0xFFFFFFB0  }
0x6c: {  	[tilespmem:s19], [sflag:$0x9] =	stream.linear.gather [hbm4b:s5+s2], $0x50, $0x38;
	[tilespmem:$0x1E000] =	vst v63  }
0x6d: {  	_ =	swait.ge [sflag:s22], $0x50  }
0x6e: {  	[sflag:s22] =	ssyncset.done $0x0  }
0x6f: {  	[sflag:s22] =	ssyncadd.s32 $0xFFFFFFB0  }
0x70: {  	[tilespmem:s21], [sflag:$0x1] =	stream.indirect.gather [hbm4b:s4+s25], $0x80, s20, s25, $0xb8;
	[tilespmem:$0x1E000] =	vst v63  }
0x71: {  	_ =	swait.ge [sflag:s17], $0x2800  }
0x72: {  	[sflag:s17] =	ssyncset.done $0x0  }
0x73: {  	[sflag:s17] =	ssyncadd.s32 $0xFFFFD800  }
0x74: {  	[spmem:s1] =	stream.indirect.scatter.add.f32 [tilespmem:s14], [sflag:$0x8], $0x80, s13, s25, $0xb8;
	[tilespmem:$0x1E000] =	vst v63  }
0x75: {  	_ =	swait.ge [sflag:s6], $0x2800  }
0x76: {  	[sflag:s6] =	ssyncset.done $0x0;
	s21 =	rddreg [dreg:$0x5]  }
0x77: {  	s28 =	sadd.s32 $0x0, s21;
	[sflag:s6] =	ssyncadd.s32 $0xFFFFD800  }
0x78: {  	[tilespmem:s30], [sflag:$0x9] =	stream.linear.gather [hbm4b:s28+s2], $0x50, $0x38;
	[tilespmem:$0x1E000] =	vst v63  }
0x79: {  	_ =	swait.ge [sflag:s22], $0x50  }
0x7a: {  	[sflag:s22] =	ssyncset.done $0x0  }
0x7b: {  	s8 =	sadd.s32 $0x32, s8;
	[sflag:s22] =	ssyncadd.s32 $0xFFFFFFB0  }
0x7c: {  	[tilespmem:s0], [sflag:$0x9] =	stream.linear.gather [hbm4b:s8+s2], $0x50, $0x38;
	[tilespmem:$0x1E000] =	vst v63  }
0x7d: {  	_ =	swait.ge [sflag:s22], $0x50  }
0x7e: {  	s9 =	smov.u32 s11;
	s8 =	simm.s32 $0x28;
	[sflag:s22] =	ssyncset.done $0x0  }
.LBB2_2:
0x7f: {  	[sflag:s22] =	ssyncadd.s32 $0xFFFFFFB0;
	s0 =	simm.s32 $0x16800  }
0x80: {  	[tilespmem:s0], [sflag:$0x2] =	stream.indirect.gather [hbm4b:s4+s25], $0x80, s30, s25, $0xb8;
	[tilespmem:$0x1E000] =	vst v63  }
0x81: {  	s11 =	smov.u32 s8;
	_ =	swait.ge [sflag:s31], $0x2800  }
0x82: {  	s21 =	simm.s32 $0x13E00;
	p1 =	seq.s32 s11, $0x0;
	[sflag:s31] =	ssyncset.done $0x0  }
0x83: {  	s28 =	simm.s32 $0x14000;
	s19 =	simm.s32 @!p1 $0x7;
	[sflag:s31] =	ssyncadd.s32 $0xFFFFD800  }
0x84: {  	[spmem:s1] =	stream.indirect.scatter.add.f32 [tilespmem:s28], [sflag:$0x5], $0x80, s21, s25, $0xb8;
	[tilespmem:$0x1E000] =	vst v63  }
0x85: {  	_ =	swait.ge @!p1 [sflag:s19], $0x2800  }
0x86: {  	[sflag:s19] =	ssyncset.done @!p1 $0x0;
	s5 =	rddreg [dreg:$0x6]  }
0x87: {  	s5 =	sadd.s32 s11, s5;
	[sflag:s19] =	ssyncadd.s32 @!p1 $0xFFFFD800  }
0x88: {  	[tilespmem:s29], [sflag:$0x9] =	stream.linear.gather [hbm4b:s5+s2], $0x50, $0x38;
	[tilespmem:$0x1E000] =	vst v63  }
0x89: {  	_ =	swait.ge [sflag:s22], $0x50  }
0x8a: {  	s20 =	rddreg [dreg:$0x3]  }
0x8b: {  	[sflag:s22] =	ssyncset.done $0x0;
	s19 =	sadd.s32 s11, s20  }
0x8c: {  	[sflag:s22] =	ssyncadd.s32 $0xFFFFFFB0;
	s5 =	sadd.s32 $0x14, s19  }
0x8d: {  	[tilespmem:s3], [sflag:$0x9] =	stream.linear.gather [hbm4b:s5+s2], $0x50, $0x38;
	[tilespmem:$0x1E000] =	vst v63  }
0x8e: {  	_ =	swait.ge [sflag:s22], $0x50  }
0x8f: {  	[sflag:s22] =	ssyncset.done $0x0  }
0x90: {  	[sflag:s22] =	ssyncadd.s32 $0xFFFFFFB0  }
0x91: {  	[tilespmem:s7], [sflag:$0x3] =	stream.indirect.gather [hbm4b:s4+s25], $0x80, s29, s25, $0xb8;
	[tilespmem:$0x1E000] =	vst v63  }
0x92: {  	_ =	swait.ge [sflag:s10], $0x2800  }
0x93: {  	[sflag:s10] =	ssyncset.done $0x0  }
0x94: {  	s5 =	simm.s32 @!p1 $0x8;
	s29 =	simm.s32 $0x13E80;
	[sflag:s10] =	ssyncadd.s32 $0xFFFFD800  }
0x95: {  	[spmem:s1] =	stream.indirect.scatter.add.f32 [tilespmem:s0], [sflag:$0x6], $0x80, s29, s25, $0xb8;
	[tilespmem:$0x1E000] =	vst v63  }
0x96: {  	_ =	swait.ge @!p1 [sflag:s5], $0x2800  }
0x97: {  	[sflag:s5] =	ssyncset.done @!p1 $0x0  }
0x98: {  	s0 =	sadd.s32 s11, s23;
	[sflag:s5] =	ssyncadd.s32 @!p1 $0xFFFFD800  }
0x99: {  	[tilespmem:s12], [sflag:$0x9] =	stream.linear.gather [hbm4b:s0+s2], $0x50, $0x38;
	[tilespmem:$0x1E000] =	vst v63  }
0x9a: {  	_ =	swait.ge [sflag:s22], $0x50  }
0x9b: {  	[sflag:s22] =	ssyncset.done $0x0  }
0x9c: {  	s0 =	sadd.s32 $0x1E, s19;
	[sflag:s22] =	ssyncadd.s32 $0xFFFFFFB0  }
0x9d: {  	[tilespmem:s13], [sflag:$0x9] =	stream.linear.gather [hbm4b:s0+s2], $0x50, $0x38;
	[tilespmem:$0x1E000] =	vst v63  }
0x9e: {  	_ =	swait.ge [sflag:s22], $0x50  }
0x9f: {  	[sflag:s22] =	ssyncset.done $0x0  }
0xa0: {  	[sflag:s22] =	ssyncadd.s32 $0xFFFFFFB0  }
0xa1: {  	[tilespmem:s14], [sflag:$0x4] =	stream.indirect.gather [hbm4b:s4+s25], $0x80, s12, s25, $0xb8;
	[tilespmem:$0x1E000] =	vst v63  }
0xa2: {  	_ =	swait.ge [sflag:s15], $0x2800  }
0xa3: {  	[sflag:s15] =	ssyncset.done $0x0  }
0xa4: {  	[sflag:s15] =	ssyncadd.s32 $0xFFFFD800  }
0xa5: {  	[spmem:s1] =	stream.indirect.scatter.add.f32 [tilespmem:s7], [sflag:$0x7], $0x80, s3, s25, $0xb8;
	[tilespmem:$0x1E000] =	vst v63  }
0xa6: {  	s9 =	sadd.s32 $0x140, s9;
	_ =	swait.ge [sflag:s16], $0x2800  }
0xa7: {  	s20 =	smov.u32 s18;
	s0 =	sshrl.u32 s9, $0x3;
	[sflag:s16] =	ssyncset.done $0x0  }
0xa8: {  	s5 =	sadd.s32 s20, s0;
	[sflag:s16] =	ssyncadd.s32 $0xFFFFD800  }
0xa9: {  	[tilespmem:s24], [sflag:$0x9] =	stream.linear.gather [hbm4b:s5+s2], $0x50, $0x38;
	[tilespmem:$0x1E000] =	vst v63  }
0xaa: {  	_ =	swait.ge [sflag:s22], $0x50  }
0xab: {  	[sflag:s22] =	ssyncset.done $0x0  }
0xac: {  	s0 =	sadd.s32 $0x28, s19;
	[sflag:s22] =	ssyncadd.s32 $0xFFFFFFB0  }
0xad: {  	[tilespmem:s21], [sflag:$0x9] =	stream.linear.gather [hbm4b:s0+s2], $0x50, $0x38;
	[tilespmem:$0x1E000] =	vst v63  }
0xae: {  	_ =	swait.ge [sflag:s22], $0x50  }
0xaf: {  	[sflag:s22] =	ssyncset.done $0x0  }
0xb0: {  	[sflag:s22] =	ssyncadd.s32 $0xFFFFFFB0  }
0xb1: {  	[tilespmem:s28], [sflag:$0x1] =	stream.indirect.gather [hbm4b:s4+s25], $0x80, s24, s25, $0xb8;
	[tilespmem:$0x1E000] =	vst v63  }
0xb2: {  	_ =	swait.ge [sflag:s17], $0x2800  }
0xb3: {  	[sflag:s17] =	ssyncset.done $0x0  }
0xb4: {  	[sflag:s17] =	ssyncadd.s32 $0xFFFFD800  }
0xb5: {  	[spmem:s1] =	stream.indirect.scatter.add.f32 [tilespmem:s14], [sflag:$0x8], $0x80, s13, s25, $0xb8;
	[tilespmem:$0x1E000] =	vst v63  }
0xb6: {  	_ =	swait.ge [sflag:s6], $0x2800  }
0xb7: {  	[sflag:s6] =	ssyncset.done $0x0;
	s21 =	rddreg [dreg:$0x5]  }
0xb8: {  	s8 =	sadd.s32 $0x28, s8;
	s5 =	sadd.s32 s11, s21;
	[sflag:s6] =	ssyncadd.s32 $0xFFFFD800  }
0xb9: {  	[tilespmem:s30], [sflag:$0x9] =	stream.linear.gather [hbm4b:s5+s2], $0x50, $0x38;
	[tilespmem:$0x1E000] =	vst v63  }
0xba: {  	p0 =	sne.s32 s8, $0x9B0;
	s21 =	rddreg [dreg:$0x5];
	_ =	swait.ge [sflag:s22], $0x50  }
.Ltmp0:
0xbb: {  	[sflag:s22] =	ssyncset.done $0x0;
	(pc) =	sbr.rel @p0 .LBB2_2-.Ltmp0, $4  }
0xbc: {  	s28 =	sadd.s32 $0x32, s19;
	[sflag:s22] =	ssyncadd.s32 $0xFFFFFFB0  }
0xbd: {  	[tilespmem:s29], [sflag:$0x9] =	stream.linear.gather [hbm4b:s28+s2], $0x50, $0x38;
	[tilespmem:$0x1E000] =	vst v63  }
0xbe: {  	_ =	swait.ge [sflag:s22], $0x50  }
0xbf: {  	s18 =	smov.u32 s20;
	s29 =	simm.s32 $0x13D00;
	[sflag:s22] =	ssyncset.done $0x0  }
0xc0: {  	[sflag:s22] =	ssyncadd.s32 $0xFFFFFFB0;
	s0 =	simm.s32 $0x16800  }
0xc1: {  	[tilespmem:s0], [sflag:$0x2] =	stream.indirect.gather [hbm4b:s4+s25], $0x80, s30, s25, $0xb8;
	[tilespmem:$0x1E000] =	vst v63  }
0xc2: {  	_ =	swait.ge [sflag:s31], $0x2800  }
0xc3: {  	[sflag:s31] =	ssyncset.done $0x0  }
0xc4: {  	s9 =	simm.s32 $0x13E00;
	s11 =	simm.s32 $0x14000;
	[sflag:s31] =	ssyncadd.s32 $0xFFFFD800  }
0xc5: {  	[spmem:s1] =	stream.indirect.scatter.add.f32 [tilespmem:s11], [sflag:$0x5], $0x80, s9, s25, $0xb8;
	[tilespmem:$0x1E000] =	vst v63  }
0xc6: {  	_ =	swait.ge [sflag:s10], $0x2800  }
0xc7: {  	[sflag:s10] =	ssyncset.done $0x0  }
0xc8: {  	s18 =	simm.s32 $0x13E80;
	[sflag:s10] =	ssyncadd.s32 $0xFFFFD800  }
0xc9: {  	[spmem:s1] =	stream.indirect.scatter.add.f32 [tilespmem:s0], [sflag:$0x6], $0x80, s18, s25, $0xb8;
	[tilespmem:$0x1E000] =	vst v63  }
0xca: {  	_ =	swait.ge [sflag:s16], $0x2800  }
0xcb: {  	[sflag:s16] =	ssyncset.done $0x0  }
0xcc: {  	[sflag:s16] =	ssyncadd.s32 $0xFFFFD800  }
0xcd: {  	_ =	swait.ge [sflag:s6], $0x2800  }
0xce: {  	[sflag:s6] =	ssyncset.done $0x0  }
0xcf: {  	[sflag:s6] =	ssyncadd.s32 $0xFFFFD800  }
0xd0: {  	_ =	swait.ge [sflag:s26], $0x2800  }
0xd1: {  	[sflag:s26] =	ssyncset.done $0x0  }
0xd2: {  	s5 =	simm.s32 $0x8;
	[sflag:s26] =	ssyncadd.s32 $0xFFFFD800  }
0xd3: {  	_ =	swait.ge [sflag:s5], $0x2800  }
0xd4: {  	[sflag:s5] =	ssyncset.done $0x0  }
0xd5: {  	[sflag:s5] =	ssyncadd.s32 $0xFFFFD800  }
0xd6: {  	[bflag:$0x0] =	sbarrier.arrive $0xFFFF  }
0xd7: {  	s8 =	rddreg [dreg:$0x9]  }
0xd8: {  	s28 =	rddreg [dreg:$0xe]  }
0xd9: {  	s19 =	rddreg [dreg:$0x15]  }
0xda: {  	[hbm:s28], [sflag:s8] =	dma.local [spmem:s19], $0x2780  }
0xdb: {  	_ =	swait.ge [sflag:s22], $0x2780  }
0xdc: {  	[sflag:s22] =	ssyncset.done $0x0  }
0xdd: {  	[sflag:s22] =	ssyncadd.s32 $0xFFFFD880  }
0xde: {  	[bflag:$0x0] =	sbarrier.arrive $0xFFFF  }
0xdf: {  	s26 =	rddreg [dreg:$0x7]  }
0xe0: {  	[spmem:s19], [sflag:s8] =	dma.local [hbm:s26], $0x2780  }
0xe1: {  	_ =	swait.ge [sflag:s22], $0x2780  }
0xe2: {  	[sflag:s22] =	ssyncset.done $0x0  }
0xe3: {  	[sflag:s22] =	ssyncadd.s32 $0xFFFFD880  }
0xe4: {  	[bflag:$0x0] =	sbarrier.arrive $0xFFFF  }
0xe5: {  	s5 =	simm.s32 $0x0;
	s28 =	rddreg [dreg:$0xa]  }
0xe6: {  	[tilespmem:s24], [sflag:$0x9] =	stream.linear.gather [hbm4b:s28+s5], $0x50, $0x38;
	[tilespmem:$0x1E000] =	vst v63  }
0xe7: {  	_ =	swait.ge [sflag:s22], $0x50  }
0xe8: {  	[sflag:s22] =	ssyncset.done $0x0  }
0xe9: {  	s19 =	rddreg [dreg:$0xf];
	[sflag:s22] =	ssyncadd.s32 $0xFFFFFFB0  }
0xea: {  	[tilespmem:s9], [sflag:$0x9] =	stream.linear.gather [hbm4b:s19+s5], $0x50, $0x38;
	[tilespmem:$0x1E000] =	vst v63  }
0xeb: {  	_ =	swait.ge [sflag:s22], $0x50  }
0xec: {  	[sflag:s22] =	ssyncset.done $0x0  }
0xed: {  	[sflag:s22] =	ssyncadd.s32 $0xFFFFFFB0  }
0xee: {  	[tilespmem:s11], [sflag:$0x1] =	stream.indirect.gather [hbm4b:s4+s25], $0x80, s24, s25, $0xb8;
	[tilespmem:$0x1E000] =	vst v63  }
0xef: {  	s26 =	rddreg [dreg:$0xc]  }
0xf0: {  	[tilespmem:s30], [sflag:$0x9] =	stream.linear.gather [hbm4b:s26+s5], $0x50, $0x38;
	[tilespmem:$0x1E000] =	vst v63  }
0xf1: {  	_ =	swait.ge [sflag:s22], $0x50  }
0xf2: {  	[sflag:s22] =	ssyncset.done $0x0  }
0xf3: {  	s28 =	rddreg [dreg:$0x10];
	[sflag:s22] =	ssyncadd.s32 $0xFFFFFFB0  }
0xf4: {  	[tilespmem:s18], [sflag:$0x9] =	stream.linear.gather [hbm4b:s28+s5], $0x50, $0x38;
	[tilespmem:$0x1E000] =	vst v63  }
0xf5: {  	_ =	swait.ge [sflag:s22], $0x50  }
0xf6: {  	[sflag:s22] =	ssyncset.done $0x0  }
0xf7: {  	[sflag:s22] =	ssyncadd.s32 $0xFFFFFFB0  }
0xf8: {  	[tilespmem:s0], [sflag:$0x2] =	stream.indirect.gather [hbm4b:s4+s25], $0x80, s30, s25, $0xb8;
	[tilespmem:$0x1E000] =	vst v63  }
0xf9: {  	_ =	swait.ge [sflag:s31], $0x2800  }
0xfa: {  	p0 =	por $0x1, $0x1;
	[sflag:s31] =	ssyncset.done $0x0  }
0xfb: {  	s5 =	simm.s32 @!p0 $0x7;
	[sflag:s31] =	ssyncadd.s32 $0xFFFFD800  }
0xfc: {  	[spmem:s1] =	stream.indirect.scatter.add.f32 [tilespmem:s11], [sflag:$0x5], $0x80, s9, s25, $0xb8;
	[tilespmem:$0x1E000] =	vst v63  }
0xfd: {  	_ =	swait.ge @!p0 [sflag:s5], $0x2800  }
0xfe: {  	[sflag:s5] =	ssyncset.done @!p0 $0x0;
	s19 =	rddreg [dreg:$0x6]  }
0xff: {  	s8 =	sadd.s32 $0x0, s19;
	[sflag:s5] =	ssyncadd.s32 @!p0 $0xFFFFD800  }
0x100: {  	[tilespmem:s29], [sflag:$0x9] =	stream.linear.gather [hbm4b:s8+s2], $0x50, $0x38;
	[tilespmem:$0x1E000] =	vst v63  }
0x101: {  	_ =	swait.ge [sflag:s22], $0x50  }
0x102: {  	s26 =	rddreg [dreg:$0x4]  }
0x103: {  	[sflag:s22] =	ssyncset.done $0x0;
	s5 =	sadd.s32 $0x0, s26  }
0x104: {  	[sflag:s22] =	ssyncadd.s32 $0xFFFFFFB0;
	s28 =	sadd.s32 $0x14, s5  }
0x105: {  	[tilespmem:s3], [sflag:$0x9] =	stream.linear.gather [hbm4b:s28+s2], $0x50, $0x38;
	[tilespmem:$0x1E000] =	vst v63  }
0x106: {  	_ =	swait.ge [sflag:s22], $0x50  }
0x107: {  	[sflag:s22] =	ssyncset.done $0x0  }
0x108: {  	[sflag:s22] =	ssyncadd.s32 $0xFFFFFFB0  }
0x109: {  	[tilespmem:s7], [sflag:$0x3] =	stream.indirect.gather [hbm4b:s4+s25], $0x80, s29, s25, $0xb8;
	[tilespmem:$0x1E000] =	vst v63  }
0x10a: {  	_ =	swait.ge [sflag:s10], $0x2800  }
0x10b: {  	[sflag:s10] =	ssyncset.done $0x0  }
0x10c: {  	s8 =	simm.s32 @!p0 $0x8;
	[sflag:s10] =	ssyncadd.s32 $0xFFFFD800  }
0x10d: {  	[spmem:s1] =	stream.indirect.scatter.add.f32 [tilespmem:s0], [sflag:$0x6], $0x80, s18, s25, $0xb8;
	[tilespmem:$0x1E000] =	vst v63  }
0x10e: {  	_ =	swait.ge @!p0 [sflag:s8], $0x2800  }
0x10f: {  	[sflag:s8] =	ssyncset.done @!p0 $0x0  }
0x110: {  	s0 =	sadd.s32 $0x0, s23;
	[sflag:s8] =	ssyncadd.s32 @!p0 $0xFFFFD800  }
0x111: {  	[tilespmem:s12], [sflag:$0x9] =	stream.linear.gather [hbm4b:s0+s2], $0x50, $0x38;
	[tilespmem:$0x1E000] =	vst v63  }
0x112: {  	_ =	swait.ge [sflag:s22], $0x50  }
0x113: {  	[sflag:s22] =	ssyncset.done $0x0  }
0x114: {  	s19 =	sadd.s32 $0x1E, s5;
	[sflag:s22] =	ssyncadd.s32 $0xFFFFFFB0  }
0x115: {  	[tilespmem:s13], [sflag:$0x9] =	stream.linear.gather [hbm4b:s19+s2], $0x50, $0x38;
	[tilespmem:$0x1E000] =	vst v63  }
0x116: {  	_ =	swait.ge [sflag:s22], $0x50  }
0x117: {  	[sflag:s22] =	ssyncset.done $0x0  }
0x118: {  	[sflag:s22] =	ssyncadd.s32 $0xFFFFFFB0  }
0x119: {  	[tilespmem:s14], [sflag:$0x4] =	stream.indirect.gather [hbm4b:s4+s25], $0x80, s12, s25, $0xb8;
	[tilespmem:$0x1E000] =	vst v63  }
0x11a: {  	_ =	swait.ge [sflag:s15], $0x2800  }
0x11b: {  	[sflag:s15] =	ssyncset.done $0x0  }
0x11c: {  	[sflag:s15] =	ssyncadd.s32 $0xFFFFD800  }
0x11d: {  	[spmem:s1] =	stream.indirect.scatter.add.f32 [tilespmem:s7], [sflag:$0x7], $0x80, s3, s25, $0xb8;
	[tilespmem:$0x1E000] =	vst v63  }
0x11e: {  	_ =	swait.ge [sflag:s16], $0x2800  }
0x11f: {  	[sflag:s16] =	ssyncset.done $0x0  }
0x120: {  	s26 =	rddreg [dreg:$0x16];
	[sflag:s16] =	ssyncadd.s32 $0xFFFFD800  }
0x121: {  	[tilespmem:s24], [sflag:$0x9] =	stream.linear.gather [hbm4b:s26+s2], $0x50, $0x38;
	[tilespmem:$0x1E000] =	vst v63  }
0x122: {  	_ =	swait.ge [sflag:s22], $0x50  }
0x123: {  	[sflag:s22] =	ssyncset.done $0x0  }
0x124: {  	s28 =	sadd.s32 $0x28, s5;
	[sflag:s22] =	ssyncadd.s32 $0xFFFFFFB0  }
0x125: {  	[tilespmem:s9], [sflag:$0x9] =	stream.linear.gather [hbm4b:s28+s2], $0x50, $0x38;
	[tilespmem:$0x1E000] =	vst v63  }
0x126: {  	_ =	swait.ge [sflag:s22], $0x50  }
0x127: {  	[sflag:s22] =	ssyncset.done $0x0  }
0x128: {  	[sflag:s22] =	ssyncadd.s32 $0xFFFFFFB0  }
0x129: {  	[tilespmem:s11], [sflag:$0x1] =	stream.indirect.gather [hbm4b:s4+s25], $0x80, s24, s25, $0xb8;
	[tilespmem:$0x1E000] =	vst v63  }
0x12a: {  	_ =	swait.ge [sflag:s17], $0x2800  }
0x12b: {  	[sflag:s17] =	ssyncset.done $0x0  }
0x12c: {  	[sflag:s17] =	ssyncadd.s32 $0xFFFFD800  }
0x12d: {  	[spmem:s1] =	stream.indirect.scatter.add.f32 [tilespmem:s14], [sflag:$0x8], $0x80, s13, s25, $0xb8;
	[tilespmem:$0x1E000] =	vst v63  }
0x12e: {  	_ =	swait.ge [sflag:s6], $0x2800  }
0x12f: {  	[sflag:s6] =	ssyncset.done $0x0  }
0x130: {  	s29 =	sadd.s32 $0x0, s21;
	[sflag:s6] =	ssyncadd.s32 $0xFFFFD800  }
0x131: {  	[tilespmem:s30], [sflag:$0x9] =	stream.linear.gather [hbm4b:s29+s2], $0x50, $0x38;
	[tilespmem:$0x1E000] =	vst v63  }
0x132: {  	s5 =	sadd.s32 $0x32, s5;
	_ =	swait.ge [sflag:s22], $0x50  }
0x133: {  	s8 =	simm.s32 $0x28;
	s12 =	simm.s32 $0x19000;
	[sflag:s22] =	ssyncset.done $0x0  }
0x134: {  	s7 =	simm.s32 $0x13F00;
	s3 =	simm.s32 $0x13D00;
	[sflag:s22] =	ssyncadd.s32 $0xFFFFFFB0  }
0x135: {  	[tilespmem:s18], [sflag:$0x9] =	stream.linear.gather [hbm4b:s5+s2], $0x50, $0x38;
	[tilespmem:$0x1E000] =	vst v63  }
0x136: {  	s26 =	simm.s32 $0x1B800;
	s14 =	simm.s32 $0x13F80;
	_ =	swait.ge [sflag:s22], $0x50  }
0x137: {  	s13 =	simm.s32 $0x13D80;
	[sflag:s22] =	ssyncset.done $0x0;
	s9 =	rddreg [dreg:$0x13]  }
.LBB2_4:
0x138: {  	[sflag:s22] =	ssyncadd.s32 $0xFFFFFFB0;
	s29 =	simm.s32 $0x16800  }
0x139: {  	[tilespmem:s29], [sflag:$0x2] =	stream.indirect.gather [hbm4b:s4+s25], $0x80, s30, s25, $0xb8;
	[tilespmem:$0x1E000] =	vst v63  }
0x13a: {  	s11 =	smov.u32 s8;
	_ =	swait.ge [sflag:s31], $0x2800  }
0x13b: {  	s28 =	simm.s32 $0x13E00;
	p1 =	seq.s32 s11, $0x0;
	[sflag:s31] =	ssyncset.done $0x0  }
0x13c: {  	s30 =	simm.s32 $0x14000;
	s5 =	simm.s32 @!p1 $0x7;
	[sflag:s31] =	ssyncadd.s32 $0xFFFFD800  }
0x13d: {  	[spmem:s1] =	stream.indirect.scatter.add.f32 [tilespmem:s30], [sflag:$0x5], $0x80, s28, s25, $0xb8;
	[tilespmem:$0x1E000] =	vst v63  }
0x13e: {  	_ =	swait.ge @!p1 [sflag:s5], $0x2800  }
0x13f: {  	[sflag:s5] =	ssyncset.done @!p1 $0x0;
	s0 =	rddreg [dreg:$0x6]  }
0x140: {  	s18 =	sadd.s32 s11, s0;
	[sflag:s5] =	ssyncadd.s32 @!p1 $0xFFFFD800  }
0x141: {  	[tilespmem:s3], [sflag:$0x9] =	stream.linear.gather [hbm4b:s18+s2], $0x50, $0x38;
	[tilespmem:$0x1E000] =	vst v63  }
0x142: {  	_ =	swait.ge [sflag:s22], $0x50  }
0x143: {  	s0 =	rddreg [dreg:$0x4]  }
0x144: {  	[sflag:s22] =	ssyncset.done $0x0;
	s19 =	sadd.s32 s11, s0  }
0x145: {  	[sflag:s22] =	ssyncadd.s32 $0xFFFFFFB0;
	s5 =	sadd.s32 $0x14, s19  }
0x146: {  	[tilespmem:s7], [sflag:$0x9] =	stream.linear.gather [hbm4b:s5+s2], $0x50, $0x38;
	[tilespmem:$0x1E000] =	vst v63  }
0x147: {  	_ =	swait.ge [sflag:s22], $0x50  }
0x148: {  	[sflag:s22] =	ssyncset.done $0x0  }
0x149: {  	[sflag:s22] =	ssyncadd.s32 $0xFFFFFFB0  }
0x14a: {  	[tilespmem:s12], [sflag:$0x3] =	stream.indirect.gather [hbm4b:s4+s25], $0x80, s3, s25, $0xb8;
	[tilespmem:$0x1E000] =	vst v63  }
0x14b: {  	_ =	swait.ge [sflag:s10], $0x2800  }
0x14c: {  	[sflag:s10] =	ssyncset.done $0x0  }
0x14d: {  	s0 =	simm.s32 $0x13E80;
	s5 =	simm.s32 @!p1 $0x8;
	[sflag:s10] =	ssyncadd.s32 $0xFFFFD800  }
0x14e: {  	[spmem:s1] =	stream.indirect.scatter.add.f32 [tilespmem:s29], [sflag:$0x6], $0x80, s0, s25, $0xb8;
	[tilespmem:$0x1E000] =	vst v63  }
0x14f: {  	_ =	swait.ge @!p1 [sflag:s5], $0x2800  }
0x150: {  	[sflag:s5] =	ssyncset.done @!p1 $0x0  }
0x151: {  	s18 =	sadd.s32 s11, s23;
	[sflag:s5] =	ssyncadd.s32 @!p1 $0xFFFFD800  }
0x152: {  	[tilespmem:s13], [sflag:$0x9] =	stream.linear.gather [hbm4b:s18+s2], $0x50, $0x38;
	[tilespmem:$0x1E000] =	vst v63  }
0x153: {  	_ =	swait.ge [sflag:s22], $0x50  }
0x154: {  	[sflag:s22] =	ssyncset.done $0x0  }
0x155: {  	s18 =	sadd.s32 $0x1E, s19;
	[sflag:s22] =	ssyncadd.s32 $0xFFFFFFB0  }
0x156: {  	[tilespmem:s14], [sflag:$0x9] =	stream.linear.gather [hbm4b:s18+s2], $0x50, $0x38;
	[tilespmem:$0x1E000] =	vst v63  }
0x157: {  	_ =	swait.ge [sflag:s22], $0x50  }
0x158: {  	[sflag:s22] =	ssyncset.done $0x0  }
0x159: {  	[sflag:s22] =	ssyncadd.s32 $0xFFFFFFB0  }
0x15a: {  	[tilespmem:s26], [sflag:$0x4] =	stream.indirect.gather [hbm4b:s4+s25], $0x80, s13, s25, $0xb8;
	[tilespmem:$0x1E000] =	vst v63  }
0x15b: {  	_ =	swait.ge [sflag:s15], $0x2800  }
0x15c: {  	[sflag:s15] =	ssyncset.done $0x0  }
0x15d: {  	[sflag:s15] =	ssyncadd.s32 $0xFFFFD800  }
0x15e: {  	[spmem:s1] =	stream.indirect.scatter.add.f32 [tilespmem:s12], [sflag:$0x7], $0x80, s7, s25, $0xb8;
	[tilespmem:$0x1E000] =	vst v63  }
0x15f: {  	s9 =	sadd.s32 $0x140, s9;
	_ =	swait.ge [sflag:s16], $0x2800  }
0x160: {  	s18 =	sshrl.u32 s9, $0x3;
	[sflag:s16] =	ssyncset.done $0x0  }
0x161: {  	s5 =	sadd.s32 s20, s18;
	[sflag:s16] =	ssyncadd.s32 $0xFFFFD800  }
0x162: {  	[tilespmem:s24], [sflag:$0x9] =	stream.linear.gather [hbm4b:s5+s2], $0x50, $0x38;
	[tilespmem:$0x1E000] =	vst v63  }
0x163: {  	_ =	swait.ge [sflag:s22], $0x50  }
0x164: {  	[sflag:s22] =	ssyncset.done $0x0  }
0x165: {  	s18 =	sadd.s32 $0x28, s19;
	[sflag:s22] =	ssyncadd.s32 $0xFFFFFFB0  }
0x166: {  	[tilespmem:s28], [sflag:$0x9] =	stream.linear.gather [hbm4b:s18+s2], $0x50, $0x38;
	[tilespmem:$0x1E000] =	vst v63  }
0x167: {  	_ =	swait.ge [sflag:s22], $0x50  }
0x168: {  	[sflag:s22] =	ssyncset.done $0x0  }
0x169: {  	[sflag:s22] =	ssyncadd.s32 $0xFFFFFFB0  }
0x16a: {  	[tilespmem:s30], [sflag:$0x1] =	stream.indirect.gather [hbm4b:s4+s25], $0x80, s24, s25, $0xb8;
	[tilespmem:$0x1E000] =	vst v63  }
0x16b: {  	_ =	swait.ge [sflag:s17], $0x2800  }
0x16c: {  	[sflag:s17] =	ssyncset.done $0x0  }
0x16d: {  	[sflag:s17] =	ssyncadd.s32 $0xFFFFD800  }
0x16e: {  	[spmem:s1] =	stream.indirect.scatter.add.f32 [tilespmem:s26], [sflag:$0x8], $0x80, s14, s25, $0xb8;
	[tilespmem:$0x1E000] =	vst v63  }
0x16f: {  	_ =	swait.ge [sflag:s6], $0x2800  }
0x170: {  	s8 =	sadd.s32 $0x28, s8;
	[sflag:s6] =	ssyncset.done $0x0  }
0x171: {  	s18 =	sadd.s32 s11, s21;
	s30 =	simm.s32 $0x13C80;
	[sflag:s6] =	ssyncadd.s32 $0xFFFFD800  }
0x172: {  	[tilespmem:s30], [sflag:$0x9] =	stream.linear.gather [hbm4b:s18+s2], $0x50, $0x38;
	[tilespmem:$0x1E000] =	vst v63  }
0x173: {  	p0 =	sne.s32 s8, $0x9B0;
	_ =	swait.ge [sflag:s22], $0x50  }
.Ltmp1:
0x174: {  	[sflag:s22] =	ssyncset.done $0x0;
	(pc) =	sbr.rel @p0 .LBB2_4-.Ltmp1, $4  }
0x175: {  	s19 =	sadd.s32 $0x32, s19;
	[sflag:s22] =	ssyncadd.s32 $0xFFFFFFB0  }
0x176: {  	[tilespmem:s0], [sflag:$0x9] =	stream.linear.gather [hbm4b:s19+s2], $0x50, $0x38;
	[tilespmem:$0x1E000] =	vst v63  }
0x177: {  	s29 =	simm.s32 $0x13E00;
	_ =	swait.ge [sflag:s22], $0x50  }
0x178: {  	s28 =	simm.s32 $0x14000;
	s11 =	simm.s32 $0x13E80;
	[sflag:s22] =	ssyncset.done $0x0  }
0x179: {  	[sflag:s22] =	ssyncadd.s32 $0xFFFFFFB0;
	s0 =	simm.s32 $0x16800  }
0x17a: {  	[tilespmem:s0], [sflag:$0x2] =	stream.indirect.gather [hbm4b:s4+s25], $0x80, s30, s25, $0xb8;
	[tilespmem:$0x1E000] =	vst v63  }
0x17b: {  	_ =	swait.ge [sflag:s31], $0x2800  }
0x17c: {  	[sflag:s31] =	ssyncset.done $0x0  }
0x17d: {  	[sflag:s31] =	ssyncadd.s32 $0xFFFFD800  }
0x17e: {  	[spmem:s1] =	stream.indirect.scatter.add.f32 [tilespmem:s28], [sflag:$0x5], $0x80, s29, s25, $0xb8;
	[tilespmem:$0x1E000] =	vst v63  }
0x17f: {  	_ =	swait.ge [sflag:s10], $0x2800  }
0x180: {  	[sflag:s10] =	ssyncset.done $0x0  }
0x181: {  	[sflag:s10] =	ssyncadd.s32 $0xFFFFD800  }
0x182: {  	[spmem:s1] =	stream.indirect.scatter.add.f32 [tilespmem:s0], [sflag:$0x6], $0x80, s11, s25, $0xb8;
	[tilespmem:$0x1E000] =	vst v63  }
0x183: {  	_ =	swait.ge [sflag:s16], $0x2800  }
0x184: {  	[sflag:s16] =	ssyncset.done $0x0  }
0x185: {  	[sflag:s16] =	ssyncadd.s32 $0xFFFFD800  }
0x186: {  	_ =	swait.ge [sflag:s6], $0x2800  }
0x187: {  	[sflag:s6] =	ssyncset.done $0x0  }
0x188: {  	s26 =	simm.s32 $0x7;
	[sflag:s6] =	ssyncadd.s32 $0xFFFFD800  }
0x189: {  	_ =	swait.ge [sflag:s26], $0x2800  }
0x18a: {  	[sflag:s26] =	ssyncset.done $0x0  }
0x18b: {  	s19 =	simm.s32 $0x8;
	[sflag:s26] =	ssyncadd.s32 $0xFFFFD800  }
0x18c: {  	_ =	swait.ge [sflag:s19], $0x2800  }
0x18d: {  	[sflag:s19] =	ssyncset.done $0x0  }
0x18e: {  	[sflag:s19] =	ssyncadd.s32 $0xFFFFD800  }
0x18f: {  	[bflag:$0x0] =	sbarrier.arrive $0xFFFF  }
0x190: {  	s19 =	rddreg [dreg:$0x9]  }
0x191: {  	s5 =	rddreg [dreg:$0x11]  }
0x192: {  	s18 =	smov.u32 s20;
	s20 =	rddreg [dreg:$0x15]  }
0x193: {  	[hbm:s5], [sflag:s19] =	dma.local [spmem:s20], $0x2780  }
0x194: {  	_ =	swait.ge [sflag:s22], $0x2780  }
0x195: {  	s21 =	rddreg [dreg:$0x14]  }
0x196: {  	s28 =	rddreg [dreg:$0x12];
	s0 =	sadd.s32 $0x1, s21  }
0x197: {  	p0 =	sne.s32 s0, s28  }
.Ltmp2:
0x198: {  	_ = 	snop;
	(pc) =	sbr.rel @p0 .LBB2_1-.Ltmp2, $4  }
0x199: {  	s3 =	simm.s32 $0x13F00;
	[sflag:s22] =	ssyncset.done $0x0  }
0x19a: {  	s7 =	simm.s32 $0x19000;
	s12 =	simm.s32 $0x13D80;
	[sflag:s22] =	ssyncadd.s32 $0xFFFFD880  }
0x19b: {  	s13 =	simm.s32 $0x13F80;
	s14 =	simm.s32 $0x1B800;
	[bflag:$0x0] =	sbarrier.arrive $0xFFFF  }
0x19c: {  	s29 =	simm.s32 $0x13D00;
	s20 =	simm.s32 $0x13C00;
	s11 =	rddreg [dreg:$0x6]  }
0x19d: {  	_ =	sfence.sel $0x180000  }
0x19e: {  	[bflag:$0x0] =	sbarrier.arrive $0xFFFF  }
0x19f: {  	_ =	strace $0x9000004D  }
0x1a0: {  	s0 =	stileid.u32;
	[bflag:$0x2] =	sbarrier.arrive $0xFFFF  }
0x1a1: {  	p0 =	sne.s32 s0, $0x0;
	s0 =	rddreg [dreg:$0x2]  }
0x1a2: {  	s0 =	sadd.s32 @!p0 $0x100000, s0  }
0x1a3: {  	[sflag:s0] =	ssyncadd.tile.s32 @!p0 $0x1;
	_ =	shalt  }
.Lfunc_end2:
_tile_overlayer_lowered:
.L_overlay_start_2:
0x1a4: {  	(tag) =	ssettag $0x2  }
0x1a5: {  	s0 =	rddreg [dreg:$0x0];
	s2 =	stileid.u32  }
0x1a6: {  	s1 =	rddreg [dreg:$0x1];
	p0 =	sne.s32 s2, $0x0  }
0x1a7: {  	s3 =	rddreg [dreg:$0x2];
	[bflag:$0x3] =	sbarrier.arrive $0xFFFF;
	s2 =	simm.s32 @!p0 $0x1C09  }
0x1a8: {  	[timem:s3], [sflag:s2] =	dma.local @!p0 [hbm:s0], s1  }
0x1a9: {  	s0 =	simm.s32 @!p0 $0x9  }
0x1aa: {  	_ =	swait.ge @!p0 [sflag:s0], s1  }
0x1ab: {  	s1 =	ssub.s32 @!p0 $0x0, s1;
	[sflag:s0] =	ssyncset.done @!p0 $0x0  }
0x1ac: {  	[sflag:s0] =	ssyncadd.s32 @!p0 s1  }
0x1ad: {  	[bflag:$0x3] =	sbarrier.arrive $0xFFFF  }
0x1ae: {  	_ =	shalt  }

// kernel: kernel.9.cloned.1.call-start
scs
__scs_entry_jumppad:
0x0: {  	(pc) =	sbr.rel $0x88, $3  }
0x1: {  	(tag) =	ssettag $0x0;
	lr =	simm.s32 $0x1  }
0x2: {  	[smem:$0x3F95] =	sst lr;
	_ =	strace $0xD0000000  }
0x3: {  	_ = 	snop  }
0x4: {  	_ = 	snop  }
0x5: {  	_ = 	snop  }
0x6: {  	_ = 	snop  }
0x7: {  	_ = 	snop  }
__scs_overlays_trampoline_lowered:
0x8: {  	[smem:$0x3FA4] =	sst s0  }
0x9: {  	[smem:$0x3FA5] =	sst s1  }
0xa: {  	[smem:$0x3FA6] =	sst s2  }
0xb: {  	[smem:$0x3FA7] =	sst s3  }
0xc: {  	[smem:$0x3FA8] =	sst s4  }
0xd: {  	[smem:$0x3FA9] =	sst s5  }
0xe: {  	[smem:$0x3FAA] =	sst s6  }
0xf: {  	[smem:$0x3FAB] =	sst s7  }
0x10: {  	[smem:$0x3FAC] =	sst s8  }
0x11: {  	[smem:$0x3FAD] =	sst s9;
	s0 =	simm.s32 @!p0 $0x0  }
0x12: {  	s1 =	sld [smem:$0x3F93];
	s0 =	simm.s32 @p0 $0x1  }
0x13: {  	[smem:$0x3FAE] =	sst s0;
	s0 =	simm.s32 @!p1 $0x0  }
0x14: {  	s2 =	sld [smem:$0x3F92];
	s0 =	simm.s32 @p1 $0x1  }
0x15: {  	[smem:$0x3FAF] =	sst s0;
	s0 =	simm.s32 @!p2 $0x0  }
0x16: {  	s3 =	sld [smem:$0x3FDB];
	s0 =	simm.s32 @p2 $0x1  }
0x17: {  	s4 =	simm.s32 $0x1BF5;
	[smem:$0x3FB1] =	sst s0  }
0x18: {  	s0 =	sld [smem:$0x3F94];
	_ =	swait.ge [sflag:s4], $0x0  }
0x19: {  	s7 =	sld [smem:$0x3F95]  }
0x1a: {  	s8 =	sadd.s32 $0xFFFFE003, lr  }
0x1b: {  	s9 =	sadd.s32 $0xFFFFFEF7, lr;
	s5 =	simm.s32 $0xFFFFFFFF;
	p2 =	slt.u32 s8, $0xFFFFF086  }
0x1c: {  	p1 =	slt.u32 s9, $0xF7A;
	s5 =	simm.s32 @!p2 $0x0  }
0x1d: {  	s5 =	simm.s32 @p1 $0x1;
	p0 =	seq.s32 s7, s2  }
0x1e: {  	s7 =	smul.u32 @!p0 $0xF7A, s2;
	p2 =	seq.s32 @!p0 s5, $0x0  }
0x1f: {  	s9 =	smul.u32 $0xF7A, s1;
	s8 =	simm.s32 @!p0 $0x1BF5;
	p2 =	por !p2, p0  }
0x20: {  	[sflag:s8] =	ssyncset.s32 @!p0 $0xFFFFF086;
	s6 =	sadd.s32 @!p0 s3, s7;
	s7 =	simm.s32 @!p0 $0x108  }
0x21: {  	s3 =	sadd.s32 s3, s9;
	s6 =	sadd.s32 @!p0 $0x88, s6;
	s7 =	simm.s32 @p2 $0x1082  }
0x22: {  	[simem:s7], [sflag:s8] =	dma.local @!p0 [hbm:s6], $0xF7A  }
0x23: {  	s9 =	sor.u32 $0xD0000000, s2;
	s6 =	simm.s32 $0x108;
	_ =	swait.ge @!p0 [sflag:s8], $0x0  }
0x24: {  	s3 =	sadd.s32 $0x88, s3;
	s6 =	simm.s32 @!p1 $0x1082;
	[sflag:s4] =	ssyncset.s32 $0xFFFFF086  }
0x25: {  	[simem:s6], [sflag:s4] =	dma.local [hbm:s3], $0xF7A  }
0x26: {  	[smem:$0x3F95] =	sst s1;
	(tag) =	ssettag s2;
	_ =	strace s9  }
0x27: {  	s1 =	sld [smem:$0x3FA5]  }
0x28: {  	s2 =	sld [smem:$0x3FA6]  }
0x29: {  	s4 =	sld [smem:$0x3FA8]  }
0x2a: {  	p0 =	seq.s32 s5, $0x0;
	s5 =	sld [smem:$0x3FA9]  }
0x2b: {  	s6 =	sld [smem:$0x3FAA]  }
0x2c: {  	s7 =	sld [smem:$0x3FAB]  }
0x2d: {  	s3 =	simm.s32 $0x108;
	s8 =	sld [smem:$0x3FAC]  }
0x2e: {  	s3 =	simm.s32 @!p0 $0x1082;
	s9 =	sld [smem:$0x3FAD]  }
0x2f: {  	lr =	sadd.s32 s0, s3;
	s0 =	sld [smem:$0x3FA4]  }
0x30: {  	s3 =	sld [smem:$0x3FA7]  }
0x31: {  	[smem:$0x3FB0] =	sst s10  }
0x32: {  	s10 =	sld [smem:$0x3FAE];
	_ =	sdelay $0x3  }
0x33: {  	p0 =	seq.s32 s10, $0x1;
	s10 =	sld [smem:$0x3FB0];
	_ =	sdelay $0x3  }
0x34: {  	[smem:$0x3FB0] =	sst s10  }
0x35: {  	s10 =	sld [smem:$0x3FAF];
	_ =	sdelay $0x3  }
0x36: {  	p1 =	seq.s32 s10, $0x1;
	s10 =	sld [smem:$0x3FB0];
	_ =	sdelay $0x3  }
0x37: {  	[smem:$0x3FB0] =	sst s10  }
0x38: {  	s10 =	sld [smem:$0x3FB1]  }
0x39: {  	_ = 	snop;
	(pc) =	sbr.ind lr, $3  }
0x3a: {  	_ = 	snop  }
0x3b: {  	_ = 	snop  }
0x3c: {  	p2 =	seq.s32 s10, $0x1;
	s10 =	sld [smem:$0x3FB0]  }
0x3d: {  	_ =	shalt  }
0x3e: {  	_ =	shalt  }
0x3f: {  	_ =	shalt  }
0x40: {  	_ =	shalt  }
0x41: {  	_ =	shalt  }
0x42: {  	_ =	shalt  }
0x43: {  	_ =	shalt  }
0x44: {  	_ =	shalt  }
0x45: {  	_ =	shalt  }
0x46: {  	_ =	shalt  }
0x47: {  	_ =	shalt  }
0x48: {  	_ =	shalt  }
0x49: {  	_ =	shalt  }
0x4a: {  	_ =	shalt  }
0x4b: {  	_ =	shalt  }
0x4c: {  	_ =	shalt  }
0x4d: {  	_ =	shalt  }
0x4e: {  	_ =	shalt  }
0x4f: {  	_ =	shalt  }
0x50: {  	_ =	shalt  }
0x51: {  	_ =	shalt  }
0x52: {  	_ =	shalt  }
0x53: {  	_ =	shalt  }
0x54: {  	_ =	shalt  }
0x55: {  	_ =	shalt  }
0x56: {  	_ =	shalt  }
0x57: {  	_ =	shalt  }
0x58: {  	_ =	shalt  }
0x59: {  	_ =	shalt  }
0x5a: {  	_ =	shalt  }
0x5b: {  	_ =	shalt  }
0x5c: {  	_ =	shalt  }
0x5d: {  	_ =	shalt  }
0x5e: {  	_ =	shalt  }
0x5f: {  	_ =	shalt  }
0x60: {  	_ =	shalt  }
0x61: {  	_ =	shalt  }
0x62: {  	_ =	shalt  }
0x63: {  	_ =	shalt  }
0x64: {  	_ =	shalt  }
0x65: {  	_ =	shalt  }
0x66: {  	_ =	shalt  }
0x67: {  	_ =	shalt  }
0x68: {  	_ =	shalt  }
0x69: {  	_ =	shalt  }
0x6a: {  	_ =	shalt  }
0x6b: {  	_ =	shalt  }
0x6c: {  	_ =	shalt  }
0x6d: {  	_ =	shalt  }
0x6e: {  	_ =	shalt  }
0x6f: {  	_ =	shalt  }
0x70: {  	_ =	shalt  }
0x71: {  	_ =	shalt  }
0x72: {  	_ =	shalt  }
0x73: {  	_ =	shalt  }
0x74: {  	_ =	shalt  }
0x75: {  	_ =	shalt  }
0x76: {  	_ =	shalt  }
0x77: {  	_ =	shalt  }
0x78: {  	_ =	shalt  }
0x79: {  	_ =	shalt  }
0x7a: {  	_ =	shalt  }
0x7b: {  	_ =	shalt  }
0x7c: {  	_ =	shalt  }
0x7d: {  	_ =	shalt  }
0x7e: {  	_ =	shalt  }
0x7f: {  	_ =	shalt  }
0x80: {  	_ =	shalt  }
0x81: {  	_ =	shalt  }
0x82: {  	_ =	shalt  }
0x83: {  	_ =	shalt  }
0x84: {  	_ =	shalt  }
0x85: {  	_ =	shalt  }
0x86: {  	_ =	shalt  }
0x87: {  	_ =	shalt  }
.Lfunc_end0:
.L_simem_size_0:
called_computation_lowered:
.L_overlay_start_0:
0x88: {  	s2 =	sld [smem:$0x3FD9]  }
0x89: {  	s3 =	sld [smem:$0x3FFE];
	_ =	sdelay $0x1  }
0x8a: {  	s1 =	srdreg.scid  }
0x8b: {  	s0 =	sand.u32 $0x1, s1  }
0x8c: {  	s16 =	sshll.u32 s0, $0xA;
	s2 =	sadd.s32 s3, s2  }
0x8d: {  	s2 =	sadd.s32 s2, s16  }
0x8e: {  	[smem:$0x3FBC] =	sst s2  }
0x8f: {  	_ = 	snop  }
0x90: {  	(tm) =	ssettm $0x1  }
0x91: {  	s17 =	sld [smem:$0x3FFB];
	_ =	sdelay $0x3  }
0x92: {  	_ =	strace s17  }
0x93: {  	s2 =	sld [smem:$0x3FFC];
	_ =	sdelay $0x3  }
0x94: {  	_ =	strace s2  }
0x95: {  	s2 =	sld [smem:$0x3FFD];
	_ =	sdelay $0x3  }
0x96: {  	_ =	strace s2  }
0x97: {  	_ =	strace $0x8FFFFFFF  }
0x98: {  	s18 =	sld [smem:$0x3FDB];
	_ =	sdelay $0x1  }
0x99: {  	s19 =	simm.s32 $_scs_section_size  }
0x9a: {  	s4 =	simm.s32 $_size__tile_overlayer_lowered;
	s5 =	simm.s32 $_tile_overlayer_lowered  }
0x9b: {  	s22 =	simm.s32 $0x1BFF;
	s21 =	sshll.u32 s5, $0x1;
	s2 =	sadd.s32 s19, s18  }
0x9c: {  	s6 =	simm.s32 $0x0;
	s20 =	sshll.u32 s4, $0x1;
	s4 =	sadd.s32 s21, s2  }
0x9d: {  	[timem:s6], [sflag:s22] =	dma.local [hbm:s4], s20  }
0x9e: {  	_ =	swait.ge [sflag:s22], s20  }
0x9f: {  	s3 =	ssub.s32 $0x0, s20;
	[sflag:s22] =	ssyncset.done $0x0  }
0xa0: {  	[sflag:s22] =	ssyncadd.s32 s3;
	_ =	sdelay $0x1  }
0xa1: {  	s23 =	simm.s32 $0x1B8B  }
0xa2: {  	_ =	swait.ge [sflag:s23], $0x1  }
0xa3: {  	[sflag:s23] =	ssyncset.done $0x0  }
0xa4: {  	s25 =	simm.s32 $0x1B8E;
	s24 =	sld [smem:$0x3FFE];
	[sflag:s23] =	ssyncadd.s32 $0xFFFFFFFF  }
0xa5: {  	s26 =	simm.s32 $execute0_lowered;
	[smem:$0x3FD2] =	sst s25  }
0xa6: {  	s4 =	sshll.u32 s26, $0x1;
	_ =	strace $0x80000046;
	[dreg:$0x1] =	wrdreg $0xFFFFFFFF  }
0xa7: {  	s28 =	simm.s32 $_size_execute0_lowered;
	s2 =	sadd.s32 s2, s4;
	[dreg:$0x0] =	wrdreg $0x0  }
0xa8: {  	s4 =	sshll.u32 s28, $0x1;
	[dreg:$0x2] =	wrdreg s2  }
0xa9: {  	[dreg:$0x3] =	wrdreg s4  }
0xaa: {  	[dreg:$0x4] =	wrdreg $0xC0  }
0xab: {  	_ =	task [dreg:s6], $0x5FFFF  }
0xac: {  	[dreg:$0x1] =	wrdreg $0xFFFFFFFF  }
0xad: {  	[dreg:$0x0] =	wrdreg $0x60  }
0xae: {  	[dreg:$0x2] =	wrdreg s24  }
0xaf: {  	[dreg:$0x3] =	wrdreg $0x0  }
0xb0: {  	[dreg:$0x4] =	wrdreg $0x9  }
0xb1: {  	_ =	task.clear_ibuf [dreg:s6], $0x5FFFF;
	_ =	strace $0x90000046  }
0xb2: {  	s29 =	simm.s32 $0x9;
	_ =	strace $0x80000048  }
0xb3: {  	_ =	swait.ge [sflag:s29], $0x1  }
0xb4: {  	[sflag:s29] =	ssyncadd.s32 $0xFFFFFFFF  }
0xb5: {  	_ =	strace $0x90000048  }
0xb6: {  	_ =	sfence  }
0xb7: {  	s30 =	sld [smem:$0x0];
	_ =	sdelay $0x2  }
0xb8: {  	s31 =	sshll.u32 s1, $0xD;
	s1 =	sshrl.u32 s1, $0x2  }
0xb9: {  	s3 =	sand.u32 $0x4000, s31;
	s1 =	sadd.s32 s1, s30  }
0xba: {  	s0 =	sor.u32 s3, s0;
	s1 =	sshll.u32 s1, $0x11  }
0xbb: {  	s0 =	sor.u32 s1, s0  }
0xbc: {  	s0 =	sadd.s32 $0x8F2B, s0  }
0xbd: {  	[sflag:s0] =	ssyncadd.remote.s32 $0x1  }
0xbe: {  	_ =	sfence.sel $0xFFFF  }
0xbf: {  	[dreg:$0x0] =	wrdreg $0xFFFFFFFF;
	(pc) =	sbr.abs _section_cstart, $3  }
0xc0: {  	[dreg:$0x1] =	wrdreg $0xFFFFFFFF  }
0xc1: {  	_ =	task.clear_ibuf [dreg:s6], $0x2FFFF;
	_ =	strace $0x9FFFFFFF  }
0xc2: {  	(tm) =	ssettm $0x7FFFFFFF  }
0xc3: {  	_ =	shalt  }
tec
execute0_lowered:
.L_overlay_start_1:
0x0: {  	(tag) =	ssettag $0x1  }
0x1: {  	s0 =	rddreg [dreg:$0x0]  }
0x2: {  	s1 =	rddreg [dreg:$0x1];
	s2 =	simm.s32 $0x0  }
0x3: {  	s3 =	srdreg.scid;
	s5 =	stileid.u32;
	s30 =	simm.s32 $0x13C80  }
0x4: {  	s31 =	simm.s32 $0x1;
	s29 =	simm.s32 $0x13D00;
	[smem:$0x7FF] =	sst s2  }
0x5: {  	s3 =	sand.u32 $0x1, s3;
	s4 =	sadd.s32 $0x17800, s0;
	s8 =	smul.u32 $0x13C00, s5  }
0x6: {  	s18 =	sadd.s32 $0x3E00, s0;
	s7 =	sadd.s32 $0x6F800, s0;
	s20 =	smul.u32 $0x4F000, s5  }
0x7: {  	s9 =	sadd.s32 $0x65A00, s0;
	s10 =	sadd.s32 $0x79600, s0;
	s11 =	smul.u32 $0x4E20, s5  }
0x8: {  	s24 =	sshll.u32 s5, $0x6;
	s14 =	smul.u32 $0x9C4, s5;
	_ =	strace $0x80000047  }
0x9: {  	s6 =	smul.u32 $0x278000, s3;
	[dreg:$0x7] =	wrdreg s10;
	s21 =	ssub.s32 $0x2, s3  }
0xa: {  	s3 =	smul.u32 $0x4E200, s3;
	s19 =	sor.u32 $0x1C09, s24;
	s12 =	sshrl.u32 s21, $0x1  }
0xb: {  	s23 =	sshrl.u32 s20, $0x2;
	s26 =	sadd.s32 $0x50, s11;
	s28 =	sshrl.u32 s11, $0x3  }
0xc: {  	s20 =	sadd.s32 s14, s7;
	[dreg:$0x9] =	wrdreg s19;
	s6 =	sadd.s32 s8, s6  }
0xd: {  	s22 =	ssub.s32 s21, s12;
	s8 =	sadd.s32 s23, s1;
	s10 =	sadd.s32 s11, s3  }
0xe: {  	s3 =	sadd.s32 s3, s26;
	s11 =	sadd.s32 s7, s28;
	s12 =	sshrl.u32 s26, $0x3  }
0xf: {  	s16 =	sadd.s32 s9, s28;
	[dreg:$0x3] =	wrdreg s20;
	s28 =	sadd.s32 s14, s9  }
0x10: {  	s20 =	simm.s32 $0x13C00;
	s14 =	simm.s32 $0x1B800;
	[dreg:$0x8] =	wrdreg s8  }
0x11: {  	s6 =	sshrl.u32 s6, $0x3;
	s25 =	sshrl.u32 s10, $0x3;
	[dreg:$0xb] =	wrdreg s11  }
0x12: {  	s3 =	sshrl.u32 s3, $0x3;
	s13 =	sadd.s32 s7, s12;
	[dreg:$0xf] =	wrdreg s16  }
0x13: {  	s17 =	sadd.s32 s9, s12;
	s21 =	sadd.s32 $0x190, s10;
	s22 =	smax.u32 s22, $0x1  }
0x14: {  	s24 =	sadd.s32 $0xF0, s10;
	s26 =	sadd.s32 $0x140, s10;
	[dreg:$0x4] =	wrdreg s28  }
0x15: {  	s7 =	simm.s32 $0x19000;
	s12 =	simm.s32 $0x13D80;
	[dreg:$0xd] =	wrdreg s13  }
0x16: {  	s16 =	simm.s32 $0x5;
	s0 =	sadd.s32 s6, s0;
	[dreg:$0x10] =	wrdreg s17  }
0x17: {  	s8 =	sadd.s32 s18, s25;
	s3 =	sadd.s32 s18, s3;
	[dreg:$0x12] =	wrdreg s22  }
0x18: {  	s23 =	sshrl.u32 s21, $0x3;
	s25 =	sadd.s32 $0xA0, s10;
	[dreg:$0x13] =	wrdreg s26  }
0x19: {  	s22 =	simm.s32 $0x9;
	s10 =	simm.s32 $0x2;
	s13 =	simm.s32 $0x13F80  }
0x1a: {  	s17 =	simm.s32 $0x4;
	s26 =	simm.s32 $0x7;
	[dreg:$0xa] =	wrdreg s8  }
0x1b: {  	[dreg:$0xc] =	wrdreg s3;
	s15 =	sadd.s32 $0x7BE00, s0;
	s0 =	sadd.s32 $0xA3600, s0  }
0x1c: {  	s6 =	sshrl.u32 s25, $0x3;
	s25 =	simm.s32 $0x50;
	[dreg:$0xe] =	wrdreg s15  }
0x1d: {  	s3 =	simm.s32 $0x13F00;
	[dreg:$0x11] =	wrdreg s0;
	s0 =	sadd.s32 s23, s18  }
0x1e: {  	s11 =	sadd.s32 s6, s18;
	s15 =	simm.s32 $0x3;
	[dreg:$0x5] =	wrdreg s0  }
0x1f: {  	s6 =	simm.s32 $0x6;
	s0 =	sshrl.u32 s24, $0x3;
	[dreg:$0x6] =	wrdreg s11  }
0x20: {  	s24 =	simm.s32 $0x13C00;
	s23 =	sadd.s32 s0, s18;
	s0 =	simm.s32 $0x0  }
.LBB2_1:
0x21: {  	[dreg:$0x14] =	wrdreg s0  }
0x22: {  	s5 =	rddreg [dreg:$0x8]  }
0x23: {  	s21 =	rddreg [dreg:$0x7];
	s9 =	sshrl.u32 s5, $0x3  }
0x24: {  	[dreg:$0x15] =	wrdreg s9  }
0x25: {  	[spmem:s9], [sflag:s19] =	dma.local [hbm:s21], $0x2780  }
0x26: {  	_ =	swait.ge [sflag:s22], $0x2780  }
0x27: {  	[sflag:s22] =	ssyncset.done $0x0  }
0x28: {  	[sflag:s22] =	ssyncadd.s32 $0xFFFFD880  }
0x29: {  	[bflag:$0x0] =	sbarrier.arrive $0xFFFF  }
0x2a: {  	s28 =	rddreg [dreg:$0xa]  }
0x2b: {  	[tilespmem:s20], [sflag:$0x9] =	stream.linear.gather [hbm4b:s28+s2], $0x50, $0x38;
	[tilespmem:$0x1E000] =	vst v63  }
0x2c: {  	_ =	swait.ge [sflag:s22], $0x50  }
0x2d: {  	[sflag:s22] =	ssyncset.done $0x0  }
0x2e: {  	s19 =	simm.s32 $0x13E00;
	s0 =	rddreg [dreg:$0xb];
	[sflag:s22] =	ssyncadd.s32 $0xFFFFFFB0  }
0x2f: {  	[tilespmem:s19], [sflag:$0x9] =	stream.linear.gather [hbm4b:s0+s2], $0x50, $0x38;
	[tilespmem:$0x1E000] =	vst v63  }
0x30: {  	_ =	swait.ge [sflag:s22], $0x50  }
0x31: {  	[sflag:s22] =	ssyncset.done $0x0  }
0x32: {  	s21 =	simm.s32 $0x14000;
	[sflag:s22] =	ssyncadd.s32 $0xFFFFFFB0  }
0x33: {  	[tilespmem:s21], [sflag:$0x1] =	stream.indirect.gather [hbm4b:s4+s25], $0x80, s20, s25, $0xb8;
	[tilespmem:$0x1E000] =	vst v63  }
0x34: {  	s8 =	rddreg [dreg:$0xc]  }
0x35: {  	[tilespmem:s30], [sflag:$0x9] =	stream.linear.gather [hbm4b:s8+s2], $0x50, $0x38;
	[tilespmem:$0x1E000] =	vst v63  }
0x36: {  	_ =	swait.ge [sflag:s22], $0x50  }
0x37: {  	[sflag:s22] =	ssyncset.done $0x0  }
0x38: {  	s0 =	simm.s32 $0x13E80;
	s9 =	rddreg [dreg:$0xd];
	[sflag:s22] =	ssyncadd.s32 $0xFFFFFFB0  }
0x39: {  	[tilespmem:s0], [sflag:$0x9] =	stream.linear.gather [hbm4b:s9+s2], $0x50, $0x38;
	[tilespmem:$0x1E000] =	vst v63  }
0x3a: {  	_ =	swait.ge [sflag:s22], $0x50  }
0x3b: {  	[sflag:s22] =	ssyncset.done $0x0  }
0x3c: {  	s5 =	simm.s32 $0x16800;
	[sflag:s22] =	ssyncadd.s32 $0xFFFFFFB0  }
0x3d: {  	[tilespmem:s5], [sflag:$0x2] =	stream.indirect.gather [hbm4b:s4+s25], $0x80, s30, s25, $0xb8;
	[tilespmem:$0x1E000] =	vst v63  }
0x3e: {  	_ =	swait.ge [sflag:s31], $0x2800  }
0x3f: {  	p0 =	por $0x1, $0x1;
	[sflag:s31] =	ssyncset.done $0x0  }
0x40: {  	s8 =	simm.s32 @!p0 $0x7;
	[sflag:s31] =	ssyncadd.s32 $0xFFFFD800  }
0x41: {  	[spmem:s1] =	stream.indirect.scatter.add.f32 [tilespmem:s21], [sflag:$0x5], $0x80, s19, s25, $0xb8;
	[tilespmem:$0x1E000] =	vst v63  }
0x42: {  	_ =	swait.ge @!p0 [sflag:s8], $0x2800  }
0x43: {  	[sflag:s8] =	ssyncset.done @!p0 $0x0  }
0x44: {  	s9 =	sadd.s32 $0x0, s11;
	[sflag:s8] =	ssyncadd.s32 @!p0 $0xFFFFD800  }
0x45: {  	[tilespmem:s29], [sflag:$0x9] =	stream.linear.gather [hbm4b:s9+s2], $0x50, $0x38;
	[tilespmem:$0x1E000] =	vst v63  }
0x46: {  	_ =	swait.ge [sflag:s22], $0x50  }
0x47: {  	s11 =	rddreg [dreg:$0x3]  }
0x48: {  	[sflag:s22] =	ssyncset.done $0x0;
	s8 =	sadd.s32 $0x0, s11  }
0x49: {  	[sflag:s22] =	ssyncadd.s32 $0xFFFFFFB0;
	s28 =	sadd.s32 $0x14, s8  }
0x4a: {  	[tilespmem:s3], [sflag:$0x9] =	stream.linear.gather [hbm4b:s28+s2], $0x50, $0x38;
	[tilespmem:$0x1E000] =	vst v63  }
0x4b: {  	_ =	swait.ge [sflag:s22], $0x50  }
0x4c: {  	[sflag:s22] =	ssyncset.done $0x0  }
0x4d: {  	[sflag:s22] =	ssyncadd.s32 $0xFFFFFFB0  }
0x4e: {  	[tilespmem:s7], [sflag:$0x3] =	stream.indirect.gather [hbm4b:s4+s25], $0x80, s29, s25, $0xb8;
	[tilespmem:$0x1E000] =	vst v63  }
0x4f: {  	_ =	swait.ge [sflag:s10], $0x2800  }
0x50: {  	[sflag:s10] =	ssyncset.done $0x0  }
0x51: {  	s9 =	simm.s32 @!p0 $0x8;
	[sflag:s10] =	ssyncadd.s32 $0xFFFFD800  }
0x52: {  	[spmem:s1] =	stream.indirect.scatter.add.f32 [tilespmem:s5], [sflag:$0x6], $0x80, s0, s25, $0xb8;
	[tilespmem:$0x1E000] =	vst v63  }
0x53: {  	_ =	swait.ge @!p0 [sflag:s9], $0x2800  }
0x54: {  	[sflag:s9] =	ssyncset.done @!p0 $0x0  }
0x55: {  	s5 =	sadd.s32 $0x0, s23;
	[sflag:s9] =	ssyncadd.s32 @!p0 $0xFFFFD800  }
0x56: {  	[tilespmem:s12], [sflag:$0x9] =	stream.linear.gather [hbm4b:s5+s2], $0x50, $0x38;
	[tilespmem:$0x1E000] =	vst v63  }
0x57: {  	_ =	swait.ge [sflag:s22], $0x50  }
0x58: {  	[sflag:s22] =	ssyncset.done $0x0  }
0x59: {  	s28 =	sadd.s32 $0x1E, s8;
	[sflag:s22] =	ssyncadd.s32 $0xFFFFFFB0  }
0x5a: {  	[tilespmem:s13], [sflag:$0x9] =	stream.linear.gather [hbm4b:s28+s2], $0x50, $0x38;
	[tilespmem:$0x1E000] =	vst v63  }
0x5b: {  	_ =	swait.ge [sflag:s22], $0x50  }
0x5c: {  	[sflag:s22] =	ssyncset.done $0x0  }
0x5d: {  	[sflag:s22] =	ssyncadd.s32 $0xFFFFFFB0  }
0x5e: {  	[tilespmem:s14], [sflag:$0x4] =	stream.indirect.gather [hbm4b:s4+s25], $0x80, s12, s25, $0xb8;
	[tilespmem:$0x1E000] =	vst v63  }
0x5f: {  	_ =	swait.ge [sflag:s15], $0x2800  }
0x60: {  	[sflag:s15] =	ssyncset.done $0x0  }
0x61: {  	[sflag:s15] =	ssyncadd.s32 $0xFFFFD800  }
0x62: {  	[spmem:s1] =	stream.indirect.scatter.add.f32 [tilespmem:s7], [sflag:$0x7], $0x80, s3, s25, $0xb8;
	[tilespmem:$0x1E000] =	vst v63  }
0x63: {  	_ =	swait.ge [sflag:s16], $0x2800  }
0x64: {  	s11 =	rddreg [dreg:$0x13]  }
0x65: {  	s5 =	sshrl.u32 s11, $0x3  }
0x66: {  	[sflag:s16] =	ssyncset.done $0x0;
	s28 =	sadd.s32 s18, s5  }
0x67: {  	[sflag:s16] =	ssyncadd.s32 $0xFFFFD800;
	[dreg:$0x16] =	wrdreg s28  }
0x68: {  	[tilespmem:s20], [sflag:$0x9] =	stream.linear.gather [hbm4b:s28+s2], $0x50, $0x38;
	[tilespmem:$0x1E000] =	vst v63  }
0x69: {  	_ =	swait.ge [sflag:s22], $0x50  }
0x6a: {  	[sflag:s22] =	ssyncset.done $0x0  }
0x6b: {  	s5 =	sadd.s32 $0x28, s8;
	[sflag:s22] =	ssyncadd.s32 $0xFFFFFFB0  }
0x6c: {  	[tilespmem:s19], [sflag:$0x9] =	stream.linear.gather [hbm4b:s5+s2], $0x50, $0x38;
	[tilespmem:$0x1E000] =	vst v63  }
0x6d: {  	_ =	swait.ge [sflag:s22], $0x50  }
0x6e: {  	[sflag:s22] =	ssyncset.done $0x0  }
0x6f: {  	[sflag:s22] =	ssyncadd.s32 $0xFFFFFFB0  }
0x70: {  	[tilespmem:s21], [sflag:$0x1] =	stream.indirect.gather [hbm4b:s4+s25], $0x80, s20, s25, $0xb8;
	[tilespmem:$0x1E000] =	vst v63  }
0x71: {  	_ =	swait.ge [sflag:s17], $0x2800  }
0x72: {  	[sflag:s17] =	ssyncset.done $0x0  }
0x73: {  	[sflag:s17] =	ssyncadd.s32 $0xFFFFD800  }
0x74: {  	[spmem:s1] =	stream.indirect.scatter.add.f32 [tilespmem:s14], [sflag:$0x8], $0x80, s13, s25, $0xb8;
	[tilespmem:$0x1E000] =	vst v63  }
0x75: {  	_ =	swait.ge [sflag:s6], $0x2800  }
0x76: {  	[sflag:s6] =	ssyncset.done $0x0;
	s21 =	rddreg [dreg:$0x5]  }
0x77: {  	s28 =	sadd.s32 $0x0, s21;
	[sflag:s6] =	ssyncadd.s32 $0xFFFFD800  }
0x78: {  	[tilespmem:s30], [sflag:$0x9] =	stream.linear.gather [hbm4b:s28+s2], $0x50, $0x38;
	[tilespmem:$0x1E000] =	vst v63  }
0x79: {  	_ =	swait.ge [sflag:s22], $0x50  }
0x7a: {  	[sflag:s22] =	ssyncset.done $0x0  }
0x7b: {  	s8 =	sadd.s32 $0x32, s8;
	[sflag:s22] =	ssyncadd.s32 $0xFFFFFFB0  }
0x7c: {  	[tilespmem:s0], [sflag:$0x9] =	stream.linear.gather [hbm4b:s8+s2], $0x50, $0x38;
	[tilespmem:$0x1E000] =	vst v63  }
0x7d: {  	_ =	swait.ge [sflag:s22], $0x50  }
0x7e: {  	s9 =	smov.u32 s11;
	s8 =	simm.s32 $0x28;
	[sflag:s22] =	ssyncset.done $0x0  }
.LBB2_2:
0x7f: {  	[sflag:s22] =	ssyncadd.s32 $0xFFFFFFB0;
	s0 =	simm.s32 $0x16800  }
0x80: {  	[tilespmem:s0], [sflag:$0x2] =	stream.indirect.gather [hbm4b:s4+s25], $0x80, s30, s25, $0xb8;
	[tilespmem:$0x1E000] =	vst v63  }
0x81: {  	s11 =	smov.u32 s8;
	_ =	swait.ge [sflag:s31], $0x2800  }
0x82: {  	s21 =	simm.s32 $0x13E00;
	p1 =	seq.s32 s11, $0x0;
	[sflag:s31] =	ssyncset.done $0x0  }
0x83: {  	s28 =	simm.s32 $0x14000;
	s19 =	simm.s32 @!p1 $0x7;
	[sflag:s31] =	ssyncadd.s32 $0xFFFFD800  }
0x84: {  	[spmem:s1] =	stream.indirect.scatter.add.f32 [tilespmem:s28], [sflag:$0x5], $0x80, s21, s25, $0xb8;
	[tilespmem:$0x1E000] =	vst v63  }
0x85: {  	_ =	swait.ge @!p1 [sflag:s19], $0x2800  }
0x86: {  	[sflag:s19] =	ssyncset.done @!p1 $0x0;
	s5 =	rddreg [dreg:$0x6]  }
0x87: {  	s5 =	sadd.s32 s11, s5;
	[sflag:s19] =	ssyncadd.s32 @!p1 $0xFFFFD800  }
0x88: {  	[tilespmem:s29], [sflag:$0x9] =	stream.linear.gather [hbm4b:s5+s2], $0x50, $0x38;
	[tilespmem:$0x1E000] =	vst v63  }
0x89: {  	_ =	swait.ge [sflag:s22], $0x50  }
0x8a: {  	s20 =	rddreg [dreg:$0x3]  }
0x8b: {  	[sflag:s22] =	ssyncset.done $0x0;
	s19 =	sadd.s32 s11, s20  }
0x8c: {  	[sflag:s22] =	ssyncadd.s32 $0xFFFFFFB0;
	s5 =	sadd.s32 $0x14, s19  }
0x8d: {  	[tilespmem:s3], [sflag:$0x9] =	stream.linear.gather [hbm4b:s5+s2], $0x50, $0x38;
	[tilespmem:$0x1E000] =	vst v63  }
0x8e: {  	_ =	swait.ge [sflag:s22], $0x50  }
0x8f: {  	[sflag:s22] =	ssyncset.done $0x0  }
0x90: {  	[sflag:s22] =	ssyncadd.s32 $0xFFFFFFB0  }
0x91: {  	[tilespmem:s7], [sflag:$0x3] =	stream.indirect.gather [hbm4b:s4+s25], $0x80, s29, s25, $0xb8;
	[tilespmem:$0x1E000] =	vst v63  }
0x92: {  	_ =	swait.ge [sflag:s10], $0x2800  }
0x93: {  	[sflag:s10] =	ssyncset.done $0x0  }
0x94: {  	s5 =	simm.s32 @!p1 $0x8;
	s29 =	simm.s32 $0x13E80;
	[sflag:s10] =	ssyncadd.s32 $0xFFFFD800  }
0x95: {  	[spmem:s1] =	stream.indirect.scatter.add.f32 [tilespmem:s0], [sflag:$0x6], $0x80, s29, s25, $0xb8;
	[tilespmem:$0x1E000] =	vst v63  }
0x96: {  	_ =	swait.ge @!p1 [sflag:s5], $0x2800  }
0x97: {  	[sflag:s5] =	ssyncset.done @!p1 $0x0  }
0x98: {  	s0 =	sadd.s32 s11, s23;
	[sflag:s5] =	ssyncadd.s32 @!p1 $0xFFFFD800  }
0x99: {  	[tilespmem:s12], [sflag:$0x9] =	stream.linear.gather [hbm4b:s0+s2], $0x50, $0x38;
	[tilespmem:$0x1E000] =	vst v63  }
0x9a: {  	_ =	swait.ge [sflag:s22], $0x50  }
0x9b: {  	[sflag:s22] =	ssyncset.done $0x0  }
0x9c: {  	s0 =	sadd.s32 $0x1E, s19;
	[sflag:s22] =	ssyncadd.s32 $0xFFFFFFB0  }
0x9d: {  	[tilespmem:s13], [sflag:$0x9] =	stream.linear.gather [hbm4b:s0+s2], $0x50, $0x38;
	[tilespmem:$0x1E000] =	vst v63  }
0x9e: {  	_ =	swait.ge [sflag:s22], $0x50  }
0x9f: {  	[sflag:s22] =	ssyncset.done $0x0  }
0xa0: {  	[sflag:s22] =	ssyncadd.s32 $0xFFFFFFB0  }
0xa1: {  	[tilespmem:s14], [sflag:$0x4] =	stream.indirect.gather [hbm4b:s4+s25], $0x80, s12, s25, $0xb8;
	[tilespmem:$0x1E000] =	vst v63  }
0xa2: {  	_ =	swait.ge [sflag:s15], $0x2800  }
0xa3: {  	[sflag:s15] =	ssyncset.done $0x0  }
0xa4: {  	[sflag:s15] =	ssyncadd.s32 $0xFFFFD800  }
0xa5: {  	[spmem:s1] =	stream.indirect.scatter.add.f32 [tilespmem:s7], [sflag:$0x7], $0x80, s3, s25, $0xb8;
	[tilespmem:$0x1E000] =	vst v63  }
0xa6: {  	s9 =	sadd.s32 $0x140, s9;
	_ =	swait.ge [sflag:s16], $0x2800  }
0xa7: {  	s20 =	smov.u32 s18;
	s0 =	sshrl.u32 s9, $0x3;
	[sflag:s16] =	ssyncset.done $0x0  }
0xa8: {  	s5 =	sadd.s32 s20, s0;
	[sflag:s16] =	ssyncadd.s32 $0xFFFFD800  }
0xa9: {  	[tilespmem:s24], [sflag:$0x9] =	stream.linear.gather [hbm4b:s5+s2], $0x50, $0x38;
	[tilespmem:$0x1E000] =	vst v63  }
0xaa: {  	_ =	swait.ge [sflag:s22], $0x50  }
0xab: {  	[sflag:s22] =	ssyncset.done $0x0  }
0xac: {  	s0 =	sadd.s32 $0x28, s19;
	[sflag:s22] =	ssyncadd.s32 $0xFFFFFFB0  }
0xad: {  	[tilespmem:s21], [sflag:$0x9] =	stream.linear.gather [hbm4b:s0+s2], $0x50, $0x38;
	[tilespmem:$0x1E000] =	vst v63  }
0xae: {  	_ =	swait.ge [sflag:s22], $0x50  }
0xaf: {  	[sflag:s22] =	ssyncset.done $0x0  }
0xb0: {  	[sflag:s22] =	ssyncadd.s32 $0xFFFFFFB0  }
0xb1: {  	[tilespmem:s28], [sflag:$0x1] =	stream.indirect.gather [hbm4b:s4+s25], $0x80, s24, s25, $0xb8;
	[tilespmem:$0x1E000] =	vst v63  }
0xb2: {  	_ =	swait.ge [sflag:s17], $0x2800  }
0xb3: {  	[sflag:s17] =	ssyncset.done $0x0  }
0xb4: {  	[sflag:s17] =	ssyncadd.s32 $0xFFFFD800  }
0xb5: {  	[spmem:s1] =	stream.indirect.scatter.add.f32 [tilespmem:s14], [sflag:$0x8], $0x80, s13, s25, $0xb8;
	[tilespmem:$0x1E000] =	vst v63  }
0xb6: {  	_ =	swait.ge [sflag:s6], $0x2800  }
0xb7: {  	[sflag:s6] =	ssyncset.done $0x0;
	s21 =	rddreg [dreg:$0x5]  }
0xb8: {  	s8 =	sadd.s32 $0x28, s8;
	s5 =	sadd.s32 s11, s21;
	[sflag:s6] =	ssyncadd.s32 $0xFFFFD800  }
0xb9: {  	[tilespmem:s30], [sflag:$0x9] =	stream.linear.gather [hbm4b:s5+s2], $0x50, $0x38;
	[tilespmem:$0x1E000] =	vst v63  }
0xba: {  	p0 =	sne.s32 s8, $0x9B0;
	s21 =	rddreg [dreg:$0x5];
	_ =	swait.ge [sflag:s22], $0x50  }
.Ltmp0:
0xbb: {  	[sflag:s22] =	ssyncset.done $0x0;
	(pc) =	sbr.rel @p0 .LBB2_2-.Ltmp0, $4  }
0xbc: {  	s28 =	sadd.s32 $0x32, s19;
	[sflag:s22] =	ssyncadd.s32 $0xFFFFFFB0  }
0xbd: {  	[tilespmem:s29], [sflag:$0x9] =	stream.linear.gather [hbm4b:s28+s2], $0x50, $0x38;
	[tilespmem:$0x1E000] =	vst v63  }
0xbe: {  	_ =	swait.ge [sflag:s22], $0x50  }
0xbf: {  	s18 =	smov.u32 s20;
	s29 =	simm.s32 $0x13D00;
	[sflag:s22] =	ssyncset.done $0x0  }
0xc0: {  	[sflag:s22] =	ssyncadd.s32 $0xFFFFFFB0;
	s0 =	simm.s32 $0x16800  }
0xc1: {  	[tilespmem:s0], [sflag:$0x2] =	stream.indirect.gather [hbm4b:s4+s25], $0x80, s30, s25, $0xb8;
	[tilespmem:$0x1E000] =	vst v63  }
0xc2: {  	_ =	swait.ge [sflag:s31], $0x2800  }
0xc3: {  	[sflag:s31] =	ssyncset.done $0x0  }
0xc4: {  	s9 =	simm.s32 $0x13E00;
	s11 =	simm.s32 $0x14000;
	[sflag:s31] =	ssyncadd.s32 $0xFFFFD800  }
0xc5: {  	[spmem:s1] =	stream.indirect.scatter.add.f32 [tilespmem:s11], [sflag:$0x5], $0x80, s9, s25, $0xb8;
	[tilespmem:$0x1E000] =	vst v63  }
0xc6: {  	_ =	swait.ge [sflag:s10], $0x2800  }
0xc7: {  	[sflag:s10] =	ssyncset.done $0x0  }
0xc8: {  	s18 =	simm.s32 $0x13E80;
	[sflag:s10] =	ssyncadd.s32 $0xFFFFD800  }
0xc9: {  	[spmem:s1] =	stream.indirect.scatter.add.f32 [tilespmem:s0], [sflag:$0x6], $0x80, s18, s25, $0xb8;
	[tilespmem:$0x1E000] =	vst v63  }
0xca: {  	_ =	swait.ge [sflag:s16], $0x2800  }
0xcb: {  	[sflag:s16] =	ssyncset.done $0x0  }
0xcc: {  	[sflag:s16] =	ssyncadd.s32 $0xFFFFD800  }
0xcd: {  	_ =	swait.ge [sflag:s6], $0x2800  }
0xce: {  	[sflag:s6] =	ssyncset.done $0x0  }
0xcf: {  	[sflag:s6] =	ssyncadd.s32 $0xFFFFD800  }
0xd0: {  	_ =	swait.ge [sflag:s26], $0x2800  }
0xd1: {  	[sflag:s26] =	ssyncset.done $0x0  }
0xd2: {  	s5 =	simm.s32 $0x8;
	[sflag:s26] =	ssyncadd.s32 $0xFFFFD800  }
0xd3: {  	_ =	swait.ge [sflag:s5], $0x2800  }
0xd4: {  	[sflag:s5] =	ssyncset.done $0x0  }
0xd5: {  	[sflag:s5] =	ssyncadd.s32 $0xFFFFD800  }
0xd6: {  	[bflag:$0x0] =	sbarrier.arrive $0xFFFF  }
0xd7: {  	s8 =	rddreg [dreg:$0x9]  }
0xd8: {  	s28 =	rddreg [dreg:$0xe]  }
0xd9: {  	s19 =	rddreg [dreg:$0x15]  }
0xda: {  	[hbm:s28], [sflag:s8] =	dma.local [spmem:s19], $0x2780  }
0xdb: {  	_ =	swait.ge [sflag:s22], $0x2780  }
0xdc: {  	[sflag:s22] =	ssyncset.done $0x0  }
0xdd: {  	[sflag:s22] =	ssyncadd.s32 $0xFFFFD880  }
0xde: {  	[bflag:$0x0] =	sbarrier.arrive $0xFFFF  }
0xdf: {  	s26 =	rddreg [dreg:$0x7]  }
0xe0: {  	[spmem:s19], [sflag:s8] =	dma.local [hbm:s26], $0x2780  }
0xe1: {  	_ =	swait.ge [sflag:s22], $0x2780  }
0xe2: {  	[sflag:s22] =	ssyncset.done $0x0  }
0xe3: {  	[sflag:s22] =	ssyncadd.s32 $0xFFFFD880  }
0xe4: {  	[bflag:$0x0] =	sbarrier.arrive $0xFFFF  }
0xe5: {  	s5 =	simm.s32 $0x0;
	s28 =	rddreg [dreg:$0xa]  }
0xe6: {  	[tilespmem:s24], [sflag:$0x9] =	stream.linear.gather [hbm4b:s28+s5], $0x50, $0x38;
	[tilespmem:$0x1E000] =	vst v63  }
0xe7: {  	_ =	swait.ge [sflag:s22], $0x50  }
0xe8: {  	[sflag:s22] =	ssyncset.done $0x0  }
0xe9: {  	s19 =	rddreg [dreg:$0xf];
	[sflag:s22] =	ssyncadd.s32 $0xFFFFFFB0  }
0xea: {  	[tilespmem:s9], [sflag:$0x9] =	stream.linear.gather [hbm4b:s19+s5], $0x50, $0x38;
	[tilespmem:$0x1E000] =	vst v63  }
0xeb: {  	_ =	swait.ge [sflag:s22], $0x50  }
0xec: {  	[sflag:s22] =	ssyncset.done $0x0  }
0xed: {  	[sflag:s22] =	ssyncadd.s32 $0xFFFFFFB0  }
0xee: {  	[tilespmem:s11], [sflag:$0x1] =	stream.indirect.gather [hbm4b:s4+s25], $0x80, s24, s25, $0xb8;
	[tilespmem:$0x1E000] =	vst v63  }
0xef: {  	s26 =	rddreg [dreg:$0xc]  }
0xf0: {  	[tilespmem:s30], [sflag:$0x9] =	stream.linear.gather [hbm4b:s26+s5], $0x50, $0x38;
	[tilespmem:$0x1E000] =	vst v63  }
0xf1: {  	_ =	swait.ge [sflag:s22], $0x50  }
0xf2: {  	[sflag:s22] =	ssyncset.done $0x0  }
0xf3: {  	s28 =	rddreg [dreg:$0x10];
	[sflag:s22] =	ssyncadd.s32 $0xFFFFFFB0  }
0xf4: {  	[tilespmem:s18], [sflag:$0x9] =	stream.linear.gather [hbm4b:s28+s5], $0x50, $0x38;
	[tilespmem:$0x1E000] =	vst v63  }
0xf5: {  	_ =	swait.ge [sflag:s22], $0x50  }
0xf6: {  	[sflag:s22] =	ssyncset.done $0x0  }
0xf7: {  	[sflag:s22] =	ssyncadd.s32 $0xFFFFFFB0  }
0xf8: {  	[tilespmem:s0], [sflag:$0x2] =	stream.indirect.gather [hbm4b:s4+s25], $0x80, s30, s25, $0xb8;
	[tilespmem:$0x1E000] =	vst v63  }
0xf9: {  	_ =	swait.ge [sflag:s31], $0x2800  }
0xfa: {  	p0 =	por $0x1, $0x1;
	[sflag:s31] =	ssyncset.done $0x0  }
0xfb: {  	s5 =	simm.s32 @!p0 $0x7;
	[sflag:s31] =	ssyncadd.s32 $0xFFFFD800  }
0xfc: {  	[spmem:s1] =	stream.indirect.scatter.add.f32 [tilespmem:s11], [sflag:$0x5], $0x80, s9, s25, $0xb8;
	[tilespmem:$0x1E000] =	vst v63  }
0xfd: {  	_ =	swait.ge @!p0 [sflag:s5], $0x2800  }
0xfe: {  	[sflag:s5] =	ssyncset.done @!p0 $0x0;
	s19 =	rddreg [dreg:$0x6]  }
0xff: {  	s8 =	sadd.s32 $0x0, s19;
	[sflag:s5] =	ssyncadd.s32 @!p0 $0xFFFFD800  }
0x100: {  	[tilespmem:s29], [sflag:$0x9] =	stream.linear.gather [hbm4b:s8+s2], $0x50, $0x38;
	[tilespmem:$0x1E000] =	vst v63  }
0x101: {  	_ =	swait.ge [sflag:s22], $0x50  }
0x102: {  	s26 =	rddreg [dreg:$0x4]  }
0x103: {  	[sflag:s22] =	ssyncset.done $0x0;
	s5 =	sadd.s32 $0x0, s26  }
0x104: {  	[sflag:s22] =	ssyncadd.s32 $0xFFFFFFB0;
	s28 =	sadd.s32 $0x14, s5  }
0x105: {  	[tilespmem:s3], [sflag:$0x9] =	stream.linear.gather [hbm4b:s28+s2], $0x50, $0x38;
	[tilespmem:$0x1E000] =	vst v63  }
0x106: {  	_ =	swait.ge [sflag:s22], $0x50  }
0x107: {  	[sflag:s22] =	ssyncset.done $0x0  }
0x108: {  	[sflag:s22] =	ssyncadd.s32 $0xFFFFFFB0  }
0x109: {  	[tilespmem:s7], [sflag:$0x3] =	stream.indirect.gather [hbm4b:s4+s25], $0x80, s29, s25, $0xb8;
	[tilespmem:$0x1E000] =	vst v63  }
0x10a: {  	_ =	swait.ge [sflag:s10], $0x2800  }
0x10b: {  	[sflag:s10] =	ssyncset.done $0x0  }
0x10c: {  	s8 =	simm.s32 @!p0 $0x8;
	[sflag:s10] =	ssyncadd.s32 $0xFFFFD800  }
0x10d: {  	[spmem:s1] =	stream.indirect.scatter.add.f32 [tilespmem:s0], [sflag:$0x6], $0x80, s18, s25, $0xb8;
	[tilespmem:$0x1E000] =	vst v63  }
0x10e: {  	_ =	swait.ge @!p0 [sflag:s8], $0x2800  }
0x10f: {  	[sflag:s8] =	ssyncset.done @!p0 $0x0  }
0x110: {  	s0 =	sadd.s32 $0x0, s23;
	[sflag:s8] =	ssyncadd.s32 @!p0 $0xFFFFD800  }
0x111: {  	[tilespmem:s12], [sflag:$0x9] =	stream.linear.gather [hbm4b:s0+s2], $0x50, $0x38;
	[tilespmem:$0x1E000] =	vst v63  }
0x112: {  	_ =	swait.ge [sflag:s22], $0x50  }
0x113: {  	[sflag:s22] =	ssyncset.done $0x0  }
0x114: {  	s19 =	sadd.s32 $0x1E, s5;
	[sflag:s22] =	ssyncadd.s32 $0xFFFFFFB0  }
0x115: {  	[tilespmem:s13], [sflag:$0x9] =	stream.linear.gather [hbm4b:s19+s2], $0x50, $0x38;
	[tilespmem:$0x1E000] =	vst v63  }
0x116: {  	_ =	swait.ge [sflag:s22], $0x50  }
0x117: {  	[sflag:s22] =	ssyncset.done $0x0  }
0x118: {  	[sflag:s22] =	ssyncadd.s32 $0xFFFFFFB0  }
0x119: {  	[tilespmem:s14], [sflag:$0x4] =	stream.indirect.gather [hbm4b:s4+s25], $0x80, s12, s25, $0xb8;
	[tilespmem:$0x1E000] =	vst v63  }
0x11a: {  	_ =	swait.ge [sflag:s15], $0x2800  }
0x11b: {  	[sflag:s15] =	ssyncset.done $0x0  }
0x11c: {  	[sflag:s15] =	ssyncadd.s32 $0xFFFFD800  }
0x11d: {  	[spmem:s1] =	stream.indirect.scatter.add.f32 [tilespmem:s7], [sflag:$0x7], $0x80, s3, s25, $0xb8;
	[tilespmem:$0x1E000] =	vst v63  }
0x11e: {  	_ =	swait.ge [sflag:s16], $0x2800  }
0x11f: {  	[sflag:s16] =	ssyncset.done $0x0  }
0x120: {  	s26 =	rddreg [dreg:$0x16];
	[sflag:s16] =	ssyncadd.s32 $0xFFFFD800  }
0x121: {  	[tilespmem:s24], [sflag:$0x9] =	stream.linear.gather [hbm4b:s26+s2], $0x50, $0x38;
	[tilespmem:$0x1E000] =	vst v63  }
0x122: {  	_ =	swait.ge [sflag:s22], $0x50  }
0x123: {  	[sflag:s22] =	ssyncset.done $0x0  }
0x124: {  	s28 =	sadd.s32 $0x28, s5;
	[sflag:s22] =	ssyncadd.s32 $0xFFFFFFB0  }
0x125: {  	[tilespmem:s9], [sflag:$0x9] =	stream.linear.gather [hbm4b:s28+s2], $0x50, $0x38;
	[tilespmem:$0x1E000] =	vst v63  }
0x126: {  	_ =	swait.ge [sflag:s22], $0x50  }
0x127: {  	[sflag:s22] =	ssyncset.done $0x0  }
0x128: {  	[sflag:s22] =	ssyncadd.s32 $0xFFFFFFB0  }
0x129: {  	[tilespmem:s11], [sflag:$0x1] =	stream.indirect.gather [hbm4b:s4+s25], $0x80, s24, s25, $0xb8;
	[tilespmem:$0x1E000] =	vst v63  }
0x12a: {  	_ =	swait.ge [sflag:s17], $0x2800  }
0x12b: {  	[sflag:s17] =	ssyncset.done $0x0  }
0x12c: {  	[sflag:s17] =	ssyncadd.s32 $0xFFFFD800  }
0x12d: {  	[spmem:s1] =	stream.indirect.scatter.add.f32 [tilespmem:s14], [sflag:$0x8], $0x80, s13, s25, $0xb8;
	[tilespmem:$0x1E000] =	vst v63  }
0x12e: {  	_ =	swait.ge [sflag:s6], $0x2800  }
0x12f: {  	[sflag:s6] =	ssyncset.done $0x0  }
0x130: {  	s29 =	sadd.s32 $0x0, s21;
	[sflag:s6] =	ssyncadd.s32 $0xFFFFD800  }
0x131: {  	[tilespmem:s30], [sflag:$0x9] =	stream.linear.gather [hbm4b:s29+s2], $0x50, $0x38;
	[tilespmem:$0x1E000] =	vst v63  }
0x132: {  	s5 =	sadd.s32 $0x32, s5;
	_ =	swait.ge [sflag:s22], $0x50  }
0x133: {  	s8 =	simm.s32 $0x28;
	s12 =	simm.s32 $0x19000;
	[sflag:s22] =	ssyncset.done $0x0  }
0x134: {  	s7 =	simm.s32 $0x13F00;
	s3 =	simm.s32 $0x13D00;
	[sflag:s22] =	ssyncadd.s32 $0xFFFFFFB0  }
0x135: {  	[tilespmem:s18], [sflag:$0x9] =	stream.linear.gather [hbm4b:s5+s2], $0x50, $0x38;
	[tilespmem:$0x1E000] =	vst v63  }
0x136: {  	s26 =	simm.s32 $0x1B800;
	s14 =	simm.s32 $0x13F80;
	_ =	swait.ge [sflag:s22], $0x50  }
0x137: {  	s13 =	simm.s32 $0x13D80;
	[sflag:s22] =	ssyncset.done $0x0;
	s9 =	rddreg [dreg:$0x13]  }
.LBB2_4:
0x138: {  	[sflag:s22] =	ssyncadd.s32 $0xFFFFFFB0;
	s29 =	simm.s32 $0x16800  }
0x139: {  	[tilespmem:s29], [sflag:$0x2] =	stream.indirect.gather [hbm4b:s4+s25], $0x80, s30, s25, $0xb8;
	[tilespmem:$0x1E000] =	vst v63  }
0x13a: {  	s11 =	smov.u32 s8;
	_ =	swait.ge [sflag:s31], $0x2800  }
0x13b: {  	s28 =	simm.s32 $0x13E00;
	p1 =	seq.s32 s11, $0x0;
	[sflag:s31] =	ssyncset.done $0x0  }
0x13c: {  	s30 =	simm.s32 $0x14000;
	s5 =	simm.s32 @!p1 $0x7;
	[sflag:s31] =	ssyncadd.s32 $0xFFFFD800  }
0x13d: {  	[spmem:s1] =	stream.indirect.scatter.add.f32 [tilespmem:s30], [sflag:$0x5], $0x80, s28, s25, $0xb8;
	[tilespmem:$0x1E000] =	vst v63  }
0x13e: {  	_ =	swait.ge @!p1 [sflag:s5], $0x2800  }
0x13f: {  	[sflag:s5] =	ssyncset.done @!p1 $0x0;
	s0 =	rddreg [dreg:$0x6]  }
0x140: {  	s18 =	sadd.s32 s11, s0;
	[sflag:s5] =	ssyncadd.s32 @!p1 $0xFFFFD800  }
0x141: {  	[tilespmem:s3], [sflag:$0x9] =	stream.linear.gather [hbm4b:s18+s2], $0x50, $0x38;
	[tilespmem:$0x1E000] =	vst v63  }
0x142: {  	_ =	swait.ge [sflag:s22], $0x50  }
0x143: {  	s0 =	rddreg [dreg:$0x4]  }
0x144: {  	[sflag:s22] =	ssyncset.done $0x0;
	s19 =	sadd.s32 s11, s0  }
0x145: {  	[sflag:s22] =	ssyncadd.s32 $0xFFFFFFB0;
	s5 =	sadd.s32 $0x14, s19  }
0x146: {  	[tilespmem:s7], [sflag:$0x9] =	stream.linear.gather [hbm4b:s5+s2], $0x50, $0x38;
	[tilespmem:$0x1E000] =	vst v63  }
0x147: {  	_ =	swait.ge [sflag:s22], $0x50  }
0x148: {  	[sflag:s22] =	ssyncset.done $0x0  }
0x149: {  	[sflag:s22] =	ssyncadd.s32 $0xFFFFFFB0  }
0x14a: {  	[tilespmem:s12], [sflag:$0x3] =	stream.indirect.gather [hbm4b:s4+s25], $0x80, s3, s25, $0xb8;
	[tilespmem:$0x1E000] =	vst v63  }
0x14b: {  	_ =	swait.ge [sflag:s10], $0x2800  }
0x14c: {  	[sflag:s10] =	ssyncset.done $0x0  }
0x14d: {  	s0 =	simm.s32 $0x13E80;
	s5 =	simm.s32 @!p1 $0x8;
	[sflag:s10] =	ssyncadd.s32 $0xFFFFD800  }
0x14e: {  	[spmem:s1] =	stream.indirect.scatter.add.f32 [tilespmem:s29], [sflag:$0x6], $0x80, s0, s25, $0xb8;
	[tilespmem:$0x1E000] =	vst v63  }
0x14f: {  	_ =	swait.ge @!p1 [sflag:s5], $0x2800  }
0x150: {  	[sflag:s5] =	ssyncset.done @!p1 $0x0  }
0x151: {  	s18 =	sadd.s32 s11, s23;
	[sflag:s5] =	ssyncadd.s32 @!p1 $0xFFFFD800  }
0x152: {  	[tilespmem:s13], [sflag:$0x9] =	stream.linear.gather [hbm4b:s18+s2], $0x50, $0x38;
	[tilespmem:$0x1E000] =	vst v63  }
0x153: {  	_ =	swait.ge [sflag:s22], $0x50  }
0x154: {  	[sflag:s22] =	ssyncset.done $0x0  }
0x155: {  	s18 =	sadd.s32 $0x1E, s19;
	[sflag:s22] =	ssyncadd.s32 $0xFFFFFFB0  }
0x156: {  	[tilespmem:s14], [sflag:$0x9] =	stream.linear.gather [hbm4b:s18+s2], $0x50, $0x38;
	[tilespmem:$0x1E000] =	vst v63  }
0x157: {  	_ =	swait.ge [sflag:s22], $0x50  }
0x158: {  	[sflag:s22] =	ssyncset.done $0x0  }
0x159: {  	[sflag:s22] =	ssyncadd.s32 $0xFFFFFFB0  }
0x15a: {  	[tilespmem:s26], [sflag:$0x4] =	stream.indirect.gather [hbm4b:s4+s25], $0x80, s13, s25, $0xb8;
	[tilespmem:$0x1E000] =	vst v63  }
0x15b: {  	_ =	swait.ge [sflag:s15], $0x2800  }
0x15c: {  	[sflag:s15] =	ssyncset.done $0x0  }
0x15d: {  	[sflag:s15] =	ssyncadd.s32 $0xFFFFD800  }
0x15e: {  	[spmem:s1] =	stream.indirect.scatter.add.f32 [tilespmem:s12], [sflag:$0x7], $0x80, s7, s25, $0xb8;
	[tilespmem:$0x1E000] =	vst v63  }
0x15f: {  	s9 =	sadd.s32 $0x140, s9;
	_ =	swait.ge [sflag:s16], $0x2800  }
0x160: {  	s18 =	sshrl.u32 s9, $0x3;
	[sflag:s16] =	ssyncset.done $0x0  }
0x161: {  	s5 =	sadd.s32 s20, s18;
	[sflag:s16] =	ssyncadd.s32 $0xFFFFD800  }
0x162: {  	[tilespmem:s24], [sflag:$0x9] =	stream.linear.gather [hbm4b:s5+s2], $0x50, $0x38;
	[tilespmem:$0x1E000] =	vst v63  }
0x163: {  	_ =	swait.ge [sflag:s22], $0x50  }
0x164: {  	[sflag:s22] =	ssyncset.done $0x0  }
0x165: {  	s18 =	sadd.s32 $0x28, s19;
	[sflag:s22] =	ssyncadd.s32 $0xFFFFFFB0  }
0x166: {  	[tilespmem:s28], [sflag:$0x9] =	stream.linear.gather [hbm4b:s18+s2], $0x50, $0x38;
	[tilespmem:$0x1E000] =	vst v63  }
0x167: {  	_ =	swait.ge [sflag:s22], $0x50  }
0x168: {  	[sflag:s22] =	ssyncset.done $0x0  }
0x169: {  	[sflag:s22] =	ssyncadd.s32 $0xFFFFFFB0  }
0x16a: {  	[tilespmem:s30], [sflag:$0x1] =	stream.indirect.gather [hbm4b:s4+s25], $0x80, s24, s25, $0xb8;
	[tilespmem:$0x1E000] =	vst v63  }
0x16b: {  	_ =	swait.ge [sflag:s17], $0x2800  }
0x16c: {  	[sflag:s17] =	ssyncset.done $0x0  }
0x16d: {  	[sflag:s17] =	ssyncadd.s32 $0xFFFFD800  }
0x16e: {  	[spmem:s1] =	stream.indirect.scatter.add.f32 [tilespmem:s26], [sflag:$0x8], $0x80, s14, s25, $0xb8;
	[tilespmem:$0x1E000] =	vst v63  }
0x16f: {  	_ =	swait.ge [sflag:s6], $0x2800  }
0x170: {  	s8 =	sadd.s32 $0x28, s8;
	[sflag:s6] =	ssyncset.done $0x0  }
0x171: {  	s18 =	sadd.s32 s11, s21;
	s30 =	simm.s32 $0x13C80;
	[sflag:s6] =	ssyncadd.s32 $0xFFFFD800  }
0x172: {  	[tilespmem:s30], [sflag:$0x9] =	stream.linear.gather [hbm4b:s18+s2], $0x50, $0x38;
	[tilespmem:$0x1E000] =	vst v63  }
0x173: {  	p0 =	sne.s32 s8, $0x9B0;
	_ =	swait.ge [sflag:s22], $0x50  }
.Ltmp1:
0x174: {  	[sflag:s22] =	ssyncset.done $0x0;
	(pc) =	sbr.rel @p0 .LBB2_4-.Ltmp1, $4  }
0x175: {  	s19 =	sadd.s32 $0x32, s19;
	[sflag:s22] =	ssyncadd.s32 $0xFFFFFFB0  }
0x176: {  	[tilespmem:s0], [sflag:$0x9] =	stream.linear.gather [hbm4b:s19+s2], $0x50, $0x38;
	[tilespmem:$0x1E000] =	vst v63  }
0x177: {  	s29 =	simm.s32 $0x13E00;
	_ =	swait.ge [sflag:s22], $0x50  }
0x178: {  	s28 =	simm.s32 $0x14000;
	s11 =	simm.s32 $0x13E80;
	[sflag:s22] =	ssyncset.done $0x0  }
0x179: {  	[sflag:s22] =	ssyncadd.s32 $0xFFFFFFB0;
	s0 =	simm.s32 $0x16800  }
0x17a: {  	[tilespmem:s0], [sflag:$0x2] =	stream.indirect.gather [hbm4b:s4+s25], $0x80, s30, s25, $0xb8;
	[tilespmem:$0x1E000] =	vst v63  }
0x17b: {  	_ =	swait.ge [sflag:s31], $0x2800  }
0x17c: {  	[sflag:s31] =	ssyncset.done $0x0  }
0x17d: {  	[sflag:s31] =	ssyncadd.s32 $0xFFFFD800  }
0x17e: {  	[spmem:s1] =	stream.indirect.scatter.add.f32 [tilespmem:s28], [sflag:$0x5], $0x80, s29, s25, $0xb8;
	[tilespmem:$0x1E000] =	vst v63  }
0x17f: {  	_ =	swait.ge [sflag:s10], $0x2800  }
0x180: {  	[sflag:s10] =	ssyncset.done $0x0  }
0x181: {  	[sflag:s10] =	ssyncadd.s32 $0xFFFFD800  }
0x182: {  	[spmem:s1] =	stream.indirect.scatter.add.f32 [tilespmem:s0], [sflag:$0x6], $0x80, s11, s25, $0xb8;
	[tilespmem:$0x1E000] =	vst v63  }
0x183: {  	_ =	swait.ge [sflag:s16], $0x2800  }
0x184: {  	[sflag:s16] =	ssyncset.done $0x0  }
0x185: {  	[sflag:s16] =	ssyncadd.s32 $0xFFFFD800  }
0x186: {  	_ =	swait.ge [sflag:s6], $0x2800  }
0x187: {  	[sflag:s6] =	ssyncset.done $0x0  }
0x188: {  	s26 =	simm.s32 $0x7;
	[sflag:s6] =	ssyncadd.s32 $0xFFFFD800  }
0x189: {  	_ =	swait.ge [sflag:s26], $0x2800  }
0x18a: {  	[sflag:s26] =	ssyncset.done $0x0  }
0x18b: {  	s19 =	simm.s32 $0x8;
	[sflag:s26] =	ssyncadd.s32 $0xFFFFD800  }
0x18c: {  	_ =	swait.ge [sflag:s19], $0x2800  }
0x18d: {  	[sflag:s19] =	ssyncset.done $0x0  }
0x18e: {  	[sflag:s19] =	ssyncadd.s32 $0xFFFFD800  }
0x18f: {  	[bflag:$0x0] =	sbarrier.arrive $0xFFFF  }
0x190: {  	s19 =	rddreg [dreg:$0x9]  }
0x191: {  	s5 =	rddreg [dreg:$0x11]  }
0x192: {  	s18 =	smov.u32 s20;
	s20 =	rddreg [dreg:$0x15]  }
0x193: {  	[hbm:s5], [sflag:s19] =	dma.local [spmem:s20], $0x2780  }
0x194: {  	_ =	swait.ge [sflag:s22], $0x2780  }
0x195: {  	s21 =	rddreg [dreg:$0x14]  }
0x196: {  	s28 =	rddreg [dreg:$0x12];
	s0 =	sadd.s32 $0x1, s21  }
0x197: {  	p0 =	sne.s32 s0, s28  }
.Ltmp2:
0x198: {  	_ = 	snop;
	(pc) =	sbr.rel @p0 .LBB2_1-.Ltmp2, $4  }
0x199: {  	s3 =	simm.s32 $0x13F00;
	[sflag:s22] =	ssyncset.done $0x0  }
0x19a: {  	s7 =	simm.s32 $0x19000;
	s12 =	simm.s32 $0x13D80;
	[sflag:s22] =	ssyncadd.s32 $0xFFFFD880  }
0x19b: {  	s13 =	simm.s32 $0x13F80;
	s14 =	simm.s32 $0x1B800;
	[bflag:$0x0] =	sbarrier.arrive $0xFFFF  }
0x19c: {  	s29 =	simm.s32 $0x13D00;
	s20 =	simm.s32 $0x13C00;
	s11 =	rddreg [dreg:$0x6]  }
0x19d: {  	_ =	sfence.sel $0x180000  }
0x19e: {  	[bflag:$0x0] =	sbarrier.arrive $0xFFFF  }
0x19f: {  	_ =	strace $0x90000047  }
0x1a0: {  	s0 =	stileid.u32;
	[bflag:$0x2] =	sbarrier.arrive $0xFFFF  }
0x1a1: {  	p0 =	sne.s32 s0, $0x0;
	s0 =	rddreg [dreg:$0x2]  }
0x1a2: {  	s0 =	sadd.s32 @!p0 $0x100000, s0  }
0x1a3: {  	[sflag:s0] =	ssyncadd.tile.s32 @!p0 $0x1;
	_ =	shalt  }
.Lfunc_end2:
_tile_overlayer_lowered:
.L_overlay_start_2:
0x1a4: {  	(tag) =	ssettag $0x2  }
0x1a5: {  	s0 =	rddreg [dreg:$0x0];
	s2 =	stileid.u32  }
0x1a6: {  	s1 =	rddreg [dreg:$0x1];
	p0 =	sne.s32 s2, $0x0  }
0x1a7: {  	s3 =	rddreg [dreg:$0x2];
	[bflag:$0x3] =	sbarrier.arrive $0xFFFF;
	s2 =	simm.s32 @!p0 $0x1C09  }
0x1a8: {  	[timem:s3], [sflag:s2] =	dma.local @!p0 [hbm:s0], s1  }
0x1a9: {  	s0 =	simm.s32 @!p0 $0x9  }
0x1aa: {  	_ =	swait.ge @!p0 [sflag:s0], s1  }
0x1ab: {  	s1 =	ssub.s32 @!p0 $0x0, s1;
	[sflag:s0] =	ssyncset.done @!p0 $0x0  }
0x1ac: {  	[sflag:s0] =	ssyncadd.s32 @!p0 s1  }
0x1ad: {  	[bflag:$0x3] =	sbarrier.arrive $0xFFFF  }
0x1ae: {  	_ =	shalt  }

</sc_bundles>
